<compile_context>
chip_gen: v7x
topology: tpu7x:2x2x1
jax: 0.10.2.dev20260603
libtpu: 0.0.44.dev20260713+nightly
codegen_flags: <defaults>
</compile_context>

<pallas_src>
import functools

import jax
import jax.numpy as jnp
from jax import lax
from jax.experimental import pallas as pl
from jax.experimental.pallas import tpu as pltpu
from jax.experimental.pallas import tpu_sc as plsc

N_NODES = 10000
N_EDGES = 320000
D_IN = 128
D_EDGE = 16
HIDDEN = 128
HALF = 64
EPS = 1e-7
LN_EPS = 1e-5

NS = 16
E_PER_S = N_EDGES // NS
CHUNK = 80
N_CHUNK = E_PER_S // CHUNK
STRIPE = 640
FIN_CHUNK = 40

f32 = jnp.float32



def _ln_relu(v, w, b):
    m = jnp.mean(v)
    s = jnp.sqrt(jnp.mean((v - m) ** 2))
    return jnp.maximum((v - m) / (s + LN_EPS) * w + b, 0.0)


def _encode_body(x_ref, w_ref, b_ref, nw_ref, nb_ref, h_ref, hn_ref):
    h = jnp.dot(x_ref[...], w_ref[...], preferred_element_type=f32) + b_ref[...]
    h_ref[...] = h
    hn_ref[...] = _ln_relu(h, nw_ref[0, 0], nb_ref[0, 0])


def _encode(x, w, b, nw, nb):
    return pl.pallas_call(
        _encode_body,
        out_shape=[
            jax.ShapeDtypeStruct((N_NODES, HIDDEN), f32),
            jax.ShapeDtypeStruct((N_NODES, HIDDEN), f32),
        ],
    )(x, w, b.reshape(1, -1), nw.reshape(1, 1), nb.reshape(1, 1))


EDGE_BLK = 8000


def _edge_enc_body(ea_ref, w_ref, b_ref, ew_ref):
    ew = jnp.dot(ea_ref[...], w_ref[...], preferred_element_type=f32) + b_ref[...]
    ew_ref[0] = ew[:, :HALF]
    ew_ref[1] = ew[:, HALF:]


def _edge_encode(ea, w, b):
    nblk = N_EDGES // EDGE_BLK
    return pl.pallas_call(
        _edge_enc_body,
        grid=(nblk,),
        in_specs=[
            pl.BlockSpec((EDGE_BLK, D_EDGE), lambda i: (i, 0)),
            pl.BlockSpec((D_EDGE, HIDDEN), lambda i: (0, 0)),
            pl.BlockSpec((1, HIDDEN), lambda i: (0, 0)),
        ],
        out_specs=pl.BlockSpec((2, EDGE_BLK, HALF), lambda i: (0, i, 0)),
        out_shape=jax.ShapeDtypeStruct((2, N_EDGES, HALF), f32),
    )(ea, w, b.reshape(1, -1))


def _mlp_body(h_ref, o_ref, w1a_ref, w1b_ref, b1_ref, lnw_ref, lnb_ref,
              w2_ref, b2_ref, nnw_ref, nnb_ref, hnew_ref, hn_ref):
    h1 = (jnp.dot(o_ref[0], w1a_ref[...], preferred_element_type=f32)
          + jnp.dot(o_ref[1], w1b_ref[...], preferred_element_type=f32)
          + b1_ref[...])
    h1 = _ln_relu(h1, lnw_ref[0, 0], lnb_ref[0, 0])
    hnew = h_ref[...] + jnp.dot(h1, w2_ref[...], preferred_element_type=f32) + b2_ref[...]
    hnew_ref[...] = hnew
    hn_ref[...] = _ln_relu(hnew, nnw_ref[0, 0], nnb_ref[0, 0])


def _mlp(h, o, lp, next_nw, next_nb):
    return pl.pallas_call(
        _mlp_body,
        out_shape=[
            jax.ShapeDtypeStruct((N_NODES, HIDDEN), f32),
            jax.ShapeDtypeStruct((N_NODES, HIDDEN), f32),
        ],
    )(h, o, lp['mlp_W1'][:HALF], lp['mlp_W1'][HALF:],
      lp['mlp_b1'].reshape(1, -1),
      lp['mlp_ln_w'].reshape(1, 1), lp['mlp_ln_b'].reshape(1, 1),
      lp['mlp_W2'], lp['mlp_b2'].reshape(1, -1),
      next_nw.reshape(1, 1), next_nb.reshape(1, 1))


def _final_body(hn_ref, w_ref, b_ref, y_ref):
    y_ref[...] = (jnp.dot(hn_ref[...], w_ref[...], preferred_element_type=f32)
                  + b_ref[...])


def _final(hn, w, b):
    return pl.pallas_call(
        _final_body,
        out_shape=jax.ShapeDtypeStruct((N_NODES, HIDDEN), f32),
    )(hn, w, b.reshape(1, -1))



_SC_MESH = plsc.VectorSubcoreMesh(core_axis_name="c", subcore_axis_name="s")


@functools.partial(
    pl.kernel,
    out_type=jax.ShapeDtypeStruct((2 * N_NODES, HALF), f32),
    mesh=_SC_MESH,
    scratch_types=[
        pltpu.VMEM_SHARED((N_NODES, 2 * HALF), f32),
        pltpu.VMEM((CHUNK,), jnp.int32),
        pltpu.VMEM((CHUNK,), jnp.int32),
        pltpu.VMEM((CHUNK, HIDDEN), f32),
        pltpu.VMEM((CHUNK, HALF), f32),
        pltpu.VMEM((CHUNK, 2 * HALF), f32),
        pltpu.VMEM((FIN_CHUNK, 2 * HALF), f32),
        pltpu.VMEM((FIN_CHUNK, HIDDEN), f32),
        pltpu.VMEM((FIN_CHUNK, HALF), f32),
        pltpu.VMEM((16,), f32),
        pltpu.SemaphoreType.DMA,
    ],
)
def _sc_msgpass(hn_hbm, ew_hbm, src_hbm, dst_hbm, t_hbm, out_hbm,
                acc_sh, sbuf, dbuf, gbuf, ebuf, cbuf,
                fabuf, fhbuf, fobuf, tbuf, sem):
    c = lax.axis_index("c")
    s = lax.axis_index("s")
    row0 = s * STRIPE
    crow = c * N_NODES
    n_fin = jnp.where(s == NS - 1, 10, STRIPE // FIN_CHUNK)

    def _zero_row(r, _):
        for f in range(8):
            fabuf[r, pl.ds(16 * f, 16)] = jnp.zeros((16,), f32)
        return 0
    lax.fori_loop(0, FIN_CHUNK, _zero_row, 0)

    def _stage(k, _):
        r0 = pl.multiple_of(row0 + k * FIN_CHUNK, 8)
        pltpu.sync_copy(fabuf, acc_sh.at[pl.ds(r0, FIN_CHUNK), :])
        return 0
    lax.fori_loop(0, n_fin, _stage, 0)

    pltpu.sync_copy(t_hbm, tbuf)
    plsc.subcore_barrier()
    tv = tbuf[...]

    def chunk_body(i, _):
        e0 = pl.multiple_of(s * E_PER_S + i * CHUNK, 8)
        pltpu.sync_copy(src_hbm.at[pl.ds(e0, CHUNK)], sbuf)
        pltpu.sync_copy(dst_hbm.at[pl.ds(e0, CHUNK)], dbuf)
        pltpu.async_copy(hn_hbm.at[sbuf], gbuf, sem).wait()
        pltpu.sync_copy(ew_hbm.at[c, pl.ds(e0, CHUNK), :], ebuf)

        def edge_body(j, _):
            for f in range(4):
                hv = gbuf[j, pl.ds(c * HALF + 16 * f, 16)]
                ev = ebuf[j, pl.ds(16 * f, 16)]
                msg = jnp.maximum(hv + ev, 0.0) + EPS
                ex = jnp.exp(msg * tv)
                cbuf[j, pl.ds(16 * f, 16)] = ex * msg
                cbuf[j, pl.ds(HALF + 16 * f, 16)] = ex
            return 0
        lax.fori_loop(0, CHUNK, edge_body, 0)

        pltpu.sync_copy(cbuf, acc_sh.at[dbuf], add=True)
        return 0
    lax.fori_loop(0, N_CHUNK, chunk_body, 0)

    plsc.subcore_barrier()

    def _finalize(k, _):
        r0 = pl.multiple_of(row0 + k * FIN_CHUNK, 8)
        fr0 = pl.multiple_of(crow + row0 + k * FIN_CHUNK, 8)
        pltpu.sync_copy(acc_sh.at[pl.ds(r0, FIN_CHUNK), :], fabuf)
        pltpu.sync_copy(hn_hbm.at[pl.ds(r0, FIN_CHUNK), :], fhbuf)

        def fin_body(r, _):
            for f in range(4):
                num = fabuf[r, pl.ds(16 * f, 16)]
                den = fabuf[r, pl.ds(HALF + 16 * f, 16)]
                hv = fhbuf[r, pl.ds(c * HALF + 16 * f, 16)]
                fobuf[r, pl.ds(16 * f, 16)] = hv + num / (den + EPS)
            return 0
        lax.fori_loop(0, FIN_CHUNK, fin_body, 0)
        pltpu.sync_copy(fobuf, out_hbm.at[pl.ds(fr0, FIN_CHUNK), :])
        return 0
    lax.fori_loop(0, n_fin, _finalize, 0)



def kernel(x, edge_index, edge_attr, params):
    src = edge_index[0].astype(jnp.int32)
    dst = edge_index[1].astype(jnp.int32)
    layers = params['layers']

    ew = _edge_encode(edge_attr, params['edge_enc_W'], params['edge_enc_b'])
    h, hn = _encode(x, params['node_enc_W'], params['node_enc_b'],
                    layers[1]['norm_w'], layers[1]['norm_b'])

    for li in (1, 2, 3):
        lp = layers[li]
        nxt = layers[li + 1] if li < 3 else layers[0]
        t16 = jnp.broadcast_to(lp['t'], (16,)).astype(f32)
        o = _sc_msgpass(hn, ew, src, dst, t16)
        h, hn = _mlp(h, o.reshape(2, N_NODES, HALF), lp,
                     nxt['norm_w'], nxt['norm_b'])

    return _final(hn, params['lin_W'], params['lin_b'])

# --- scband reference (transcript-rebuilt; emitter-appended) ---
"""Pipeline reference for scband-deeper-gcn-28870770164134 (READ-ONLY COPY).

The authoritative reference and input builder live on the scoring server;
editing this copy changes nothing except your own understanding.
"""

import jax, jax.numpy as jnp
import numpy as np

N_NODES = 10000
N_EDGES = 320000
D_IN = 128
D_EDGE = 16
HIDDEN = 128
OUT = 128
NUM_LAYERS = 4
EPS = 1e-7
LN_EPS = 1e-5


def _w(key, shape, scale=0.02):
    return jax.random.normal(key, shape, dtype=jnp.float32) * scale


def init_params(key):
    keys = jax.random.split(key, 4 + 2 * NUM_LAYERS)
    params = {
        'node_enc_W': _w(keys[0], (D_IN, HIDDEN)),
        'node_enc_b': jnp.zeros((HIDDEN,), jnp.float32),
        'edge_enc_W': _w(keys[1], (D_EDGE, HIDDEN)),
        'edge_enc_b': jnp.zeros((HIDDEN,), jnp.float32),
        'lin_W': _w(keys[2], (HIDDEN, OUT)),
        'lin_b': jnp.zeros((OUT,), jnp.float32),
        'layers': [],
    }
    for l in range(NUM_LAYERS):
        k1 = keys[4 + 2 * l]
        k2 = keys[5 + 2 * l]
        params['layers'].append({
            'norm_w': jnp.ones((), jnp.float32),
            'norm_b': jnp.zeros((), jnp.float32),
            't': jnp.ones((), jnp.float32),
            'mlp_W1': _w(k1, (HIDDEN, 2 * HIDDEN)),
            'mlp_b1': jnp.zeros((2 * HIDDEN,), jnp.float32),
            'mlp_ln_w': jnp.ones((), jnp.float32),
            'mlp_ln_b': jnp.zeros((), jnp.float32),
            'mlp_W2': _w(k2, (2 * HIDDEN, HIDDEN)),
            'mlp_b2': jnp.zeros((HIDDEN,), jnp.float32),
        })
    return params


def _layernorm_global(x, w, b):
    # Faithful to the custom LayerNorm: whole-tensor mean/std normalization
    m = jnp.mean(x)
    s = jnp.sqrt(jnp.mean((x - m) ** 2))
    return (x - m) / (s + LN_EPS) * w + b


def _gen_conv(h, src, dst, ew, lp, n_nodes):
    # GENConv with softmax aggregation (learn_t=True)
    msg = jax.nn.relu(h[src] + ew) + EPS
    scaled = msg * lp['t']
    seg_max = jax.ops.segment_max(scaled, dst, num_segments=n_nodes)
    seg_max = jnp.where(jnp.isfinite(seg_max), seg_max, 0.0)
    ex = jnp.exp(scaled - seg_max[dst])
    denom = jax.ops.segment_sum(ex, dst, num_segments=n_nodes)
    alpha = ex / (denom[dst] + EPS)
    rst = jax.ops.segment_sum(alpha * msg, dst, num_segments=n_nodes)
    out = h + rst  # root/residual add inside GENConv
    h1 = out @ lp['mlp_W1'] + lp['mlp_b1']
    h1 = jax.nn.relu(_layernorm_global(h1, lp['mlp_ln_w'], lp['mlp_ln_b']))
    return h1 @ lp['mlp_W2'] + lp['mlp_b2']


def _forward(x, edge_attr, params, edge_index):
    src = edge_index[0]
    dst = edge_index[1]
    n_nodes = x.shape[0]
    h = x @ params['node_enc_W'] + params['node_enc_b']
    ew = edge_attr @ params['edge_enc_W'] + params['edge_enc_b']
    # res+ blocks: norm -> act -> (dropout, eval mode = identity) -> conv -> residual
    for lp in params['layers'][1:]:
        hn = jax.nn.relu(_layernorm_global(h, lp['norm_w'], lp['norm_b']))
        h = h + _gen_conv(hn, src, dst, ew, lp, n_nodes)
    lp0 = params['layers'][0]
    h = jax.nn.relu(_layernorm_global(h, lp0['norm_w'], lp0['norm_b']))
    # dropout p=0.1, training=False -> identity
    return h @ params['lin_W'] + params['lin_b']


def setup_inputs(seed: int = 0):
    key = jax.random.key(seed)
    k1, k2, k3, k4 = jax.random.split(key, 4)
    x = jax.random.normal(k1, (N_NODES, D_IN), dtype=jnp.float32)
    edge_index = jax.random.randint(k2, (2, N_EDGES), 0, N_NODES)
    edge_attr = jax.random.normal(k3, (N_EDGES, D_EDGE), dtype=jnp.float32)
    params = init_params(k4)
    return {'x': x, 'edge_index': edge_index, 'edge_attr': edge_attr, 'params': params}


def reference(x, edge_index, edge_attr, params):
    return _forward(x, edge_attr, params, edge_index)

if __name__ == "__main__":
    import jax
    _d = setup_inputs()
    print(jax.jit(kernel)(*tuple(_d.values())))

</pallas_src>

<mosaic_0001>
#map = affine_map<(d0, d1) -> (0, 0)>
#map1 = affine_map<(d0, d1) -> (0, 0, 0)>
#map2 = affine_map<(d0, d1) -> (0)>
module attributes {stable_mosaic.version = 14 : i64} {
  func.func @_sc_msgpass(%arg0: i32, %arg1: i32, %arg2: memref<10000x128xf32, #tpu.memory_space<hbm>>, %arg3: memref<2x320000x64xf32, #tpu.memory_space<hbm>>, %arg4: memref<320000xi32, #tpu.memory_space<hbm>>, %arg5: memref<320000xi32, #tpu.memory_space<hbm>>, %arg6: memref<16xf32, #tpu.memory_space<hbm>>, %arg7: memref<20000x64xf32, #tpu.memory_space<hbm>>, %arg8: memref<10000x128xf32, #tpu.memory_space<vmem_shared>>, %arg9: memref<80xi32, #tpu.memory_space<vmem>>, %arg10: memref<80xi32, #tpu.memory_space<vmem>>, %arg11: memref<80x128xf32, #tpu.memory_space<vmem>>, %arg12: memref<80x64xf32, #tpu.memory_space<vmem>>, %arg13: memref<80x128xf32, #tpu.memory_space<vmem>>, %arg14: memref<40x128xf32, #tpu.memory_space<vmem>>, %arg15: memref<40x128xf32, #tpu.memory_space<vmem>>, %arg16: memref<40x64xf32, #tpu.memory_space<vmem>>, %arg17: memref<16xf32, #tpu.memory_space<vmem>>, %arg18: memref<!tpu.dma_semaphore, #tpu.memory_space<semaphore_mem>>) attributes {dimension_semantics = [#tpu.dimension_semantics<core_parallel>, #tpu.dimension_semantics<subcore_parallel>], iteration_bounds = array<i64: 2, 16>, scalar_prefetch = 0 : i64, scratch_operands = 11 : i64, tpu.core_type = #tpu.core_type<sc_vector_subcore>, window_params = [{transform_indices = #map}, {transform_indices = #map1}, {transform_indices = #map2}, {transform_indices = #map2}, {transform_indices = #map2}, {transform_indices = #map}]} {
    %mul3A = arith.constant 640 : i32
    %mul3A_0 = arith.muli %arg1, %mul3A : i32
    %mul3A_1 = arith.constant 10000 : i32
    %mul3A_2 = arith.muli %arg0, %mul3A_1 : i32
    %eq3A = arith.constant 15 : i32
    %eq3A_3 = arith.cmpi eq, %arg1, %eq3A : i32
    %jit3A = arith.constant 10 : i32
    %jit3A_4 = arith.constant 16 : i32
    %select_n3A = arith.select %eq3A_3, %jit3A, %jit3A_4 : i32
    %scan3A = arith.constant 0 : i32
    %scan3A_5 = arith.constant 0 : i32
    %scan3A_6 = arith.constant 40 : i32
    %scan3A_7 = arith.addi %scan3A_5, %scan3A_6 : i32
    %scan3A_8 = arith.constant 1 : i32
    %scan3A_9 = scf.for %scan3A_44 = %scan3A_5 to %scan3A_7 step %scan3A_8 iter_args(%scan3A_45 = %scan3A) -> (i32)  : i32 {
      %broadcast_in_dim3A = arith.constant 0.000000e+00 : f32
      %broadcast_in_dim3A_46 = vector.broadcast %broadcast_in_dim3A : f32 to vector<16xf32>
      %swap3A = arith.index_cast %scan3A_44 : i32 to index
      %swap3A_47 = arith.constant 0 : index
      %swap3A_48 = tpu.vector_load %arg14[%swap3A, %swap3A_47] {strides = array<i32>} : memref<40x128xf32, #tpu.memory_space<vmem>>, vector<1x16xf32>,
      %swap3A_49 = vector.shape_cast %swap3A_48 : vector<1x16xf32> to vector<16xf32>
      %swap3A_50 = vector.shape_cast %broadcast_in_dim3A_46 : vector<16xf32> to vector<1x16xf32>
      tpu.vector_store %arg14[%swap3A, %swap3A_47], %swap3A_50 {strides = array<i32>} : memref<40x128xf32, #tpu.memory_space<vmem>>, vector<1x16xf32>,
      %broadcast_in_dim3A_51 = arith.constant 0.000000e+00 : f32
      %broadcast_in_dim3A_52 = vector.broadcast %broadcast_in_dim3A_51 : f32 to vector<16xf32>
      %swap3A_53 = arith.index_cast %scan3A_44 : i32 to index
      %swap3A_54 = arith.constant 16 : index
      %swap3A_55 = tpu.vector_load %arg14[%swap3A_53, %swap3A_54] {strides = array<i32>} : memref<40x128xf32, #tpu.memory_space<vmem>>, vector<1x16xf32>,
      %swap3A_56 = vector.shape_cast %swap3A_55 : vector<1x16xf32> to vector<16xf32>
      %swap3A_57 = vector.shape_cast %broadcast_in_dim3A_52 : vector<16xf32> to vector<1x16xf32>
      tpu.vector_store %arg14[%swap3A_53, %swap3A_54], %swap3A_57 {strides = array<i32>} : memref<40x128xf32, #tpu.memory_space<vmem>>, vector<1x16xf32>,
      %broadcast_in_dim3A_58 = arith.constant 0.000000e+00 : f32
      %broadcast_in_dim3A_59 = vector.broadcast %broadcast_in_dim3A_58 : f32 to vector<16xf32>
      %swap3A_60 = arith.index_cast %scan3A_44 : i32 to index
      %swap3A_61 = arith.constant 32 : index
      %swap3A_62 = tpu.vector_load %arg14[%swap3A_60, %swap3A_61] {strides = array<i32>} : memref<40x128xf32, #tpu.memory_space<vmem>>, vector<1x16xf32>,
      %swap3A_63 = vector.shape_cast %swap3A_62 : vector<1x16xf32> to vector<16xf32>
      %swap3A_64 = vector.shape_cast %broadcast_in_dim3A_59 : vector<16xf32> to vector<1x16xf32>
      tpu.vector_store %arg14[%swap3A_60, %swap3A_61], %swap3A_64 {strides = array<i32>} : memref<40x128xf32, #tpu.memory_space<vmem>>, vector<1x16xf32>,
      %broadcast_in_dim3A_65 = arith.constant 0.000000e+00 : f32
      %broadcast_in_dim3A_66 = vector.broadcast %broadcast_in_dim3A_65 : f32 to vector<16xf32>
      %swap3A_67 = arith.index_cast %scan3A_44 : i32 to index
      %swap3A_68 = arith.constant 48 : index
      %swap3A_69 = tpu.vector_load %arg14[%swap3A_67, %swap3A_68] {strides = array<i32>} : memref<40x128xf32, #tpu.memory_space<vmem>>, vector<1x16xf32>,
      %swap3A_70 = vector.shape_cast %swap3A_69 : vector<1x16xf32> to vector<16xf32>
      %swap3A_71 = vector.shape_cast %broadcast_in_dim3A_66 : vector<16xf32> to vector<1x16xf32>
      tpu.vector_store %arg14[%swap3A_67, %swap3A_68], %swap3A_71 {strides = array<i32>} : memref<40x128xf32, #tpu.memory_space<vmem>>, vector<1x16xf32>,
      %broadcast_in_dim3A_72 = arith.constant 0.000000e+00 : f32
      %broadcast_in_dim3A_73 = vector.broadcast %broadcast_in_dim3A_72 : f32 to vector<16xf32>
      %swap3A_74 = arith.index_cast %scan3A_44 : i32 to index
      %swap3A_75 = arith.constant 64 : index
      %swap3A_76 = tpu.vector_load %arg14[%swap3A_74, %swap3A_75] {strides = array<i32>} : memref<40x128xf32, #tpu.memory_space<vmem>>, vector<1x16xf32>,
      %swap3A_77 = vector.shape_cast %swap3A_76 : vector<1x16xf32> to vector<16xf32>
      %swap3A_78 = vector.shape_cast %broadcast_in_dim3A_73 : vector<16xf32> to vector<1x16xf32>
      tpu.vector_store %arg14[%swap3A_74, %swap3A_75], %swap3A_78 {strides = array<i32>} : memref<40x128xf32, #tpu.memory_space<vmem>>, vector<1x16xf32>,
      %broadcast_in_dim3A_79 = arith.constant 0.000000e+00 : f32
      %broadcast_in_dim3A_80 = vector.broadcast %broadcast_in_dim3A_79 : f32 to vector<16xf32>
      %swap3A_81 = arith.index_cast %scan3A_44 : i32 to index
      %swap3A_82 = arith.constant 80 : index
      %swap3A_83 = tpu.vector_load %arg14[%swap3A_81, %swap3A_82] {strides = array<i32>} : memref<40x128xf32, #tpu.memory_space<vmem>>, vector<1x16xf32>,
      %swap3A_84 = vector.shape_cast %swap3A_83 : vector<1x16xf32> to vector<16xf32>
      %swap3A_85 = vector.shape_cast %broadcast_in_dim3A_80 : vector<16xf32> to vector<1x16xf32>
      tpu.vector_store %arg14[%swap3A_81, %swap3A_82], %swap3A_85 {strides = array<i32>} : memref<40x128xf32, #tpu.memory_space<vmem>>, vector<1x16xf32>,
      %broadcast_in_dim3A_86 = arith.constant 0.000000e+00 : f32
      %broadcast_in_dim3A_87 = vector.broadcast %broadcast_in_dim3A_86 : f32 to vector<16xf32>
      %swap3A_88 = arith.index_cast %scan3A_44 : i32 to index
      %swap3A_89 = arith.constant 96 : index
      %swap3A_90 = tpu.vector_load %arg14[%swap3A_88, %swap3A_89] {strides = array<i32>} : memref<40x128xf32, #tpu.memory_space<vmem>>, vector<1x16xf32>,
      %swap3A_91 = vector.shape_cast %swap3A_90 : vector<1x16xf32> to vector<16xf32>
      %swap3A_92 = vector.shape_cast %broadcast_in_dim3A_87 : vector<16xf32> to vector<1x16xf32>
      tpu.vector_store %arg14[%swap3A_88, %swap3A_89], %swap3A_92 {strides = array<i32>} : memref<40x128xf32, #tpu.memory_space<vmem>>, vector<1x16xf32>,
      %broadcast_in_dim3A_93 = arith.constant 0.000000e+00 : f32
      %broadcast_in_dim3A_94 = vector.broadcast %broadcast_in_dim3A_93 : f32 to vector<16xf32>
      %swap3A_95 = arith.index_cast %scan3A_44 : i32 to index
      %swap3A_96 = arith.constant 112 : index
      %swap3A_97 = tpu.vector_load %arg14[%swap3A_95, %swap3A_96] {strides = array<i32>} : memref<40x128xf32, #tpu.memory_space<vmem>>, vector<1x16xf32>,
      %swap3A_98 = vector.shape_cast %swap3A_97 : vector<1x16xf32> to vector<16xf32>
      %swap3A_99 = vector.shape_cast %broadcast_in_dim3A_94 : vector<16xf32> to vector<1x16xf32>
      tpu.vector_store %arg14[%swap3A_95, %swap3A_96], %swap3A_99 {strides = array<i32>} : memref<40x128xf32, #tpu.memory_space<vmem>>, vector<1x16xf32>,
      %scan3A_100 = arith.constant 0 : i32
      scf.yield %scan3A_100 : i32
    }
    %scan3A_10 = arith.constant 40 : i32
    %while3A = arith.constant 0 : i32
    %while3A_11 = arith.constant 0 : i32
    %while3A_12 = arith.subi %select_n3A, %while3A : i32
    %while3A_13 = arith.addi %while3A, %while3A_12 : i32
    %while3A_14 = arith.constant 1 : i32
    %while3A_15 = arith.divsi %while3A_12, %while3A_14 : i32
    %while3A_16 = arith.muli %while3A_15, %while3A_14 : i32
    %while3A_17 = arith.addi %while3A, %while3A_16 : i32
    %while3A_18 = arith.constant 1 : i32
    %while3A_19 = scf.for %while3A_44 = %while3A to %while3A_17 step %while3A_18 iter_args(%while3A_45 = %while3A_11) -> (i32)  : i32 {
      %mul3A_46 = arith.constant 40 : i32
      %mul3A_47 = arith.muli %while3A_44, %mul3A_46 : i32
      %add3A = arith.addi %mul3A_0, %mul3A_47 : i32
      %multiple_of3A = tpu.assume_multiple %add3A, 8 : i32
      "tpu.region"() ({
        %run_scoped3A = tpu.sem_alloc : memref<!tpu.dma_semaphore, #tpu.memory_space<semaphore_mem>>
        %dma_start3A = arith.constant 0 : i32
        %dma_start3A_49 = tpu.memref_slice %arg8[%multiple_of3A, %dma_start3A] : memref<10000x128xf32, #tpu.memory_space<vmem_shared>> -> memref<40x128xf32, #tpu.memory_space<vmem_shared>>
        %dma_start3A_50 = arith.constant 0 : i32
        %dma_start3A_51 = tpu.memref_slice %arg8[%multiple_of3A, %dma_start3A_50] : memref<10000x128xf32, #tpu.memory_space<vmem_shared>> -> memref<40x128xf32, #tpu.memory_space<vmem_shared>>
        tpu.enqueue_dma source(%arg14 : memref<40x128xf32, #tpu.memory_space<vmem>>) target(%dma_start3A_51 : memref<40x128xf32, #tpu.memory_space<vmem_shared>>) target_semaphore(%run_scoped3A : memref<!tpu.dma_semaphore, #tpu.memory_space<semaphore_mem>>)
        %dma_wait3A = arith.constant 0 : i32
        %dma_wait3A_52 = tpu.memref_slice %arg8[%multiple_of3A, %dma_wait3A] : memref<10000x128xf32, #tpu.memory_space<vmem_shared>> -> memref<40x128xf32, #tpu.memory_space<vmem_shared>>
        %dma_wait3A_53 = arith.constant 0 : i32
        %dma_wait3A_54 = tpu.memref_slice %arg8[%multiple_of3A, %dma_wait3A_53] : memref<10000x128xf32, #tpu.memory_space<vmem_shared>> -> memref<40x128xf32, #tpu.memory_space<vmem_shared>>
        tpu.wait_dma2 semaphore(%run_scoped3A : memref<!tpu.dma_semaphore, #tpu.memory_space<semaphore_mem>>) src(%arg14 : memref<40x128xf32, #tpu.memory_space<vmem>>) dst(%dma_wait3A_54 : memref<40x128xf32, #tpu.memory_space<vmem_shared>>)
        tpu.yield
      }) : () -> ()
      %while3A_48 = arith.constant 0 : i32
      scf.yield %while3A_48 : i32
    }
    %while3A_20 = arith.constant 1 : i32
    %while3A_21 = scf.for %while3A_44 = %while3A_17 to %while3A_13 step %while3A_20 iter_args(%while3A_45 = %while3A_19) -> (i32)  : i32 {
      %mul3A_46 = arith.constant 40 : i32
      %mul3A_47 = arith.muli %while3A_44, %mul3A_46 : i32
      %add3A = arith.addi %mul3A_0, %mul3A_47 : i32
      %multiple_of3A = tpu.assume_multiple %add3A, 8 : i32
      "tpu.region"() ({
        %run_scoped3A = tpu.sem_alloc : memref<!tpu.dma_semaphore, #tpu.memory_space<semaphore_mem>>
        %dma_start3A = arith.constant 0 : i32
        %dma_start3A_49 = tpu.memref_slice %arg8[%multiple_of3A, %dma_start3A] : memref<10000x128xf32, #tpu.memory_space<vmem_shared>> -> memref<40x128xf32, #tpu.memory_space<vmem_shared>>
        %dma_start3A_50 = arith.constant 0 : i32
        %dma_start3A_51 = tpu.memref_slice %arg8[%multiple_of3A, %dma_start3A_50] : memref<10000x128xf32, #tpu.memory_space<vmem_shared>> -> memref<40x128xf32, #tpu.memory_space<vmem_shared>>
        tpu.enqueue_dma source(%arg14 : memref<40x128xf32, #tpu.memory_space<vmem>>) target(%dma_start3A_51 : memref<40x128xf32, #tpu.memory_space<vmem_shared>>) target_semaphore(%run_scoped3A : memref<!tpu.dma_semaphore, #tpu.memory_space<semaphore_mem>>)
        %dma_wait3A = arith.constant 0 : i32
        %dma_wait3A_52 = tpu.memref_slice %arg8[%multiple_of3A, %dma_wait3A] : memref<10000x128xf32, #tpu.memory_space<vmem_shared>> -> memref<40x128xf32, #tpu.memory_space<vmem_shared>>
        %dma_wait3A_53 = arith.constant 0 : i32
        %dma_wait3A_54 = tpu.memref_slice %arg8[%multiple_of3A, %dma_wait3A_53] : memref<10000x128xf32, #tpu.memory_space<vmem_shared>> -> memref<40x128xf32, #tpu.memory_space<vmem_shared>>
        tpu.wait_dma2 semaphore(%run_scoped3A : memref<!tpu.dma_semaphore, #tpu.memory_space<semaphore_mem>>) src(%arg14 : memref<40x128xf32, #tpu.memory_space<vmem>>) dst(%dma_wait3A_54 : memref<40x128xf32, #tpu.memory_space<vmem_shared>>)
        tpu.yield
      }) : () -> ()
      %while3A_48 = arith.constant 0 : i32
      scf.yield %while3A_48 : i32
    }
    "tpu.region"() ({
      %run_scoped3A = tpu.sem_alloc : memref<!tpu.dma_semaphore, #tpu.memory_space<semaphore_mem>>
      tpu.enqueue_dma source(%arg6 : memref<16xf32, #tpu.memory_space<hbm>>) target(%arg17 : memref<16xf32, #tpu.memory_space<vmem>>) target_semaphore(%run_scoped3A : memref<!tpu.dma_semaphore, #tpu.memory_space<semaphore_mem>>)
      tpu.wait_dma2 semaphore(%run_scoped3A : memref<!tpu.dma_semaphore, #tpu.memory_space<semaphore_mem>>) src(%arg6 : memref<16xf32, #tpu.memory_space<hbm>>) dst(%arg17 : memref<16xf32, #tpu.memory_space<vmem>>)
      tpu.yield
    }) : () -> ()
    %barrier3A = arith.constant 0 : index
    tpu.barrier barrier_id(%barrier3A)
    %get3A = arith.constant 0 : index
    %get3A_22 = tpu.vector_load %arg17[%get3A] {strides = array<i32>} : memref<16xf32, #tpu.memory_space<vmem>>, vector<16xf32>,
    %get3A_23 = vector.shape_cast %get3A_22 : vector<16xf32> to vector<16xf32>
    %scan3A_24 = arith.constant 0 : i32
    %scan3A_25 = arith.constant 0 : i32
    %scan3A_26 = arith.constant 250 : i32
    %scan3A_27 = arith.addi %scan3A_25, %scan3A_26 : i32
    %scan3A_28 = arith.constant 1 : i32
    %scan3A_29 = scf.for %scan3A_44 = %scan3A_25 to %scan3A_27 step %scan3A_28 iter_args(%scan3A_45 = %scan3A_24) -> (i32)  : i32 {
      %mul3A_46 = arith.constant 20000 : i32
      %mul3A_47 = arith.muli %arg1, %mul3A_46 : i32
      %mul3A_48 = arith.constant 80 : i32
      %mul3A_49 = arith.muli %scan3A_44, %mul3A_48 : i32
      %add3A = arith.addi %mul3A_47, %mul3A_49 : i32
      %multiple_of3A = tpu.assume_multiple %add3A, 8 : i32
      "tpu.region"() ({
        %run_scoped3A = tpu.sem_alloc : memref<!tpu.dma_semaphore, #tpu.memory_space<semaphore_mem>>
        %dma_start3A_62 = tpu.memref_slice %arg4[%multiple_of3A] : memref<320000xi32, #tpu.memory_space<hbm>> -> memref<80xi32, #tpu.memory_space<hbm>>
        %dma_start3A_63 = tpu.memref_slice %arg4[%multiple_of3A] : memref<320000xi32, #tpu.memory_space<hbm>> -> memref<80xi32, #tpu.memory_space<hbm>>
        tpu.enqueue_dma source(%dma_start3A_63 : memref<80xi32, #tpu.memory_space<hbm>>) target(%arg9 : memref<80xi32, #tpu.memory_space<vmem>>) target_semaphore(%run_scoped3A : memref<!tpu.dma_semaphore, #tpu.memory_space<semaphore_mem>>)
        %dma_wait3A_64 = tpu.memref_slice %arg4[%multiple_of3A] : memref<320000xi32, #tpu.memory_space<hbm>> -> memref<80xi32, #tpu.memory_space<hbm>>
        %dma_wait3A_65 = tpu.memref_slice %arg4[%multiple_of3A] : memref<320000xi32, #tpu.memory_space<hbm>> -> memref<80xi32, #tpu.memory_space<hbm>>
        tpu.wait_dma2 semaphore(%run_scoped3A : memref<!tpu.dma_semaphore, #tpu.memory_space<semaphore_mem>>) src(%dma_wait3A_65 : memref<80xi32, #tpu.memory_space<hbm>>) dst(%arg9 : memref<80xi32, #tpu.memory_space<vmem>>)
        tpu.yield
      }) : () -> ()
      "tpu.region"() ({
        %run_scoped3A = tpu.sem_alloc : memref<!tpu.dma_semaphore, #tpu.memory_space<semaphore_mem>>
        %dma_start3A_62 = tpu.memref_slice %arg5[%multiple_of3A] : memref<320000xi32, #tpu.memory_space<hbm>> -> memref<80xi32, #tpu.memory_space<hbm>>
        %dma_start3A_63 = tpu.memref_slice %arg5[%multiple_of3A] : memref<320000xi32, #tpu.memory_space<hbm>> -> memref<80xi32, #tpu.memory_space<hbm>>
        tpu.enqueue_dma source(%dma_start3A_63 : memref<80xi32, #tpu.memory_space<hbm>>) target(%arg10 : memref<80xi32, #tpu.memory_space<vmem>>) target_semaphore(%run_scoped3A : memref<!tpu.dma_semaphore, #tpu.memory_space<semaphore_mem>>)
        %dma_wait3A_64 = tpu.memref_slice %arg5[%multiple_of3A] : memref<320000xi32, #tpu.memory_space<hbm>> -> memref<80xi32, #tpu.memory_space<hbm>>
        %dma_wait3A_65 = tpu.memref_slice %arg5[%multiple_of3A] : memref<320000xi32, #tpu.memory_space<hbm>> -> memref<80xi32, #tpu.memory_space<hbm>>
        tpu.wait_dma2 semaphore(%run_scoped3A : memref<!tpu.dma_semaphore, #tpu.memory_space<semaphore_mem>>) src(%dma_wait3A_65 : memref<80xi32, #tpu.memory_space<hbm>>) dst(%arg10 : memref<80xi32, #tpu.memory_space<vmem>>)
        tpu.yield
      }) : () -> ()
      %dma_start3A = arith.constant 0 : i32
      %dma_start3A_50 = arith.constant 0 : i32
      %dma_start3A_51 = tpu.memref_slice %arg2[%dma_start3A, %dma_start3A_50] : memref<10000x128xf32, #tpu.memory_space<hbm>> -> memref<10000x128xf32, #tpu.memory_space<hbm>>
      tpu.enqueue_indirect_dma source(%dma_start3A_51 : memref<10000x128xf32, #tpu.memory_space<hbm>>) target(%arg11 : memref<80x128xf32, #tpu.memory_space<vmem>>) offsets(%arg9 : memref<80xi32, #tpu.memory_space<vmem>>) semaphore(%arg18 : memref<!tpu.dma_semaphore, #tpu.memory_space<semaphore_mem>>)
      %dma_wait3A = arith.constant 0 : i32
      %dma_wait3A_52 = arith.constant 0 : i32
      %dma_wait3A_53 = tpu.memref_slice %arg2[%dma_wait3A, %dma_wait3A_52] : memref<10000x128xf32, #tpu.memory_space<hbm>> -> memref<10000x128xf32, #tpu.memory_space<hbm>>
      tpu.wait_indirect_dma semaphore(%arg18 : memref<!tpu.dma_semaphore, #tpu.memory_space<semaphore_mem>>) src(%dma_wait3A_53 : memref<10000x128xf32, #tpu.memory_space<hbm>>) dst(%arg11 : memref<80x128xf32, #tpu.memory_space<vmem>>)
      "tpu.region"() ({
        %run_scoped3A = tpu.sem_alloc : memref<!tpu.dma_semaphore, #tpu.memory_space<semaphore_mem>>
        %dma_start3A_62 = arith.constant 0 : i32
        %dma_start3A_63 = tpu.memref_slice %arg3[%arg0, %multiple_of3A, %dma_start3A_62] : memref<2x320000x64xf32, #tpu.memory_space<hbm>> -> memref<1x80x64xf32, #tpu.memory_space<hbm>>
        %dma_start3A_64 = tpu.memref_squeeze %dma_start3A_63 : memref<1x80x64xf32, #tpu.memory_space<hbm>> -> memref<80x64xf32, #tpu.memory_space<hbm>>
        %dma_start3A_65 = arith.constant 0 : i32
        %dma_start3A_66 = tpu.memref_slice %arg3[%arg0, %multiple_of3A, %dma_start3A_65] : memref<2x320000x64xf32, #tpu.memory_space<hbm>> -> memref<1x80x64xf32, #tpu.memory_space<hbm>>
        %dma_start3A_67 = tpu.memref_squeeze %dma_start3A_66 : memref<1x80x64xf32, #tpu.memory_space<hbm>> -> memref<80x64xf32, #tpu.memory_space<hbm>>
        tpu.enqueue_dma source(%dma_start3A_67 : memref<80x64xf32, #tpu.memory_space<hbm>>) target(%arg12 : memref<80x64xf32, #tpu.memory_space<vmem>>) target_semaphore(%run_scoped3A : memref<!tpu.dma_semaphore, #tpu.memory_space<semaphore_mem>>)
        %dma_wait3A_68 = arith.constant 0 : i32
        %dma_wait3A_69 = tpu.memref_slice %arg3[%arg0, %multiple_of3A, %dma_wait3A_68] : memref<2x320000x64xf32, #tpu.memory_space<hbm>> -> memref<1x80x64xf32, #tpu.memory_space<hbm>>
        %dma_wait3A_70 = tpu.memref_squeeze %dma_wait3A_69 : memref<1x80x64xf32, #tpu.memory_space<hbm>> -> memref<80x64xf32, #tpu.memory_space<hbm>>
        %dma_wait3A_71 = arith.constant 0 : i32
        %dma_wait3A_72 = tpu.memref_slice %arg3[%arg0, %multiple_of3A, %dma_wait3A_71] : memref<2x320000x64xf32, #tpu.memory_space<hbm>> -> memref<1x80x64xf32, #tpu.memory_space<hbm>>
        %dma_wait3A_73 = tpu.memref_squeeze %dma_wait3A_72 : memref<1x80x64xf32, #tpu.memory_space<hbm>> -> memref<80x64xf32, #tpu.memory_space<hbm>>
        tpu.wait_dma2 semaphore(%run_scoped3A : memref<!tpu.dma_semaphore, #tpu.memory_space<semaphore_mem>>) src(%dma_wait3A_73 : memref<80x64xf32, #tpu.memory_space<hbm>>) dst(%arg12 : memref<80x64xf32, #tpu.memory_space<vmem>>)
        tpu.yield
      }) : () -> ()
      %scan3A_54 = arith.constant 0 : i32
      %scan3A_55 = arith.constant 0 : i32
      %scan3A_56 = arith.constant 80 : i32
      %scan3A_57 = arith.addi %scan3A_55, %scan3A_56 : i32
      %scan3A_58 = arith.constant 1 : i32
      %scan3A_59 = scf.for %scan3A_62 = %scan3A_55 to %scan3A_57 step %scan3A_58 iter_args(%scan3A_63 = %scan3A_54) -> (i32)  : i32 {
        %mul3A_64 = arith.constant 64 : i32
        %mul3A_65 = arith.muli %arg0, %mul3A_64 : i32
        %add3A_66 = arith.constant 0 : i32
        %add3A_67 = arith.addi %mul3A_65, %add3A_66 : i32
        %get3A_68 = arith.index_cast %scan3A_62 : i32 to index
        %get3A_69 = arith.index_cast %add3A_67 : i32 to index
        %get3A_70 = tpu.vector_load %arg11[%get3A_68, %get3A_69] {strides = array<i32>} : memref<80x128xf32, #tpu.memory_space<vmem>>, vector<1x16xf32>,
        %get3A_71 = vector.shape_cast %get3A_70 : vector<1x16xf32> to vector<16xf32>
        %get3A_72 = arith.index_cast %scan3A_62 : i32 to index
        %get3A_73 = arith.constant 0 : index
        %get3A_74 = tpu.vector_load %arg12[%get3A_72, %get3A_73] {strides = array<i32>} : memref<80x64xf32, #tpu.memory_space<vmem>>, vector<1x16xf32>,
        %get3A_75 = vector.shape_cast %get3A_74 : vector<1x16xf32> to vector<16xf32>
        %add3A_76 = arith.addf %get3A_71, %get3A_75 : vector<16xf32>
        %max3A = arith.constant 0.000000e+00 : f32
        %max3A_77 = vector.broadcast %max3A : f32 to vector<16xf32>
        %max3A_78 = arith.maximumf %add3A_76, %max3A_77 : vector<16xf32>
        %add3A_79 = arith.constant 1.000000e-07 : f32
        %add3A_80 = vector.broadcast %add3A_79 : f32 to vector<16xf32>
        %add3A_81 = arith.addf %max3A_78, %add3A_80 : vector<16xf32>
        %mul3A_82 = arith.mulf %add3A_81, %get3A_23 : vector<16xf32>
        %exp3A = math.exp %mul3A_82 : vector<16xf32>
        %mul3A_83 = arith.mulf %exp3A, %add3A_81 : vector<16xf32>
        %swap3A = arith.index_cast %scan3A_62 : i32 to index
        %swap3A_84 = arith.constant 0 : index
        %swap3A_85 = tpu.vector_load %arg13[%swap3A, %swap3A_84] {strides = array<i32>} : memref<80x128xf32, #tpu.memory_space<vmem>>, vector<1x16xf32>,
        %swap3A_86 = vector.shape_cast %swap3A_85 : vector<1x16xf32> to vector<16xf32>
        %swap3A_87 = vector.shape_cast %mul3A_83 : vector<16xf32> to vector<1x16xf32>
        tpu.vector_store %arg13[%swap3A, %swap3A_84], %swap3A_87 {strides = array<i32>} : memref<80x128xf32, #tpu.memory_space<vmem>>, vector<1x16xf32>,
        %swap3A_88 = arith.index_cast %scan3A_62 : i32 to index
        %swap3A_89 = arith.constant 64 : index
        %swap3A_90 = tpu.vector_load %arg13[%swap3A_88, %swap3A_89] {strides = array<i32>} : memref<80x128xf32, #tpu.memory_space<vmem>>, vector<1x16xf32>,
        %swap3A_91 = vector.shape_cast %swap3A_90 : vector<1x16xf32> to vector<16xf32>
        %swap3A_92 = vector.shape_cast %exp3A : vector<16xf32> to vector<1x16xf32>
        tpu.vector_store %arg13[%swap3A_88, %swap3A_89], %swap3A_92 {strides = array<i32>} : memref<80x128xf32, #tpu.memory_space<vmem>>, vector<1x16xf32>,
        %mul3A_93 = arith.constant 64 : i32
        %mul3A_94 = arith.muli %arg0, %mul3A_93 : i32
        %add3A_95 = arith.constant 16 : i32
        %add3A_96 = arith.addi %mul3A_94, %add3A_95 : i32
        %get3A_97 = arith.index_cast %scan3A_62 : i32 to index
        %get3A_98 = arith.index_cast %add3A_96 : i32 to index
        %get3A_99 = tpu.vector_load %arg11[%get3A_97, %get3A_98] {strides = array<i32>} : memref<80x128xf32, #tpu.memory_space<vmem>>, vector<1x16xf32>,
        %get3A_100 = vector.shape_cast %get3A_99 : vector<1x16xf32> to vector<16xf32>
        %get3A_101 = arith.index_cast %scan3A_62 : i32 to index
        %get3A_102 = arith.constant 16 : index
        %get3A_103 = tpu.vector_load %arg12[%get3A_101, %get3A_102] {strides = array<i32>} : memref<80x64xf32, #tpu.memory_space<vmem>>, vector<1x16xf32>,
        %get3A_104 = vector.shape_cast %get3A_103 : vector<1x16xf32> to vector<16xf32>
        %add3A_105 = arith.addf %get3A_100, %get3A_104 : vector<16xf32>
        %max3A_106 = arith.constant 0.000000e+00 : f32
        %max3A_107 = vector.broadcast %max3A_106 : f32 to vector<16xf32>
        %max3A_108 = arith.maximumf %add3A_105, %max3A_107 : vector<16xf32>
        %add3A_109 = arith.constant 1.000000e-07 : f32
        %add3A_110 = vector.broadcast %add3A_109 : f32 to vector<16xf32>
        %add3A_111 = arith.addf %max3A_108, %add3A_110 : vector<16xf32>
        %mul3A_112 = arith.mulf %add3A_111, %get3A_23 : vector<16xf32>
        %exp3A_113 = math.exp %mul3A_112 : vector<16xf32>
        %mul3A_114 = arith.mulf %exp3A_113, %add3A_111 : vector<16xf32>
        %swap3A_115 = arith.index_cast %scan3A_62 : i32 to index
        %swap3A_116 = arith.constant 16 : index
        %swap3A_117 = tpu.vector_load %arg13[%swap3A_115, %swap3A_116] {strides = array<i32>} : memref<80x128xf32, #tpu.memory_space<vmem>>, vector<1x16xf32>,
        %swap3A_118 = vector.shape_cast %swap3A_117 : vector<1x16xf32> to vector<16xf32>
        %swap3A_119 = vector.shape_cast %mul3A_114 : vector<16xf32> to vector<1x16xf32>
        tpu.vector_store %arg13[%swap3A_115, %swap3A_116], %swap3A_119 {strides = array<i32>} : memref<80x128xf32, #tpu.memory_space<vmem>>, vector<1x16xf32>,
        %swap3A_120 = arith.index_cast %scan3A_62 : i32 to index
        %swap3A_121 = arith.constant 80 : index
        %swap3A_122 = tpu.vector_load %arg13[%swap3A_120, %swap3A_121] {strides = array<i32>} : memref<80x128xf32, #tpu.memory_space<vmem>>, vector<1x16xf32>,
        %swap3A_123 = vector.shape_cast %swap3A_122 : vector<1x16xf32> to vector<16xf32>
        %swap3A_124 = vector.shape_cast %exp3A_113 : vector<16xf32> to vector<1x16xf32>
        tpu.vector_store %arg13[%swap3A_120, %swap3A_121], %swap3A_124 {strides = array<i32>} : memref<80x128xf32, #tpu.memory_space<vmem>>, vector<1x16xf32>,
        %mul3A_125 = arith.constant 64 : i32
        %mul3A_126 = arith.muli %arg0, %mul3A_125 : i32
        %add3A_127 = arith.constant 32 : i32
        %add3A_128 = arith.addi %mul3A_126, %add3A_127 : i32
        %get3A_129 = arith.index_cast %scan3A_62 : i32 to index
        %get3A_130 = arith.index_cast %add3A_128 : i32 to index
        %get3A_131 = tpu.vector_load %arg11[%get3A_129, %get3A_130] {strides = array<i32>} : memref<80x128xf32, #tpu.memory_space<vmem>>, vector<1x16xf32>,
        %get3A_132 = vector.shape_cast %get3A_131 : vector<1x16xf32> to vector<16xf32>
        %get3A_133 = arith.index_cast %scan3A_62 : i32 to index
        %get3A_134 = arith.constant 32 : index
        %get3A_135 = tpu.vector_load %arg12[%get3A_133, %get3A_134] {strides = array<i32>} : memref<80x64xf32, #tpu.memory_space<vmem>>, vector<1x16xf32>,
        %get3A_136 = vector.shape_cast %get3A_135 : vector<1x16xf32> to vector<16xf32>
        %add3A_137 = arith.addf %get3A_132, %get3A_136 : vector<16xf32>
        %max3A_138 = arith.constant 0.000000e+00 : f32
        %max3A_139 = vector.broadcast %max3A_138 : f32 to vector<16xf32>
        %max3A_140 = arith.maximumf %add3A_137, %max3A_139 : vector<16xf32>
        %add3A_141 = arith.constant 1.000000e-07 : f32
        %add3A_142 = vector.broadcast %add3A_141 : f32 to vector<16xf32>
        %add3A_143 = arith.addf %max3A_140, %add3A_142 : vector<16xf32>
        %mul3A_144 = arith.mulf %add3A_143, %get3A_23 : vector<16xf32>
        %exp3A_145 = math.exp %mul3A_144 : vector<16xf32>
        %mul3A_146 = arith.mulf %exp3A_145, %add3A_143 : vector<16xf32>
        %swap3A_147 = arith.index_cast %scan3A_62 : i32 to index
        %swap3A_148 = arith.constant 32 : index
        %swap3A_149 = tpu.vector_load %arg13[%swap3A_147, %swap3A_148] {strides = array<i32>} : memref<80x128xf32, #tpu.memory_space<vmem>>, vector<1x16xf32>,
        %swap3A_150 = vector.shape_cast %swap3A_149 : vector<1x16xf32> to vector<16xf32>
        %swap3A_151 = vector.shape_cast %mul3A_146 : vector<16xf32> to vector<1x16xf32>
        tpu.vector_store %arg13[%swap3A_147, %swap3A_148], %swap3A_151 {strides = array<i32>} : memref<80x128xf32, #tpu.memory_space<vmem>>, vector<1x16xf32>,
        %swap3A_152 = arith.index_cast %scan3A_62 : i32 to index
        %swap3A_153 = arith.constant 96 : index
        %swap3A_154 = tpu.vector_load %arg13[%swap3A_152, %swap3A_153] {strides = array<i32>} : memref<80x128xf32, #tpu.memory_space<vmem>>, vector<1x16xf32>,
        %swap3A_155 = vector.shape_cast %swap3A_154 : vector<1x16xf32> to vector<16xf32>
        %swap3A_156 = vector.shape_cast %exp3A_145 : vector<16xf32> to vector<1x16xf32>
        tpu.vector_store %arg13[%swap3A_152, %swap3A_153], %swap3A_156 {strides = array<i32>} : memref<80x128xf32, #tpu.memory_space<vmem>>, vector<1x16xf32>,
        %mul3A_157 = arith.constant 64 : i32
        %mul3A_158 = arith.muli %arg0, %mul3A_157 : i32
        %add3A_159 = arith.constant 48 : i32
        %add3A_160 = arith.addi %mul3A_158, %add3A_159 : i32
        %get3A_161 = arith.index_cast %scan3A_62 : i32 to index
        %get3A_162 = arith.index_cast %add3A_160 : i32 to index
        %get3A_163 = tpu.vector_load %arg11[%get3A_161, %get3A_162] {strides = array<i32>} : memref<80x128xf32, #tpu.memory_space<vmem>>, vector<1x16xf32>,
        %get3A_164 = vector.shape_cast %get3A_163 : vector<1x16xf32> to vector<16xf32>
        %get3A_165 = arith.index_cast %scan3A_62 : i32 to index
        %get3A_166 = arith.constant 48 : index
        %get3A_167 = tpu.vector_load %arg12[%get3A_165, %get3A_166] {strides = array<i32>} : memref<80x64xf32, #tpu.memory_space<vmem>>, vector<1x16xf32>,
        %get3A_168 = vector.shape_cast %get3A_167 : vector<1x16xf32> to vector<16xf32>
        %add3A_169 = arith.addf %get3A_164, %get3A_168 : vector<16xf32>
        %max3A_170 = arith.constant 0.000000e+00 : f32
        %max3A_171 = vector.broadcast %max3A_170 : f32 to vector<16xf32>
        %max3A_172 = arith.maximumf %add3A_169, %max3A_171 : vector<16xf32>
        %add3A_173 = arith.constant 1.000000e-07 : f32
        %add3A_174 = vector.broadcast %add3A_173 : f32 to vector<16xf32>
        %add3A_175 = arith.addf %max3A_172, %add3A_174 : vector<16xf32>
        %mul3A_176 = arith.mulf %add3A_175, %get3A_23 : vector<16xf32>
        %exp3A_177 = math.exp %mul3A_176 : vector<16xf32>
        %mul3A_178 = arith.mulf %exp3A_177, %add3A_175 : vector<16xf32>
        %swap3A_179 = arith.index_cast %scan3A_62 : i32 to index
        %swap3A_180 = arith.constant 48 : index
        %swap3A_181 = tpu.vector_load %arg13[%swap3A_179, %swap3A_180] {strides = array<i32>} : memref<80x128xf32, #tpu.memory_space<vmem>>, vector<1x16xf32>,
        %swap3A_182 = vector.shape_cast %swap3A_181 : vector<1x16xf32> to vector<16xf32>
        %swap3A_183 = vector.shape_cast %mul3A_178 : vector<16xf32> to vector<1x16xf32>
        tpu.vector_store %arg13[%swap3A_179, %swap3A_180], %swap3A_183 {strides = array<i32>} : memref<80x128xf32, #tpu.memory_space<vmem>>, vector<1x16xf32>,
        %swap3A_184 = arith.index_cast %scan3A_62 : i32 to index
        %swap3A_185 = arith.constant 112 : index
        %swap3A_186 = tpu.vector_load %arg13[%swap3A_184, %swap3A_185] {strides = array<i32>} : memref<80x128xf32, #tpu.memory_space<vmem>>, vector<1x16xf32>,
        %swap3A_187 = vector.shape_cast %swap3A_186 : vector<1x16xf32> to vector<16xf32>
        %swap3A_188 = vector.shape_cast %exp3A_177 : vector<16xf32> to vector<1x16xf32>
        tpu.vector_store %arg13[%swap3A_184, %swap3A_185], %swap3A_188 {strides = array<i32>} : memref<80x128xf32, #tpu.memory_space<vmem>>, vector<1x16xf32>,
        %scan3A_189 = arith.constant 0 : i32
        scf.yield %scan3A_189 : i32
      }
      %scan3A_60 = arith.constant 80 : i32
      "tpu.region"() ({
        %run_scoped3A = tpu.sem_alloc : memref<!tpu.dma_semaphore, #tpu.memory_space<semaphore_mem>>
        %dma_start3A_62 = arith.constant 0 : i32
        %dma_start3A_63 = arith.constant 0 : i32
        %dma_start3A_64 = tpu.memref_slice %arg8[%dma_start3A_62, %dma_start3A_63] : memref<10000x128xf32, #tpu.memory_space<vmem_shared>> -> memref<10000x128xf32, #tpu.memory_space<vmem_shared>>
        tpu.enqueue_indirect_dma source(%arg13 : memref<80x128xf32, #tpu.memory_space<vmem>>) target(%dma_start3A_64 : memref<10000x128xf32, #tpu.memory_space<vmem_shared>>) offsets(%arg10 : memref<80xi32, #tpu.memory_space<vmem>>) semaphore(%run_scoped3A : memref<!tpu.dma_semaphore, #tpu.memory_space<semaphore_mem>>) {add = true}
        %dma_wait3A_65 = arith.constant 0 : i32
        %dma_wait3A_66 = arith.constant 0 : i32
        %dma_wait3A_67 = tpu.memref_slice %arg8[%dma_wait3A_65, %dma_wait3A_66] : memref<10000x128xf32, #tpu.memory_space<vmem_shared>> -> memref<10000x128xf32, #tpu.memory_space<vmem_shared>>
        tpu.wait_indirect_dma semaphore(%run_scoped3A : memref<!tpu.dma_semaphore, #tpu.memory_space<semaphore_mem>>) src(%arg13 : memref<80x128xf32, #tpu.memory_space<vmem>>) dst(%dma_wait3A_67 : memref<10000x128xf32, #tpu.memory_space<vmem_shared>>)
        tpu.yield
      }) : () -> ()
      %scan3A_61 = arith.constant 0 : i32
      scf.yield %scan3A_61 : i32
    }
    %scan3A_30 = arith.constant 250 : i32
    %barrier3A_31 = arith.constant 0 : index
    tpu.barrier barrier_id(%barrier3A_31)
    %while3A_32 = arith.constant 0 : i32
    %while3A_33 = arith.constant 0 : i32
    %while3A_34 = arith.subi %select_n3A, %while3A_32 : i32
    %while3A_35 = arith.addi %while3A_32, %while3A_34 : i32
    %while3A_36 = arith.constant 1 : i32
    %while3A_37 = arith.divsi %while3A_34, %while3A_36 : i32
    %while3A_38 = arith.muli %while3A_37, %while3A_36 : i32
    %while3A_39 = arith.addi %while3A_32, %while3A_38 : i32
    %while3A_40 = arith.constant 1 : i32
    %while3A_41 = scf.for %while3A_44 = %while3A_32 to %while3A_39 step %while3A_40 iter_args(%while3A_45 = %while3A_33) -> (i32)  : i32 {
      %mul3A_46 = arith.constant 40 : i32
      %mul3A_47 = arith.muli %while3A_44, %mul3A_46 : i32
      %add3A = arith.addi %mul3A_0, %mul3A_47 : i32
      %multiple_of3A = tpu.assume_multiple %add3A, 8 : i32
      %add3A_48 = arith.addi %mul3A_2, %mul3A_0 : i32
      %mul3A_49 = arith.constant 40 : i32
      %mul3A_50 = arith.muli %while3A_44, %mul3A_49 : i32
      %add3A_51 = arith.addi %add3A_48, %mul3A_50 : i32
      %multiple_of3A_52 = tpu.assume_multiple %add3A_51, 8 : i32
      "tpu.region"() ({
        %run_scoped3A = tpu.sem_alloc : memref<!tpu.dma_semaphore, #tpu.memory_space<semaphore_mem>>
        %dma_start3A = arith.constant 0 : i32
        %dma_start3A_61 = tpu.memref_slice %arg8[%multiple_of3A, %dma_start3A] : memref<10000x128xf32, #tpu.memory_space<vmem_shared>> -> memref<40x128xf32, #tpu.memory_space<vmem_shared>>
        %dma_start3A_62 = arith.constant 0 : i32
        %dma_start3A_63 = tpu.memref_slice %arg8[%multiple_of3A, %dma_start3A_62] : memref<10000x128xf32, #tpu.memory_space<vmem_shared>> -> memref<40x128xf32, #tpu.memory_space<vmem_shared>>
        tpu.enqueue_dma source(%dma_start3A_63 : memref<40x128xf32, #tpu.memory_space<vmem_shared>>) target(%arg14 : memref<40x128xf32, #tpu.memory_space<vmem>>) target_semaphore(%run_scoped3A : memref<!tpu.dma_semaphore, #tpu.memory_space<semaphore_mem>>)
        %dma_wait3A = arith.constant 0 : i32
        %dma_wait3A_64 = tpu.memref_slice %arg8[%multiple_of3A, %dma_wait3A] : memref<10000x128xf32, #tpu.memory_space<vmem_shared>> -> memref<40x128xf32, #tpu.memory_space<vmem_shared>>
        %dma_wait3A_65 = arith.constant 0 : i32
        %dma_wait3A_66 = tpu.memref_slice %arg8[%multiple_of3A, %dma_wait3A_65] : memref<10000x128xf32, #tpu.memory_space<vmem_shared>> -> memref<40x128xf32, #tpu.memory_space<vmem_shared>>
        tpu.wait_dma2 semaphore(%run_scoped3A : memref<!tpu.dma_semaphore, #tpu.memory_space<semaphore_mem>>) src(%dma_wait3A_66 : memref<40x128xf32, #tpu.memory_space<vmem_shared>>) dst(%arg14 : memref<40x128xf32, #tpu.memory_space<vmem>>)
        tpu.yield
      }) : () -> ()
      "tpu.region"() ({
        %run_scoped3A = tpu.sem_alloc : memref<!tpu.dma_semaphore, #tpu.memory_space<semaphore_mem>>
        %dma_start3A = arith.constant 0 : i32
        %dma_start3A_61 = tpu.memref_slice %arg2[%multiple_of3A, %dma_start3A] : memref<10000x128xf32, #tpu.memory_space<hbm>> -> memref<40x128xf32, #tpu.memory_space<hbm>>
        %dma_start3A_62 = arith.constant 0 : i32
        %dma_start3A_63 = tpu.memref_slice %arg2[%multiple_of3A, %dma_start3A_62] : memref<10000x128xf32, #tpu.memory_space<hbm>> -> memref<40x128xf32, #tpu.memory_space<hbm>>
        tpu.enqueue_dma source(%dma_start3A_63 : memref<40x128xf32, #tpu.memory_space<hbm>>) target(%arg15 : memref<40x128xf32, #tpu.memory_space<vmem>>) target_semaphore(%run_scoped3A : memref<!tpu.dma_semaphore, #tpu.memory_space<semaphore_mem>>)
        %dma_wait3A = arith.constant 0 : i32
        %dma_wait3A_64 = tpu.memref_slice %arg2[%multiple_of3A, %dma_wait3A] : memref<10000x128xf32, #tpu.memory_space<hbm>> -> memref<40x128xf32, #tpu.memory_space<hbm>>
        %dma_wait3A_65 = arith.constant 0 : i32
        %dma_wait3A_66 = tpu.memref_slice %arg2[%multiple_of3A, %dma_wait3A_65] : memref<10000x128xf32, #tpu.memory_space<hbm>> -> memref<40x128xf32, #tpu.memory_space<hbm>>
        tpu.wait_dma2 semaphore(%run_scoped3A : memref<!tpu.dma_semaphore, #tpu.memory_space<semaphore_mem>>) src(%dma_wait3A_66 : memref<40x128xf32, #tpu.memory_space<hbm>>) dst(%arg15 : memref<40x128xf32, #tpu.memory_space<vmem>>)
        tpu.yield
      }) : () -> ()
      %scan3A_53 = arith.constant 0 : i32
      %scan3A_54 = arith.constant 0 : i32
      %scan3A_55 = arith.constant 40 : i32
      %scan3A_56 = arith.addi %scan3A_54, %scan3A_55 : i32
      %scan3A_57 = arith.constant 1 : i32
      %scan3A_58 = scf.for %scan3A_61 = %scan3A_54 to %scan3A_56 step %scan3A_57 iter_args(%scan3A_62 = %scan3A_53) -> (i32)  : i32 {
        %get3A_63 = arith.index_cast %scan3A_61 : i32 to index
        %get3A_64 = arith.constant 0 : index
        %get3A_65 = tpu.vector_load %arg14[%get3A_63, %get3A_64] {strides = array<i32>} : memref<40x128xf32, #tpu.memory_space<vmem>>, vector<1x16xf32>,
        %get3A_66 = vector.shape_cast %get3A_65 : vector<1x16xf32> to vector<16xf32>
        %get3A_67 = arith.index_cast %scan3A_61 : i32 to index
        %get3A_68 = arith.constant 64 : index
        %get3A_69 = tpu.vector_load %arg14[%get3A_67, %get3A_68] {strides = array<i32>} : memref<40x128xf32, #tpu.memory_space<vmem>>, vector<1x16xf32>,
        %get3A_70 = vector.shape_cast %get3A_69 : vector<1x16xf32> to vector<16xf32>
        %mul3A_71 = arith.constant 64 : i32
        %mul3A_72 = arith.muli %arg0, %mul3A_71 : i32
        %add3A_73 = arith.constant 0 : i32
        %add3A_74 = arith.addi %mul3A_72, %add3A_73 : i32
        %get3A_75 = arith.index_cast %scan3A_61 : i32 to index
        %get3A_76 = arith.index_cast %add3A_74 : i32 to index
        %get3A_77 = tpu.vector_load %arg15[%get3A_75, %get3A_76] {strides = array<i32>} : memref<40x128xf32, #tpu.memory_space<vmem>>, vector<1x16xf32>,
        %get3A_78 = vector.shape_cast %get3A_77 : vector<1x16xf32> to vector<16xf32>
        %add3A_79 = arith.constant 1.000000e-07 : f32
        %add3A_80 = vector.broadcast %add3A_79 : f32 to vector<16xf32>
        %add3A_81 = arith.addf %get3A_70, %add3A_80 : vector<16xf32>
        %div3A = arith.divf %get3A_66, %add3A_81 : vector<16xf32>
        %add3A_82 = arith.addf %get3A_78, %div3A : vector<16xf32>
        %swap3A = arith.index_cast %scan3A_61 : i32 to index
        %swap3A_83 = arith.constant 0 : index
        %swap3A_84 = tpu.vector_load %arg16[%swap3A, %swap3A_83] {strides = array<i32>} : memref<40x64xf32, #tpu.memory_space<vmem>>, vector<1x16xf32>,
        %swap3A_85 = vector.shape_cast %swap3A_84 : vector<1x16xf32> to vector<16xf32>
        %swap3A_86 = vector.shape_cast %add3A_82 : vector<16xf32> to vector<1x16xf32>
        tpu.vector_store %arg16[%swap3A, %swap3A_83], %swap3A_86 {strides = array<i32>} : memref<40x64xf32, #tpu.memory_space<vmem>>, vector<1x16xf32>,
        %get3A_87 = arith.index_cast %scan3A_61 : i32 to index
        %get3A_88 = arith.constant 16 : index
        %get3A_89 = tpu.vector_load %arg14[%get3A_87, %get3A_88] {strides = array<i32>} : memref<40x128xf32, #tpu.memory_space<vmem>>, vector<1x16xf32>,
        %get3A_90 = vector.shape_cast %get3A_89 : vector<1x16xf32> to vector<16xf32>
        %get3A_91 = arith.index_cast %scan3A_61 : i32 to index
        %get3A_92 = arith.constant 80 : index
        %get3A_93 = tpu.vector_load %arg14[%get3A_91, %get3A_92] {strides = array<i32>} : memref<40x128xf32, #tpu.memory_space<vmem>>, vector<1x16xf32>,
        %get3A_94 = vector.shape_cast %get3A_93 : vector<1x16xf32> to vector<16xf32>
        %mul3A_95 = arith.constant 64 : i32
        %mul3A_96 = arith.muli %arg0, %mul3A_95 : i32
        %add3A_97 = arith.constant 16 : i32
        %add3A_98 = arith.addi %mul3A_96, %add3A_97 : i32
        %get3A_99 = arith.index_cast %scan3A_61 : i32 to index
        %get3A_100 = arith.index_cast %add3A_98 : i32 to index
        %get3A_101 = tpu.vector_load %arg15[%get3A_99, %get3A_100] {strides = array<i32>} : memref<40x128xf32, #tpu.memory_space<vmem>>, vector<1x16xf32>,
        %get3A_102 = vector.shape_cast %get3A_101 : vector<1x16xf32> to vector<16xf32>
        %add3A_103 = arith.constant 1.000000e-07 : f32
        %add3A_104 = vector.broadcast %add3A_103 : f32 to vector<16xf32>
        %add3A_105 = arith.addf %get3A_94, %add3A_104 : vector<16xf32>
        %div3A_106 = arith.divf %get3A_90, %add3A_105 : vector<16xf32>
        %add3A_107 = arith.addf %get3A_102, %div3A_106 : vector<16xf32>
        %swap3A_108 = arith.index_cast %scan3A_61 : i32 to index
        %swap3A_109 = arith.constant 16 : index
        %swap3A_110 = tpu.vector_load %arg16[%swap3A_108, %swap3A_109] {strides = array<i32>} : memref<40x64xf32, #tpu.memory_space<vmem>>, vector<1x16xf32>,
        %swap3A_111 = vector.shape_cast %swap3A_110 : vector<1x16xf32> to vector<16xf32>
        %swap3A_112 = vector.shape_cast %add3A_107 : vector<16xf32> to vector<1x16xf32>
        tpu.vector_store %arg16[%swap3A_108, %swap3A_109], %swap3A_112 {strides = array<i32>} : memref<40x64xf32, #tpu.memory_space<vmem>>, vector<1x16xf32>,
        %get3A_113 = arith.index_cast %scan3A_61 : i32 to index
        %get3A_114 = arith.constant 32 : index
        %get3A_115 = tpu.vector_load %arg14[%get3A_113, %get3A_114] {strides = array<i32>} : memref<40x128xf32, #tpu.memory_space<vmem>>, vector<1x16xf32>,
        %get3A_116 = vector.shape_cast %get3A_115 : vector<1x16xf32> to vector<16xf32>
        %get3A_117 = arith.index_cast %scan3A_61 : i32 to index
        %get3A_118 = arith.constant 96 : index
        %get3A_119 = tpu.vector_load %arg14[%get3A_117, %get3A_118] {strides = array<i32>} : memref<40x128xf32, #tpu.memory_space<vmem>>, vector<1x16xf32>,
        %get3A_120 = vector.shape_cast %get3A_119 : vector<1x16xf32> to vector<16xf32>
        %mul3A_121 = arith.constant 64 : i32
        %mul3A_122 = arith.muli %arg0, %mul3A_121 : i32
        %add3A_123 = arith.constant 32 : i32
        %add3A_124 = arith.addi %mul3A_122, %add3A_123 : i32
        %get3A_125 = arith.index_cast %scan3A_61 : i32 to index
        %get3A_126 = arith.index_cast %add3A_124 : i32 to index
        %get3A_127 = tpu.vector_load %arg15[%get3A_125, %get3A_126] {strides = array<i32>} : memref<40x128xf32, #tpu.memory_space<vmem>>, vector<1x16xf32>,
        %get3A_128 = vector.shape_cast %get3A_127 : vector<1x16xf32> to vector<16xf32>
        %add3A_129 = arith.constant 1.000000e-07 : f32
        %add3A_130 = vector.broadcast %add3A_129 : f32 to vector<16xf32>
        %add3A_131 = arith.addf %get3A_120, %add3A_130 : vector<16xf32>
        %div3A_132 = arith.divf %get3A_116, %add3A_131 : vector<16xf32>
        %add3A_133 = arith.addf %get3A_128, %div3A_132 : vector<16xf32>
        %swap3A_134 = arith.index_cast %scan3A_61 : i32 to index
        %swap3A_135 = arith.constant 32 : index
        %swap3A_136 = tpu.vector_load %arg16[%swap3A_134, %swap3A_135] {strides = array<i32>} : memref<40x64xf32, #tpu.memory_space<vmem>>, vector<1x16xf32>,
        %swap3A_137 = vector.shape_cast %swap3A_136 : vector<1x16xf32> to vector<16xf32>
        %swap3A_138 = vector.shape_cast %add3A_133 : vector<16xf32> to vector<1x16xf32>
        tpu.vector_store %arg16[%swap3A_134, %swap3A_135], %swap3A_138 {strides = array<i32>} : memref<40x64xf32, #tpu.memory_space<vmem>>, vector<1x16xf32>,
        %get3A_139 = arith.index_cast %scan3A_61 : i32 to index
        %get3A_140 = arith.constant 48 : index
        %get3A_141 = tpu.vector_load %arg14[%get3A_139, %get3A_140] {strides = array<i32>} : memref<40x128xf32, #tpu.memory_space<vmem>>, vector<1x16xf32>,
        %get3A_142 = vector.shape_cast %get3A_141 : vector<1x16xf32> to vector<16xf32>
        %get3A_143 = arith.index_cast %scan3A_61 : i32 to index
        %get3A_144 = arith.constant 112 : index
        %get3A_145 = tpu.vector_load %arg14[%get3A_143, %get3A_144] {strides = array<i32>} : memref<40x128xf32, #tpu.memory_space<vmem>>, vector<1x16xf32>,
        %get3A_146 = vector.shape_cast %get3A_145 : vector<1x16xf32> to vector<16xf32>
        %mul3A_147 = arith.constant 64 : i32
        %mul3A_148 = arith.muli %arg0, %mul3A_147 : i32
        %add3A_149 = arith.constant 48 : i32
        %add3A_150 = arith.addi %mul3A_148, %add3A_149 : i32
        %get3A_151 = arith.index_cast %scan3A_61 : i32 to index
        %get3A_152 = arith.index_cast %add3A_150 : i32 to index
        %get3A_153 = tpu.vector_load %arg15[%get3A_151, %get3A_152] {strides = array<i32>} : memref<40x128xf32, #tpu.memory_space<vmem>>, vector<1x16xf32>,
        %get3A_154 = vector.shape_cast %get3A_153 : vector<1x16xf32> to vector<16xf32>
        %add3A_155 = arith.constant 1.000000e-07 : f32
        %add3A_156 = vector.broadcast %add3A_155 : f32 to vector<16xf32>
        %add3A_157 = arith.addf %get3A_146, %add3A_156 : vector<16xf32>
        %div3A_158 = arith.divf %get3A_142, %add3A_157 : vector<16xf32>
        %add3A_159 = arith.addf %get3A_154, %div3A_158 : vector<16xf32>
        %swap3A_160 = arith.index_cast %scan3A_61 : i32 to index
        %swap3A_161 = arith.constant 48 : index
        %swap3A_162 = tpu.vector_load %arg16[%swap3A_160, %swap3A_161] {strides = array<i32>} : memref<40x64xf32, #tpu.memory_space<vmem>>, vector<1x16xf32>,
        %swap3A_163 = vector.shape_cast %swap3A_162 : vector<1x16xf32> to vector<16xf32>
        %swap3A_164 = vector.shape_cast %add3A_159 : vector<16xf32> to vector<1x16xf32>
        tpu.vector_store %arg16[%swap3A_160, %swap3A_161], %swap3A_164 {strides = array<i32>} : memref<40x64xf32, #tpu.memory_space<vmem>>, vector<1x16xf32>,
        %scan3A_165 = arith.constant 0 : i32
        scf.yield %scan3A_165 : i32
      }
      %scan3A_59 = arith.constant 40 : i32
      "tpu.region"() ({
        %run_scoped3A = tpu.sem_alloc : memref<!tpu.dma_semaphore, #tpu.memory_space<semaphore_mem>>
        %dma_start3A = arith.constant 0 : i32
        %dma_start3A_61 = tpu.memref_slice %arg7[%multiple_of3A_52, %dma_start3A] : memref<20000x64xf32, #tpu.memory_space<hbm>> -> memref<40x64xf32, #tpu.memory_space<hbm>>
        %dma_start3A_62 = arith.constant 0 : i32
        %dma_start3A_63 = tpu.memref_slice %arg7[%multiple_of3A_52, %dma_start3A_62] : memref<20000x64xf32, #tpu.memory_space<hbm>> -> memref<40x64xf32, #tpu.memory_space<hbm>>
        tpu.enqueue_dma source(%arg16 : memref<40x64xf32, #tpu.memory_space<vmem>>) target(%dma_start3A_63 : memref<40x64xf32, #tpu.memory_space<hbm>>) target_semaphore(%run_scoped3A : memref<!tpu.dma_semaphore, #tpu.memory_space<semaphore_mem>>)
        %dma_wait3A = arith.constant 0 : i32
        %dma_wait3A_64 = tpu.memref_slice %arg7[%multiple_of3A_52, %dma_wait3A] : memref<20000x64xf32, #tpu.memory_space<hbm>> -> memref<40x64xf32, #tpu.memory_space<hbm>>
        %dma_wait3A_65 = arith.constant 0 : i32
        %dma_wait3A_66 = tpu.memref_slice %arg7[%multiple_of3A_52, %dma_wait3A_65] : memref<20000x64xf32, #tpu.memory_space<hbm>> -> memref<40x64xf32, #tpu.memory_space<hbm>>
        tpu.wait_dma2 semaphore(%run_scoped3A : memref<!tpu.dma_semaphore, #tpu.memory_space<semaphore_mem>>) src(%arg16 : memref<40x64xf32, #tpu.memory_space<vmem>>) dst(%dma_wait3A_66 : memref<40x64xf32, #tpu.memory_space<hbm>>)
        tpu.yield
      }) : () -> ()
      %while3A_60 = arith.constant 0 : i32
      scf.yield %while3A_60 : i32
    }
    %while3A_42 = arith.constant 1 : i32
    %while3A_43 = scf.for %while3A_44 = %while3A_39 to %while3A_35 step %while3A_42 iter_args(%while3A_45 = %while3A_41) -> (i32)  : i32 {
      %mul3A_46 = arith.constant 40 : i32
      %mul3A_47 = arith.muli %while3A_44, %mul3A_46 : i32
      %add3A = arith.addi %mul3A_0, %mul3A_47 : i32
      %multiple_of3A = tpu.assume_multiple %add3A, 8 : i32
      %add3A_48 = arith.addi %mul3A_2, %mul3A_0 : i32
      %mul3A_49 = arith.constant 40 : i32
      %mul3A_50 = arith.muli %while3A_44, %mul3A_49 : i32
      %add3A_51 = arith.addi %add3A_48, %mul3A_50 : i32
      %multiple_of3A_52 = tpu.assume_multiple %add3A_51, 8 : i32
      "tpu.region"() ({
        %run_scoped3A = tpu.sem_alloc : memref<!tpu.dma_semaphore, #tpu.memory_space<semaphore_mem>>
        %dma_start3A = arith.constant 0 : i32
        %dma_start3A_61 = tpu.memref_slice %arg8[%multiple_of3A, %dma_start3A] : memref<10000x128xf32, #tpu.memory_space<vmem_shared>> -> memref<40x128xf32, #tpu.memory_space<vmem_shared>>
        %dma_start3A_62 = arith.constant 0 : i32
        %dma_start3A_63 = tpu.memref_slice %arg8[%multiple_of3A, %dma_start3A_62] : memref<10000x128xf32, #tpu.memory_space<vmem_shared>> -> memref<40x128xf32, #tpu.memory_space<vmem_shared>>
        tpu.enqueue_dma source(%dma_start3A_63 : memref<40x128xf32, #tpu.memory_space<vmem_shared>>) target(%arg14 : memref<40x128xf32, #tpu.memory_space<vmem>>) target_semaphore(%run_scoped3A : memref<!tpu.dma_semaphore, #tpu.memory_space<semaphore_mem>>)
        %dma_wait3A = arith.constant 0 : i32
        %dma_wait3A_64 = tpu.memref_slice %arg8[%multiple_of3A, %dma_wait3A] : memref<10000x128xf32, #tpu.memory_space<vmem_shared>> -> memref<40x128xf32, #tpu.memory_space<vmem_shared>>
        %dma_wait3A_65 = arith.constant 0 : i32
        %dma_wait3A_66 = tpu.memref_slice %arg8[%multiple_of3A, %dma_wait3A_65] : memref<10000x128xf32, #tpu.memory_space<vmem_shared>> -> memref<40x128xf32, #tpu.memory_space<vmem_shared>>
        tpu.wait_dma2 semaphore(%run_scoped3A : memref<!tpu.dma_semaphore, #tpu.memory_space<semaphore_mem>>) src(%dma_wait3A_66 : memref<40x128xf32, #tpu.memory_space<vmem_shared>>) dst(%arg14 : memref<40x128xf32, #tpu.memory_space<vmem>>)
        tpu.yield
      }) : () -> ()
      "tpu.region"() ({
        %run_scoped3A = tpu.sem_alloc : memref<!tpu.dma_semaphore, #tpu.memory_space<semaphore_mem>>
        %dma_start3A = arith.constant 0 : i32
        %dma_start3A_61 = tpu.memref_slice %arg2[%multiple_of3A, %dma_start3A] : memref<10000x128xf32, #tpu.memory_space<hbm>> -> memref<40x128xf32, #tpu.memory_space<hbm>>
        %dma_start3A_62 = arith.constant 0 : i32
        %dma_start3A_63 = tpu.memref_slice %arg2[%multiple_of3A, %dma_start3A_62] : memref<10000x128xf32, #tpu.memory_space<hbm>> -> memref<40x128xf32, #tpu.memory_space<hbm>>
        tpu.enqueue_dma source(%dma_start3A_63 : memref<40x128xf32, #tpu.memory_space<hbm>>) target(%arg15 : memref<40x128xf32, #tpu.memory_space<vmem>>) target_semaphore(%run_scoped3A : memref<!tpu.dma_semaphore, #tpu.memory_space<semaphore_mem>>)
        %dma_wait3A = arith.constant 0 : i32
        %dma_wait3A_64 = tpu.memref_slice %arg2[%multiple_of3A, %dma_wait3A] : memref<10000x128xf32, #tpu.memory_space<hbm>> -> memref<40x128xf32, #tpu.memory_space<hbm>>
        %dma_wait3A_65 = arith.constant 0 : i32
        %dma_wait3A_66 = tpu.memref_slice %arg2[%multiple_of3A, %dma_wait3A_65] : memref<10000x128xf32, #tpu.memory_space<hbm>> -> memref<40x128xf32, #tpu.memory_space<hbm>>
        tpu.wait_dma2 semaphore(%run_scoped3A : memref<!tpu.dma_semaphore, #tpu.memory_space<semaphore_mem>>) src(%dma_wait3A_66 : memref<40x128xf32, #tpu.memory_space<hbm>>) dst(%arg15 : memref<40x128xf32, #tpu.memory_space<vmem>>)
        tpu.yield
      }) : () -> ()
      %scan3A_53 = arith.constant 0 : i32
      %scan3A_54 = arith.constant 0 : i32
      %scan3A_55 = arith.constant 40 : i32
      %scan3A_56 = arith.addi %scan3A_54, %scan3A_55 : i32
      %scan3A_57 = arith.constant 1 : i32
      %scan3A_58 = scf.for %scan3A_61 = %scan3A_54 to %scan3A_56 step %scan3A_57 iter_args(%scan3A_62 = %scan3A_53) -> (i32)  : i32 {
        %get3A_63 = arith.index_cast %scan3A_61 : i32 to index
        %get3A_64 = arith.constant 0 : index
        %get3A_65 = tpu.vector_load %arg14[%get3A_63, %get3A_64] {strides = array<i32>} : memref<40x128xf32, #tpu.memory_space<vmem>>, vector<1x16xf32>,
        %get3A_66 = vector.shape_cast %get3A_65 : vector<1x16xf32> to vector<16xf32>
        %get3A_67 = arith.index_cast %scan3A_61 : i32 to index
        %get3A_68 = arith.constant 64 : index
        %get3A_69 = tpu.vector_load %arg14[%get3A_67, %get3A_68] {strides = array<i32>} : memref<40x128xf32, #tpu.memory_space<vmem>>, vector<1x16xf32>,
        %get3A_70 = vector.shape_cast %get3A_69 : vector<1x16xf32> to vector<16xf32>
        %mul3A_71 = arith.constant 64 : i32
        %mul3A_72 = arith.muli %arg0, %mul3A_71 : i32
        %add3A_73 = arith.constant 0 : i32
        %add3A_74 = arith.addi %mul3A_72, %add3A_73 : i32
        %get3A_75 = arith.index_cast %scan3A_61 : i32 to index
        %get3A_76 = arith.index_cast %add3A_74 : i32 to index
        %get3A_77 = tpu.vector_load %arg15[%get3A_75, %get3A_76] {strides = array<i32>} : memref<40x128xf32, #tpu.memory_space<vmem>>, vector<1x16xf32>,
        %get3A_78 = vector.shape_cast %get3A_77 : vector<1x16xf32> to vector<16xf32>
        %add3A_79 = arith.constant 1.000000e-07 : f32
        %add3A_80 = vector.broadcast %add3A_79 : f32 to vector<16xf32>
        %add3A_81 = arith.addf %get3A_70, %add3A_80 : vector<16xf32>
        %div3A = arith.divf %get3A_66, %add3A_81 : vector<16xf32>
        %add3A_82 = arith.addf %get3A_78, %div3A : vector<16xf32>
        %swap3A = arith.index_cast %scan3A_61 : i32 to index
        %swap3A_83 = arith.constant 0 : index
        %swap3A_84 = tpu.vector_load %arg16[%swap3A, %swap3A_83] {strides = array<i32>} : memref<40x64xf32, #tpu.memory_space<vmem>>, vector<1x16xf32>,
        %swap3A_85 = vector.shape_cast %swap3A_84 : vector<1x16xf32> to vector<16xf32>
        %swap3A_86 = vector.shape_cast %add3A_82 : vector<16xf32> to vector<1x16xf32>
        tpu.vector_store %arg16[%swap3A, %swap3A_83], %swap3A_86 {strides = array<i32>} : memref<40x64xf32, #tpu.memory_space<vmem>>, vector<1x16xf32>,
        %get3A_87 = arith.index_cast %scan3A_61 : i32 to index
        %get3A_88 = arith.constant 16 : index
        %get3A_89 = tpu.vector_load %arg14[%get3A_87, %get3A_88] {strides = array<i32>} : memref<40x128xf32, #tpu.memory_space<vmem>>, vector<1x16xf32>,
        %get3A_90 = vector.shape_cast %get3A_89 : vector<1x16xf32> to vector<16xf32>
        %get3A_91 = arith.index_cast %scan3A_61 : i32 to index
        %get3A_92 = arith.constant 80 : index
        %get3A_93 = tpu.vector_load %arg14[%get3A_91, %get3A_92] {strides = array<i32>} : memref<40x128xf32, #tpu.memory_space<vmem>>, vector<1x16xf32>,
        %get3A_94 = vector.shape_cast %get3A_93 : vector<1x16xf32> to vector<16xf32>
        %mul3A_95 = arith.constant 64 : i32
        %mul3A_96 = arith.muli %arg0, %mul3A_95 : i32
        %add3A_97 = arith.constant 16 : i32
        %add3A_98 = arith.addi %mul3A_96, %add3A_97 : i32
        %get3A_99 = arith.index_cast %scan3A_61 : i32 to index
        %get3A_100 = arith.index_cast %add3A_98 : i32 to index
        %get3A_101 = tpu.vector_load %arg15[%get3A_99, %get3A_100] {strides = array<i32>} : memref<40x128xf32, #tpu.memory_space<vmem>>, vector<1x16xf32>,
        %get3A_102 = vector.shape_cast %get3A_101 : vector<1x16xf32> to vector<16xf32>
        %add3A_103 = arith.constant 1.000000e-07 : f32
        %add3A_104 = vector.broadcast %add3A_103 : f32 to vector<16xf32>
        %add3A_105 = arith.addf %get3A_94, %add3A_104 : vector<16xf32>
        %div3A_106 = arith.divf %get3A_90, %add3A_105 : vector<16xf32>
        %add3A_107 = arith.addf %get3A_102, %div3A_106 : vector<16xf32>
        %swap3A_108 = arith.index_cast %scan3A_61 : i32 to index
        %swap3A_109 = arith.constant 16 : index
        %swap3A_110 = tpu.vector_load %arg16[%swap3A_108, %swap3A_109] {strides = array<i32>} : memref<40x64xf32, #tpu.memory_space<vmem>>, vector<1x16xf32>,
        %swap3A_111 = vector.shape_cast %swap3A_110 : vector<1x16xf32> to vector<16xf32>
        %swap3A_112 = vector.shape_cast %add3A_107 : vector<16xf32> to vector<1x16xf32>
        tpu.vector_store %arg16[%swap3A_108, %swap3A_109], %swap3A_112 {strides = array<i32>} : memref<40x64xf32, #tpu.memory_space<vmem>>, vector<1x16xf32>,
        %get3A_113 = arith.index_cast %scan3A_61 : i32 to index
        %get3A_114 = arith.constant 32 : index
        %get3A_115 = tpu.vector_load %arg14[%get3A_113, %get3A_114] {strides = array<i32>} : memref<40x128xf32, #tpu.memory_space<vmem>>, vector<1x16xf32>,
        %get3A_116 = vector.shape_cast %get3A_115 : vector<1x16xf32> to vector<16xf32>
        %get3A_117 = arith.index_cast %scan3A_61 : i32 to index
        %get3A_118 = arith.constant 96 : index
        %get3A_119 = tpu.vector_load %arg14[%get3A_117, %get3A_118] {strides = array<i32>} : memref<40x128xf32, #tpu.memory_space<vmem>>, vector<1x16xf32>,
        %get3A_120 = vector.shape_cast %get3A_119 : vector<1x16xf32> to vector<16xf32>
        %mul3A_121 = arith.constant 64 : i32
        %mul3A_122 = arith.muli %arg0, %mul3A_121 : i32
        %add3A_123 = arith.constant 32 : i32
        %add3A_124 = arith.addi %mul3A_122, %add3A_123 : i32
        %get3A_125 = arith.index_cast %scan3A_61 : i32 to index
        %get3A_126 = arith.index_cast %add3A_124 : i32 to index
        %get3A_127 = tpu.vector_load %arg15[%get3A_125, %get3A_126] {strides = array<i32>} : memref<40x128xf32, #tpu.memory_space<vmem>>, vector<1x16xf32>,
        %get3A_128 = vector.shape_cast %get3A_127 : vector<1x16xf32> to vector<16xf32>
        %add3A_129 = arith.constant 1.000000e-07 : f32
        %add3A_130 = vector.broadcast %add3A_129 : f32 to vector<16xf32>
        %add3A_131 = arith.addf %get3A_120, %add3A_130 : vector<16xf32>
        %div3A_132 = arith.divf %get3A_116, %add3A_131 : vector<16xf32>
        %add3A_133 = arith.addf %get3A_128, %div3A_132 : vector<16xf32>
        %swap3A_134 = arith.index_cast %scan3A_61 : i32 to index
        %swap3A_135 = arith.constant 32 : index
        %swap3A_136 = tpu.vector_load %arg16[%swap3A_134, %swap3A_135] {strides = array<i32>} : memref<40x64xf32, #tpu.memory_space<vmem>>, vector<1x16xf32>,
        %swap3A_137 = vector.shape_cast %swap3A_136 : vector<1x16xf32> to vector<16xf32>
        %swap3A_138 = vector.shape_cast %add3A_133 : vector<16xf32> to vector<1x16xf32>
        tpu.vector_store %arg16[%swap3A_134, %swap3A_135], %swap3A_138 {strides = array<i32>} : memref<40x64xf32, #tpu.memory_space<vmem>>, vector<1x16xf32>,
        %get3A_139 = arith.index_cast %scan3A_61 : i32 to index
        %get3A_140 = arith.constant 48 : index
        %get3A_141 = tpu.vector_load %arg14[%get3A_139, %get3A_140] {strides = array<i32>} : memref<40x128xf32, #tpu.memory_space<vmem>>, vector<1x16xf32>,
        %get3A_142 = vector.shape_cast %get3A_141 : vector<1x16xf32> to vector<16xf32>
        %get3A_143 = arith.index_cast %scan3A_61 : i32 to index
        %get3A_144 = arith.constant 112 : index
        %get3A_145 = tpu.vector_load %arg14[%get3A_143, %get3A_144] {strides = array<i32>} : memref<40x128xf32, #tpu.memory_space<vmem>>, vector<1x16xf32>,
        %get3A_146 = vector.shape_cast %get3A_145 : vector<1x16xf32> to vector<16xf32>
        %mul3A_147 = arith.constant 64 : i32
        %mul3A_148 = arith.muli %arg0, %mul3A_147 : i32
        %add3A_149 = arith.constant 48 : i32
        %add3A_150 = arith.addi %mul3A_148, %add3A_149 : i32
        %get3A_151 = arith.index_cast %scan3A_61 : i32 to index
        %get3A_152 = arith.index_cast %add3A_150 : i32 to index
        %get3A_153 = tpu.vector_load %arg15[%get3A_151, %get3A_152] {strides = array<i32>} : memref<40x128xf32, #tpu.memory_space<vmem>>, vector<1x16xf32>,
        %get3A_154 = vector.shape_cast %get3A_153 : vector<1x16xf32> to vector<16xf32>
        %add3A_155 = arith.constant 1.000000e-07 : f32
        %add3A_156 = vector.broadcast %add3A_155 : f32 to vector<16xf32>
        %add3A_157 = arith.addf %get3A_146, %add3A_156 : vector<16xf32>
        %div3A_158 = arith.divf %get3A_142, %add3A_157 : vector<16xf32>
        %add3A_159 = arith.addf %get3A_154, %div3A_158 : vector<16xf32>
        %swap3A_160 = arith.index_cast %scan3A_61 : i32 to index
        %swap3A_161 = arith.constant 48 : index
        %swap3A_162 = tpu.vector_load %arg16[%swap3A_160, %swap3A_161] {strides = array<i32>} : memref<40x64xf32, #tpu.memory_space<vmem>>, vector<1x16xf32>,
        %swap3A_163 = vector.shape_cast %swap3A_162 : vector<1x16xf32> to vector<16xf32>
        %swap3A_164 = vector.shape_cast %add3A_159 : vector<16xf32> to vector<1x16xf32>
        tpu.vector_store %arg16[%swap3A_160, %swap3A_161], %swap3A_164 {strides = array<i32>} : memref<40x64xf32, #tpu.memory_space<vmem>>, vector<1x16xf32>,
        %scan3A_165 = arith.constant 0 : i32
        scf.yield %scan3A_165 : i32
      }
      %scan3A_59 = arith.constant 40 : i32
      "tpu.region"() ({
        %run_scoped3A = tpu.sem_alloc : memref<!tpu.dma_semaphore, #tpu.memory_space<semaphore_mem>>
        %dma_start3A = arith.constant 0 : i32
        %dma_start3A_61 = tpu.memref_slice %arg7[%multiple_of3A_52, %dma_start3A] : memref<20000x64xf32, #tpu.memory_space<hbm>> -> memref<40x64xf32, #tpu.memory_space<hbm>>
        %dma_start3A_62 = arith.constant 0 : i32
        %dma_start3A_63 = tpu.memref_slice %arg7[%multiple_of3A_52, %dma_start3A_62] : memref<20000x64xf32, #tpu.memory_space<hbm>> -> memref<40x64xf32, #tpu.memory_space<hbm>>
        tpu.enqueue_dma source(%arg16 : memref<40x64xf32, #tpu.memory_space<vmem>>) target(%dma_start3A_63 : memref<40x64xf32, #tpu.memory_space<hbm>>) target_semaphore(%run_scoped3A : memref<!tpu.dma_semaphore, #tpu.memory_space<semaphore_mem>>)
        %dma_wait3A = arith.constant 0 : i32
        %dma_wait3A_64 = tpu.memref_slice %arg7[%multiple_of3A_52, %dma_wait3A] : memref<20000x64xf32, #tpu.memory_space<hbm>> -> memref<40x64xf32, #tpu.memory_space<hbm>>
        %dma_wait3A_65 = arith.constant 0 : i32
        %dma_wait3A_66 = tpu.memref_slice %arg7[%multiple_of3A_52, %dma_wait3A_65] : memref<20000x64xf32, #tpu.memory_space<hbm>> -> memref<40x64xf32, #tpu.memory_space<hbm>>
        tpu.wait_dma2 semaphore(%run_scoped3A : memref<!tpu.dma_semaphore, #tpu.memory_space<semaphore_mem>>) src(%arg16 : memref<40x64xf32, #tpu.memory_space<vmem>>) dst(%dma_wait3A_66 : memref<40x64xf32, #tpu.memory_space<hbm>>)
        tpu.yield
      }) : () -> ()
      %while3A_60 = arith.constant 0 : i32
      scf.yield %while3A_60 : i32
    }
    return
  }
}

#map = affine_map<(d0, d1) -> (0, 0)>
#map1 = affine_map<(d0, d1) -> (0, 0, 0)>
#map2 = affine_map<(d0, d1) -> (0)>
module attributes {stable_mosaic.version = 14 : i64} {
  func.func @_sc_msgpass(%arg0: i32, %arg1: i32, %arg2: memref<10000x128xf32, #tpu.memory_space<hbm>>, %arg3: memref<2x320000x64xf32, #tpu.memory_space<hbm>>, %arg4: memref<320000xi32, #tpu.memory_space<hbm>>, %arg5: memref<320000xi32, #tpu.memory_space<hbm>>, %arg6: memref<16xf32, #tpu.memory_space<hbm>>, %arg7: memref<20000x64xf32, #tpu.memory_space<hbm>>, %arg8: memref<10000x128xf32, #tpu.memory_space<vmem_shared>>, %arg9: memref<80xi32, #tpu.memory_space<vmem>>, %arg10: memref<80xi32, #tpu.memory_space<vmem>>, %arg11: memref<80x128xf32, #tpu.memory_space<vmem>>, %arg12: memref<80x64xf32, #tpu.memory_space<vmem>>, %arg13: memref<80x128xf32, #tpu.memory_space<vmem>>, %arg14: memref<40x128xf32, #tpu.memory_space<vmem>>, %arg15: memref<40x128xf32, #tpu.memory_space<vmem>>, %arg16: memref<40x64xf32, #tpu.memory_space<vmem>>, %arg17: memref<16xf32, #tpu.memory_space<vmem>>, %arg18: memref<!tpu.dma_semaphore, #tpu.memory_space<semaphore_mem>>) attributes {dimension_semantics = [#tpu.dimension_semantics<core_parallel>, #tpu.dimension_semantics<subcore_parallel>], iteration_bounds = array<i64: 2, 16>, scalar_prefetch = 0 : i64, scratch_operands = 11 : i64, tpu.core_type = #tpu.core_type<sc_vector_subcore>, window_params = [{transform_indices = #map}, {transform_indices = #map1}, {transform_indices = #map2}, {transform_indices = #map2}, {transform_indices = #map2}, {transform_indices = #map}]} {
    %mul3A = arith.constant 640 : i32
    %mul3A_0 = arith.muli %arg1, %mul3A : i32
    %mul3A_1 = arith.constant 10000 : i32
    %mul3A_2 = arith.muli %arg0, %mul3A_1 : i32
    %eq3A = arith.constant 15 : i32
    %eq3A_3 = arith.cmpi eq, %arg1, %eq3A : i32
    %jit3A = arith.constant 10 : i32
    %jit3A_4 = arith.constant 16 : i32
    %select_n3A = arith.select %eq3A_3, %jit3A, %jit3A_4 : i32
    %scan3A = arith.constant 0 : i32
    %scan3A_5 = arith.constant 0 : i32
    %scan3A_6 = arith.constant 40 : i32
    %scan3A_7 = arith.addi %scan3A_5, %scan3A_6 : i32
    %scan3A_8 = arith.constant 1 : i32
    %scan3A_9 = scf.for %scan3A_44 = %scan3A_5 to %scan3A_7 step %scan3A_8 iter_args(%scan3A_45 = %scan3A) -> (i32)  : i32 {
      %broadcast_in_dim3A = arith.constant 0.000000e+00 : f32
      %broadcast_in_dim3A_46 = vector.broadcast %broadcast_in_dim3A : f32 to vector<16xf32>
      %swap3A = arith.index_cast %scan3A_44 : i32 to index
      %swap3A_47 = arith.constant 0 : index
      %swap3A_48 = tpu.vector_load %arg14[%swap3A, %swap3A_47] {strides = array<i32>} : memref<40x128xf32, #tpu.memory_space<vmem>>, vector<1x16xf32>,
      %swap3A_49 = vector.shape_cast %swap3A_48 : vector<1x16xf32> to vector<16xf32>
      %swap3A_50 = vector.shape_cast %broadcast_in_dim3A_46 : vector<16xf32> to vector<1x16xf32>
      tpu.vector_store %arg14[%swap3A, %swap3A_47], %swap3A_50 {strides = array<i32>} : memref<40x128xf32, #tpu.memory_space<vmem>>, vector<1x16xf32>,
      %broadcast_in_dim3A_51 = arith.constant 0.000000e+00 : f32
      %broadcast_in_dim3A_52 = vector.broadcast %broadcast_in_dim3A_51 : f32 to vector<16xf32>
      %swap3A_53 = arith.index_cast %scan3A_44 : i32 to index
      %swap3A_54 = arith.constant 16 : index
      %swap3A_55 = tpu.vector_load %arg14[%swap3A_53, %swap3A_54] {strides = array<i32>} : memref<40x128xf32, #tpu.memory_space<vmem>>, vector<1x16xf32>,
      %swap3A_56 = vector.shape_cast %swap3A_55 : vector<1x16xf32> to vector<16xf32>
      %swap3A_57 = vector.shape_cast %broadcast_in_dim3A_52 : vector<16xf32> to vector<1x16xf32>
      tpu.vector_store %arg14[%swap3A_53, %swap3A_54], %swap3A_57 {strides = array<i32>} : memref<40x128xf32, #tpu.memory_space<vmem>>, vector<1x16xf32>,
      %broadcast_in_dim3A_58 = arith.constant 0.000000e+00 : f32
      %broadcast_in_dim3A_59 = vector.broadcast %broadcast_in_dim3A_58 : f32 to vector<16xf32>
      %swap3A_60 = arith.index_cast %scan3A_44 : i32 to index
      %swap3A_61 = arith.constant 32 : index
      %swap3A_62 = tpu.vector_load %arg14[%swap3A_60, %swap3A_61] {strides = array<i32>} : memref<40x128xf32, #tpu.memory_space<vmem>>, vector<1x16xf32>,
      %swap3A_63 = vector.shape_cast %swap3A_62 : vector<1x16xf32> to vector<16xf32>
      %swap3A_64 = vector.shape_cast %broadcast_in_dim3A_59 : vector<16xf32> to vector<1x16xf32>
      tpu.vector_store %arg14[%swap3A_60, %swap3A_61], %swap3A_64 {strides = array<i32>} : memref<40x128xf32, #tpu.memory_space<vmem>>, vector<1x16xf32>,
      %broadcast_in_dim3A_65 = arith.constant 0.000000e+00 : f32
      %broadcast_in_dim3A_66 = vector.broadcast %broadcast_in_dim3A_65 : f32 to vector<16xf32>
      %swap3A_67 = arith.index_cast %scan3A_44 : i32 to index
      %swap3A_68 = arith.constant 48 : index
      %swap3A_69 = tpu.vector_load %arg14[%swap3A_67, %swap3A_68] {strides = array<i32>} : memref<40x128xf32, #tpu.memory_space<vmem>>, vector<1x16xf32>,
      %swap3A_70 = vector.shape_cast %swap3A_69 : vector<1x16xf32> to vector<16xf32>
      %swap3A_71 = vector.shape_cast %broadcast_in_dim3A_66 : vector<16xf32> to vector<1x16xf32>
      tpu.vector_store %arg14[%swap3A_67, %swap3A_68], %swap3A_71 {strides = array<i32>} : memref<40x128xf32, #tpu.memory_space<vmem>>, vector<1x16xf32>,
      %broadcast_in_dim3A_72 = arith.constant 0.000000e+00 : f32
      %broadcast_in_dim3A_73 = vector.broadcast %broadcast_in_dim3A_72 : f32 to vector<16xf32>
      %swap3A_74 = arith.index_cast %scan3A_44 : i32 to index
      %swap3A_75 = arith.constant 64 : index
      %swap3A_76 = tpu.vector_load %arg14[%swap3A_74, %swap3A_75] {strides = array<i32>} : memref<40x128xf32, #tpu.memory_space<vmem>>, vector<1x16xf32>,
      %swap3A_77 = vector.shape_cast %swap3A_76 : vector<1x16xf32> to vector<16xf32>
      %swap3A_78 = vector.shape_cast %broadcast_in_dim3A_73 : vector<16xf32> to vector<1x16xf32>
      tpu.vector_store %arg14[%swap3A_74, %swap3A_75], %swap3A_78 {strides = array<i32>} : memref<40x128xf32, #tpu.memory_space<vmem>>, vector<1x16xf32>,
      %broadcast_in_dim3A_79 = arith.constant 0.000000e+00 : f32
      %broadcast_in_dim3A_80 = vector.broadcast %broadcast_in_dim3A_79 : f32 to vector<16xf32>
      %swap3A_81 = arith.index_cast %scan3A_44 : i32 to index
      %swap3A_82 = arith.constant 80 : index
      %swap3A_83 = tpu.vector_load %arg14[%swap3A_81, %swap3A_82] {strides = array<i32>} : memref<40x128xf32, #tpu.memory_space<vmem>>, vector<1x16xf32>,
      %swap3A_84 = vector.shape_cast %swap3A_83 : vector<1x16xf32> to vector<16xf32>
      %swap3A_85 = vector.shape_cast %broadcast_in_dim3A_80 : vector<16xf32> to vector<1x16xf32>
      tpu.vector_store %arg14[%swap3A_81, %swap3A_82], %swap3A_85 {strides = array<i32>} : memref<40x128xf32, #tpu.memory_space<vmem>>, vector<1x16xf32>,
      %broadcast_in_dim3A_86 = arith.constant 0.000000e+00 : f32
      %broadcast_in_dim3A_87 = vector.broadcast %broadcast_in_dim3A_86 : f32 to vector<16xf32>
      %swap3A_88 = arith.index_cast %scan3A_44 : i32 to index
      %swap3A_89 = arith.constant 96 : index
      %swap3A_90 = tpu.vector_load %arg14[%swap3A_88, %swap3A_89] {strides = array<i32>} : memref<40x128xf32, #tpu.memory_space<vmem>>, vector<1x16xf32>,
      %swap3A_91 = vector.shape_cast %swap3A_90 : vector<1x16xf32> to vector<16xf32>
      %swap3A_92 = vector.shape_cast %broadcast_in_dim3A_87 : vector<16xf32> to vector<1x16xf32>
      tpu.vector_store %arg14[%swap3A_88, %swap3A_89], %swap3A_92 {strides = array<i32>} : memref<40x128xf32, #tpu.memory_space<vmem>>, vector<1x16xf32>,
      %broadcast_in_dim3A_93 = arith.constant 0.000000e+00 : f32
      %broadcast_in_dim3A_94 = vector.broadcast %broadcast_in_dim3A_93 : f32 to vector<16xf32>
      %swap3A_95 = arith.index_cast %scan3A_44 : i32 to index
      %swap3A_96 = arith.constant 112 : index
      %swap3A_97 = tpu.vector_load %arg14[%swap3A_95, %swap3A_96] {strides = array<i32>} : memref<40x128xf32, #tpu.memory_space<vmem>>, vector<1x16xf32>,
      %swap3A_98 = vector.shape_cast %swap3A_97 : vector<1x16xf32> to vector<16xf32>
      %swap3A_99 = vector.shape_cast %broadcast_in_dim3A_94 : vector<16xf32> to vector<1x16xf32>
      tpu.vector_store %arg14[%swap3A_95, %swap3A_96], %swap3A_99 {strides = array<i32>} : memref<40x128xf32, #tpu.memory_space<vmem>>, vector<1x16xf32>,
      %scan3A_100 = arith.constant 0 : i32
      scf.yield %scan3A_100 : i32
    }
    %scan3A_10 = arith.constant 40 : i32
    %while3A = arith.constant 0 : i32
    %while3A_11 = arith.constant 0 : i32
    %while3A_12 = arith.subi %select_n3A, %while3A : i32
    %while3A_13 = arith.addi %while3A, %while3A_12 : i32
    %while3A_14 = arith.constant 1 : i32
    %while3A_15 = arith.divsi %while3A_12, %while3A_14 : i32
    %while3A_16 = arith.muli %while3A_15, %while3A_14 : i32
    %while3A_17 = arith.addi %while3A, %while3A_16 : i32
    %while3A_18 = arith.constant 1 : i32
    %while3A_19 = scf.for %while3A_44 = %while3A to %while3A_17 step %while3A_18 iter_args(%while3A_45 = %while3A_11) -> (i32)  : i32 {
      %mul3A_46 = arith.constant 40 : i32
      %mul3A_47 = arith.muli %while3A_44, %mul3A_46 : i32
      %add3A = arith.addi %mul3A_0, %mul3A_47 : i32
      %multiple_of3A = tpu.assume_multiple %add3A, 8 : i32
      "tpu.region"() ({
        %run_scoped3A = tpu.sem_alloc : memref<!tpu.dma_semaphore, #tpu.memory_space<semaphore_mem>>
        %dma_start3A = arith.constant 0 : i32
        %dma_start3A_49 = tpu.memref_slice %arg8[%multiple_of3A, %dma_start3A] : memref<10000x128xf32, #tpu.memory_space<vmem_shared>> -> memref<40x128xf32, #tpu.memory_space<vmem_shared>>
        %dma_start3A_50 = arith.constant 0 : i32
        %dma_start3A_51 = tpu.memref_slice %arg8[%multiple_of3A, %dma_start3A_50] : memref<10000x128xf32, #tpu.memory_space<vmem_shared>> -> memref<40x128xf32, #tpu.memory_space<vmem_shared>>
        tpu.enqueue_dma source(%arg14 : memref<40x128xf32, #tpu.memory_space<vmem>>) target(%dma_start3A_51 : memref<40x128xf32, #tpu.memory_space<vmem_shared>>) target_semaphore(%run_scoped3A : memref<!tpu.dma_semaphore, #tpu.memory_space<semaphore_mem>>)
        %dma_wait3A = arith.constant 0 : i32
        %dma_wait3A_52 = tpu.memref_slice %arg8[%multiple_of3A, %dma_wait3A] : memref<10000x128xf32, #tpu.memory_space<vmem_shared>> -> memref<40x128xf32, #tpu.memory_space<vmem_shared>>
        %dma_wait3A_53 = arith.constant 0 : i32
        %dma_wait3A_54 = tpu.memref_slice %arg8[%multiple_of3A, %dma_wait3A_53] : memref<10000x128xf32, #tpu.memory_space<vmem_shared>> -> memref<40x128xf32, #tpu.memory_space<vmem_shared>>
        tpu.wait_dma2 semaphore(%run_scoped3A : memref<!tpu.dma_semaphore, #tpu.memory_space<semaphore_mem>>) src(%arg14 : memref<40x128xf32, #tpu.memory_space<vmem>>) dst(%dma_wait3A_54 : memref<40x128xf32, #tpu.memory_space<vmem_shared>>)
        tpu.yield
      }) : () -> ()
      %while3A_48 = arith.constant 0 : i32
      scf.yield %while3A_48 : i32
    }
    %while3A_20 = arith.constant 1 : i32
    %while3A_21 = scf.for %while3A_44 = %while3A_17 to %while3A_13 step %while3A_20 iter_args(%while3A_45 = %while3A_19) -> (i32)  : i32 {
      %mul3A_46 = arith.constant 40 : i32
      %mul3A_47 = arith.muli %while3A_44, %mul3A_46 : i32
      %add3A = arith.addi %mul3A_0, %mul3A_47 : i32
      %multiple_of3A = tpu.assume_multiple %add3A, 8 : i32
      "tpu.region"() ({
        %run_scoped3A = tpu.sem_alloc : memref<!tpu.dma_semaphore, #tpu.memory_space<semaphore_mem>>
        %dma_start3A = arith.constant 0 : i32
        %dma_start3A_49 = tpu.memref_slice %arg8[%multiple_of3A, %dma_start3A] : memref<10000x128xf32, #tpu.memory_space<vmem_shared>> -> memref<40x128xf32, #tpu.memory_space<vmem_shared>>
        %dma_start3A_50 = arith.constant 0 : i32
        %dma_start3A_51 = tpu.memref_slice %arg8[%multiple_of3A, %dma_start3A_50] : memref<10000x128xf32, #tpu.memory_space<vmem_shared>> -> memref<40x128xf32, #tpu.memory_space<vmem_shared>>
        tpu.enqueue_dma source(%arg14 : memref<40x128xf32, #tpu.memory_space<vmem>>) target(%dma_start3A_51 : memref<40x128xf32, #tpu.memory_space<vmem_shared>>) target_semaphore(%run_scoped3A : memref<!tpu.dma_semaphore, #tpu.memory_space<semaphore_mem>>)
        %dma_wait3A = arith.constant 0 : i32
        %dma_wait3A_52 = tpu.memref_slice %arg8[%multiple_of3A, %dma_wait3A] : memref<10000x128xf32, #tpu.memory_space<vmem_shared>> -> memref<40x128xf32, #tpu.memory_space<vmem_shared>>
        %dma_wait3A_53 = arith.constant 0 : i32
        %dma_wait3A_54 = tpu.memref_slice %arg8[%multiple_of3A, %dma_wait3A_53] : memref<10000x128xf32, #tpu.memory_space<vmem_shared>> -> memref<40x128xf32, #tpu.memory_space<vmem_shared>>
        tpu.wait_dma2 semaphore(%run_scoped3A : memref<!tpu.dma_semaphore, #tpu.memory_space<semaphore_mem>>) src(%arg14 : memref<40x128xf32, #tpu.memory_space<vmem>>) dst(%dma_wait3A_54 : memref<40x128xf32, #tpu.memory_space<vmem_shared>>)
        tpu.yield
      }) : () -> ()
      %while3A_48 = arith.constant 0 : i32
      scf.yield %while3A_48 : i32
    }
    "tpu.region"() ({
      %run_scoped3A = tpu.sem_alloc : memref<!tpu.dma_semaphore, #tpu.memory_space<semaphore_mem>>
      tpu.enqueue_dma source(%arg6 : memref<16xf32, #tpu.memory_space<hbm>>) target(%arg17 : memref<16xf32, #tpu.memory_space<vmem>>) target_semaphore(%run_scoped3A : memref<!tpu.dma_semaphore, #tpu.memory_space<semaphore_mem>>)
      tpu.wait_dma2 semaphore(%run_scoped3A : memref<!tpu.dma_semaphore, #tpu.memory_space<semaphore_mem>>) src(%arg6 : memref<16xf32, #tpu.memory_space<hbm>>) dst(%arg17 : memref<16xf32, #tpu.memory_space<vmem>>)
      tpu.yield
    }) : () -> ()
    %barrier3A = arith.constant 0 : index
    tpu.barrier barrier_id(%barrier3A)
    %get3A = arith.constant 0 : index
    %get3A_22 = tpu.vector_load %arg17[%get3A] {strides = array<i32>} : memref<16xf32, #tpu.memory_space<vmem>>, vector<16xf32>,
    %get3A_23 = vector.shape_cast %get3A_22 : vector<16xf32> to vector<16xf32>
    %scan3A_24 = arith.constant 0 : i32
    %scan3A_25 = arith.constant 0 : i32
    %scan3A_26 = arith.constant 250 : i32
    %scan3A_27 = arith.addi %scan3A_25, %scan3A_26 : i32
    %scan3A_28 = arith.constant 1 : i32
    %scan3A_29 = scf.for %scan3A_44 = %scan3A_25 to %scan3A_27 step %scan3A_28 iter_args(%scan3A_45 = %scan3A_24) -> (i32)  : i32 {
      %mul3A_46 = arith.constant 20000 : i32
      %mul3A_47 = arith.muli %arg1, %mul3A_46 : i32
      %mul3A_48 = arith.constant 80 : i32
      %mul3A_49 = arith.muli %scan3A_44, %mul3A_48 : i32
      %add3A = arith.addi %mul3A_47, %mul3A_49 : i32
      %multiple_of3A = tpu.assume_multiple %add3A, 8 : i32
      "tpu.region"() ({
        %run_scoped3A = tpu.sem_alloc : memref<!tpu.dma_semaphore, #tpu.memory_space<semaphore_mem>>
        %dma_start3A_62 = tpu.memref_slice %arg4[%multiple_of3A] : memref<320000xi32, #tpu.memory_space<hbm>> -> memref<80xi32, #tpu.memory_space<hbm>>
        %dma_start3A_63 = tpu.memref_slice %arg4[%multiple_of3A] : memref<320000xi32, #tpu.memory_space<hbm>> -> memref<80xi32, #tpu.memory_space<hbm>>
        tpu.enqueue_dma source(%dma_start3A_63 : memref<80xi32, #tpu.memory_space<hbm>>) target(%arg9 : memref<80xi32, #tpu.memory_space<vmem>>) target_semaphore(%run_scoped3A : memref<!tpu.dma_semaphore, #tpu.memory_space<semaphore_mem>>)
        %dma_wait3A_64 = tpu.memref_slice %arg4[%multiple_of3A] : memref<320000xi32, #tpu.memory_space<hbm>> -> memref<80xi32, #tpu.memory_space<hbm>>
        %dma_wait3A_65 = tpu.memref_slice %arg4[%multiple_of3A] : memref<320000xi32, #tpu.memory_space<hbm>> -> memref<80xi32, #tpu.memory_space<hbm>>
        tpu.wait_dma2 semaphore(%run_scoped3A : memref<!tpu.dma_semaphore, #tpu.memory_space<semaphore_mem>>) src(%dma_wait3A_65 : memref<80xi32, #tpu.memory_space<hbm>>) dst(%arg9 : memref<80xi32, #tpu.memory_space<vmem>>)
        tpu.yield
      }) : () -> ()
      "tpu.region"() ({
        %run_scoped3A = tpu.sem_alloc : memref<!tpu.dma_semaphore, #tpu.memory_space<semaphore_mem>>
        %dma_start3A_62 = tpu.memref_slice %arg5[%multiple_of3A] : memref<320000xi32, #tpu.memory_space<hbm>> -> memref<80xi32, #tpu.memory_space<hbm>>
        %dma_start3A_63 = tpu.memref_slice %arg5[%multiple_of3A] : memref<320000xi32, #tpu.memory_space<hbm>> -> memref<80xi32, #tpu.memory_space<hbm>>
        tpu.enqueue_dma source(%dma_start3A_63 : memref<80xi32, #tpu.memory_space<hbm>>) target(%arg10 : memref<80xi32, #tpu.memory_space<vmem>>) target_semaphore(%run_scoped3A : memref<!tpu.dma_semaphore, #tpu.memory_space<semaphore_mem>>)
        %dma_wait3A_64 = tpu.memref_slice %arg5[%multiple_of3A] : memref<320000xi32, #tpu.memory_space<hbm>> -> memref<80xi32, #tpu.memory_space<hbm>>
        %dma_wait3A_65 = tpu.memref_slice %arg5[%multiple_of3A] : memref<320000xi32, #tpu.memory_space<hbm>> -> memref<80xi32, #tpu.memory_space<hbm>>
        tpu.wait_dma2 semaphore(%run_scoped3A : memref<!tpu.dma_semaphore, #tpu.memory_space<semaphore_mem>>) src(%dma_wait3A_65 : memref<80xi32, #tpu.memory_space<hbm>>) dst(%arg10 : memref<80xi32, #tpu.memory_space<vmem>>)
        tpu.yield
      }) : () -> ()
      %dma_start3A = arith.constant 0 : i32
      %dma_start3A_50 = arith.constant 0 : i32
      %dma_start3A_51 = tpu.memref_slice %arg2[%dma_start3A, %dma_start3A_50] : memref<10000x128xf32, #tpu.memory_space<hbm>> -> memref<10000x128xf32, #tpu.memory_space<hbm>>
      tpu.enqueue_indirect_dma source(%dma_start3A_51 : memref<10000x128xf32, #tpu.memory_space<hbm>>) target(%arg11 : memref<80x128xf32, #tpu.memory_space<vmem>>) offsets(%arg9 : memref<80xi32, #tpu.memory_space<vmem>>) semaphore(%arg18 : memref<!tpu.dma_semaphore, #tpu.memory_space<semaphore_mem>>)
      %dma_wait3A = arith.constant 0 : i32
      %dma_wait3A_52 = arith.constant 0 : i32
      %dma_wait3A_53 = tpu.memref_slice %arg2[%dma_wait3A, %dma_wait3A_52] : memref<10000x128xf32, #tpu.memory_space<hbm>> -> memref<10000x128xf32, #tpu.memory_space<hbm>>
      tpu.wait_indirect_dma semaphore(%arg18 : memref<!tpu.dma_semaphore, #tpu.memory_space<semaphore_mem>>) src(%dma_wait3A_53 : memref<10000x128xf32, #tpu.memory_space<hbm>>) dst(%arg11 : memref<80x128xf32, #tpu.memory_space<vmem>>)
      "tpu.region"() ({
        %run_scoped3A = tpu.sem_alloc : memref<!tpu.dma_semaphore, #tpu.memory_space<semaphore_mem>>
        %dma_start3A_62 = arith.constant 0 : i32
        %dma_start3A_63 = tpu.memref_slice %arg3[%arg0, %multiple_of3A, %dma_start3A_62] : memref<2x320000x64xf32, #tpu.memory_space<hbm>> -> memref<1x80x64xf32, #tpu.memory_space<hbm>>
        %dma_start3A_64 = tpu.memref_squeeze %dma_start3A_63 : memref<1x80x64xf32, #tpu.memory_space<hbm>> -> memref<80x64xf32, #tpu.memory_space<hbm>>
        %dma_start3A_65 = arith.constant 0 : i32
        %dma_start3A_66 = tpu.memref_slice %arg3[%arg0, %multiple_of3A, %dma_start3A_65] : memref<2x320000x64xf32, #tpu.memory_space<hbm>> -> memref<1x80x64xf32, #tpu.memory_space<hbm>>
        %dma_start3A_67 = tpu.memref_squeeze %dma_start3A_66 : memref<1x80x64xf32, #tpu.memory_space<hbm>> -> memref<80x64xf32, #tpu.memory_space<hbm>>
        tpu.enqueue_dma source(%dma_start3A_67 : memref<80x64xf32, #tpu.memory_space<hbm>>) target(%arg12 : memref<80x64xf32, #tpu.memory_space<vmem>>) target_semaphore(%run_scoped3A : memref<!tpu.dma_semaphore, #tpu.memory_space<semaphore_mem>>)
        %dma_wait3A_68 = arith.constant 0 : i32
        %dma_wait3A_69 = tpu.memref_slice %arg3[%arg0, %multiple_of3A, %dma_wait3A_68] : memref<2x320000x64xf32, #tpu.memory_space<hbm>> -> memref<1x80x64xf32, #tpu.memory_space<hbm>>
        %dma_wait3A_70 = tpu.memref_squeeze %dma_wait3A_69 : memref<1x80x64xf32, #tpu.memory_space<hbm>> -> memref<80x64xf32, #tpu.memory_space<hbm>>
        %dma_wait3A_71 = arith.constant 0 : i32
        %dma_wait3A_72 = tpu.memref_slice %arg3[%arg0, %multiple_of3A, %dma_wait3A_71] : memref<2x320000x64xf32, #tpu.memory_space<hbm>> -> memref<1x80x64xf32, #tpu.memory_space<hbm>>
        %dma_wait3A_73 = tpu.memref_squeeze %dma_wait3A_72 : memref<1x80x64xf32, #tpu.memory_space<hbm>> -> memref<80x64xf32, #tpu.memory_space<hbm>>
        tpu.wait_dma2 semaphore(%run_scoped3A : memref<!tpu.dma_semaphore, #tpu.memory_space<semaphore_mem>>) src(%dma_wait3A_73 : memref<80x64xf32, #tpu.memory_space<hbm>>) dst(%arg12 : memref<80x64xf32, #tpu.memory_space<vmem>>)
        tpu.yield
      }) : () -> ()
      %scan3A_54 = arith.constant 0 : i32
      %scan3A_55 = arith.constant 0 : i32
      %scan3A_56 = arith.constant 80 : i32
      %scan3A_57 = arith.addi %scan3A_55, %scan3A_56 : i32
      %scan3A_58 = arith.constant 1 : i32
      %scan3A_59 = scf.for %scan3A_62 = %scan3A_55 to %scan3A_57 step %scan3A_58 iter_args(%scan3A_63 = %scan3A_54) -> (i32)  : i32 {
        %mul3A_64 = arith.constant 64 : i32
        %mul3A_65 = arith.muli %arg0, %mul3A_64 : i32
        %add3A_66 = arith.constant 0 : i32
        %add3A_67 = arith.addi %mul3A_65, %add3A_66 : i32
        %get3A_68 = arith.index_cast %scan3A_62 : i32 to index
        %get3A_69 = arith.index_cast %add3A_67 : i32 to index
        %get3A_70 = tpu.vector_load %arg11[%get3A_68, %get3A_69] {strides = array<i32>} : memref<80x128xf32, #tpu.memory_space<vmem>>, vector<1x16xf32>,
        %get3A_71 = vector.shape_cast %get3A_70 : vector<1x16xf32> to vector<16xf32>
        %get3A_72 = arith.index_cast %scan3A_62 : i32 to index
        %get3A_73 = arith.constant 0 : index
        %get3A_74 = tpu.vector_load %arg12[%get3A_72, %get3A_73] {strides = array<i32>} : memref<80x64xf32, #tpu.memory_space<vmem>>, vector<1x16xf32>,
        %get3A_75 = vector.shape_cast %get3A_74 : vector<1x16xf32> to vector<16xf32>
        %add3A_76 = arith.addf %get3A_71, %get3A_75 : vector<16xf32>
        %max3A = arith.constant 0.000000e+00 : f32
        %max3A_77 = vector.broadcast %max3A : f32 to vector<16xf32>
        %max3A_78 = arith.maximumf %add3A_76, %max3A_77 : vector<16xf32>
        %add3A_79 = arith.constant 1.000000e-07 : f32
        %add3A_80 = vector.broadcast %add3A_79 : f32 to vector<16xf32>
        %add3A_81 = arith.addf %max3A_78, %add3A_80 : vector<16xf32>
        %mul3A_82 = arith.mulf %add3A_81, %get3A_23 : vector<16xf32>
        %exp3A = math.exp %mul3A_82 : vector<16xf32>
        %mul3A_83 = arith.mulf %exp3A, %add3A_81 : vector<16xf32>
        %swap3A = arith.index_cast %scan3A_62 : i32 to index
        %swap3A_84 = arith.constant 0 : index
        %swap3A_85 = tpu.vector_load %arg13[%swap3A, %swap3A_84] {strides = array<i32>} : memref<80x128xf32, #tpu.memory_space<vmem>>, vector<1x16xf32>,
        %swap3A_86 = vector.shape_cast %swap3A_85 : vector<1x16xf32> to vector<16xf32>
        %swap3A_87 = vector.shape_cast %mul3A_83 : vector<16xf32> to vector<1x16xf32>
        tpu.vector_store %arg13[%swap3A, %swap3A_84], %swap3A_87 {strides = array<i32>} : memref<80x128xf32, #tpu.memory_space<vmem>>, vector<1x16xf32>,
        %swap3A_88 = arith.index_cast %scan3A_62 : i32 to index
        %swap3A_89 = arith.constant 64 : index
        %swap3A_90 = tpu.vector_load %arg13[%swap3A_88, %swap3A_89] {strides = array<i32>} : memref<80x128xf32, #tpu.memory_space<vmem>>, vector<1x16xf32>,
        %swap3A_91 = vector.shape_cast %swap3A_90 : vector<1x16xf32> to vector<16xf32>
        %swap3A_92 = vector.shape_cast %exp3A : vector<16xf32> to vector<1x16xf32>
        tpu.vector_store %arg13[%swap3A_88, %swap3A_89], %swap3A_92 {strides = array<i32>} : memref<80x128xf32, #tpu.memory_space<vmem>>, vector<1x16xf32>,
        %mul3A_93 = arith.constant 64 : i32
        %mul3A_94 = arith.muli %arg0, %mul3A_93 : i32
        %add3A_95 = arith.constant 16 : i32
        %add3A_96 = arith.addi %mul3A_94, %add3A_95 : i32
        %get3A_97 = arith.index_cast %scan3A_62 : i32 to index
        %get3A_98 = arith.index_cast %add3A_96 : i32 to index
        %get3A_99 = tpu.vector_load %arg11[%get3A_97, %get3A_98] {strides = array<i32>} : memref<80x128xf32, #tpu.memory_space<vmem>>, vector<1x16xf32>,
        %get3A_100 = vector.shape_cast %get3A_99 : vector<1x16xf32> to vector<16xf32>
        %get3A_101 = arith.index_cast %scan3A_62 : i32 to index
        %get3A_102 = arith.constant 16 : index
        %get3A_103 = tpu.vector_load %arg12[%get3A_101, %get3A_102] {strides = array<i32>} : memref<80x64xf32, #tpu.memory_space<vmem>>, vector<1x16xf32>,
        %get3A_104 = vector.shape_cast %get3A_103 : vector<1x16xf32> to vector<16xf32>
        %add3A_105 = arith.addf %get3A_100, %get3A_104 : vector<16xf32>
        %max3A_106 = arith.constant 0.000000e+00 : f32
        %max3A_107 = vector.broadcast %max3A_106 : f32 to vector<16xf32>
        %max3A_108 = arith.maximumf %add3A_105, %max3A_107 : vector<16xf32>
        %add3A_109 = arith.constant 1.000000e-07 : f32
        %add3A_110 = vector.broadcast %add3A_109 : f32 to vector<16xf32>
        %add3A_111 = arith.addf %max3A_108, %add3A_110 : vector<16xf32>
        %mul3A_112 = arith.mulf %add3A_111, %get3A_23 : vector<16xf32>
        %exp3A_113 = math.exp %mul3A_112 : vector<16xf32>
        %mul3A_114 = arith.mulf %exp3A_113, %add3A_111 : vector<16xf32>
        %swap3A_115 = arith.index_cast %scan3A_62 : i32 to index
        %swap3A_116 = arith.constant 16 : index
        %swap3A_117 = tpu.vector_load %arg13[%swap3A_115, %swap3A_116] {strides = array<i32>} : memref<80x128xf32, #tpu.memory_space<vmem>>, vector<1x16xf32>,
        %swap3A_118 = vector.shape_cast %swap3A_117 : vector<1x16xf32> to vector<16xf32>
        %swap3A_119 = vector.shape_cast %mul3A_114 : vector<16xf32> to vector<1x16xf32>
        tpu.vector_store %arg13[%swap3A_115, %swap3A_116], %swap3A_119 {strides = array<i32>} : memref<80x128xf32, #tpu.memory_space<vmem>>, vector<1x16xf32>,
        %swap3A_120 = arith.index_cast %scan3A_62 : i32 to index
        %swap3A_121 = arith.constant 80 : index
        %swap3A_122 = tpu.vector_load %arg13[%swap3A_120, %swap3A_121] {strides = array<i32>} : memref<80x128xf32, #tpu.memory_space<vmem>>, vector<1x16xf32>,
        %swap3A_123 = vector.shape_cast %swap3A_122 : vector<1x16xf32> to vector<16xf32>
        %swap3A_124 = vector.shape_cast %exp3A_113 : vector<16xf32> to vector<1x16xf32>
        tpu.vector_store %arg13[%swap3A_120, %swap3A_121], %swap3A_124 {strides = array<i32>} : memref<80x128xf32, #tpu.memory_space<vmem>>, vector<1x16xf32>,
        %mul3A_125 = arith.constant 64 : i32
        %mul3A_126 = arith.muli %arg0, %mul3A_125 : i32
        %add3A_127 = arith.constant 32 : i32
        %add3A_128 = arith.addi %mul3A_126, %add3A_127 : i32
        %get3A_129 = arith.index_cast %scan3A_62 : i32 to index
        %get3A_130 = arith.index_cast %add3A_128 : i32 to index
        %get3A_131 = tpu.vector_load %arg11[%get3A_129, %get3A_130] {strides = array<i32>} : memref<80x128xf32, #tpu.memory_space<vmem>>, vector<1x16xf32>,
        %get3A_132 = vector.shape_cast %get3A_131 : vector<1x16xf32> to vector<16xf32>
        %get3A_133 = arith.index_cast %scan3A_62 : i32 to index
        %get3A_134 = arith.constant 32 : index
        %get3A_135 = tpu.vector_load %arg12[%get3A_133, %get3A_134] {strides = array<i32>} : memref<80x64xf32, #tpu.memory_space<vmem>>, vector<1x16xf32>,
        %get3A_136 = vector.shape_cast %get3A_135 : vector<1x16xf32> to vector<16xf32>
        %add3A_137 = arith.addf %get3A_132, %get3A_136 : vector<16xf32>
        %max3A_138 = arith.constant 0.000000e+00 : f32
        %max3A_139 = vector.broadcast %max3A_138 : f32 to vector<16xf32>
        %max3A_140 = arith.maximumf %add3A_137, %max3A_139 : vector<16xf32>
        %add3A_141 = arith.constant 1.000000e-07 : f32
        %add3A_142 = vector.broadcast %add3A_141 : f32 to vector<16xf32>
        %add3A_143 = arith.addf %max3A_140, %add3A_142 : vector<16xf32>
        %mul3A_144 = arith.mulf %add3A_143, %get3A_23 : vector<16xf32>
        %exp3A_145 = math.exp %mul3A_144 : vector<16xf32>
        %mul3A_146 = arith.mulf %exp3A_145, %add3A_143 : vector<16xf32>
        %swap3A_147 = arith.index_cast %scan3A_62 : i32 to index
        %swap3A_148 = arith.constant 32 : index
        %swap3A_149 = tpu.vector_load %arg13[%swap3A_147, %swap3A_148] {strides = array<i32>} : memref<80x128xf32, #tpu.memory_space<vmem>>, vector<1x16xf32>,
        %swap3A_150 = vector.shape_cast %swap3A_149 : vector<1x16xf32> to vector<16xf32>
        %swap3A_151 = vector.shape_cast %mul3A_146 : vector<16xf32> to vector<1x16xf32>
        tpu.vector_store %arg13[%swap3A_147, %swap3A_148], %swap3A_151 {strides = array<i32>} : memref<80x128xf32, #tpu.memory_space<vmem>>, vector<1x16xf32>,
        %swap3A_152 = arith.index_cast %scan3A_62 : i32 to index
        %swap3A_153 = arith.constant 96 : index
        %swap3A_154 = tpu.vector_load %arg13[%swap3A_152, %swap3A_153] {strides = array<i32>} : memref<80x128xf32, #tpu.memory_space<vmem>>, vector<1x16xf32>,
        %swap3A_155 = vector.shape_cast %swap3A_154 : vector<1x16xf32> to vector<16xf32>
        %swap3A_156 = vector.shape_cast %exp3A_145 : vector<16xf32> to vector<1x16xf32>
        tpu.vector_store %arg13[%swap3A_152, %swap3A_153], %swap3A_156 {strides = array<i32>} : memref<80x128xf32, #tpu.memory_space<vmem>>, vector<1x16xf32>,
        %mul3A_157 = arith.constant 64 : i32
        %mul3A_158 = arith.muli %arg0, %mul3A_157 : i32
        %add3A_159 = arith.constant 48 : i32
        %add3A_160 = arith.addi %mul3A_158, %add3A_159 : i32
        %get3A_161 = arith.index_cast %scan3A_62 : i32 to index
        %get3A_162 = arith.index_cast %add3A_160 : i32 to index
        %get3A_163 = tpu.vector_load %arg11[%get3A_161, %get3A_162] {strides = array<i32>} : memref<80x128xf32, #tpu.memory_space<vmem>>, vector<1x16xf32>,
        %get3A_164 = vector.shape_cast %get3A_163 : vector<1x16xf32> to vector<16xf32>
        %get3A_165 = arith.index_cast %scan3A_62 : i32 to index
        %get3A_166 = arith.constant 48 : index
        %get3A_167 = tpu.vector_load %arg12[%get3A_165, %get3A_166] {strides = array<i32>} : memref<80x64xf32, #tpu.memory_space<vmem>>, vector<1x16xf32>,
        %get3A_168 = vector.shape_cast %get3A_167 : vector<1x16xf32> to vector<16xf32>
        %add3A_169 = arith.addf %get3A_164, %get3A_168 : vector<16xf32>
        %max3A_170 = arith.constant 0.000000e+00 : f32
        %max3A_171 = vector.broadcast %max3A_170 : f32 to vector<16xf32>
        %max3A_172 = arith.maximumf %add3A_169, %max3A_171 : vector<16xf32>
        %add3A_173 = arith.constant 1.000000e-07 : f32
        %add3A_174 = vector.broadcast %add3A_173 : f32 to vector<16xf32>
        %add3A_175 = arith.addf %max3A_172, %add3A_174 : vector<16xf32>
        %mul3A_176 = arith.mulf %add3A_175, %get3A_23 : vector<16xf32>
        %exp3A_177 = math.exp %mul3A_176 : vector<16xf32>
        %mul3A_178 = arith.mulf %exp3A_177, %add3A_175 : vector<16xf32>
        %swap3A_179 = arith.index_cast %scan3A_62 : i32 to index
        %swap3A_180 = arith.constant 48 : index
        %swap3A_181 = tpu.vector_load %arg13[%swap3A_179, %swap3A_180] {strides = array<i32>} : memref<80x128xf32, #tpu.memory_space<vmem>>, vector<1x16xf32>,
        %swap3A_182 = vector.shape_cast %swap3A_181 : vector<1x16xf32> to vector<16xf32>
        %swap3A_183 = vector.shape_cast %mul3A_178 : vector<16xf32> to vector<1x16xf32>
        tpu.vector_store %arg13[%swap3A_179, %swap3A_180], %swap3A_183 {strides = array<i32>} : memref<80x128xf32, #tpu.memory_space<vmem>>, vector<1x16xf32>,
        %swap3A_184 = arith.index_cast %scan3A_62 : i32 to index
        %swap3A_185 = arith.constant 112 : index
        %swap3A_186 = tpu.vector_load %arg13[%swap3A_184, %swap3A_185] {strides = array<i32>} : memref<80x128xf32, #tpu.memory_space<vmem>>, vector<1x16xf32>,
        %swap3A_187 = vector.shape_cast %swap3A_186 : vector<1x16xf32> to vector<16xf32>
        %swap3A_188 = vector.shape_cast %exp3A_177 : vector<16xf32> to vector<1x16xf32>
        tpu.vector_store %arg13[%swap3A_184, %swap3A_185], %swap3A_188 {strides = array<i32>} : memref<80x128xf32, #tpu.memory_space<vmem>>, vector<1x16xf32>,
        %scan3A_189 = arith.constant 0 : i32
        scf.yield %scan3A_189 : i32
      }
      %scan3A_60 = arith.constant 80 : i32
      "tpu.region"() ({
        %run_scoped3A = tpu.sem_alloc : memref<!tpu.dma_semaphore, #tpu.memory_space<semaphore_mem>>
        %dma_start3A_62 = arith.constant 0 : i32
        %dma_start3A_63 = arith.constant 0 : i32
        %dma_start3A_64 = tpu.memref_slice %arg8[%dma_start3A_62, %dma_start3A_63] : memref<10000x128xf32, #tpu.memory_space<vmem_shared>> -> memref<10000x128xf32, #tpu.memory_space<vmem_shared>>
        tpu.enqueue_indirect_dma source(%arg13 : memref<80x128xf32, #tpu.memory_space<vmem>>) target(%dma_start3A_64 : memref<10000x128xf32, #tpu.memory_space<vmem_shared>>) offsets(%arg10 : memref<80xi32, #tpu.memory_space<vmem>>) semaphore(%run_scoped3A : memref<!tpu.dma_semaphore, #tpu.memory_space<semaphore_mem>>) {add = true}
        %dma_wait3A_65 = arith.constant 0 : i32
        %dma_wait3A_66 = arith.constant 0 : i32
        %dma_wait3A_67 = tpu.memref_slice %arg8[%dma_wait3A_65, %dma_wait3A_66] : memref<10000x128xf32, #tpu.memory_space<vmem_shared>> -> memref<10000x128xf32, #tpu.memory_space<vmem_shared>>
        tpu.wait_indirect_dma semaphore(%run_scoped3A : memref<!tpu.dma_semaphore, #tpu.memory_space<semaphore_mem>>) src(%arg13 : memref<80x128xf32, #tpu.memory_space<vmem>>) dst(%dma_wait3A_67 : memref<10000x128xf32, #tpu.memory_space<vmem_shared>>)
        tpu.yield
      }) : () -> ()
      %scan3A_61 = arith.constant 0 : i32
      scf.yield %scan3A_61 : i32
    }
    %scan3A_30 = arith.constant 250 : i32
    %barrier3A_31 = arith.constant 0 : index
    tpu.barrier barrier_id(%barrier3A_31)
    %while3A_32 = arith.constant 0 : i32
    %while3A_33 = arith.constant 0 : i32
    %while3A_34 = arith.subi %select_n3A, %while3A_32 : i32
    %while3A_35 = arith.addi %while3A_32, %while3A_34 : i32
    %while3A_36 = arith.constant 1 : i32
    %while3A_37 = arith.divsi %while3A_34, %while3A_36 : i32
    %while3A_38 = arith.muli %while3A_37, %while3A_36 : i32
    %while3A_39 = arith.addi %while3A_32, %while3A_38 : i32
    %while3A_40 = arith.constant 1 : i32
    %while3A_41 = scf.for %while3A_44 = %while3A_32 to %while3A_39 step %while3A_40 iter_args(%while3A_45 = %while3A_33) -> (i32)  : i32 {
      %mul3A_46 = arith.constant 40 : i32
      %mul3A_47 = arith.muli %while3A_44, %mul3A_46 : i32
      %add3A = arith.addi %mul3A_0, %mul3A_47 : i32
      %multiple_of3A = tpu.assume_multiple %add3A, 8 : i32
      %add3A_48 = arith.addi %mul3A_2, %mul3A_0 : i32
      %mul3A_49 = arith.constant 40 : i32
      %mul3A_50 = arith.muli %while3A_44, %mul3A_49 : i32
      %add3A_51 = arith.addi %add3A_48, %mul3A_50 : i32
      %multiple_of3A_52 = tpu.assume_multiple %add3A_51, 8 : i32
      "tpu.region"() ({
        %run_scoped3A = tpu.sem_alloc : memref<!tpu.dma_semaphore, #tpu.memory_space<semaphore_mem>>
        %dma_start3A = arith.constant 0 : i32
        %dma_start3A_61 = tpu.memref_slice %arg8[%multiple_of3A, %dma_start3A] : memref<10000x128xf32, #tpu.memory_space<vmem_shared>> -> memref<40x128xf32, #tpu.memory_space<vmem_shared>>
        %dma_start3A_62 = arith.constant 0 : i32
        %dma_start3A_63 = tpu.memref_slice %arg8[%multiple_of3A, %dma_start3A_62] : memref<10000x128xf32, #tpu.memory_space<vmem_shared>> -> memref<40x128xf32, #tpu.memory_space<vmem_shared>>
        tpu.enqueue_dma source(%dma_start3A_63 : memref<40x128xf32, #tpu.memory_space<vmem_shared>>) target(%arg14 : memref<40x128xf32, #tpu.memory_space<vmem>>) target_semaphore(%run_scoped3A : memref<!tpu.dma_semaphore, #tpu.memory_space<semaphore_mem>>)
        %dma_wait3A = arith.constant 0 : i32
        %dma_wait3A_64 = tpu.memref_slice %arg8[%multiple_of3A, %dma_wait3A] : memref<10000x128xf32, #tpu.memory_space<vmem_shared>> -> memref<40x128xf32, #tpu.memory_space<vmem_shared>>
        %dma_wait3A_65 = arith.constant 0 : i32
        %dma_wait3A_66 = tpu.memref_slice %arg8[%multiple_of3A, %dma_wait3A_65] : memref<10000x128xf32, #tpu.memory_space<vmem_shared>> -> memref<40x128xf32, #tpu.memory_space<vmem_shared>>
        tpu.wait_dma2 semaphore(%run_scoped3A : memref<!tpu.dma_semaphore, #tpu.memory_space<semaphore_mem>>) src(%dma_wait3A_66 : memref<40x128xf32, #tpu.memory_space<vmem_shared>>) dst(%arg14 : memref<40x128xf32, #tpu.memory_space<vmem>>)
        tpu.yield
      }) : () -> ()
      "tpu.region"() ({
        %run_scoped3A = tpu.sem_alloc : memref<!tpu.dma_semaphore, #tpu.memory_space<semaphore_mem>>
        %dma_start3A = arith.constant 0 : i32
        %dma_start3A_61 = tpu.memref_slice %arg2[%multiple_of3A, %dma_start3A] : memref<10000x128xf32, #tpu.memory_space<hbm>> -> memref<40x128xf32, #tpu.memory_space<hbm>>
        %dma_start3A_62 = arith.constant 0 : i32
        %dma_start3A_63 = tpu.memref_slice %arg2[%multiple_of3A, %dma_start3A_62] : memref<10000x128xf32, #tpu.memory_space<hbm>> -> memref<40x128xf32, #tpu.memory_space<hbm>>
        tpu.enqueue_dma source(%dma_start3A_63 : memref<40x128xf32, #tpu.memory_space<hbm>>) target(%arg15 : memref<40x128xf32, #tpu.memory_space<vmem>>) target_semaphore(%run_scoped3A : memref<!tpu.dma_semaphore, #tpu.memory_space<semaphore_mem>>)
        %dma_wait3A = arith.constant 0 : i32
        %dma_wait3A_64 = tpu.memref_slice %arg2[%multiple_of3A, %dma_wait3A] : memref<10000x128xf32, #tpu.memory_space<hbm>> -> memref<40x128xf32, #tpu.memory_space<hbm>>
        %dma_wait3A_65 = arith.constant 0 : i32
        %dma_wait3A_66 = tpu.memref_slice %arg2[%multiple_of3A, %dma_wait3A_65] : memref<10000x128xf32, #tpu.memory_space<hbm>> -> memref<40x128xf32, #tpu.memory_space<hbm>>
        tpu.wait_dma2 semaphore(%run_scoped3A : memref<!tpu.dma_semaphore, #tpu.memory_space<semaphore_mem>>) src(%dma_wait3A_66 : memref<40x128xf32, #tpu.memory_space<hbm>>) dst(%arg15 : memref<40x128xf32, #tpu.memory_space<vmem>>)
        tpu.yield
      }) : () -> ()
      %scan3A_53 = arith.constant 0 : i32
      %scan3A_54 = arith.constant 0 : i32
      %scan3A_55 = arith.constant 40 : i32
      %scan3A_56 = arith.addi %scan3A_54, %scan3A_55 : i32
      %scan3A_57 = arith.constant 1 : i32
      %scan3A_58 = scf.for %scan3A_61 = %scan3A_54 to %scan3A_56 step %scan3A_57 iter_args(%scan3A_62 = %scan3A_53) -> (i32)  : i32 {
        %get3A_63 = arith.index_cast %scan3A_61 : i32 to index
        %get3A_64 = arith.constant 0 : index
        %get3A_65 = tpu.vector_load %arg14[%get3A_63, %get3A_64] {strides = array<i32>} : memref<40x128xf32, #tpu.memory_space<vmem>>, vector<1x16xf32>,
        %get3A_66 = vector.shape_cast %get3A_65 : vector<1x16xf32> to vector<16xf32>
        %get3A_67 = arith.index_cast %scan3A_61 : i32 to index
        %get3A_68 = arith.constant 64 : index
        %get3A_69 = tpu.vector_load %arg14[%get3A_67, %get3A_68] {strides = array<i32>} : memref<40x128xf32, #tpu.memory_space<vmem>>, vector<1x16xf32>,
        %get3A_70 = vector.shape_cast %get3A_69 : vector<1x16xf32> to vector<16xf32>
        %mul3A_71 = arith.constant 64 : i32
        %mul3A_72 = arith.muli %arg0, %mul3A_71 : i32
        %add3A_73 = arith.constant 0 : i32
        %add3A_74 = arith.addi %mul3A_72, %add3A_73 : i32
        %get3A_75 = arith.index_cast %scan3A_61 : i32 to index
        %get3A_76 = arith.index_cast %add3A_74 : i32 to index
        %get3A_77 = tpu.vector_load %arg15[%get3A_75, %get3A_76] {strides = array<i32>} : memref<40x128xf32, #tpu.memory_space<vmem>>, vector<1x16xf32>,
        %get3A_78 = vector.shape_cast %get3A_77 : vector<1x16xf32> to vector<16xf32>
        %add3A_79 = arith.constant 1.000000e-07 : f32
        %add3A_80 = vector.broadcast %add3A_79 : f32 to vector<16xf32>
        %add3A_81 = arith.addf %get3A_70, %add3A_80 : vector<16xf32>
        %div3A = arith.divf %get3A_66, %add3A_81 : vector<16xf32>
        %add3A_82 = arith.addf %get3A_78, %div3A : vector<16xf32>
        %swap3A = arith.index_cast %scan3A_61 : i32 to index
        %swap3A_83 = arith.constant 0 : index
        %swap3A_84 = tpu.vector_load %arg16[%swap3A, %swap3A_83] {strides = array<i32>} : memref<40x64xf32, #tpu.memory_space<vmem>>, vector<1x16xf32>,
        %swap3A_85 = vector.shape_cast %swap3A_84 : vector<1x16xf32> to vector<16xf32>
        %swap3A_86 = vector.shape_cast %add3A_82 : vector<16xf32> to vector<1x16xf32>
        tpu.vector_store %arg16[%swap3A, %swap3A_83], %swap3A_86 {strides = array<i32>} : memref<40x64xf32, #tpu.memory_space<vmem>>, vector<1x16xf32>,
        %get3A_87 = arith.index_cast %scan3A_61 : i32 to index
        %get3A_88 = arith.constant 16 : index
        %get3A_89 = tpu.vector_load %arg14[%get3A_87, %get3A_88] {strides = array<i32>} : memref<40x128xf32, #tpu.memory_space<vmem>>, vector<1x16xf32>,
        %get3A_90 = vector.shape_cast %get3A_89 : vector<1x16xf32> to vector<16xf32>
        %get3A_91 = arith.index_cast %scan3A_61 : i32 to index
        %get3A_92 = arith.constant 80 : index
        %get3A_93 = tpu.vector_load %arg14[%get3A_91, %get3A_92] {strides = array<i32>} : memref<40x128xf32, #tpu.memory_space<vmem>>, vector<1x16xf32>,
        %get3A_94 = vector.shape_cast %get3A_93 : vector<1x16xf32> to vector<16xf32>
        %mul3A_95 = arith.constant 64 : i32
        %mul3A_96 = arith.muli %arg0, %mul3A_95 : i32
        %add3A_97 = arith.constant 16 : i32
        %add3A_98 = arith.addi %mul3A_96, %add3A_97 : i32
        %get3A_99 = arith.index_cast %scan3A_61 : i32 to index
        %get3A_100 = arith.index_cast %add3A_98 : i32 to index
        %get3A_101 = tpu.vector_load %arg15[%get3A_99, %get3A_100] {strides = array<i32>} : memref<40x128xf32, #tpu.memory_space<vmem>>, vector<1x16xf32>,
        %get3A_102 = vector.shape_cast %get3A_101 : vector<1x16xf32> to vector<16xf32>
        %add3A_103 = arith.constant 1.000000e-07 : f32
        %add3A_104 = vector.broadcast %add3A_103 : f32 to vector<16xf32>
        %add3A_105 = arith.addf %get3A_94, %add3A_104 : vector<16xf32>
        %div3A_106 = arith.divf %get3A_90, %add3A_105 : vector<16xf32>
        %add3A_107 = arith.addf %get3A_102, %div3A_106 : vector<16xf32>
        %swap3A_108 = arith.index_cast %scan3A_61 : i32 to index
        %swap3A_109 = arith.constant 16 : index
        %swap3A_110 = tpu.vector_load %arg16[%swap3A_108, %swap3A_109] {strides = array<i32>} : memref<40x64xf32, #tpu.memory_space<vmem>>, vector<1x16xf32>,
        %swap3A_111 = vector.shape_cast %swap3A_110 : vector<1x16xf32> to vector<16xf32>
        %swap3A_112 = vector.shape_cast %add3A_107 : vector<16xf32> to vector<1x16xf32>
        tpu.vector_store %arg16[%swap3A_108, %swap3A_109], %swap3A_112 {strides = array<i32>} : memref<40x64xf32, #tpu.memory_space<vmem>>, vector<1x16xf32>,
        %get3A_113 = arith.index_cast %scan3A_61 : i32 to index
        %get3A_114 = arith.constant 32 : index
        %get3A_115 = tpu.vector_load %arg14[%get3A_113, %get3A_114] {strides = array<i32>} : memref<40x128xf32, #tpu.memory_space<vmem>>, vector<1x16xf32>,
        %get3A_116 = vector.shape_cast %get3A_115 : vector<1x16xf32> to vector<16xf32>
        %get3A_117 = arith.index_cast %scan3A_61 : i32 to index
        %get3A_118 = arith.constant 96 : index
        %get3A_119 = tpu.vector_load %arg14[%get3A_117, %get3A_118] {strides = array<i32>} : memref<40x128xf32, #tpu.memory_space<vmem>>, vector<1x16xf32>,
        %get3A_120 = vector.shape_cast %get3A_119 : vector<1x16xf32> to vector<16xf32>
        %mul3A_121 = arith.constant 64 : i32
        %mul3A_122 = arith.muli %arg0, %mul3A_121 : i32
        %add3A_123 = arith.constant 32 : i32
        %add3A_124 = arith.addi %mul3A_122, %add3A_123 : i32
        %get3A_125 = arith.index_cast %scan3A_61 : i32 to index
        %get3A_126 = arith.index_cast %add3A_124 : i32 to index
        %get3A_127 = tpu.vector_load %arg15[%get3A_125, %get3A_126] {strides = array<i32>} : memref<40x128xf32, #tpu.memory_space<vmem>>, vector<1x16xf32>,
        %get3A_128 = vector.shape_cast %get3A_127 : vector<1x16xf32> to vector<16xf32>
        %add3A_129 = arith.constant 1.000000e-07 : f32
        %add3A_130 = vector.broadcast %add3A_129 : f32 to vector<16xf32>
        %add3A_131 = arith.addf %get3A_120, %add3A_130 : vector<16xf32>
        %div3A_132 = arith.divf %get3A_116, %add3A_131 : vector<16xf32>
        %add3A_133 = arith.addf %get3A_128, %div3A_132 : vector<16xf32>
        %swap3A_134 = arith.index_cast %scan3A_61 : i32 to index
        %swap3A_135 = arith.constant 32 : index
        %swap3A_136 = tpu.vector_load %arg16[%swap3A_134, %swap3A_135] {strides = array<i32>} : memref<40x64xf32, #tpu.memory_space<vmem>>, vector<1x16xf32>,
        %swap3A_137 = vector.shape_cast %swap3A_136 : vector<1x16xf32> to vector<16xf32>
        %swap3A_138 = vector.shape_cast %add3A_133 : vector<16xf32> to vector<1x16xf32>
        tpu.vector_store %arg16[%swap3A_134, %swap3A_135], %swap3A_138 {strides = array<i32>} : memref<40x64xf32, #tpu.memory_space<vmem>>, vector<1x16xf32>,
        %get3A_139 = arith.index_cast %scan3A_61 : i32 to index
        %get3A_140 = arith.constant 48 : index
        %get3A_141 = tpu.vector_load %arg14[%get3A_139, %get3A_140] {strides = array<i32>} : memref<40x128xf32, #tpu.memory_space<vmem>>, vector<1x16xf32>,
        %get3A_142 = vector.shape_cast %get3A_141 : vector<1x16xf32> to vector<16xf32>
        %get3A_143 = arith.index_cast %scan3A_61 : i32 to index
        %get3A_144 = arith.constant 112 : index
        %get3A_145 = tpu.vector_load %arg14[%get3A_143, %get3A_144] {strides = array<i32>} : memref<40x128xf32, #tpu.memory_space<vmem>>, vector<1x16xf32>,
        %get3A_146 = vector.shape_cast %get3A_145 : vector<1x16xf32> to vector<16xf32>
        %mul3A_147 = arith.constant 64 : i32
        %mul3A_148 = arith.muli %arg0, %mul3A_147 : i32
        %add3A_149 = arith.constant 48 : i32
        %add3A_150 = arith.addi %mul3A_148, %add3A_149 : i32
        %get3A_151 = arith.index_cast %scan3A_61 : i32 to index
        %get3A_152 = arith.index_cast %add3A_150 : i32 to index
        %get3A_153 = tpu.vector_load %arg15[%get3A_151, %get3A_152] {strides = array<i32>} : memref<40x128xf32, #tpu.memory_space<vmem>>, vector<1x16xf32>,
        %get3A_154 = vector.shape_cast %get3A_153 : vector<1x16xf32> to vector<16xf32>
        %add3A_155 = arith.constant 1.000000e-07 : f32
        %add3A_156 = vector.broadcast %add3A_155 : f32 to vector<16xf32>
        %add3A_157 = arith.addf %get3A_146, %add3A_156 : vector<16xf32>
        %div3A_158 = arith.divf %get3A_142, %add3A_157 : vector<16xf32>
        %add3A_159 = arith.addf %get3A_154, %div3A_158 : vector<16xf32>
        %swap3A_160 = arith.index_cast %scan3A_61 : i32 to index
        %swap3A_161 = arith.constant 48 : index
        %swap3A_162 = tpu.vector_load %arg16[%swap3A_160, %swap3A_161] {strides = array<i32>} : memref<40x64xf32, #tpu.memory_space<vmem>>, vector<1x16xf32>,
        %swap3A_163 = vector.shape_cast %swap3A_162 : vector<1x16xf32> to vector<16xf32>
        %swap3A_164 = vector.shape_cast %add3A_159 : vector<16xf32> to vector<1x16xf32>
        tpu.vector_store %arg16[%swap3A_160, %swap3A_161], %swap3A_164 {strides = array<i32>} : memref<40x64xf32, #tpu.memory_space<vmem>>, vector<1x16xf32>,
        %scan3A_165 = arith.constant 0 : i32
        scf.yield %scan3A_165 : i32
      }
      %scan3A_59 = arith.constant 40 : i32
      "tpu.region"() ({
        %run_scoped3A = tpu.sem_alloc : memref<!tpu.dma_semaphore, #tpu.memory_space<semaphore_mem>>
        %dma_start3A = arith.constant 0 : i32
        %dma_start3A_61 = tpu.memref_slice %arg7[%multiple_of3A_52, %dma_start3A] : memref<20000x64xf32, #tpu.memory_space<hbm>> -> memref<40x64xf32, #tpu.memory_space<hbm>>
        %dma_start3A_62 = arith.constant 0 : i32
        %dma_start3A_63 = tpu.memref_slice %arg7[%multiple_of3A_52, %dma_start3A_62] : memref<20000x64xf32, #tpu.memory_space<hbm>> -> memref<40x64xf32, #tpu.memory_space<hbm>>
        tpu.enqueue_dma source(%arg16 : memref<40x64xf32, #tpu.memory_space<vmem>>) target(%dma_start3A_63 : memref<40x64xf32, #tpu.memory_space<hbm>>) target_semaphore(%run_scoped3A : memref<!tpu.dma_semaphore, #tpu.memory_space<semaphore_mem>>)
        %dma_wait3A = arith.constant 0 : i32
        %dma_wait3A_64 = tpu.memref_slice %arg7[%multiple_of3A_52, %dma_wait3A] : memref<20000x64xf32, #tpu.memory_space<hbm>> -> memref<40x64xf32, #tpu.memory_space<hbm>>
        %dma_wait3A_65 = arith.constant 0 : i32
        %dma_wait3A_66 = tpu.memref_slice %arg7[%multiple_of3A_52, %dma_wait3A_65] : memref<20000x64xf32, #tpu.memory_space<hbm>> -> memref<40x64xf32, #tpu.memory_space<hbm>>
        tpu.wait_dma2 semaphore(%run_scoped3A : memref<!tpu.dma_semaphore, #tpu.memory_space<semaphore_mem>>) src(%arg16 : memref<40x64xf32, #tpu.memory_space<vmem>>) dst(%dma_wait3A_66 : memref<40x64xf32, #tpu.memory_space<hbm>>)
        tpu.yield
      }) : () -> ()
      %while3A_60 = arith.constant 0 : i32
      scf.yield %while3A_60 : i32
    }
    %while3A_42 = arith.constant 1 : i32
    %while3A_43 = scf.for %while3A_44 = %while3A_39 to %while3A_35 step %while3A_42 iter_args(%while3A_45 = %while3A_41) -> (i32)  : i32 {
      %mul3A_46 = arith.constant 40 : i32
      %mul3A_47 = arith.muli %while3A_44, %mul3A_46 : i32
      %add3A = arith.addi %mul3A_0, %mul3A_47 : i32
      %multiple_of3A = tpu.assume_multiple %add3A, 8 : i32
      %add3A_48 = arith.addi %mul3A_2, %mul3A_0 : i32
      %mul3A_49 = arith.constant 40 : i32
      %mul3A_50 = arith.muli %while3A_44, %mul3A_49 : i32
      %add3A_51 = arith.addi %add3A_48, %mul3A_50 : i32
      %multiple_of3A_52 = tpu.assume_multiple %add3A_51, 8 : i32
      "tpu.region"() ({
        %run_scoped3A = tpu.sem_alloc : memref<!tpu.dma_semaphore, #tpu.memory_space<semaphore_mem>>
        %dma_start3A = arith.constant 0 : i32
        %dma_start3A_61 = tpu.memref_slice %arg8[%multiple_of3A, %dma_start3A] : memref<10000x128xf32, #tpu.memory_space<vmem_shared>> -> memref<40x128xf32, #tpu.memory_space<vmem_shared>>
        %dma_start3A_62 = arith.constant 0 : i32
        %dma_start3A_63 = tpu.memref_slice %arg8[%multiple_of3A, %dma_start3A_62] : memref<10000x128xf32, #tpu.memory_space<vmem_shared>> -> memref<40x128xf32, #tpu.memory_space<vmem_shared>>
        tpu.enqueue_dma source(%dma_start3A_63 : memref<40x128xf32, #tpu.memory_space<vmem_shared>>) target(%arg14 : memref<40x128xf32, #tpu.memory_space<vmem>>) target_semaphore(%run_scoped3A : memref<!tpu.dma_semaphore, #tpu.memory_space<semaphore_mem>>)
        %dma_wait3A = arith.constant 0 : i32
        %dma_wait3A_64 = tpu.memref_slice %arg8[%multiple_of3A, %dma_wait3A] : memref<10000x128xf32, #tpu.memory_space<vmem_shared>> -> memref<40x128xf32, #tpu.memory_space<vmem_shared>>
        %dma_wait3A_65 = arith.constant 0 : i32
        %dma_wait3A_66 = tpu.memref_slice %arg8[%multiple_of3A, %dma_wait3A_65] : memref<10000x128xf32, #tpu.memory_space<vmem_shared>> -> memref<40x128xf32, #tpu.memory_space<vmem_shared>>
        tpu.wait_dma2 semaphore(%run_scoped3A : memref<!tpu.dma_semaphore, #tpu.memory_space<semaphore_mem>>) src(%dma_wait3A_66 : memref<40x128xf32, #tpu.memory_space<vmem_shared>>) dst(%arg14 : memref<40x128xf32, #tpu.memory_space<vmem>>)
        tpu.yield
      }) : () -> ()
      "tpu.region"() ({
        %run_scoped3A = tpu.sem_alloc : memref<!tpu.dma_semaphore, #tpu.memory_space<semaphore_mem>>
        %dma_start3A = arith.constant 0 : i32
        %dma_start3A_61 = tpu.memref_slice %arg2[%multiple_of3A, %dma_start3A] : memref<10000x128xf32, #tpu.memory_space<hbm>> -> memref<40x128xf32, #tpu.memory_space<hbm>>
        %dma_start3A_62 = arith.constant 0 : i32
        %dma_start3A_63 = tpu.memref_slice %arg2[%multiple_of3A, %dma_start3A_62] : memref<10000x128xf32, #tpu.memory_space<hbm>> -> memref<40x128xf32, #tpu.memory_space<hbm>>
        tpu.enqueue_dma source(%dma_start3A_63 : memref<40x128xf32, #tpu.memory_space<hbm>>) target(%arg15 : memref<40x128xf32, #tpu.memory_space<vmem>>) target_semaphore(%run_scoped3A : memref<!tpu.dma_semaphore, #tpu.memory_space<semaphore_mem>>)
        %dma_wait3A = arith.constant 0 : i32
        %dma_wait3A_64 = tpu.memref_slice %arg2[%multiple_of3A, %dma_wait3A] : memref<10000x128xf32, #tpu.memory_space<hbm>> -> memref<40x128xf32, #tpu.memory_space<hbm>>
        %dma_wait3A_65 = arith.constant 0 : i32
        %dma_wait3A_66 = tpu.memref_slice %arg2[%multiple_of3A, %dma_wait3A_65] : memref<10000x128xf32, #tpu.memory_space<hbm>> -> memref<40x128xf32, #tpu.memory_space<hbm>>
        tpu.wait_dma2 semaphore(%run_scoped3A : memref<!tpu.dma_semaphore, #tpu.memory_space<semaphore_mem>>) src(%dma_wait3A_66 : memref<40x128xf32, #tpu.memory_space<hbm>>) dst(%arg15 : memref<40x128xf32, #tpu.memory_space<vmem>>)
        tpu.yield
      }) : () -> ()
      %scan3A_53 = arith.constant 0 : i32
      %scan3A_54 = arith.constant 0 : i32
      %scan3A_55 = arith.constant 40 : i32
      %scan3A_56 = arith.addi %scan3A_54, %scan3A_55 : i32
      %scan3A_57 = arith.constant 1 : i32
      %scan3A_58 = scf.for %scan3A_61 = %scan3A_54 to %scan3A_56 step %scan3A_57 iter_args(%scan3A_62 = %scan3A_53) -> (i32)  : i32 {
        %get3A_63 = arith.index_cast %scan3A_61 : i32 to index
        %get3A_64 = arith.constant 0 : index
        %get3A_65 = tpu.vector_load %arg14[%get3A_63, %get3A_64] {strides = array<i32>} : memref<40x128xf32, #tpu.memory_space<vmem>>, vector<1x16xf32>,
        %get3A_66 = vector.shape_cast %get3A_65 : vector<1x16xf32> to vector<16xf32>
        %get3A_67 = arith.index_cast %scan3A_61 : i32 to index
        %get3A_68 = arith.constant 64 : index
        %get3A_69 = tpu.vector_load %arg14[%get3A_67, %get3A_68] {strides = array<i32>} : memref<40x128xf32, #tpu.memory_space<vmem>>, vector<1x16xf32>,
        %get3A_70 = vector.shape_cast %get3A_69 : vector<1x16xf32> to vector<16xf32>
        %mul3A_71 = arith.constant 64 : i32
        %mul3A_72 = arith.muli %arg0, %mul3A_71 : i32
        %add3A_73 = arith.constant 0 : i32
        %add3A_74 = arith.addi %mul3A_72, %add3A_73 : i32
        %get3A_75 = arith.index_cast %scan3A_61 : i32 to index
        %get3A_76 = arith.index_cast %add3A_74 : i32 to index
        %get3A_77 = tpu.vector_load %arg15[%get3A_75, %get3A_76] {strides = array<i32>} : memref<40x128xf32, #tpu.memory_space<vmem>>, vector<1x16xf32>,
        %get3A_78 = vector.shape_cast %get3A_77 : vector<1x16xf32> to vector<16xf32>
        %add3A_79 = arith.constant 1.000000e-07 : f32
        %add3A_80 = vector.broadcast %add3A_79 : f32 to vector<16xf32>
        %add3A_81 = arith.addf %get3A_70, %add3A_80 : vector<16xf32>
        %div3A = arith.divf %get3A_66, %add3A_81 : vector<16xf32>
        %add3A_82 = arith.addf %get3A_78, %div3A : vector<16xf32>
        %swap3A = arith.index_cast %scan3A_61 : i32 to index
        %swap3A_83 = arith.constant 0 : index
        %swap3A_84 = tpu.vector_load %arg16[%swap3A, %swap3A_83] {strides = array<i32>} : memref<40x64xf32, #tpu.memory_space<vmem>>, vector<1x16xf32>,
        %swap3A_85 = vector.shape_cast %swap3A_84 : vector<1x16xf32> to vector<16xf32>
        %swap3A_86 = vector.shape_cast %add3A_82 : vector<16xf32> to vector<1x16xf32>
        tpu.vector_store %arg16[%swap3A, %swap3A_83], %swap3A_86 {strides = array<i32>} : memref<40x64xf32, #tpu.memory_space<vmem>>, vector<1x16xf32>,
        %get3A_87 = arith.index_cast %scan3A_61 : i32 to index
        %get3A_88 = arith.constant 16 : index
        %get3A_89 = tpu.vector_load %arg14[%get3A_87, %get3A_88] {strides = array<i32>} : memref<40x128xf32, #tpu.memory_space<vmem>>, vector<1x16xf32>,
        %get3A_90 = vector.shape_cast %get3A_89 : vector<1x16xf32> to vector<16xf32>
        %get3A_91 = arith.index_cast %scan3A_61 : i32 to index
        %get3A_92 = arith.constant 80 : index
        %get3A_93 = tpu.vector_load %arg14[%get3A_91, %get3A_92] {strides = array<i32>} : memref<40x128xf32, #tpu.memory_space<vmem>>, vector<1x16xf32>,
        %get3A_94 = vector.shape_cast %get3A_93 : vector<1x16xf32> to vector<16xf32>
        %mul3A_95 = arith.constant 64 : i32
        %mul3A_96 = arith.muli %arg0, %mul3A_95 : i32
        %add3A_97 = arith.constant 16 : i32
        %add3A_98 = arith.addi %mul3A_96, %add3A_97 : i32
        %get3A_99 = arith.index_cast %scan3A_61 : i32 to index
        %get3A_100 = arith.index_cast %add3A_98 : i32 to index
        %get3A_101 = tpu.vector_load %arg15[%get3A_99, %get3A_100] {strides = array<i32>} : memref<40x128xf32, #tpu.memory_space<vmem>>, vector<1x16xf32>,
        %get3A_102 = vector.shape_cast %get3A_101 : vector<1x16xf32> to vector<16xf32>
        %add3A_103 = arith.constant 1.000000e-07 : f32
        %add3A_104 = vector.broadcast %add3A_103 : f32 to vector<16xf32>
        %add3A_105 = arith.addf %get3A_94, %add3A_104 : vector<16xf32>
        %div3A_106 = arith.divf %get3A_90, %add3A_105 : vector<16xf32>
        %add3A_107 = arith.addf %get3A_102, %div3A_106 : vector<16xf32>
        %swap3A_108 = arith.index_cast %scan3A_61 : i32 to index
        %swap3A_109 = arith.constant 16 : index
        %swap3A_110 = tpu.vector_load %arg16[%swap3A_108, %swap3A_109] {strides = array<i32>} : memref<40x64xf32, #tpu.memory_space<vmem>>, vector<1x16xf32>,
        %swap3A_111 = vector.shape_cast %swap3A_110 : vector<1x16xf32> to vector<16xf32>
        %swap3A_112 = vector.shape_cast %add3A_107 : vector<16xf32> to vector<1x16xf32>
        tpu.vector_store %arg16[%swap3A_108, %swap3A_109], %swap3A_112 {strides = array<i32>} : memref<40x64xf32, #tpu.memory_space<vmem>>, vector<1x16xf32>,
        %get3A_113 = arith.index_cast %scan3A_61 : i32 to index
        %get3A_114 = arith.constant 32 : index
        %get3A_115 = tpu.vector_load %arg14[%get3A_113, %get3A_114] {strides = array<i32>} : memref<40x128xf32, #tpu.memory_space<vmem>>, vector<1x16xf32>,
        %get3A_116 = vector.shape_cast %get3A_115 : vector<1x16xf32> to vector<16xf32>
        %get3A_117 = arith.index_cast %scan3A_61 : i32 to index
        %get3A_118 = arith.constant 96 : index
        %get3A_119 = tpu.vector_load %arg14[%get3A_117, %get3A_118] {strides = array<i32>} : memref<40x128xf32, #tpu.memory_space<vmem>>, vector<1x16xf32>,
        %get3A_120 = vector.shape_cast %get3A_119 : vector<1x16xf32> to vector<16xf32>
        %mul3A_121 = arith.constant 64 : i32
        %mul3A_122 = arith.muli %arg0, %mul3A_121 : i32
        %add3A_123 = arith.constant 32 : i32
        %add3A_124 = arith.addi %mul3A_122, %add3A_123 : i32
        %get3A_125 = arith.index_cast %scan3A_61 : i32 to index
        %get3A_126 = arith.index_cast %add3A_124 : i32 to index
        %get3A_127 = tpu.vector_load %arg15[%get3A_125, %get3A_126] {strides = array<i32>} : memref<40x128xf32, #tpu.memory_space<vmem>>, vector<1x16xf32>,
        %get3A_128 = vector.shape_cast %get3A_127 : vector<1x16xf32> to vector<16xf32>
        %add3A_129 = arith.constant 1.000000e-07 : f32
        %add3A_130 = vector.broadcast %add3A_129 : f32 to vector<16xf32>
        %add3A_131 = arith.addf %get3A_120, %add3A_130 : vector<16xf32>
        %div3A_132 = arith.divf %get3A_116, %add3A_131 : vector<16xf32>
        %add3A_133 = arith.addf %get3A_128, %div3A_132 : vector<16xf32>
        %swap3A_134 = arith.index_cast %scan3A_61 : i32 to index
        %swap3A_135 = arith.constant 32 : index
        %swap3A_136 = tpu.vector_load %arg16[%swap3A_134, %swap3A_135] {strides = array<i32>} : memref<40x64xf32, #tpu.memory_space<vmem>>, vector<1x16xf32>,
        %swap3A_137 = vector.shape_cast %swap3A_136 : vector<1x16xf32> to vector<16xf32>
        %swap3A_138 = vector.shape_cast %add3A_133 : vector<16xf32> to vector<1x16xf32>
        tpu.vector_store %arg16[%swap3A_134, %swap3A_135], %swap3A_138 {strides = array<i32>} : memref<40x64xf32, #tpu.memory_space<vmem>>, vector<1x16xf32>,
        %get3A_139 = arith.index_cast %scan3A_61 : i32 to index
        %get3A_140 = arith.constant 48 : index
        %get3A_141 = tpu.vector_load %arg14[%get3A_139, %get3A_140] {strides = array<i32>} : memref<40x128xf32, #tpu.memory_space<vmem>>, vector<1x16xf32>,
        %get3A_142 = vector.shape_cast %get3A_141 : vector<1x16xf32> to vector<16xf32>
        %get3A_143 = arith.index_cast %scan3A_61 : i32 to index
        %get3A_144 = arith.constant 112 : index
        %get3A_145 = tpu.vector_load %arg14[%get3A_143, %get3A_144] {strides = array<i32>} : memref<40x128xf32, #tpu.memory_space<vmem>>, vector<1x16xf32>,
        %get3A_146 = vector.shape_cast %get3A_145 : vector<1x16xf32> to vector<16xf32>
        %mul3A_147 = arith.constant 64 : i32
        %mul3A_148 = arith.muli %arg0, %mul3A_147 : i32
        %add3A_149 = arith.constant 48 : i32
        %add3A_150 = arith.addi %mul3A_148, %add3A_149 : i32
        %get3A_151 = arith.index_cast %scan3A_61 : i32 to index
        %get3A_152 = arith.index_cast %add3A_150 : i32 to index
        %get3A_153 = tpu.vector_load %arg15[%get3A_151, %get3A_152] {strides = array<i32>} : memref<40x128xf32, #tpu.memory_space<vmem>>, vector<1x16xf32>,
        %get3A_154 = vector.shape_cast %get3A_153 : vector<1x16xf32> to vector<16xf32>
        %add3A_155 = arith.constant 1.000000e-07 : f32
        %add3A_156 = vector.broadcast %add3A_155 : f32 to vector<16xf32>
        %add3A_157 = arith.addf %get3A_146, %add3A_156 : vector<16xf32>
        %div3A_158 = arith.divf %get3A_142, %add3A_157 : vector<16xf32>
        %add3A_159 = arith.addf %get3A_154, %div3A_158 : vector<16xf32>
        %swap3A_160 = arith.index_cast %scan3A_61 : i32 to index
        %swap3A_161 = arith.constant 48 : index
        %swap3A_162 = tpu.vector_load %arg16[%swap3A_160, %swap3A_161] {strides = array<i32>} : memref<40x64xf32, #tpu.memory_space<vmem>>, vector<1x16xf32>,
        %swap3A_163 = vector.shape_cast %swap3A_162 : vector<1x16xf32> to vector<16xf32>
        %swap3A_164 = vector.shape_cast %add3A_159 : vector<16xf32> to vector<1x16xf32>
        tpu.vector_store %arg16[%swap3A_160, %swap3A_161], %swap3A_164 {strides = array<i32>} : memref<40x64xf32, #tpu.memory_space<vmem>>, vector<1x16xf32>,
        %scan3A_165 = arith.constant 0 : i32
        scf.yield %scan3A_165 : i32
      }
      %scan3A_59 = arith.constant 40 : i32
      "tpu.region"() ({
        %run_scoped3A = tpu.sem_alloc : memref<!tpu.dma_semaphore, #tpu.memory_space<semaphore_mem>>
        %dma_start3A = arith.constant 0 : i32
        %dma_start3A_61 = tpu.memref_slice %arg7[%multiple_of3A_52, %dma_start3A] : memref<20000x64xf32, #tpu.memory_space<hbm>> -> memref<40x64xf32, #tpu.memory_space<hbm>>
        %dma_start3A_62 = arith.constant 0 : i32
        %dma_start3A_63 = tpu.memref_slice %arg7[%multiple_of3A_52, %dma_start3A_62] : memref<20000x64xf32, #tpu.memory_space<hbm>> -> memref<40x64xf32, #tpu.memory_space<hbm>>
        tpu.enqueue_dma source(%arg16 : memref<40x64xf32, #tpu.memory_space<vmem>>) target(%dma_start3A_63 : memref<40x64xf32, #tpu.memory_space<hbm>>) target_semaphore(%run_scoped3A : memref<!tpu.dma_semaphore, #tpu.memory_space<semaphore_mem>>)
        %dma_wait3A = arith.constant 0 : i32
        %dma_wait3A_64 = tpu.memref_slice %arg7[%multiple_of3A_52, %dma_wait3A] : memref<20000x64xf32, #tpu.memory_space<hbm>> -> memref<40x64xf32, #tpu.memory_space<hbm>>
        %dma_wait3A_65 = arith.constant 0 : i32
        %dma_wait3A_66 = tpu.memref_slice %arg7[%multiple_of3A_52, %dma_wait3A_65] : memref<20000x64xf32, #tpu.memory_space<hbm>> -> memref<40x64xf32, #tpu.memory_space<hbm>>
        tpu.wait_dma2 semaphore(%run_scoped3A : memref<!tpu.dma_semaphore, #tpu.memory_space<semaphore_mem>>) src(%arg16 : memref<40x64xf32, #tpu.memory_space<vmem>>) dst(%dma_wait3A_66 : memref<40x64xf32, #tpu.memory_space<hbm>>)
        tpu.yield
      }) : () -> ()
      %while3A_60 = arith.constant 0 : i32
      scf.yield %while3A_60 : i32
    }
    return
  }
}

#map = affine_map<(d0, d1) -> (0, 0)>
#map1 = affine_map<(d0, d1) -> (0, 0, 0)>
#map2 = affine_map<(d0, d1) -> (0)>
module attributes {stable_mosaic.version = 14 : i64} {
  func.func @_sc_msgpass(%arg0: i32, %arg1: i32, %arg2: memref<10000x128xf32, #tpu.memory_space<hbm>>, %arg3: memref<2x320000x64xf32, #tpu.memory_space<hbm>>, %arg4: memref<320000xi32, #tpu.memory_space<hbm>>, %arg5: memref<320000xi32, #tpu.memory_space<hbm>>, %arg6: memref<16xf32, #tpu.memory_space<hbm>>, %arg7: memref<20000x64xf32, #tpu.memory_space<hbm>>, %arg8: memref<10000x128xf32, #tpu.memory_space<vmem_shared>>, %arg9: memref<80xi32, #tpu.memory_space<vmem>>, %arg10: memref<80xi32, #tpu.memory_space<vmem>>, %arg11: memref<80x128xf32, #tpu.memory_space<vmem>>, %arg12: memref<80x64xf32, #tpu.memory_space<vmem>>, %arg13: memref<80x128xf32, #tpu.memory_space<vmem>>, %arg14: memref<40x128xf32, #tpu.memory_space<vmem>>, %arg15: memref<40x128xf32, #tpu.memory_space<vmem>>, %arg16: memref<40x64xf32, #tpu.memory_space<vmem>>, %arg17: memref<16xf32, #tpu.memory_space<vmem>>, %arg18: memref<!tpu.dma_semaphore, #tpu.memory_space<semaphore_mem>>) attributes {dimension_semantics = [#tpu.dimension_semantics<core_parallel>, #tpu.dimension_semantics<subcore_parallel>], iteration_bounds = array<i64: 2, 16>, scalar_prefetch = 0 : i64, scratch_operands = 11 : i64, tpu.core_type = #tpu.core_type<sc_vector_subcore>, window_params = [{transform_indices = #map}, {transform_indices = #map1}, {transform_indices = #map2}, {transform_indices = #map2}, {transform_indices = #map2}, {transform_indices = #map}]} {
    %mul3A = arith.constant 640 : i32
    %mul3A_0 = arith.muli %arg1, %mul3A : i32
    %mul3A_1 = arith.constant 10000 : i32
    %mul3A_2 = arith.muli %arg0, %mul3A_1 : i32
    %eq3A = arith.constant 15 : i32
    %eq3A_3 = arith.cmpi eq, %arg1, %eq3A : i32
    %jit3A = arith.constant 10 : i32
    %jit3A_4 = arith.constant 16 : i32
    %select_n3A = arith.select %eq3A_3, %jit3A, %jit3A_4 : i32
    %scan3A = arith.constant 0 : i32
    %scan3A_5 = arith.constant 0 : i32
    %scan3A_6 = arith.constant 40 : i32
    %scan3A_7 = arith.addi %scan3A_5, %scan3A_6 : i32
    %scan3A_8 = arith.constant 1 : i32
    %scan3A_9 = scf.for %scan3A_44 = %scan3A_5 to %scan3A_7 step %scan3A_8 iter_args(%scan3A_45 = %scan3A) -> (i32)  : i32 {
      %broadcast_in_dim3A = arith.constant 0.000000e+00 : f32
      %broadcast_in_dim3A_46 = vector.broadcast %broadcast_in_dim3A : f32 to vector<16xf32>
      %swap3A = arith.index_cast %scan3A_44 : i32 to index
      %swap3A_47 = arith.constant 0 : index
      %swap3A_48 = tpu.vector_load %arg14[%swap3A, %swap3A_47] {strides = array<i32>} : memref<40x128xf32, #tpu.memory_space<vmem>>, vector<1x16xf32>,
      %swap3A_49 = vector.shape_cast %swap3A_48 : vector<1x16xf32> to vector<16xf32>
      %swap3A_50 = vector.shape_cast %broadcast_in_dim3A_46 : vector<16xf32> to vector<1x16xf32>
      tpu.vector_store %arg14[%swap3A, %swap3A_47], %swap3A_50 {strides = array<i32>} : memref<40x128xf32, #tpu.memory_space<vmem>>, vector<1x16xf32>,
      %broadcast_in_dim3A_51 = arith.constant 0.000000e+00 : f32
      %broadcast_in_dim3A_52 = vector.broadcast %broadcast_in_dim3A_51 : f32 to vector<16xf32>
      %swap3A_53 = arith.index_cast %scan3A_44 : i32 to index
      %swap3A_54 = arith.constant 16 : index
      %swap3A_55 = tpu.vector_load %arg14[%swap3A_53, %swap3A_54] {strides = array<i32>} : memref<40x128xf32, #tpu.memory_space<vmem>>, vector<1x16xf32>,
      %swap3A_56 = vector.shape_cast %swap3A_55 : vector<1x16xf32> to vector<16xf32>
      %swap3A_57 = vector.shape_cast %broadcast_in_dim3A_52 : vector<16xf32> to vector<1x16xf32>
      tpu.vector_store %arg14[%swap3A_53, %swap3A_54], %swap3A_57 {strides = array<i32>} : memref<40x128xf32, #tpu.memory_space<vmem>>, vector<1x16xf32>,
      %broadcast_in_dim3A_58 = arith.constant 0.000000e+00 : f32
      %broadcast_in_dim3A_59 = vector.broadcast %broadcast_in_dim3A_58 : f32 to vector<16xf32>
      %swap3A_60 = arith.index_cast %scan3A_44 : i32 to index
      %swap3A_61 = arith.constant 32 : index
      %swap3A_62 = tpu.vector_load %arg14[%swap3A_60, %swap3A_61] {strides = array<i32>} : memref<40x128xf32, #tpu.memory_space<vmem>>, vector<1x16xf32>,
      %swap3A_63 = vector.shape_cast %swap3A_62 : vector<1x16xf32> to vector<16xf32>
      %swap3A_64 = vector.shape_cast %broadcast_in_dim3A_59 : vector<16xf32> to vector<1x16xf32>
      tpu.vector_store %arg14[%swap3A_60, %swap3A_61], %swap3A_64 {strides = array<i32>} : memref<40x128xf32, #tpu.memory_space<vmem>>, vector<1x16xf32>,
      %broadcast_in_dim3A_65 = arith.constant 0.000000e+00 : f32
      %broadcast_in_dim3A_66 = vector.broadcast %broadcast_in_dim3A_65 : f32 to vector<16xf32>
      %swap3A_67 = arith.index_cast %scan3A_44 : i32 to index
      %swap3A_68 = arith.constant 48 : index
      %swap3A_69 = tpu.vector_load %arg14[%swap3A_67, %swap3A_68] {strides = array<i32>} : memref<40x128xf32, #tpu.memory_space<vmem>>, vector<1x16xf32>,
      %swap3A_70 = vector.shape_cast %swap3A_69 : vector<1x16xf32> to vector<16xf32>
      %swap3A_71 = vector.shape_cast %broadcast_in_dim3A_66 : vector<16xf32> to vector<1x16xf32>
      tpu.vector_store %arg14[%swap3A_67, %swap3A_68], %swap3A_71 {strides = array<i32>} : memref<40x128xf32, #tpu.memory_space<vmem>>, vector<1x16xf32>,
      %broadcast_in_dim3A_72 = arith.constant 0.000000e+00 : f32
      %broadcast_in_dim3A_73 = vector.broadcast %broadcast_in_dim3A_72 : f32 to vector<16xf32>
      %swap3A_74 = arith.index_cast %scan3A_44 : i32 to index
      %swap3A_75 = arith.constant 64 : index
      %swap3A_76 = tpu.vector_load %arg14[%swap3A_74, %swap3A_75] {strides = array<i32>} : memref<40x128xf32, #tpu.memory_space<vmem>>, vector<1x16xf32>,
      %swap3A_77 = vector.shape_cast %swap3A_76 : vector<1x16xf32> to vector<16xf32>
      %swap3A_78 = vector.shape_cast %broadcast_in_dim3A_73 : vector<16xf32> to vector<1x16xf32>
      tpu.vector_store %arg14[%swap3A_74, %swap3A_75], %swap3A_78 {strides = array<i32>} : memref<40x128xf32, #tpu.memory_space<vmem>>, vector<1x16xf32>,
      %broadcast_in_dim3A_79 = arith.constant 0.000000e+00 : f32
      %broadcast_in_dim3A_80 = vector.broadcast %broadcast_in_dim3A_79 : f32 to vector<16xf32>
      %swap3A_81 = arith.index_cast %scan3A_44 : i32 to index
      %swap3A_82 = arith.constant 80 : index
      %swap3A_83 = tpu.vector_load %arg14[%swap3A_81, %swap3A_82] {strides = array<i32>} : memref<40x128xf32, #tpu.memory_space<vmem>>, vector<1x16xf32>,
      %swap3A_84 = vector.shape_cast %swap3A_83 : vector<1x16xf32> to vector<16xf32>
      %swap3A_85 = vector.shape_cast %broadcast_in_dim3A_80 : vector<16xf32> to vector<1x16xf32>
      tpu.vector_store %arg14[%swap3A_81, %swap3A_82], %swap3A_85 {strides = array<i32>} : memref<40x128xf32, #tpu.memory_space<vmem>>, vector<1x16xf32>,
      %broadcast_in_dim3A_86 = arith.constant 0.000000e+00 : f32
      %broadcast_in_dim3A_87 = vector.broadcast %broadcast_in_dim3A_86 : f32 to vector<16xf32>
      %swap3A_88 = arith.index_cast %scan3A_44 : i32 to index
      %swap3A_89 = arith.constant 96 : index
      %swap3A_90 = tpu.vector_load %arg14[%swap3A_88, %swap3A_89] {strides = array<i32>} : memref<40x128xf32, #tpu.memory_space<vmem>>, vector<1x16xf32>,
      %swap3A_91 = vector.shape_cast %swap3A_90 : vector<1x16xf32> to vector<16xf32>
      %swap3A_92 = vector.shape_cast %broadcast_in_dim3A_87 : vector<16xf32> to vector<1x16xf32>
      tpu.vector_store %arg14[%swap3A_88, %swap3A_89], %swap3A_92 {strides = array<i32>} : memref<40x128xf32, #tpu.memory_space<vmem>>, vector<1x16xf32>,
      %broadcast_in_dim3A_93 = arith.constant 0.000000e+00 : f32
      %broadcast_in_dim3A_94 = vector.broadcast %broadcast_in_dim3A_93 : f32 to vector<16xf32>
      %swap3A_95 = arith.index_cast %scan3A_44 : i32 to index
      %swap3A_96 = arith.constant 112 : index
      %swap3A_97 = tpu.vector_load %arg14[%swap3A_95, %swap3A_96] {strides = array<i32>} : memref<40x128xf32, #tpu.memory_space<vmem>>, vector<1x16xf32>,
      %swap3A_98 = vector.shape_cast %swap3A_97 : vector<1x16xf32> to vector<16xf32>
      %swap3A_99 = vector.shape_cast %broadcast_in_dim3A_94 : vector<16xf32> to vector<1x16xf32>
      tpu.vector_store %arg14[%swap3A_95, %swap3A_96], %swap3A_99 {strides = array<i32>} : memref<40x128xf32, #tpu.memory_space<vmem>>, vector<1x16xf32>,
      %scan3A_100 = arith.constant 0 : i32
      scf.yield %scan3A_100 : i32
    }
    %scan3A_10 = arith.constant 40 : i32
    %while3A = arith.constant 0 : i32
    %while3A_11 = arith.constant 0 : i32
    %while3A_12 = arith.subi %select_n3A, %while3A : i32
    %while3A_13 = arith.addi %while3A, %while3A_12 : i32
    %while3A_14 = arith.constant 1 : i32
    %while3A_15 = arith.divsi %while3A_12, %while3A_14 : i32
    %while3A_16 = arith.muli %while3A_15, %while3A_14 : i32
    %while3A_17 = arith.addi %while3A, %while3A_16 : i32
    %while3A_18 = arith.constant 1 : i32
    %while3A_19 = scf.for %while3A_44 = %while3A to %while3A_17 step %while3A_18 iter_args(%while3A_45 = %while3A_11) -> (i32)  : i32 {
      %mul3A_46 = arith.constant 40 : i32
      %mul3A_47 = arith.muli %while3A_44, %mul3A_46 : i32
      %add3A = arith.addi %mul3A_0, %mul3A_47 : i32
      %multiple_of3A = tpu.assume_multiple %add3A, 8 : i32
      "tpu.region"() ({
        %run_scoped3A = tpu.sem_alloc : memref<!tpu.dma_semaphore, #tpu.memory_space<semaphore_mem>>
        %dma_start3A = arith.constant 0 : i32
        %dma_start3A_49 = tpu.memref_slice %arg8[%multiple_of3A, %dma_start3A] : memref<10000x128xf32, #tpu.memory_space<vmem_shared>> -> memref<40x128xf32, #tpu.memory_space<vmem_shared>>
        %dma_start3A_50 = arith.constant 0 : i32
        %dma_start3A_51 = tpu.memref_slice %arg8[%multiple_of3A, %dma_start3A_50] : memref<10000x128xf32, #tpu.memory_space<vmem_shared>> -> memref<40x128xf32, #tpu.memory_space<vmem_shared>>
        tpu.enqueue_dma source(%arg14 : memref<40x128xf32, #tpu.memory_space<vmem>>) target(%dma_start3A_51 : memref<40x128xf32, #tpu.memory_space<vmem_shared>>) target_semaphore(%run_scoped3A : memref<!tpu.dma_semaphore, #tpu.memory_space<semaphore_mem>>)
        %dma_wait3A = arith.constant 0 : i32
        %dma_wait3A_52 = tpu.memref_slice %arg8[%multiple_of3A, %dma_wait3A] : memref<10000x128xf32, #tpu.memory_space<vmem_shared>> -> memref<40x128xf32, #tpu.memory_space<vmem_shared>>
        %dma_wait3A_53 = arith.constant 0 : i32
        %dma_wait3A_54 = tpu.memref_slice %arg8[%multiple_of3A, %dma_wait3A_53] : memref<10000x128xf32, #tpu.memory_space<vmem_shared>> -> memref<40x128xf32, #tpu.memory_space<vmem_shared>>
        tpu.wait_dma2 semaphore(%run_scoped3A : memref<!tpu.dma_semaphore, #tpu.memory_space<semaphore_mem>>) src(%arg14 : memref<40x128xf32, #tpu.memory_space<vmem>>) dst(%dma_wait3A_54 : memref<40x128xf32, #tpu.memory_space<vmem_shared>>)
        tpu.yield
      }) : () -> ()
      %while3A_48 = arith.constant 0 : i32
      scf.yield %while3A_48 : i32
    }
    %while3A_20 = arith.constant 1 : i32
    %while3A_21 = scf.for %while3A_44 = %while3A_17 to %while3A_13 step %while3A_20 iter_args(%while3A_45 = %while3A_19) -> (i32)  : i32 {
      %mul3A_46 = arith.constant 40 : i32
      %mul3A_47 = arith.muli %while3A_44, %mul3A_46 : i32
      %add3A = arith.addi %mul3A_0, %mul3A_47 : i32
      %multiple_of3A = tpu.assume_multiple %add3A, 8 : i32
      "tpu.region"() ({
        %run_scoped3A = tpu.sem_alloc : memref<!tpu.dma_semaphore, #tpu.memory_space<semaphore_mem>>
        %dma_start3A = arith.constant 0 : i32
        %dma_start3A_49 = tpu.memref_slice %arg8[%multiple_of3A, %dma_start3A] : memref<10000x128xf32, #tpu.memory_space<vmem_shared>> -> memref<40x128xf32, #tpu.memory_space<vmem_shared>>
        %dma_start3A_50 = arith.constant 0 : i32
        %dma_start3A_51 = tpu.memref_slice %arg8[%multiple_of3A, %dma_start3A_50] : memref<10000x128xf32, #tpu.memory_space<vmem_shared>> -> memref<40x128xf32, #tpu.memory_space<vmem_shared>>
        tpu.enqueue_dma source(%arg14 : memref<40x128xf32, #tpu.memory_space<vmem>>) target(%dma_start3A_51 : memref<40x128xf32, #tpu.memory_space<vmem_shared>>) target_semaphore(%run_scoped3A : memref<!tpu.dma_semaphore, #tpu.memory_space<semaphore_mem>>)
        %dma_wait3A = arith.constant 0 : i32
        %dma_wait3A_52 = tpu.memref_slice %arg8[%multiple_of3A, %dma_wait3A] : memref<10000x128xf32, #tpu.memory_space<vmem_shared>> -> memref<40x128xf32, #tpu.memory_space<vmem_shared>>
        %dma_wait3A_53 = arith.constant 0 : i32
        %dma_wait3A_54 = tpu.memref_slice %arg8[%multiple_of3A, %dma_wait3A_53] : memref<10000x128xf32, #tpu.memory_space<vmem_shared>> -> memref<40x128xf32, #tpu.memory_space<vmem_shared>>
        tpu.wait_dma2 semaphore(%run_scoped3A : memref<!tpu.dma_semaphore, #tpu.memory_space<semaphore_mem>>) src(%arg14 : memref<40x128xf32, #tpu.memory_space<vmem>>) dst(%dma_wait3A_54 : memref<40x128xf32, #tpu.memory_space<vmem_shared>>)
        tpu.yield
      }) : () -> ()
      %while3A_48 = arith.constant 0 : i32
      scf.yield %while3A_48 : i32
    }
    "tpu.region"() ({
      %run_scoped3A = tpu.sem_alloc : memref<!tpu.dma_semaphore, #tpu.memory_space<semaphore_mem>>
      tpu.enqueue_dma source(%arg6 : memref<16xf32, #tpu.memory_space<hbm>>) target(%arg17 : memref<16xf32, #tpu.memory_space<vmem>>) target_semaphore(%run_scoped3A : memref<!tpu.dma_semaphore, #tpu.memory_space<semaphore_mem>>)
      tpu.wait_dma2 semaphore(%run_scoped3A : memref<!tpu.dma_semaphore, #tpu.memory_space<semaphore_mem>>) src(%arg6 : memref<16xf32, #tpu.memory_space<hbm>>) dst(%arg17 : memref<16xf32, #tpu.memory_space<vmem>>)
      tpu.yield
    }) : () -> ()
    %barrier3A = arith.constant 0 : index
    tpu.barrier barrier_id(%barrier3A)
    %get3A = arith.constant 0 : index
    %get3A_22 = tpu.vector_load %arg17[%get3A] {strides = array<i32>} : memref<16xf32, #tpu.memory_space<vmem>>, vector<16xf32>,
    %get3A_23 = vector.shape_cast %get3A_22 : vector<16xf32> to vector<16xf32>
    %scan3A_24 = arith.constant 0 : i32
    %scan3A_25 = arith.constant 0 : i32
    %scan3A_26 = arith.constant 250 : i32
    %scan3A_27 = arith.addi %scan3A_25, %scan3A_26 : i32
    %scan3A_28 = arith.constant 1 : i32
    %scan3A_29 = scf.for %scan3A_44 = %scan3A_25 to %scan3A_27 step %scan3A_28 iter_args(%scan3A_45 = %scan3A_24) -> (i32)  : i32 {
      %mul3A_46 = arith.constant 20000 : i32
      %mul3A_47 = arith.muli %arg1, %mul3A_46 : i32
      %mul3A_48 = arith.constant 80 : i32
      %mul3A_49 = arith.muli %scan3A_44, %mul3A_48 : i32
      %add3A = arith.addi %mul3A_47, %mul3A_49 : i32
      %multiple_of3A = tpu.assume_multiple %add3A, 8 : i32
      "tpu.region"() ({
        %run_scoped3A = tpu.sem_alloc : memref<!tpu.dma_semaphore, #tpu.memory_space<semaphore_mem>>
        %dma_start3A_62 = tpu.memref_slice %arg4[%multiple_of3A] : memref<320000xi32, #tpu.memory_space<hbm>> -> memref<80xi32, #tpu.memory_space<hbm>>
        %dma_start3A_63 = tpu.memref_slice %arg4[%multiple_of3A] : memref<320000xi32, #tpu.memory_space<hbm>> -> memref<80xi32, #tpu.memory_space<hbm>>
        tpu.enqueue_dma source(%dma_start3A_63 : memref<80xi32, #tpu.memory_space<hbm>>) target(%arg9 : memref<80xi32, #tpu.memory_space<vmem>>) target_semaphore(%run_scoped3A : memref<!tpu.dma_semaphore, #tpu.memory_space<semaphore_mem>>)
        %dma_wait3A_64 = tpu.memref_slice %arg4[%multiple_of3A] : memref<320000xi32, #tpu.memory_space<hbm>> -> memref<80xi32, #tpu.memory_space<hbm>>
        %dma_wait3A_65 = tpu.memref_slice %arg4[%multiple_of3A] : memref<320000xi32, #tpu.memory_space<hbm>> -> memref<80xi32, #tpu.memory_space<hbm>>
        tpu.wait_dma2 semaphore(%run_scoped3A : memref<!tpu.dma_semaphore, #tpu.memory_space<semaphore_mem>>) src(%dma_wait3A_65 : memref<80xi32, #tpu.memory_space<hbm>>) dst(%arg9 : memref<80xi32, #tpu.memory_space<vmem>>)
        tpu.yield
      }) : () -> ()
      "tpu.region"() ({
        %run_scoped3A = tpu.sem_alloc : memref<!tpu.dma_semaphore, #tpu.memory_space<semaphore_mem>>
        %dma_start3A_62 = tpu.memref_slice %arg5[%multiple_of3A] : memref<320000xi32, #tpu.memory_space<hbm>> -> memref<80xi32, #tpu.memory_space<hbm>>
        %dma_start3A_63 = tpu.memref_slice %arg5[%multiple_of3A] : memref<320000xi32, #tpu.memory_space<hbm>> -> memref<80xi32, #tpu.memory_space<hbm>>
        tpu.enqueue_dma source(%dma_start3A_63 : memref<80xi32, #tpu.memory_space<hbm>>) target(%arg10 : memref<80xi32, #tpu.memory_space<vmem>>) target_semaphore(%run_scoped3A : memref<!tpu.dma_semaphore, #tpu.memory_space<semaphore_mem>>)
        %dma_wait3A_64 = tpu.memref_slice %arg5[%multiple_of3A] : memref<320000xi32, #tpu.memory_space<hbm>> -> memref<80xi32, #tpu.memory_space<hbm>>
        %dma_wait3A_65 = tpu.memref_slice %arg5[%multiple_of3A] : memref<320000xi32, #tpu.memory_space<hbm>> -> memref<80xi32, #tpu.memory_space<hbm>>
        tpu.wait_dma2 semaphore(%run_scoped3A : memref<!tpu.dma_semaphore, #tpu.memory_space<semaphore_mem>>) src(%dma_wait3A_65 : memref<80xi32, #tpu.memory_space<hbm>>) dst(%arg10 : memref<80xi32, #tpu.memory_space<vmem>>)
        tpu.yield
      }) : () -> ()
      %dma_start3A = arith.constant 0 : i32
      %dma_start3A_50 = arith.constant 0 : i32
      %dma_start3A_51 = tpu.memref_slice %arg2[%dma_start3A, %dma_start3A_50] : memref<10000x128xf32, #tpu.memory_space<hbm>> -> memref<10000x128xf32, #tpu.memory_space<hbm>>
      tpu.enqueue_indirect_dma source(%dma_start3A_51 : memref<10000x128xf32, #tpu.memory_space<hbm>>) target(%arg11 : memref<80x128xf32, #tpu.memory_space<vmem>>) offsets(%arg9 : memref<80xi32, #tpu.memory_space<vmem>>) semaphore(%arg18 : memref<!tpu.dma_semaphore, #tpu.memory_space<semaphore_mem>>)
      %dma_wait3A = arith.constant 0 : i32
      %dma_wait3A_52 = arith.constant 0 : i32
      %dma_wait3A_53 = tpu.memref_slice %arg2[%dma_wait3A, %dma_wait3A_52] : memref<10000x128xf32, #tpu.memory_space<hbm>> -> memref<10000x128xf32, #tpu.memory_space<hbm>>
      tpu.wait_indirect_dma semaphore(%arg18 : memref<!tpu.dma_semaphore, #tpu.memory_space<semaphore_mem>>) src(%dma_wait3A_53 : memref<10000x128xf32, #tpu.memory_space<hbm>>) dst(%arg11 : memref<80x128xf32, #tpu.memory_space<vmem>>)
      "tpu.region"() ({
        %run_scoped3A = tpu.sem_alloc : memref<!tpu.dma_semaphore, #tpu.memory_space<semaphore_mem>>
        %dma_start3A_62 = arith.constant 0 : i32
        %dma_start3A_63 = tpu.memref_slice %arg3[%arg0, %multiple_of3A, %dma_start3A_62] : memref<2x320000x64xf32, #tpu.memory_space<hbm>> -> memref<1x80x64xf32, #tpu.memory_space<hbm>>
        %dma_start3A_64 = tpu.memref_squeeze %dma_start3A_63 : memref<1x80x64xf32, #tpu.memory_space<hbm>> -> memref<80x64xf32, #tpu.memory_space<hbm>>
        %dma_start3A_65 = arith.constant 0 : i32
        %dma_start3A_66 = tpu.memref_slice %arg3[%arg0, %multiple_of3A, %dma_start3A_65] : memref<2x320000x64xf32, #tpu.memory_space<hbm>> -> memref<1x80x64xf32, #tpu.memory_space<hbm>>
        %dma_start3A_67 = tpu.memref_squeeze %dma_start3A_66 : memref<1x80x64xf32, #tpu.memory_space<hbm>> -> memref<80x64xf32, #tpu.memory_space<hbm>>
        tpu.enqueue_dma source(%dma_start3A_67 : memref<80x64xf32, #tpu.memory_space<hbm>>) target(%arg12 : memref<80x64xf32, #tpu.memory_space<vmem>>) target_semaphore(%run_scoped3A : memref<!tpu.dma_semaphore, #tpu.memory_space<semaphore_mem>>)
        %dma_wait3A_68 = arith.constant 0 : i32
        %dma_wait3A_69 = tpu.memref_slice %arg3[%arg0, %multiple_of3A, %dma_wait3A_68] : memref<2x320000x64xf32, #tpu.memory_space<hbm>> -> memref<1x80x64xf32, #tpu.memory_space<hbm>>
        %dma_wait3A_70 = tpu.memref_squeeze %dma_wait3A_69 : memref<1x80x64xf32, #tpu.memory_space<hbm>> -> memref<80x64xf32, #tpu.memory_space<hbm>>
        %dma_wait3A_71 = arith.constant 0 : i32
        %dma_wait3A_72 = tpu.memref_slice %arg3[%arg0, %multiple_of3A, %dma_wait3A_71] : memref<2x320000x64xf32, #tpu.memory_space<hbm>> -> memref<1x80x64xf32, #tpu.memory_space<hbm>>
        %dma_wait3A_73 = tpu.memref_squeeze %dma_wait3A_72 : memref<1x80x64xf32, #tpu.memory_space<hbm>> -> memref<80x64xf32, #tpu.memory_space<hbm>>
        tpu.wait_dma2 semaphore(%run_scoped3A : memref<!tpu.dma_semaphore, #tpu.memory_space<semaphore_mem>>) src(%dma_wait3A_73 : memref<80x64xf32, #tpu.memory_space<hbm>>) dst(%arg12 : memref<80x64xf32, #tpu.memory_space<vmem>>)
        tpu.yield
      }) : () -> ()
      %scan3A_54 = arith.constant 0 : i32
      %scan3A_55 = arith.constant 0 : i32
      %scan3A_56 = arith.constant 80 : i32
      %scan3A_57 = arith.addi %scan3A_55, %scan3A_56 : i32
      %scan3A_58 = arith.constant 1 : i32
      %scan3A_59 = scf.for %scan3A_62 = %scan3A_55 to %scan3A_57 step %scan3A_58 iter_args(%scan3A_63 = %scan3A_54) -> (i32)  : i32 {
        %mul3A_64 = arith.constant 64 : i32
        %mul3A_65 = arith.muli %arg0, %mul3A_64 : i32
        %add3A_66 = arith.constant 0 : i32
        %add3A_67 = arith.addi %mul3A_65, %add3A_66 : i32
        %get3A_68 = arith.index_cast %scan3A_62 : i32 to index
        %get3A_69 = arith.index_cast %add3A_67 : i32 to index
        %get3A_70 = tpu.vector_load %arg11[%get3A_68, %get3A_69] {strides = array<i32>} : memref<80x128xf32, #tpu.memory_space<vmem>>, vector<1x16xf32>,
        %get3A_71 = vector.shape_cast %get3A_70 : vector<1x16xf32> to vector<16xf32>
        %get3A_72 = arith.index_cast %scan3A_62 : i32 to index
        %get3A_73 = arith.constant 0 : index
        %get3A_74 = tpu.vector_load %arg12[%get3A_72, %get3A_73] {strides = array<i32>} : memref<80x64xf32, #tpu.memory_space<vmem>>, vector<1x16xf32>,
        %get3A_75 = vector.shape_cast %get3A_74 : vector<1x16xf32> to vector<16xf32>
        %add3A_76 = arith.addf %get3A_71, %get3A_75 : vector<16xf32>
        %max3A = arith.constant 0.000000e+00 : f32
        %max3A_77 = vector.broadcast %max3A : f32 to vector<16xf32>
        %max3A_78 = arith.maximumf %add3A_76, %max3A_77 : vector<16xf32>
        %add3A_79 = arith.constant 1.000000e-07 : f32
        %add3A_80 = vector.broadcast %add3A_79 : f32 to vector<16xf32>
        %add3A_81 = arith.addf %max3A_78, %add3A_80 : vector<16xf32>
        %mul3A_82 = arith.mulf %add3A_81, %get3A_23 : vector<16xf32>
        %exp3A = math.exp %mul3A_82 : vector<16xf32>
        %mul3A_83 = arith.mulf %exp3A, %add3A_81 : vector<16xf32>
        %swap3A = arith.index_cast %scan3A_62 : i32 to index
        %swap3A_84 = arith.constant 0 : index
        %swap3A_85 = tpu.vector_load %arg13[%swap3A, %swap3A_84] {strides = array<i32>} : memref<80x128xf32, #tpu.memory_space<vmem>>, vector<1x16xf32>,
        %swap3A_86 = vector.shape_cast %swap3A_85 : vector<1x16xf32> to vector<16xf32>
        %swap3A_87 = vector.shape_cast %mul3A_83 : vector<16xf32> to vector<1x16xf32>
        tpu.vector_store %arg13[%swap3A, %swap3A_84], %swap3A_87 {strides = array<i32>} : memref<80x128xf32, #tpu.memory_space<vmem>>, vector<1x16xf32>,
        %swap3A_88 = arith.index_cast %scan3A_62 : i32 to index
        %swap3A_89 = arith.constant 64 : index
        %swap3A_90 = tpu.vector_load %arg13[%swap3A_88, %swap3A_89] {strides = array<i32>} : memref<80x128xf32, #tpu.memory_space<vmem>>, vector<1x16xf32>,
        %swap3A_91 = vector.shape_cast %swap3A_90 : vector<1x16xf32> to vector<16xf32>
        %swap3A_92 = vector.shape_cast %exp3A : vector<16xf32> to vector<1x16xf32>
        tpu.vector_store %arg13[%swap3A_88, %swap3A_89], %swap3A_92 {strides = array<i32>} : memref<80x128xf32, #tpu.memory_space<vmem>>, vector<1x16xf32>,
        %mul3A_93 = arith.constant 64 : i32
        %mul3A_94 = arith.muli %arg0, %mul3A_93 : i32
        %add3A_95 = arith.constant 16 : i32
        %add3A_96 = arith.addi %mul3A_94, %add3A_95 : i32
        %get3A_97 = arith.index_cast %scan3A_62 : i32 to index
        %get3A_98 = arith.index_cast %add3A_96 : i32 to index
        %get3A_99 = tpu.vector_load %arg11[%get3A_97, %get3A_98] {strides = array<i32>} : memref<80x128xf32, #tpu.memory_space<vmem>>, vector<1x16xf32>,
        %get3A_100 = vector.shape_cast %get3A_99 : vector<1x16xf32> to vector<16xf32>
        %get3A_101 = arith.index_cast %scan3A_62 : i32 to index
        %get3A_102 = arith.constant 16 : index
        %get3A_103 = tpu.vector_load %arg12[%get3A_101, %get3A_102] {strides = array<i32>} : memref<80x64xf32, #tpu.memory_space<vmem>>, vector<1x16xf32>,
        %get3A_104 = vector.shape_cast %get3A_103 : vector<1x16xf32> to vector<16xf32>
        %add3A_105 = arith.addf %get3A_100, %get3A_104 : vector<16xf32>
        %max3A_106 = arith.constant 0.000000e+00 : f32
        %max3A_107 = vector.broadcast %max3A_106 : f32 to vector<16xf32>
        %max3A_108 = arith.maximumf %add3A_105, %max3A_107 : vector<16xf32>
        %add3A_109 = arith.constant 1.000000e-07 : f32
        %add3A_110 = vector.broadcast %add3A_109 : f32 to vector<16xf32>
        %add3A_111 = arith.addf %max3A_108, %add3A_110 : vector<16xf32>
        %mul3A_112 = arith.mulf %add3A_111, %get3A_23 : vector<16xf32>
        %exp3A_113 = math.exp %mul3A_112 : vector<16xf32>
        %mul3A_114 = arith.mulf %exp3A_113, %add3A_111 : vector<16xf32>
        %swap3A_115 = arith.index_cast %scan3A_62 : i32 to index
        %swap3A_116 = arith.constant 16 : index
        %swap3A_117 = tpu.vector_load %arg13[%swap3A_115, %swap3A_116] {strides = array<i32>} : memref<80x128xf32, #tpu.memory_space<vmem>>, vector<1x16xf32>,
        %swap3A_118 = vector.shape_cast %swap3A_117 : vector<1x16xf32> to vector<16xf32>
        %swap3A_119 = vector.shape_cast %mul3A_114 : vector<16xf32> to vector<1x16xf32>
        tpu.vector_store %arg13[%swap3A_115, %swap3A_116], %swap3A_119 {strides = array<i32>} : memref<80x128xf32, #tpu.memory_space<vmem>>, vector<1x16xf32>,
        %swap3A_120 = arith.index_cast %scan3A_62 : i32 to index
        %swap3A_121 = arith.constant 80 : index
        %swap3A_122 = tpu.vector_load %arg13[%swap3A_120, %swap3A_121] {strides = array<i32>} : memref<80x128xf32, #tpu.memory_space<vmem>>, vector<1x16xf32>,
        %swap3A_123 = vector.shape_cast %swap3A_122 : vector<1x16xf32> to vector<16xf32>
        %swap3A_124 = vector.shape_cast %exp3A_113 : vector<16xf32> to vector<1x16xf32>
        tpu.vector_store %arg13[%swap3A_120, %swap3A_121], %swap3A_124 {strides = array<i32>} : memref<80x128xf32, #tpu.memory_space<vmem>>, vector<1x16xf32>,
        %mul3A_125 = arith.constant 64 : i32
        %mul3A_126 = arith.muli %arg0, %mul3A_125 : i32
        %add3A_127 = arith.constant 32 : i32
        %add3A_128 = arith.addi %mul3A_126, %add3A_127 : i32
        %get3A_129 = arith.index_cast %scan3A_62 : i32 to index
        %get3A_130 = arith.index_cast %add3A_128 : i32 to index
        %get3A_131 = tpu.vector_load %arg11[%get3A_129, %get3A_130] {strides = array<i32>} : memref<80x128xf32, #tpu.memory_space<vmem>>, vector<1x16xf32>,
        %get3A_132 = vector.shape_cast %get3A_131 : vector<1x16xf32> to vector<16xf32>
        %get3A_133 = arith.index_cast %scan3A_62 : i32 to index
        %get3A_134 = arith.constant 32 : index
        %get3A_135 = tpu.vector_load %arg12[%get3A_133, %get3A_134] {strides = array<i32>} : memref<80x64xf32, #tpu.memory_space<vmem>>, vector<1x16xf32>,
        %get3A_136 = vector.shape_cast %get3A_135 : vector<1x16xf32> to vector<16xf32>
        %add3A_137 = arith.addf %get3A_132, %get3A_136 : vector<16xf32>
        %max3A_138 = arith.constant 0.000000e+00 : f32
        %max3A_139 = vector.broadcast %max3A_138 : f32 to vector<16xf32>
        %max3A_140 = arith.maximumf %add3A_137, %max3A_139 : vector<16xf32>
        %add3A_141 = arith.constant 1.000000e-07 : f32
        %add3A_142 = vector.broadcast %add3A_141 : f32 to vector<16xf32>
        %add3A_143 = arith.addf %max3A_140, %add3A_142 : vector<16xf32>
        %mul3A_144 = arith.mulf %add3A_143, %get3A_23 : vector<16xf32>
        %exp3A_145 = math.exp %mul3A_144 : vector<16xf32>
        %mul3A_146 = arith.mulf %exp3A_145, %add3A_143 : vector<16xf32>
        %swap3A_147 = arith.index_cast %scan3A_62 : i32 to index
        %swap3A_148 = arith.constant 32 : index
        %swap3A_149 = tpu.vector_load %arg13[%swap3A_147, %swap3A_148] {strides = array<i32>} : memref<80x128xf32, #tpu.memory_space<vmem>>, vector<1x16xf32>,
        %swap3A_150 = vector.shape_cast %swap3A_149 : vector<1x16xf32> to vector<16xf32>
        %swap3A_151 = vector.shape_cast %mul3A_146 : vector<16xf32> to vector<1x16xf32>
        tpu.vector_store %arg13[%swap3A_147, %swap3A_148], %swap3A_151 {strides = array<i32>} : memref<80x128xf32, #tpu.memory_space<vmem>>, vector<1x16xf32>,
        %swap3A_152 = arith.index_cast %scan3A_62 : i32 to index
        %swap3A_153 = arith.constant 96 : index
        %swap3A_154 = tpu.vector_load %arg13[%swap3A_152, %swap3A_153] {strides = array<i32>} : memref<80x128xf32, #tpu.memory_space<vmem>>, vector<1x16xf32>,
        %swap3A_155 = vector.shape_cast %swap3A_154 : vector<1x16xf32> to vector<16xf32>
        %swap3A_156 = vector.shape_cast %exp3A_145 : vector<16xf32> to vector<1x16xf32>
        tpu.vector_store %arg13[%swap3A_152, %swap3A_153], %swap3A_156 {strides = array<i32>} : memref<80x128xf32, #tpu.memory_space<vmem>>, vector<1x16xf32>,
        %mul3A_157 = arith.constant 64 : i32
        %mul3A_158 = arith.muli %arg0, %mul3A_157 : i32
        %add3A_159 = arith.constant 48 : i32
        %add3A_160 = arith.addi %mul3A_158, %add3A_159 : i32
        %get3A_161 = arith.index_cast %scan3A_62 : i32 to index
        %get3A_162 = arith.index_cast %add3A_160 : i32 to index
        %get3A_163 = tpu.vector_load %arg11[%get3A_161, %get3A_162] {strides = array<i32>} : memref<80x128xf32, #tpu.memory_space<vmem>>, vector<1x16xf32>,
        %get3A_164 = vector.shape_cast %get3A_163 : vector<1x16xf32> to vector<16xf32>
        %get3A_165 = arith.index_cast %scan3A_62 : i32 to index
        %get3A_166 = arith.constant 48 : index
        %get3A_167 = tpu.vector_load %arg12[%get3A_165, %get3A_166] {strides = array<i32>} : memref<80x64xf32, #tpu.memory_space<vmem>>, vector<1x16xf32>,
        %get3A_168 = vector.shape_cast %get3A_167 : vector<1x16xf32> to vector<16xf32>
        %add3A_169 = arith.addf %get3A_164, %get3A_168 : vector<16xf32>
        %max3A_170 = arith.constant 0.000000e+00 : f32
        %max3A_171 = vector.broadcast %max3A_170 : f32 to vector<16xf32>
        %max3A_172 = arith.maximumf %add3A_169, %max3A_171 : vector<16xf32>
        %add3A_173 = arith.constant 1.000000e-07 : f32
        %add3A_174 = vector.broadcast %add3A_173 : f32 to vector<16xf32>
        %add3A_175 = arith.addf %max3A_172, %add3A_174 : vector<16xf32>
        %mul3A_176 = arith.mulf %add3A_175, %get3A_23 : vector<16xf32>
        %exp3A_177 = math.exp %mul3A_176 : vector<16xf32>
        %mul3A_178 = arith.mulf %exp3A_177, %add3A_175 : vector<16xf32>
        %swap3A_179 = arith.index_cast %scan3A_62 : i32 to index
        %swap3A_180 = arith.constant 48 : index
        %swap3A_181 = tpu.vector_load %arg13[%swap3A_179, %swap3A_180] {strides = array<i32>} : memref<80x128xf32, #tpu.memory_space<vmem>>, vector<1x16xf32>,
        %swap3A_182 = vector.shape_cast %swap3A_181 : vector<1x16xf32> to vector<16xf32>
        %swap3A_183 = vector.shape_cast %mul3A_178 : vector<16xf32> to vector<1x16xf32>
        tpu.vector_store %arg13[%swap3A_179, %swap3A_180], %swap3A_183 {strides = array<i32>} : memref<80x128xf32, #tpu.memory_space<vmem>>, vector<1x16xf32>,
        %swap3A_184 = arith.index_cast %scan3A_62 : i32 to index
        %swap3A_185 = arith.constant 112 : index
        %swap3A_186 = tpu.vector_load %arg13[%swap3A_184, %swap3A_185] {strides = array<i32>} : memref<80x128xf32, #tpu.memory_space<vmem>>, vector<1x16xf32>,
        %swap3A_187 = vector.shape_cast %swap3A_186 : vector<1x16xf32> to vector<16xf32>
        %swap3A_188 = vector.shape_cast %exp3A_177 : vector<16xf32> to vector<1x16xf32>
        tpu.vector_store %arg13[%swap3A_184, %swap3A_185], %swap3A_188 {strides = array<i32>} : memref<80x128xf32, #tpu.memory_space<vmem>>, vector<1x16xf32>,
        %scan3A_189 = arith.constant 0 : i32
        scf.yield %scan3A_189 : i32
      }
      %scan3A_60 = arith.constant 80 : i32
      "tpu.region"() ({
        %run_scoped3A = tpu.sem_alloc : memref<!tpu.dma_semaphore, #tpu.memory_space<semaphore_mem>>
        %dma_start3A_62 = arith.constant 0 : i32
        %dma_start3A_63 = arith.constant 0 : i32
        %dma_start3A_64 = tpu.memref_slice %arg8[%dma_start3A_62, %dma_start3A_63] : memref<10000x128xf32, #tpu.memory_space<vmem_shared>> -> memref<10000x128xf32, #tpu.memory_space<vmem_shared>>
        tpu.enqueue_indirect_dma source(%arg13 : memref<80x128xf32, #tpu.memory_space<vmem>>) target(%dma_start3A_64 : memref<10000x128xf32, #tpu.memory_space<vmem_shared>>) offsets(%arg10 : memref<80xi32, #tpu.memory_space<vmem>>) semaphore(%run_scoped3A : memref<!tpu.dma_semaphore, #tpu.memory_space<semaphore_mem>>) {add = true}
        %dma_wait3A_65 = arith.constant 0 : i32
        %dma_wait3A_66 = arith.constant 0 : i32
        %dma_wait3A_67 = tpu.memref_slice %arg8[%dma_wait3A_65, %dma_wait3A_66] : memref<10000x128xf32, #tpu.memory_space<vmem_shared>> -> memref<10000x128xf32, #tpu.memory_space<vmem_shared>>
        tpu.wait_indirect_dma semaphore(%run_scoped3A : memref<!tpu.dma_semaphore, #tpu.memory_space<semaphore_mem>>) src(%arg13 : memref<80x128xf32, #tpu.memory_space<vmem>>) dst(%dma_wait3A_67 : memref<10000x128xf32, #tpu.memory_space<vmem_shared>>)
        tpu.yield
      }) : () -> ()
      %scan3A_61 = arith.constant 0 : i32
      scf.yield %scan3A_61 : i32
    }
    %scan3A_30 = arith.constant 250 : i32
    %barrier3A_31 = arith.constant 0 : index
    tpu.barrier barrier_id(%barrier3A_31)
    %while3A_32 = arith.constant 0 : i32
    %while3A_33 = arith.constant 0 : i32
    %while3A_34 = arith.subi %select_n3A, %while3A_32 : i32
    %while3A_35 = arith.addi %while3A_32, %while3A_34 : i32
    %while3A_36 = arith.constant 1 : i32
    %while3A_37 = arith.divsi %while3A_34, %while3A_36 : i32
    %while3A_38 = arith.muli %while3A_37, %while3A_36 : i32
    %while3A_39 = arith.addi %while3A_32, %while3A_38 : i32
    %while3A_40 = arith.constant 1 : i32
    %while3A_41 = scf.for %while3A_44 = %while3A_32 to %while3A_39 step %while3A_40 iter_args(%while3A_45 = %while3A_33) -> (i32)  : i32 {
      %mul3A_46 = arith.constant 40 : i32
      %mul3A_47 = arith.muli %while3A_44, %mul3A_46 : i32
      %add3A = arith.addi %mul3A_0, %mul3A_47 : i32
      %multiple_of3A = tpu.assume_multiple %add3A, 8 : i32
      %add3A_48 = arith.addi %mul3A_2, %mul3A_0 : i32
      %mul3A_49 = arith.constant 40 : i32
      %mul3A_50 = arith.muli %while3A_44, %mul3A_49 : i32
      %add3A_51 = arith.addi %add3A_48, %mul3A_50 : i32
      %multiple_of3A_52 = tpu.assume_multiple %add3A_51, 8 : i32
      "tpu.region"() ({
        %run_scoped3A = tpu.sem_alloc : memref<!tpu.dma_semaphore, #tpu.memory_space<semaphore_mem>>
        %dma_start3A = arith.constant 0 : i32
        %dma_start3A_61 = tpu.memref_slice %arg8[%multiple_of3A, %dma_start3A] : memref<10000x128xf32, #tpu.memory_space<vmem_shared>> -> memref<40x128xf32, #tpu.memory_space<vmem_shared>>
        %dma_start3A_62 = arith.constant 0 : i32
        %dma_start3A_63 = tpu.memref_slice %arg8[%multiple_of3A, %dma_start3A_62] : memref<10000x128xf32, #tpu.memory_space<vmem_shared>> -> memref<40x128xf32, #tpu.memory_space<vmem_shared>>
        tpu.enqueue_dma source(%dma_start3A_63 : memref<40x128xf32, #tpu.memory_space<vmem_shared>>) target(%arg14 : memref<40x128xf32, #tpu.memory_space<vmem>>) target_semaphore(%run_scoped3A : memref<!tpu.dma_semaphore, #tpu.memory_space<semaphore_mem>>)
        %dma_wait3A = arith.constant 0 : i32
        %dma_wait3A_64 = tpu.memref_slice %arg8[%multiple_of3A, %dma_wait3A] : memref<10000x128xf32, #tpu.memory_space<vmem_shared>> -> memref<40x128xf32, #tpu.memory_space<vmem_shared>>
        %dma_wait3A_65 = arith.constant 0 : i32
        %dma_wait3A_66 = tpu.memref_slice %arg8[%multiple_of3A, %dma_wait3A_65] : memref<10000x128xf32, #tpu.memory_space<vmem_shared>> -> memref<40x128xf32, #tpu.memory_space<vmem_shared>>
        tpu.wait_dma2 semaphore(%run_scoped3A : memref<!tpu.dma_semaphore, #tpu.memory_space<semaphore_mem>>) src(%dma_wait3A_66 : memref<40x128xf32, #tpu.memory_space<vmem_shared>>) dst(%arg14 : memref<40x128xf32, #tpu.memory_space<vmem>>)
        tpu.yield
      }) : () -> ()
      "tpu.region"() ({
        %run_scoped3A = tpu.sem_alloc : memref<!tpu.dma_semaphore, #tpu.memory_space<semaphore_mem>>
        %dma_start3A = arith.constant 0 : i32
        %dma_start3A_61 = tpu.memref_slice %arg2[%multiple_of3A, %dma_start3A] : memref<10000x128xf32, #tpu.memory_space<hbm>> -> memref<40x128xf32, #tpu.memory_space<hbm>>
        %dma_start3A_62 = arith.constant 0 : i32
        %dma_start3A_63 = tpu.memref_slice %arg2[%multiple_of3A, %dma_start3A_62] : memref<10000x128xf32, #tpu.memory_space<hbm>> -> memref<40x128xf32, #tpu.memory_space<hbm>>
        tpu.enqueue_dma source(%dma_start3A_63 : memref<40x128xf32, #tpu.memory_space<hbm>>) target(%arg15 : memref<40x128xf32, #tpu.memory_space<vmem>>) target_semaphore(%run_scoped3A : memref<!tpu.dma_semaphore, #tpu.memory_space<semaphore_mem>>)
        %dma_wait3A = arith.constant 0 : i32
        %dma_wait3A_64 = tpu.memref_slice %arg2[%multiple_of3A, %dma_wait3A] : memref<10000x128xf32, #tpu.memory_space<hbm>> -> memref<40x128xf32, #tpu.memory_space<hbm>>
        %dma_wait3A_65 = arith.constant 0 : i32
        %dma_wait3A_66 = tpu.memref_slice %arg2[%multiple_of3A, %dma_wait3A_65] : memref<10000x128xf32, #tpu.memory_space<hbm>> -> memref<40x128xf32, #tpu.memory_space<hbm>>
        tpu.wait_dma2 semaphore(%run_scoped3A : memref<!tpu.dma_semaphore, #tpu.memory_space<semaphore_mem>>) src(%dma_wait3A_66 : memref<40x128xf32, #tpu.memory_space<hbm>>) dst(%arg15 : memref<40x128xf32, #tpu.memory_space<vmem>>)
        tpu.yield
      }) : () -> ()
      %scan3A_53 = arith.constant 0 : i32
      %scan3A_54 = arith.constant 0 : i32
      %scan3A_55 = arith.constant 40 : i32
      %scan3A_56 = arith.addi %scan3A_54, %scan3A_55 : i32
      %scan3A_57 = arith.constant 1 : i32
      %scan3A_58 = scf.for %scan3A_61 = %scan3A_54 to %scan3A_56 step %scan3A_57 iter_args(%scan3A_62 = %scan3A_53) -> (i32)  : i32 {
        %get3A_63 = arith.index_cast %scan3A_61 : i32 to index
        %get3A_64 = arith.constant 0 : index
        %get3A_65 = tpu.vector_load %arg14[%get3A_63, %get3A_64] {strides = array<i32>} : memref<40x128xf32, #tpu.memory_space<vmem>>, vector<1x16xf32>,
        %get3A_66 = vector.shape_cast %get3A_65 : vector<1x16xf32> to vector<16xf32>
        %get3A_67 = arith.index_cast %scan3A_61 : i32 to index
        %get3A_68 = arith.constant 64 : index
        %get3A_69 = tpu.vector_load %arg14[%get3A_67, %get3A_68] {strides = array<i32>} : memref<40x128xf32, #tpu.memory_space<vmem>>, vector<1x16xf32>,
        %get3A_70 = vector.shape_cast %get3A_69 : vector<1x16xf32> to vector<16xf32>
        %mul3A_71 = arith.constant 64 : i32
        %mul3A_72 = arith.muli %arg0, %mul3A_71 : i32
        %add3A_73 = arith.constant 0 : i32
        %add3A_74 = arith.addi %mul3A_72, %add3A_73 : i32
        %get3A_75 = arith.index_cast %scan3A_61 : i32 to index
        %get3A_76 = arith.index_cast %add3A_74 : i32 to index
        %get3A_77 = tpu.vector_load %arg15[%get3A_75, %get3A_76] {strides = array<i32>} : memref<40x128xf32, #tpu.memory_space<vmem>>, vector<1x16xf32>,
        %get3A_78 = vector.shape_cast %get3A_77 : vector<1x16xf32> to vector<16xf32>
        %add3A_79 = arith.constant 1.000000e-07 : f32
        %add3A_80 = vector.broadcast %add3A_79 : f32 to vector<16xf32>
        %add3A_81 = arith.addf %get3A_70, %add3A_80 : vector<16xf32>
        %div3A = arith.divf %get3A_66, %add3A_81 : vector<16xf32>
        %add3A_82 = arith.addf %get3A_78, %div3A : vector<16xf32>
        %swap3A = arith.index_cast %scan3A_61 : i32 to index
        %swap3A_83 = arith.constant 0 : index
        %swap3A_84 = tpu.vector_load %arg16[%swap3A, %swap3A_83] {strides = array<i32>} : memref<40x64xf32, #tpu.memory_space<vmem>>, vector<1x16xf32>,
        %swap3A_85 = vector.shape_cast %swap3A_84 : vector<1x16xf32> to vector<16xf32>
        %swap3A_86 = vector.shape_cast %add3A_82 : vector<16xf32> to vector<1x16xf32>
        tpu.vector_store %arg16[%swap3A, %swap3A_83], %swap3A_86 {strides = array<i32>} : memref<40x64xf32, #tpu.memory_space<vmem>>, vector<1x16xf32>,
        %get3A_87 = arith.index_cast %scan3A_61 : i32 to index
        %get3A_88 = arith.constant 16 : index
        %get3A_89 = tpu.vector_load %arg14[%get3A_87, %get3A_88] {strides = array<i32>} : memref<40x128xf32, #tpu.memory_space<vmem>>, vector<1x16xf32>,
        %get3A_90 = vector.shape_cast %get3A_89 : vector<1x16xf32> to vector<16xf32>
        %get3A_91 = arith.index_cast %scan3A_61 : i32 to index
        %get3A_92 = arith.constant 80 : index
        %get3A_93 = tpu.vector_load %arg14[%get3A_91, %get3A_92] {strides = array<i32>} : memref<40x128xf32, #tpu.memory_space<vmem>>, vector<1x16xf32>,
        %get3A_94 = vector.shape_cast %get3A_93 : vector<1x16xf32> to vector<16xf32>
        %mul3A_95 = arith.constant 64 : i32
        %mul3A_96 = arith.muli %arg0, %mul3A_95 : i32
        %add3A_97 = arith.constant 16 : i32
        %add3A_98 = arith.addi %mul3A_96, %add3A_97 : i32
        %get3A_99 = arith.index_cast %scan3A_61 : i32 to index
        %get3A_100 = arith.index_cast %add3A_98 : i32 to index
        %get3A_101 = tpu.vector_load %arg15[%get3A_99, %get3A_100] {strides = array<i32>} : memref<40x128xf32, #tpu.memory_space<vmem>>, vector<1x16xf32>,
        %get3A_102 = vector.shape_cast %get3A_101 : vector<1x16xf32> to vector<16xf32>
        %add3A_103 = arith.constant 1.000000e-07 : f32
        %add3A_104 = vector.broadcast %add3A_103 : f32 to vector<16xf32>
        %add3A_105 = arith.addf %get3A_94, %add3A_104 : vector<16xf32>
        %div3A_106 = arith.divf %get3A_90, %add3A_105 : vector<16xf32>
        %add3A_107 = arith.addf %get3A_102, %div3A_106 : vector<16xf32>
        %swap3A_108 = arith.index_cast %scan3A_61 : i32 to index
        %swap3A_109 = arith.constant 16 : index
        %swap3A_110 = tpu.vector_load %arg16[%swap3A_108, %swap3A_109] {strides = array<i32>} : memref<40x64xf32, #tpu.memory_space<vmem>>, vector<1x16xf32>,
        %swap3A_111 = vector.shape_cast %swap3A_110 : vector<1x16xf32> to vector<16xf32>
        %swap3A_112 = vector.shape_cast %add3A_107 : vector<16xf32> to vector<1x16xf32>
        tpu.vector_store %arg16[%swap3A_108, %swap3A_109], %swap3A_112 {strides = array<i32>} : memref<40x64xf32, #tpu.memory_space<vmem>>, vector<1x16xf32>,
        %get3A_113 = arith.index_cast %scan3A_61 : i32 to index
        %get3A_114 = arith.constant 32 : index
        %get3A_115 = tpu.vector_load %arg14[%get3A_113, %get3A_114] {strides = array<i32>} : memref<40x128xf32, #tpu.memory_space<vmem>>, vector<1x16xf32>,
        %get3A_116 = vector.shape_cast %get3A_115 : vector<1x16xf32> to vector<16xf32>
        %get3A_117 = arith.index_cast %scan3A_61 : i32 to index
        %get3A_118 = arith.constant 96 : index
        %get3A_119 = tpu.vector_load %arg14[%get3A_117, %get3A_118] {strides = array<i32>} : memref<40x128xf32, #tpu.memory_space<vmem>>, vector<1x16xf32>,
        %get3A_120 = vector.shape_cast %get3A_119 : vector<1x16xf32> to vector<16xf32>
        %mul3A_121 = arith.constant 64 : i32
        %mul3A_122 = arith.muli %arg0, %mul3A_121 : i32
        %add3A_123 = arith.constant 32 : i32
        %add3A_124 = arith.addi %mul3A_122, %add3A_123 : i32
        %get3A_125 = arith.index_cast %scan3A_61 : i32 to index
        %get3A_126 = arith.index_cast %add3A_124 : i32 to index
        %get3A_127 = tpu.vector_load %arg15[%get3A_125, %get3A_126] {strides = array<i32>} : memref<40x128xf32, #tpu.memory_space<vmem>>, vector<1x16xf32>,
        %get3A_128 = vector.shape_cast %get3A_127 : vector<1x16xf32> to vector<16xf32>
        %add3A_129 = arith.constant 1.000000e-07 : f32
        %add3A_130 = vector.broadcast %add3A_129 : f32 to vector<16xf32>
        %add3A_131 = arith.addf %get3A_120, %add3A_130 : vector<16xf32>
        %div3A_132 = arith.divf %get3A_116, %add3A_131 : vector<16xf32>
        %add3A_133 = arith.addf %get3A_128, %div3A_132 : vector<16xf32>
        %swap3A_134 = arith.index_cast %scan3A_61 : i32 to index
        %swap3A_135 = arith.constant 32 : index
        %swap3A_136 = tpu.vector_load %arg16[%swap3A_134, %swap3A_135] {strides = array<i32>} : memref<40x64xf32, #tpu.memory_space<vmem>>, vector<1x16xf32>,
        %swap3A_137 = vector.shape_cast %swap3A_136 : vector<1x16xf32> to vector<16xf32>
        %swap3A_138 = vector.shape_cast %add3A_133 : vector<16xf32> to vector<1x16xf32>
        tpu.vector_store %arg16[%swap3A_134, %swap3A_135], %swap3A_138 {strides = array<i32>} : memref<40x64xf32, #tpu.memory_space<vmem>>, vector<1x16xf32>,
        %get3A_139 = arith.index_cast %scan3A_61 : i32 to index
        %get3A_140 = arith.constant 48 : index
        %get3A_141 = tpu.vector_load %arg14[%get3A_139, %get3A_140] {strides = array<i32>} : memref<40x128xf32, #tpu.memory_space<vmem>>, vector<1x16xf32>,
        %get3A_142 = vector.shape_cast %get3A_141 : vector<1x16xf32> to vector<16xf32>
        %get3A_143 = arith.index_cast %scan3A_61 : i32 to index
        %get3A_144 = arith.constant 112 : index
        %get3A_145 = tpu.vector_load %arg14[%get3A_143, %get3A_144] {strides = array<i32>} : memref<40x128xf32, #tpu.memory_space<vmem>>, vector<1x16xf32>,
        %get3A_146 = vector.shape_cast %get3A_145 : vector<1x16xf32> to vector<16xf32>
        %mul3A_147 = arith.constant 64 : i32
        %mul3A_148 = arith.muli %arg0, %mul3A_147 : i32
        %add3A_149 = arith.constant 48 : i32
        %add3A_150 = arith.addi %mul3A_148, %add3A_149 : i32
        %get3A_151 = arith.index_cast %scan3A_61 : i32 to index
        %get3A_152 = arith.index_cast %add3A_150 : i32 to index
        %get3A_153 = tpu.vector_load %arg15[%get3A_151, %get3A_152] {strides = array<i32>} : memref<40x128xf32, #tpu.memory_space<vmem>>, vector<1x16xf32>,
        %get3A_154 = vector.shape_cast %get3A_153 : vector<1x16xf32> to vector<16xf32>
        %add3A_155 = arith.constant 1.000000e-07 : f32
        %add3A_156 = vector.broadcast %add3A_155 : f32 to vector<16xf32>
        %add3A_157 = arith.addf %get3A_146, %add3A_156 : vector<16xf32>
        %div3A_158 = arith.divf %get3A_142, %add3A_157 : vector<16xf32>
        %add3A_159 = arith.addf %get3A_154, %div3A_158 : vector<16xf32>
        %swap3A_160 = arith.index_cast %scan3A_61 : i32 to index
        %swap3A_161 = arith.constant 48 : index
        %swap3A_162 = tpu.vector_load %arg16[%swap3A_160, %swap3A_161] {strides = array<i32>} : memref<40x64xf32, #tpu.memory_space<vmem>>, vector<1x16xf32>,
        %swap3A_163 = vector.shape_cast %swap3A_162 : vector<1x16xf32> to vector<16xf32>
        %swap3A_164 = vector.shape_cast %add3A_159 : vector<16xf32> to vector<1x16xf32>
        tpu.vector_store %arg16[%swap3A_160, %swap3A_161], %swap3A_164 {strides = array<i32>} : memref<40x64xf32, #tpu.memory_space<vmem>>, vector<1x16xf32>,
        %scan3A_165 = arith.constant 0 : i32
        scf.yield %scan3A_165 : i32
      }
      %scan3A_59 = arith.constant 40 : i32
      "tpu.region"() ({
        %run_scoped3A = tpu.sem_alloc : memref<!tpu.dma_semaphore, #tpu.memory_space<semaphore_mem>>
        %dma_start3A = arith.constant 0 : i32
        %dma_start3A_61 = tpu.memref_slice %arg7[%multiple_of3A_52, %dma_start3A] : memref<20000x64xf32, #tpu.memory_space<hbm>> -> memref<40x64xf32, #tpu.memory_space<hbm>>
        %dma_start3A_62 = arith.constant 0 : i32
        %dma_start3A_63 = tpu.memref_slice %arg7[%multiple_of3A_52, %dma_start3A_62] : memref<20000x64xf32, #tpu.memory_space<hbm>> -> memref<40x64xf32, #tpu.memory_space<hbm>>
        tpu.enqueue_dma source(%arg16 : memref<40x64xf32, #tpu.memory_space<vmem>>) target(%dma_start3A_63 : memref<40x64xf32, #tpu.memory_space<hbm>>) target_semaphore(%run_scoped3A : memref<!tpu.dma_semaphore, #tpu.memory_space<semaphore_mem>>)
        %dma_wait3A = arith.constant 0 : i32
        %dma_wait3A_64 = tpu.memref_slice %arg7[%multiple_of3A_52, %dma_wait3A] : memref<20000x64xf32, #tpu.memory_space<hbm>> -> memref<40x64xf32, #tpu.memory_space<hbm>>
        %dma_wait3A_65 = arith.constant 0 : i32
        %dma_wait3A_66 = tpu.memref_slice %arg7[%multiple_of3A_52, %dma_wait3A_65] : memref<20000x64xf32, #tpu.memory_space<hbm>> -> memref<40x64xf32, #tpu.memory_space<hbm>>
        tpu.wait_dma2 semaphore(%run_scoped3A : memref<!tpu.dma_semaphore, #tpu.memory_space<semaphore_mem>>) src(%arg16 : memref<40x64xf32, #tpu.memory_space<vmem>>) dst(%dma_wait3A_66 : memref<40x64xf32, #tpu.memory_space<hbm>>)
        tpu.yield
      }) : () -> ()
      %while3A_60 = arith.constant 0 : i32
      scf.yield %while3A_60 : i32
    }
    %while3A_42 = arith.constant 1 : i32
    %while3A_43 = scf.for %while3A_44 = %while3A_39 to %while3A_35 step %while3A_42 iter_args(%while3A_45 = %while3A_41) -> (i32)  : i32 {
      %mul3A_46 = arith.constant 40 : i32
      %mul3A_47 = arith.muli %while3A_44, %mul3A_46 : i32
      %add3A = arith.addi %mul3A_0, %mul3A_47 : i32
      %multiple_of3A = tpu.assume_multiple %add3A, 8 : i32
      %add3A_48 = arith.addi %mul3A_2, %mul3A_0 : i32
      %mul3A_49 = arith.constant 40 : i32
      %mul3A_50 = arith.muli %while3A_44, %mul3A_49 : i32
      %add3A_51 = arith.addi %add3A_48, %mul3A_50 : i32
      %multiple_of3A_52 = tpu.assume_multiple %add3A_51, 8 : i32
      "tpu.region"() ({
        %run_scoped3A = tpu.sem_alloc : memref<!tpu.dma_semaphore, #tpu.memory_space<semaphore_mem>>
        %dma_start3A = arith.constant 0 : i32
        %dma_start3A_61 = tpu.memref_slice %arg8[%multiple_of3A, %dma_start3A] : memref<10000x128xf32, #tpu.memory_space<vmem_shared>> -> memref<40x128xf32, #tpu.memory_space<vmem_shared>>
        %dma_start3A_62 = arith.constant 0 : i32
        %dma_start3A_63 = tpu.memref_slice %arg8[%multiple_of3A, %dma_start3A_62] : memref<10000x128xf32, #tpu.memory_space<vmem_shared>> -> memref<40x128xf32, #tpu.memory_space<vmem_shared>>
        tpu.enqueue_dma source(%dma_start3A_63 : memref<40x128xf32, #tpu.memory_space<vmem_shared>>) target(%arg14 : memref<40x128xf32, #tpu.memory_space<vmem>>) target_semaphore(%run_scoped3A : memref<!tpu.dma_semaphore, #tpu.memory_space<semaphore_mem>>)
        %dma_wait3A = arith.constant 0 : i32
        %dma_wait3A_64 = tpu.memref_slice %arg8[%multiple_of3A, %dma_wait3A] : memref<10000x128xf32, #tpu.memory_space<vmem_shared>> -> memref<40x128xf32, #tpu.memory_space<vmem_shared>>
        %dma_wait3A_65 = arith.constant 0 : i32
        %dma_wait3A_66 = tpu.memref_slice %arg8[%multiple_of3A, %dma_wait3A_65] : memref<10000x128xf32, #tpu.memory_space<vmem_shared>> -> memref<40x128xf32, #tpu.memory_space<vmem_shared>>
        tpu.wait_dma2 semaphore(%run_scoped3A : memref<!tpu.dma_semaphore, #tpu.memory_space<semaphore_mem>>) src(%dma_wait3A_66 : memref<40x128xf32, #tpu.memory_space<vmem_shared>>) dst(%arg14 : memref<40x128xf32, #tpu.memory_space<vmem>>)
        tpu.yield
      }) : () -> ()
      "tpu.region"() ({
        %run_scoped3A = tpu.sem_alloc : memref<!tpu.dma_semaphore, #tpu.memory_space<semaphore_mem>>
        %dma_start3A = arith.constant 0 : i32
        %dma_start3A_61 = tpu.memref_slice %arg2[%multiple_of3A, %dma_start3A] : memref<10000x128xf32, #tpu.memory_space<hbm>> -> memref<40x128xf32, #tpu.memory_space<hbm>>
        %dma_start3A_62 = arith.constant 0 : i32
        %dma_start3A_63 = tpu.memref_slice %arg2[%multiple_of3A, %dma_start3A_62] : memref<10000x128xf32, #tpu.memory_space<hbm>> -> memref<40x128xf32, #tpu.memory_space<hbm>>
        tpu.enqueue_dma source(%dma_start3A_63 : memref<40x128xf32, #tpu.memory_space<hbm>>) target(%arg15 : memref<40x128xf32, #tpu.memory_space<vmem>>) target_semaphore(%run_scoped3A : memref<!tpu.dma_semaphore, #tpu.memory_space<semaphore_mem>>)
        %dma_wait3A = arith.constant 0 : i32
        %dma_wait3A_64 = tpu.memref_slice %arg2[%multiple_of3A, %dma_wait3A] : memref<10000x128xf32, #tpu.memory_space<hbm>> -> memref<40x128xf32, #tpu.memory_space<hbm>>
        %dma_wait3A_65 = arith.constant 0 : i32
        %dma_wait3A_66 = tpu.memref_slice %arg2[%multiple_of3A, %dma_wait3A_65] : memref<10000x128xf32, #tpu.memory_space<hbm>> -> memref<40x128xf32, #tpu.memory_space<hbm>>
        tpu.wait_dma2 semaphore(%run_scoped3A : memref<!tpu.dma_semaphore, #tpu.memory_space<semaphore_mem>>) src(%dma_wait3A_66 : memref<40x128xf32, #tpu.memory_space<hbm>>) dst(%arg15 : memref<40x128xf32, #tpu.memory_space<vmem>>)
        tpu.yield
      }) : () -> ()
      %scan3A_53 = arith.constant 0 : i32
      %scan3A_54 = arith.constant 0 : i32
      %scan3A_55 = arith.constant 40 : i32
      %scan3A_56 = arith.addi %scan3A_54, %scan3A_55 : i32
      %scan3A_57 = arith.constant 1 : i32
      %scan3A_58 = scf.for %scan3A_61 = %scan3A_54 to %scan3A_56 step %scan3A_57 iter_args(%scan3A_62 = %scan3A_53) -> (i32)  : i32 {
        %get3A_63 = arith.index_cast %scan3A_61 : i32 to index
        %get3A_64 = arith.constant 0 : index
        %get3A_65 = tpu.vector_load %arg14[%get3A_63, %get3A_64] {strides = array<i32>} : memref<40x128xf32, #tpu.memory_space<vmem>>, vector<1x16xf32>,
        %get3A_66 = vector.shape_cast %get3A_65 : vector<1x16xf32> to vector<16xf32>
        %get3A_67 = arith.index_cast %scan3A_61 : i32 to index
        %get3A_68 = arith.constant 64 : index
        %get3A_69 = tpu.vector_load %arg14[%get3A_67, %get3A_68] {strides = array<i32>} : memref<40x128xf32, #tpu.memory_space<vmem>>, vector<1x16xf32>,
        %get3A_70 = vector.shape_cast %get3A_69 : vector<1x16xf32> to vector<16xf32>
        %mul3A_71 = arith.constant 64 : i32
        %mul3A_72 = arith.muli %arg0, %mul3A_71 : i32
        %add3A_73 = arith.constant 0 : i32
        %add3A_74 = arith.addi %mul3A_72, %add3A_73 : i32
        %get3A_75 = arith.index_cast %scan3A_61 : i32 to index
        %get3A_76 = arith.index_cast %add3A_74 : i32 to index
        %get3A_77 = tpu.vector_load %arg15[%get3A_75, %get3A_76] {strides = array<i32>} : memref<40x128xf32, #tpu.memory_space<vmem>>, vector<1x16xf32>,
        %get3A_78 = vector.shape_cast %get3A_77 : vector<1x16xf32> to vector<16xf32>
        %add3A_79 = arith.constant 1.000000e-07 : f32
        %add3A_80 = vector.broadcast %add3A_79 : f32 to vector<16xf32>
        %add3A_81 = arith.addf %get3A_70, %add3A_80 : vector<16xf32>
        %div3A = arith.divf %get3A_66, %add3A_81 : vector<16xf32>
        %add3A_82 = arith.addf %get3A_78, %div3A : vector<16xf32>
        %swap3A = arith.index_cast %scan3A_61 : i32 to index
        %swap3A_83 = arith.constant 0 : index
        %swap3A_84 = tpu.vector_load %arg16[%swap3A, %swap3A_83] {strides = array<i32>} : memref<40x64xf32, #tpu.memory_space<vmem>>, vector<1x16xf32>,
        %swap3A_85 = vector.shape_cast %swap3A_84 : vector<1x16xf32> to vector<16xf32>
        %swap3A_86 = vector.shape_cast %add3A_82 : vector<16xf32> to vector<1x16xf32>
        tpu.vector_store %arg16[%swap3A, %swap3A_83], %swap3A_86 {strides = array<i32>} : memref<40x64xf32, #tpu.memory_space<vmem>>, vector<1x16xf32>,
        %get3A_87 = arith.index_cast %scan3A_61 : i32 to index
        %get3A_88 = arith.constant 16 : index
        %get3A_89 = tpu.vector_load %arg14[%get3A_87, %get3A_88] {strides = array<i32>} : memref<40x128xf32, #tpu.memory_space<vmem>>, vector<1x16xf32>,
        %get3A_90 = vector.shape_cast %get3A_89 : vector<1x16xf32> to vector<16xf32>
        %get3A_91 = arith.index_cast %scan3A_61 : i32 to index
        %get3A_92 = arith.constant 80 : index
        %get3A_93 = tpu.vector_load %arg14[%get3A_91, %get3A_92] {strides = array<i32>} : memref<40x128xf32, #tpu.memory_space<vmem>>, vector<1x16xf32>,
        %get3A_94 = vector.shape_cast %get3A_93 : vector<1x16xf32> to vector<16xf32>
        %mul3A_95 = arith.constant 64 : i32
        %mul3A_96 = arith.muli %arg0, %mul3A_95 : i32
        %add3A_97 = arith.constant 16 : i32
        %add3A_98 = arith.addi %mul3A_96, %add3A_97 : i32
        %get3A_99 = arith.index_cast %scan3A_61 : i32 to index
        %get3A_100 = arith.index_cast %add3A_98 : i32 to index
        %get3A_101 = tpu.vector_load %arg15[%get3A_99, %get3A_100] {strides = array<i32>} : memref<40x128xf32, #tpu.memory_space<vmem>>, vector<1x16xf32>,
        %get3A_102 = vector.shape_cast %get3A_101 : vector<1x16xf32> to vector<16xf32>
        %add3A_103 = arith.constant 1.000000e-07 : f32
        %add3A_104 = vector.broadcast %add3A_103 : f32 to vector<16xf32>
        %add3A_105 = arith.addf %get3A_94, %add3A_104 : vector<16xf32>
        %div3A_106 = arith.divf %get3A_90, %add3A_105 : vector<16xf32>
        %add3A_107 = arith.addf %get3A_102, %div3A_106 : vector<16xf32>
        %swap3A_108 = arith.index_cast %scan3A_61 : i32 to index
        %swap3A_109 = arith.constant 16 : index
        %swap3A_110 = tpu.vector_load %arg16[%swap3A_108, %swap3A_109] {strides = array<i32>} : memref<40x64xf32, #tpu.memory_space<vmem>>, vector<1x16xf32>,
        %swap3A_111 = vector.shape_cast %swap3A_110 : vector<1x16xf32> to vector<16xf32>
        %swap3A_112 = vector.shape_cast %add3A_107 : vector<16xf32> to vector<1x16xf32>
        tpu.vector_store %arg16[%swap3A_108, %swap3A_109], %swap3A_112 {strides = array<i32>} : memref<40x64xf32, #tpu.memory_space<vmem>>, vector<1x16xf32>,
        %get3A_113 = arith.index_cast %scan3A_61 : i32 to index
        %get3A_114 = arith.constant 32 : index
        %get3A_115 = tpu.vector_load %arg14[%get3A_113, %get3A_114] {strides = array<i32>} : memref<40x128xf32, #tpu.memory_space<vmem>>, vector<1x16xf32>,
        %get3A_116 = vector.shape_cast %get3A_115 : vector<1x16xf32> to vector<16xf32>
        %get3A_117 = arith.index_cast %scan3A_61 : i32 to index
        %get3A_118 = arith.constant 96 : index
        %get3A_119 = tpu.vector_load %arg14[%get3A_117, %get3A_118] {strides = array<i32>} : memref<40x128xf32, #tpu.memory_space<vmem>>, vector<1x16xf32>,
        %get3A_120 = vector.shape_cast %get3A_119 : vector<1x16xf32> to vector<16xf32>
        %mul3A_121 = arith.constant 64 : i32
        %mul3A_122 = arith.muli %arg0, %mul3A_121 : i32
        %add3A_123 = arith.constant 32 : i32
        %add3A_124 = arith.addi %mul3A_122, %add3A_123 : i32
        %get3A_125 = arith.index_cast %scan3A_61 : i32 to index
        %get3A_126 = arith.index_cast %add3A_124 : i32 to index
        %get3A_127 = tpu.vector_load %arg15[%get3A_125, %get3A_126] {strides = array<i32>} : memref<40x128xf32, #tpu.memory_space<vmem>>, vector<1x16xf32>,
        %get3A_128 = vector.shape_cast %get3A_127 : vector<1x16xf32> to vector<16xf32>
        %add3A_129 = arith.constant 1.000000e-07 : f32
        %add3A_130 = vector.broadcast %add3A_129 : f32 to vector<16xf32>
        %add3A_131 = arith.addf %get3A_120, %add3A_130 : vector<16xf32>
        %div3A_132 = arith.divf %get3A_116, %add3A_131 : vector<16xf32>
        %add3A_133 = arith.addf %get3A_128, %div3A_132 : vector<16xf32>
        %swap3A_134 = arith.index_cast %scan3A_61 : i32 to index
        %swap3A_135 = arith.constant 32 : index
        %swap3A_136 = tpu.vector_load %arg16[%swap3A_134, %swap3A_135] {strides = array<i32>} : memref<40x64xf32, #tpu.memory_space<vmem>>, vector<1x16xf32>,
        %swap3A_137 = vector.shape_cast %swap3A_136 : vector<1x16xf32> to vector<16xf32>
        %swap3A_138 = vector.shape_cast %add3A_133 : vector<16xf32> to vector<1x16xf32>
        tpu.vector_store %arg16[%swap3A_134, %swap3A_135], %swap3A_138 {strides = array<i32>} : memref<40x64xf32, #tpu.memory_space<vmem>>, vector<1x16xf32>,
        %get3A_139 = arith.index_cast %scan3A_61 : i32 to index
        %get3A_140 = arith.constant 48 : index
        %get3A_141 = tpu.vector_load %arg14[%get3A_139, %get3A_140] {strides = array<i32>} : memref<40x128xf32, #tpu.memory_space<vmem>>, vector<1x16xf32>,
        %get3A_142 = vector.shape_cast %get3A_141 : vector<1x16xf32> to vector<16xf32>
        %get3A_143 = arith.index_cast %scan3A_61 : i32 to index
        %get3A_144 = arith.constant 112 : index
        %get3A_145 = tpu.vector_load %arg14[%get3A_143, %get3A_144] {strides = array<i32>} : memref<40x128xf32, #tpu.memory_space<vmem>>, vector<1x16xf32>,
        %get3A_146 = vector.shape_cast %get3A_145 : vector<1x16xf32> to vector<16xf32>
        %mul3A_147 = arith.constant 64 : i32
        %mul3A_148 = arith.muli %arg0, %mul3A_147 : i32
        %add3A_149 = arith.constant 48 : i32
        %add3A_150 = arith.addi %mul3A_148, %add3A_149 : i32
        %get3A_151 = arith.index_cast %scan3A_61 : i32 to index
        %get3A_152 = arith.index_cast %add3A_150 : i32 to index
        %get3A_153 = tpu.vector_load %arg15[%get3A_151, %get3A_152] {strides = array<i32>} : memref<40x128xf32, #tpu.memory_space<vmem>>, vector<1x16xf32>,
        %get3A_154 = vector.shape_cast %get3A_153 : vector<1x16xf32> to vector<16xf32>
        %add3A_155 = arith.constant 1.000000e-07 : f32
        %add3A_156 = vector.broadcast %add3A_155 : f32 to vector<16xf32>
        %add3A_157 = arith.addf %get3A_146, %add3A_156 : vector<16xf32>
        %div3A_158 = arith.divf %get3A_142, %add3A_157 : vector<16xf32>
        %add3A_159 = arith.addf %get3A_154, %div3A_158 : vector<16xf32>
        %swap3A_160 = arith.index_cast %scan3A_61 : i32 to index
        %swap3A_161 = arith.constant 48 : index
        %swap3A_162 = tpu.vector_load %arg16[%swap3A_160, %swap3A_161] {strides = array<i32>} : memref<40x64xf32, #tpu.memory_space<vmem>>, vector<1x16xf32>,
        %swap3A_163 = vector.shape_cast %swap3A_162 : vector<1x16xf32> to vector<16xf32>
        %swap3A_164 = vector.shape_cast %add3A_159 : vector<16xf32> to vector<1x16xf32>
        tpu.vector_store %arg16[%swap3A_160, %swap3A_161], %swap3A_164 {strides = array<i32>} : memref<40x64xf32, #tpu.memory_space<vmem>>, vector<1x16xf32>,
        %scan3A_165 = arith.constant 0 : i32
        scf.yield %scan3A_165 : i32
      }
      %scan3A_59 = arith.constant 40 : i32
      "tpu.region"() ({
        %run_scoped3A = tpu.sem_alloc : memref<!tpu.dma_semaphore, #tpu.memory_space<semaphore_mem>>
        %dma_start3A = arith.constant 0 : i32
        %dma_start3A_61 = tpu.memref_slice %arg7[%multiple_of3A_52, %dma_start3A] : memref<20000x64xf32, #tpu.memory_space<hbm>> -> memref<40x64xf32, #tpu.memory_space<hbm>>
        %dma_start3A_62 = arith.constant 0 : i32
        %dma_start3A_63 = tpu.memref_slice %arg7[%multiple_of3A_52, %dma_start3A_62] : memref<20000x64xf32, #tpu.memory_space<hbm>> -> memref<40x64xf32, #tpu.memory_space<hbm>>
        tpu.enqueue_dma source(%arg16 : memref<40x64xf32, #tpu.memory_space<vmem>>) target(%dma_start3A_63 : memref<40x64xf32, #tpu.memory_space<hbm>>) target_semaphore(%run_scoped3A : memref<!tpu.dma_semaphore, #tpu.memory_space<semaphore_mem>>)
        %dma_wait3A = arith.constant 0 : i32
        %dma_wait3A_64 = tpu.memref_slice %arg7[%multiple_of3A_52, %dma_wait3A] : memref<20000x64xf32, #tpu.memory_space<hbm>> -> memref<40x64xf32, #tpu.memory_space<hbm>>
        %dma_wait3A_65 = arith.constant 0 : i32
        %dma_wait3A_66 = tpu.memref_slice %arg7[%multiple_of3A_52, %dma_wait3A_65] : memref<20000x64xf32, #tpu.memory_space<hbm>> -> memref<40x64xf32, #tpu.memory_space<hbm>>
        tpu.wait_dma2 semaphore(%run_scoped3A : memref<!tpu.dma_semaphore, #tpu.memory_space<semaphore_mem>>) src(%arg16 : memref<40x64xf32, #tpu.memory_space<vmem>>) dst(%dma_wait3A_66 : memref<40x64xf32, #tpu.memory_space<hbm>>)
        tpu.yield
      }) : () -> ()
      %while3A_60 = arith.constant 0 : i32
      scf.yield %while3A_60 : i32
    }
    return
  }
}

module attributes {stable_mosaic.version = 14 : i64} {
  func.func @_encode_body(%arg0: memref<10000x128xf32, #tpu.memory_space<vmem>>, %arg1: memref<128x128xf32, #tpu.memory_space<vmem>>, %arg2: memref<1x128xf32, #tpu.memory_space<vmem>>, %arg3: memref<1x1xf32, #tpu.memory_space<vmem>>, %arg4: memref<1x1xf32, #tpu.memory_space<vmem>>, %arg5: memref<10000x128xf32, #tpu.memory_space<vmem>>, %arg6: memref<10000x128xf32, #tpu.memory_space<vmem>>) attributes {dimension_semantics = [], scalar_prefetch = 0 : i64, scratch_operands = 0 : i64, tpu.core_type = #tpu.core_type<tc>} {
    %get3A = arith.constant 0 : index
    %get3A_0 = arith.constant 0 : index
    %get3A_1 = vector.load %arg0[%get3A, %get3A_0] : memref<10000x128xf32, #tpu.memory_space<vmem>>, vector<10000x128xf32>
    %get3A_2 = arith.constant 0 : index
    %get3A_3 = arith.constant 0 : index
    %get3A_4 = vector.load %arg1[%get3A_2, %get3A_3] : memref<128x128xf32, #tpu.memory_space<vmem>>, vector<128x128xf32>
    %dot_general3A = arith.constant dense<0.000000e+00> : vector<10000x128xf32>
    %dot_general3A_5 = tpu.matmul %get3A_1, %get3A_4, %dot_general3A {dimension_numbers = #tpu.dot_dimension_numbers<[1], [0], [0], [1], [0, 0, 1, 1], [], []>, transpose_lhs_hint = false} : vector<10000x128xf32>, vector<128x128xf32>, vector<10000x128xf32> -> vector<10000x128xf32>
    %get3A_6 = arith.constant 0 : index
    %get3A_7 = arith.constant 0 : index
    %get3A_8 = vector.load %arg2[%get3A_6, %get3A_7] : memref<1x128xf32, #tpu.memory_space<vmem>>, vector<1x128xf32>
    %add3A = vector.broadcast %get3A_8 : vector<1x128xf32> to vector<10000x128xf32>
    %add3A_9 = arith.addf %dot_general3A_5, %add3A : vector<10000x128xf32>
    %swap3A = arith.constant 0 : index
    %swap3A_10 = arith.constant 0 : index
    %swap3A_11 = vector.load %arg5[%swap3A, %swap3A_10] : memref<10000x128xf32, #tpu.memory_space<vmem>>, vector<10000x128xf32>
    tpu.vector_store %arg5[%swap3A, %swap3A_10], %add3A_9 {strides = array<i32>} : memref<10000x128xf32, #tpu.memory_space<vmem>>, vector<10000x128xf32>,
    %get3A_12 = arith.constant 0 : index
    %get3A_13 = arith.constant 0 : index
    %get3A_14 = vector.load %arg3[%get3A_12, %get3A_13] : memref<1x1xf32, #tpu.memory_space<vmem>>, vector<1x1xf32>
    %get3A_15 = vector.extract %get3A_14[0, 0] : f32 from vector<1x1xf32>
    %get3A_16 = arith.constant 0 : index
    %get3A_17 = arith.constant 0 : index
    %get3A_18 = vector.load %arg4[%get3A_16, %get3A_17] : memref<1x1xf32, #tpu.memory_space<vmem>>, vector<1x1xf32>
    %get3A_19 = vector.extract %get3A_18[0, 0] : f32 from vector<1x1xf32>
    %reduce_sum3A = vector.shape_cast %add3A_9 : vector<10000x128xf32> to vector<1x10000x128xf32>
    %reduce_sum3A_20 = arith.constant dense<0.000000e+00> : vector<1xf32>
    %reduce_sum3A_21 = vector.multi_reduction <add>, %reduce_sum3A, %reduce_sum3A_20 [1, 2] : vector<1x10000x128xf32> to vector<1xf32>
    %reduce_sum3A_22 = vector.shape_cast %reduce_sum3A_21 : vector<1xf32> to vector<1x1x1xf32>
    %reduce_sum3A_23 = vector.extract %reduce_sum3A_22[0, 0, 0] : f32 from vector<1x1x1xf32>
    %div3A = arith.constant 1.280000e+06 : f32
    %div3A_24 = arith.divf %reduce_sum3A_23, %div3A : f32
    %sub3A = vector.broadcast %div3A_24 : f32 to vector<10000x128xf32>
    %sub3A_25 = arith.subf %add3A_9, %sub3A : vector<10000x128xf32>
    %integer_pow3A = arith.mulf %sub3A_25, %sub3A_25 : vector<10000x128xf32>
    %reduce_sum3A_26 = vector.shape_cast %integer_pow3A : vector<10000x128xf32> to vector<1x10000x128xf32>
    %reduce_sum3A_27 = arith.constant dense<0.000000e+00> : vector<1xf32>
    %reduce_sum3A_28 = vector.multi_reduction <add>, %reduce_sum3A_26, %reduce_sum3A_27 [1, 2] : vector<1x10000x128xf32> to vector<1xf32>
    %reduce_sum3A_29 = vector.shape_cast %reduce_sum3A_28 : vector<1xf32> to vector<1x1x1xf32>
    %reduce_sum3A_30 = vector.extract %reduce_sum3A_29[0, 0, 0] : f32 from vector<1x1x1xf32>
    %div3A_31 = arith.constant 1.280000e+06 : f32
    %div3A_32 = arith.divf %reduce_sum3A_30, %div3A_31 : f32
    %sqrt3A = math.sqrt %div3A_32 : f32
    %sub3A_33 = vector.broadcast %div3A_24 : f32 to vector<10000x128xf32>
    %sub3A_34 = arith.subf %add3A_9, %sub3A_33 : vector<10000x128xf32>
    %add3A_35 = arith.constant 9.99999974E-6 : f32
    %add3A_36 = arith.addf %sqrt3A, %add3A_35 : f32
    %div3A_37 = vector.broadcast %add3A_36 : f32 to vector<10000x128xf32>
    %div3A_38 = arith.divf %sub3A_34, %div3A_37 : vector<10000x128xf32>
    %mul3A = vector.broadcast %get3A_15 : f32 to vector<10000x128xf32>
    %mul3A_39 = arith.mulf %div3A_38, %mul3A : vector<10000x128xf32>
    %add3A_40 = vector.broadcast %get3A_19 : f32 to vector<10000x128xf32>
    %add3A_41 = arith.addf %mul3A_39, %add3A_40 : vector<10000x128xf32>
    %max3A = arith.constant 0.000000e+00 : f32
    %max3A_42 = vector.broadcast %max3A : f32 to vector<10000x128xf32>
    %max3A_43 = arith.maximumf %add3A_41, %max3A_42 : vector<10000x128xf32>
    %swap3A_44 = arith.constant 0 : index
    %swap3A_45 = arith.constant 0 : index
    %swap3A_46 = vector.load %arg6[%swap3A_44, %swap3A_45] : memref<10000x128xf32, #tpu.memory_space<vmem>>, vector<10000x128xf32>
    tpu.vector_store %arg6[%swap3A_44, %swap3A_45], %max3A_43 {strides = array<i32>} : memref<10000x128xf32, #tpu.memory_space<vmem>>, vector<10000x128xf32>,
    return
  }
}

module attributes {stable_mosaic.version = 14 : i64} {
  func.func @_edge_enc_body(%arg0: i32, %arg1: memref<8000x16xf32, #tpu.memory_space<vmem>>, %arg2: memref<16x128xf32, #tpu.memory_space<vmem>>, %arg3: memref<1x128xf32, #tpu.memory_space<vmem>>, %arg4: memref<2x8000x64xf32, #tpu.memory_space<vmem>>) attributes {dimension_semantics = [#tpu.dimension_semantics<arbitrary>], iteration_bounds = array<i64: 40>, scalar_prefetch = 0 : i64, scratch_operands = 0 : i64, tpu.core_type = #tpu.core_type<tc>, window_params = [{transform_indices = @transform_0, window_bounds = array<i64: 8000, 16>}, {pipeline_mode = #tpu.pipeline_mode<synchronous>, transform_indices = @transform_1, window_bounds = array<i64: 16, 128>}, {pipeline_mode = #tpu.pipeline_mode<synchronous>, transform_indices = @transform_2, window_bounds = array<i64: 1, 128>}, {transform_indices = @transform_3, window_bounds = array<i64: 2, 8000, 64>}]} {
    %get3A = arith.constant 0 : index
    %get3A_0 = arith.constant 0 : index
    %get3A_1 = vector.load %arg1[%get3A, %get3A_0] : memref<8000x16xf32, #tpu.memory_space<vmem>>, vector<8000x16xf32>
    %get3A_2 = arith.constant 0 : index
    %get3A_3 = arith.constant 0 : index
    %get3A_4 = vector.load %arg2[%get3A_2, %get3A_3] : memref<16x128xf32, #tpu.memory_space<vmem>>, vector<16x128xf32>
    %dot_general3A = arith.constant dense<0.000000e+00> : vector<8000x128xf32>
    %dot_general3A_5 = tpu.matmul %get3A_1, %get3A_4, %dot_general3A {dimension_numbers = #tpu.dot_dimension_numbers<[1], [0], [0], [1], [0, 0, 1, 1], [], []>, transpose_lhs_hint = false} : vector<8000x16xf32>, vector<16x128xf32>, vector<8000x128xf32> -> vector<8000x128xf32>
    %get3A_6 = arith.constant 0 : index
    %get3A_7 = arith.constant 0 : index
    %get3A_8 = vector.load %arg3[%get3A_6, %get3A_7] : memref<1x128xf32, #tpu.memory_space<vmem>>, vector<1x128xf32>
    %add3A = vector.broadcast %get3A_8 : vector<1x128xf32> to vector<8000x128xf32>
    %add3A_9 = arith.addf %dot_general3A_5, %add3A : vector<8000x128xf32>
    %slice3A = vector.extract_strided_slice %add3A_9 {offsets = [0, 0], sizes = [8000, 64], strides = [1, 1]} : vector<8000x128xf32> to vector<8000x64xf32>
    %swap3A = arith.constant 0 : index
    %swap3A_10 = arith.constant 0 : index
    %swap3A_11 = arith.constant 0 : index
    %swap3A_12 = vector.load %arg4[%swap3A, %swap3A_10, %swap3A_11] : memref<2x8000x64xf32, #tpu.memory_space<vmem>>, vector<1x8000x64xf32>
    %swap3A_13 = vector.shape_cast %swap3A_12 : vector<1x8000x64xf32> to vector<8000x64xf32>
    %swap3A_14 = vector.shape_cast %slice3A : vector<8000x64xf32> to vector<1x8000x64xf32>
    tpu.vector_store %arg4[%swap3A, %swap3A_10, %swap3A_11], %swap3A_14 {strides = array<i32>} : memref<2x8000x64xf32, #tpu.memory_space<vmem>>, vector<1x8000x64xf32>,
    %slice3A_15 = vector.extract_strided_slice %add3A_9 {offsets = [0, 64], sizes = [8000, 64], strides = [1, 1]} : vector<8000x128xf32> to vector<8000x64xf32>
    %swap3A_16 = arith.constant 1 : index
    %swap3A_17 = arith.constant 0 : index
    %swap3A_18 = arith.constant 0 : index
    %swap3A_19 = vector.load %arg4[%swap3A_16, %swap3A_17, %swap3A_18] : memref<2x8000x64xf32, #tpu.memory_space<vmem>>, vector<1x8000x64xf32>
    %swap3A_20 = vector.shape_cast %swap3A_19 : vector<1x8000x64xf32> to vector<8000x64xf32>
    %swap3A_21 = vector.shape_cast %slice3A_15 : vector<8000x64xf32> to vector<1x8000x64xf32>
    tpu.vector_store %arg4[%swap3A_16, %swap3A_17, %swap3A_18], %swap3A_21 {strides = array<i32>} : memref<2x8000x64xf32, #tpu.memory_space<vmem>>, vector<1x8000x64xf32>,
    return
  }
  func.func @transform_0(%arg0: i32) -> (i32, i32) {
    %c0_i32 = arith.constant 0 : i32
    %c0_i32_0 = arith.constant 0 : i32
    return %arg0, %c0_i32 : i32, i32
  }
  func.func @transform_1(%arg0: i32) -> (i32, i32) {
    %c0_i32 = arith.constant 0 : i32
    %c0_i32_0 = arith.constant 0 : i32
    %c0_i32_1 = arith.constant 0 : i32
    return %c0_i32, %c0_i32_0 : i32, i32
  }
  func.func @transform_2(%arg0: i32) -> (i32, i32) {
    %c0_i32 = arith.constant 0 : i32
    %c0_i32_0 = arith.constant 0 : i32
    %c0_i32_1 = arith.constant 0 : i32
    return %c0_i32, %c0_i32_0 : i32, i32
  }
  func.func @transform_3(%arg0: i32) -> (i32, i32, i32) {
    %c0_i32 = arith.constant 0 : i32
    %c0_i32_0 = arith.constant 0 : i32
    %c0_i32_1 = arith.constant 0 : i32
    return %c0_i32, %arg0, %c0_i32_0 : i32, i32, i32
  }
}

module attributes {stable_mosaic.version = 14 : i64} {
  func.func @_mlp_body(%arg0: memref<10000x128xf32, #tpu.memory_space<vmem>>, %arg1: memref<2x10000x64xf32, #tpu.memory_space<vmem>>, %arg2: memref<64x256xf32, #tpu.memory_space<vmem>>, %arg3: memref<64x256xf32, #tpu.memory_space<vmem>>, %arg4: memref<1x256xf32, #tpu.memory_space<vmem>>, %arg5: memref<1x1xf32, #tpu.memory_space<vmem>>, %arg6: memref<1x1xf32, #tpu.memory_space<vmem>>, %arg7: memref<256x128xf32, #tpu.memory_space<vmem>>, %arg8: memref<1x128xf32, #tpu.memory_space<vmem>>, %arg9: memref<1x1xf32, #tpu.memory_space<vmem>>, %arg10: memref<1x1xf32, #tpu.memory_space<vmem>>, %arg11: memref<10000x128xf32, #tpu.memory_space<vmem>>, %arg12: memref<10000x128xf32, #tpu.memory_space<vmem>>) attributes {dimension_semantics = [], scalar_prefetch = 0 : i64, scratch_operands = 0 : i64, tpu.core_type = #tpu.core_type<tc>} {
    %get3A = arith.constant 0 : index
    %get3A_0 = arith.constant 0 : index
    %get3A_1 = arith.constant 0 : index
    %get3A_2 = vector.load %arg1[%get3A, %get3A_0, %get3A_1] : memref<2x10000x64xf32, #tpu.memory_space<vmem>>, vector<1x10000x64xf32>
    %get3A_3 = vector.shape_cast %get3A_2 : vector<1x10000x64xf32> to vector<10000x64xf32>
    %get3A_4 = arith.constant 0 : index
    %get3A_5 = arith.constant 0 : index
    %get3A_6 = vector.load %arg2[%get3A_4, %get3A_5] : memref<64x256xf32, #tpu.memory_space<vmem>>, vector<64x256xf32>
    %dot_general3A = arith.constant dense<0.000000e+00> : vector<10000x256xf32>
    %dot_general3A_7 = tpu.matmul %get3A_3, %get3A_6, %dot_general3A {dimension_numbers = #tpu.dot_dimension_numbers<[1], [0], [0], [1], [0, 0, 1, 1], [], []>, transpose_lhs_hint = false} : vector<10000x64xf32>, vector<64x256xf32>, vector<10000x256xf32> -> vector<10000x256xf32>
    %get3A_8 = arith.constant 1 : index
    %get3A_9 = arith.constant 0 : index
    %get3A_10 = arith.constant 0 : index
    %get3A_11 = vector.load %arg1[%get3A_8, %get3A_9, %get3A_10] : memref<2x10000x64xf32, #tpu.memory_space<vmem>>, vector<1x10000x64xf32>
    %get3A_12 = vector.shape_cast %get3A_11 : vector<1x10000x64xf32> to vector<10000x64xf32>
    %get3A_13 = arith.constant 0 : index
    %get3A_14 = arith.constant 0 : index
    %get3A_15 = vector.load %arg3[%get3A_13, %get3A_14] : memref<64x256xf32, #tpu.memory_space<vmem>>, vector<64x256xf32>
    %dot_general3A_16 = arith.constant dense<0.000000e+00> : vector<10000x256xf32>
    %dot_general3A_17 = tpu.matmul %get3A_12, %get3A_15, %dot_general3A_16 {dimension_numbers = #tpu.dot_dimension_numbers<[1], [0], [0], [1], [0, 0, 1, 1], [], []>, transpose_lhs_hint = false} : vector<10000x64xf32>, vector<64x256xf32>, vector<10000x256xf32> -> vector<10000x256xf32>
    %add3A = arith.addf %dot_general3A_7, %dot_general3A_17 : vector<10000x256xf32>
    %get3A_18 = arith.constant 0 : index
    %get3A_19 = arith.constant 0 : index
    %get3A_20 = vector.load %arg4[%get3A_18, %get3A_19] : memref<1x256xf32, #tpu.memory_space<vmem>>, vector<1x256xf32>
    %add3A_21 = vector.broadcast %get3A_20 : vector<1x256xf32> to vector<10000x256xf32>
    %add3A_22 = arith.addf %add3A, %add3A_21 : vector<10000x256xf32>
    %get3A_23 = arith.constant 0 : index
    %get3A_24 = arith.constant 0 : index
    %get3A_25 = vector.load %arg5[%get3A_23, %get3A_24] : memref<1x1xf32, #tpu.memory_space<vmem>>, vector<1x1xf32>
    %get3A_26 = vector.extract %get3A_25[0, 0] : f32 from vector<1x1xf32>
    %get3A_27 = arith.constant 0 : index
    %get3A_28 = arith.constant 0 : index
    %get3A_29 = vector.load %arg6[%get3A_27, %get3A_28] : memref<1x1xf32, #tpu.memory_space<vmem>>, vector<1x1xf32>
    %get3A_30 = vector.extract %get3A_29[0, 0] : f32 from vector<1x1xf32>
    %reduce_sum3A = vector.shape_cast %add3A_22 : vector<10000x256xf32> to vector<1x10000x256xf32>
    %reduce_sum3A_31 = arith.constant dense<0.000000e+00> : vector<1xf32>
    %reduce_sum3A_32 = vector.multi_reduction <add>, %reduce_sum3A, %reduce_sum3A_31 [1, 2] : vector<1x10000x256xf32> to vector<1xf32>
    %reduce_sum3A_33 = vector.shape_cast %reduce_sum3A_32 : vector<1xf32> to vector<1x1x1xf32>
    %reduce_sum3A_34 = vector.extract %reduce_sum3A_33[0, 0, 0] : f32 from vector<1x1x1xf32>
    %div3A = arith.constant 2.560000e+06 : f32
    %div3A_35 = arith.divf %reduce_sum3A_34, %div3A : f32
    %sub3A = vector.broadcast %div3A_35 : f32 to vector<10000x256xf32>
    %sub3A_36 = arith.subf %add3A_22, %sub3A : vector<10000x256xf32>
    %integer_pow3A = arith.mulf %sub3A_36, %sub3A_36 : vector<10000x256xf32>
    %reduce_sum3A_37 = vector.shape_cast %integer_pow3A : vector<10000x256xf32> to vector<1x10000x256xf32>
    %reduce_sum3A_38 = arith.constant dense<0.000000e+00> : vector<1xf32>
    %reduce_sum3A_39 = vector.multi_reduction <add>, %reduce_sum3A_37, %reduce_sum3A_38 [1, 2] : vector<1x10000x256xf32> to vector<1xf32>
    %reduce_sum3A_40 = vector.shape_cast %reduce_sum3A_39 : vector<1xf32> to vector<1x1x1xf32>
    %reduce_sum3A_41 = vector.extract %reduce_sum3A_40[0, 0, 0] : f32 from vector<1x1x1xf32>
    %div3A_42 = arith.constant 2.560000e+06 : f32
    %div3A_43 = arith.divf %reduce_sum3A_41, %div3A_42 : f32
    %sqrt3A = math.sqrt %div3A_43 : f32
    %sub3A_44 = vector.broadcast %div3A_35 : f32 to vector<10000x256xf32>
    %sub3A_45 = arith.subf %add3A_22, %sub3A_44 : vector<10000x256xf32>
    %add3A_46 = arith.constant 9.99999974E-6 : f32
    %add3A_47 = arith.addf %sqrt3A, %add3A_46 : f32
    %div3A_48 = vector.broadcast %add3A_47 : f32 to vector<10000x256xf32>
    %div3A_49 = arith.divf %sub3A_45, %div3A_48 : vector<10000x256xf32>
    %mul3A = vector.broadcast %get3A_26 : f32 to vector<10000x256xf32>
    %mul3A_50 = arith.mulf %div3A_49, %mul3A : vector<10000x256xf32>
    %add3A_51 = vector.broadcast %get3A_30 : f32 to vector<10000x256xf32>
    %add3A_52 = arith.addf %mul3A_50, %add3A_51 : vector<10000x256xf32>
    %max3A = arith.constant 0.000000e+00 : f32
    %max3A_53 = vector.broadcast %max3A : f32 to vector<10000x256xf32>
    %max3A_54 = arith.maximumf %add3A_52, %max3A_53 : vector<10000x256xf32>
    %get3A_55 = arith.constant 0 : index
    %get3A_56 = arith.constant 0 : index
    %get3A_57 = vector.load %arg0[%get3A_55, %get3A_56] : memref<10000x128xf32, #tpu.memory_space<vmem>>, vector<10000x128xf32>
    %get3A_58 = arith.constant 0 : index
    %get3A_59 = arith.constant 0 : index
    %get3A_60 = vector.load %arg7[%get3A_58, %get3A_59] : memref<256x128xf32, #tpu.memory_space<vmem>>, vector<256x128xf32>
    %dot_general3A_61 = arith.constant dense<0.000000e+00> : vector<10000x128xf32>
    %dot_general3A_62 = tpu.matmul %max3A_54, %get3A_60, %dot_general3A_61 {dimension_numbers = #tpu.dot_dimension_numbers<[1], [0], [0], [1], [0, 0, 1, 1], [], []>, transpose_lhs_hint = false} : vector<10000x256xf32>, vector<256x128xf32>, vector<10000x128xf32> -> vector<10000x128xf32>
    %add3A_63 = arith.addf %get3A_57, %dot_general3A_62 : vector<10000x128xf32>
    %get3A_64 = arith.constant 0 : index
    %get3A_65 = arith.constant 0 : index
    %get3A_66 = vector.load %arg8[%get3A_64, %get3A_65] : memref<1x128xf32, #tpu.memory_space<vmem>>, vector<1x128xf32>
    %add3A_67 = vector.broadcast %get3A_66 : vector<1x128xf32> to vector<10000x128xf32>
    %add3A_68 = arith.addf %add3A_63, %add3A_67 : vector<10000x128xf32>
    %swap3A = arith.constant 0 : index
    %swap3A_69 = arith.constant 0 : index
    %swap3A_70 = vector.load %arg11[%swap3A, %swap3A_69] : memref<10000x128xf32, #tpu.memory_space<vmem>>, vector<10000x128xf32>
    tpu.vector_store %arg11[%swap3A, %swap3A_69], %add3A_68 {strides = array<i32>} : memref<10000x128xf32, #tpu.memory_space<vmem>>, vector<10000x128xf32>,
    %get3A_71 = arith.constant 0 : index
    %get3A_72 = arith.constant 0 : index
    %get3A_73 = vector.load %arg9[%get3A_71, %get3A_72] : memref<1x1xf32, #tpu.memory_space<vmem>>, vector<1x1xf32>
    %get3A_74 = vector.extract %get3A_73[0, 0] : f32 from vector<1x1xf32>
    %get3A_75 = arith.constant 0 : index
    %get3A_76 = arith.constant 0 : index
    %get3A_77 = vector.load %arg10[%get3A_75, %get3A_76] : memref<1x1xf32, #tpu.memory_space<vmem>>, vector<1x1xf32>
    %get3A_78 = vector.extract %get3A_77[0, 0] : f32 from vector<1x1xf32>
    %reduce_sum3A_79 = vector.shape_cast %add3A_68 : vector<10000x128xf32> to vector<1x10000x128xf32>
    %reduce_sum3A_80 = arith.constant dense<0.000000e+00> : vector<1xf32>
    %reduce_sum3A_81 = vector.multi_reduction <add>, %reduce_sum3A_79, %reduce_sum3A_80 [1, 2] : vector<1x10000x128xf32> to vector<1xf32>
    %reduce_sum3A_82 = vector.shape_cast %reduce_sum3A_81 : vector<1xf32> to vector<1x1x1xf32>
    %reduce_sum3A_83 = vector.extract %reduce_sum3A_82[0, 0, 0] : f32 from vector<1x1x1xf32>
    %div3A_84 = arith.constant 1.280000e+06 : f32
    %div3A_85 = arith.divf %reduce_sum3A_83, %div3A_84 : f32
    %sub3A_86 = vector.broadcast %div3A_85 : f32 to vector<10000x128xf32>
    %sub3A_87 = arith.subf %add3A_68, %sub3A_86 : vector<10000x128xf32>
    %integer_pow3A_88 = arith.mulf %sub3A_87, %sub3A_87 : vector<10000x128xf32>
    %reduce_sum3A_89 = vector.shape_cast %integer_pow3A_88 : vector<10000x128xf32> to vector<1x10000x128xf32>
    %reduce_sum3A_90 = arith.constant dense<0.000000e+00> : vector<1xf32>
    %reduce_sum3A_91 = vector.multi_reduction <add>, %reduce_sum3A_89, %reduce_sum3A_90 [1, 2] : vector<1x10000x128xf32> to vector<1xf32>
    %reduce_sum3A_92 = vector.shape_cast %reduce_sum3A_91 : vector<1xf32> to vector<1x1x1xf32>
    %reduce_sum3A_93 = vector.extract %reduce_sum3A_92[0, 0, 0] : f32 from vector<1x1x1xf32>
    %div3A_94 = arith.constant 1.280000e+06 : f32
    %div3A_95 = arith.divf %reduce_sum3A_93, %div3A_94 : f32
    %sqrt3A_96 = math.sqrt %div3A_95 : f32
    %sub3A_97 = vector.broadcast %div3A_85 : f32 to vector<10000x128xf32>
    %sub3A_98 = arith.subf %add3A_68, %sub3A_97 : vector<10000x128xf32>
    %add3A_99 = arith.constant 9.99999974E-6 : f32
    %add3A_100 = arith.addf %sqrt3A_96, %add3A_99 : f32
    %div3A_101 = vector.broadcast %add3A_100 : f32 to vector<10000x128xf32>
    %div3A_102 = arith.divf %sub3A_98, %div3A_101 : vector<10000x128xf32>
    %mul3A_103 = vector.broadcast %get3A_74 : f32 to vector<10000x128xf32>
    %mul3A_104 = arith.mulf %div3A_102, %mul3A_103 : vector<10000x128xf32>
    %add3A_105 = vector.broadcast %get3A_78 : f32 to vector<10000x128xf32>
    %add3A_106 = arith.addf %mul3A_104, %add3A_105 : vector<10000x128xf32>
    %max3A_107 = arith.constant 0.000000e+00 : f32
    %max3A_108 = vector.broadcast %max3A_107 : f32 to vector<10000x128xf32>
    %max3A_109 = arith.maximumf %add3A_106, %max3A_108 : vector<10000x128xf32>
    %swap3A_110 = arith.constant 0 : index
    %swap3A_111 = arith.constant 0 : index
    %swap3A_112 = vector.load %arg12[%swap3A_110, %swap3A_111] : memref<10000x128xf32, #tpu.memory_space<vmem>>, vector<10000x128xf32>
    tpu.vector_store %arg12[%swap3A_110, %swap3A_111], %max3A_109 {strides = array<i32>} : memref<10000x128xf32, #tpu.memory_space<vmem>>, vector<10000x128xf32>,
    return
  }
}

module attributes {stable_mosaic.version = 14 : i64} {
  func.func @_mlp_body(%arg0: memref<10000x128xf32, #tpu.memory_space<vmem>>, %arg1: memref<2x10000x64xf32, #tpu.memory_space<vmem>>, %arg2: memref<64x256xf32, #tpu.memory_space<vmem>>, %arg3: memref<64x256xf32, #tpu.memory_space<vmem>>, %arg4: memref<1x256xf32, #tpu.memory_space<vmem>>, %arg5: memref<1x1xf32, #tpu.memory_space<vmem>>, %arg6: memref<1x1xf32, #tpu.memory_space<vmem>>, %arg7: memref<256x128xf32, #tpu.memory_space<vmem>>, %arg8: memref<1x128xf32, #tpu.memory_space<vmem>>, %arg9: memref<1x1xf32, #tpu.memory_space<vmem>>, %arg10: memref<1x1xf32, #tpu.memory_space<vmem>>, %arg11: memref<10000x128xf32, #tpu.memory_space<vmem>>, %arg12: memref<10000x128xf32, #tpu.memory_space<vmem>>) attributes {dimension_semantics = [], scalar_prefetch = 0 : i64, scratch_operands = 0 : i64, tpu.core_type = #tpu.core_type<tc>} {
    %get3A = arith.constant 0 : index
    %get3A_0 = arith.constant 0 : index
    %get3A_1 = arith.constant 0 : index
    %get3A_2 = vector.load %arg1[%get3A, %get3A_0, %get3A_1] : memref<2x10000x64xf32, #tpu.memory_space<vmem>>, vector<1x10000x64xf32>
    %get3A_3 = vector.shape_cast %get3A_2 : vector<1x10000x64xf32> to vector<10000x64xf32>
    %get3A_4 = arith.constant 0 : index
    %get3A_5 = arith.constant 0 : index
    %get3A_6 = vector.load %arg2[%get3A_4, %get3A_5] : memref<64x256xf32, #tpu.memory_space<vmem>>, vector<64x256xf32>
    %dot_general3A = arith.constant dense<0.000000e+00> : vector<10000x256xf32>
    %dot_general3A_7 = tpu.matmul %get3A_3, %get3A_6, %dot_general3A {dimension_numbers = #tpu.dot_dimension_numbers<[1], [0], [0], [1], [0, 0, 1, 1], [], []>, transpose_lhs_hint = false} : vector<10000x64xf32>, vector<64x256xf32>, vector<10000x256xf32> -> vector<10000x256xf32>
    %get3A_8 = arith.constant 1 : index
    %get3A_9 = arith.constant 0 : index
    %get3A_10 = arith.constant 0 : index
    %get3A_11 = vector.load %arg1[%get3A_8, %get3A_9, %get3A_10] : memref<2x10000x64xf32, #tpu.memory_space<vmem>>, vector<1x10000x64xf32>
    %get3A_12 = vector.shape_cast %get3A_11 : vector<1x10000x64xf32> to vector<10000x64xf32>
    %get3A_13 = arith.constant 0 : index
    %get3A_14 = arith.constant 0 : index
    %get3A_15 = vector.load %arg3[%get3A_13, %get3A_14] : memref<64x256xf32, #tpu.memory_space<vmem>>, vector<64x256xf32>
    %dot_general3A_16 = arith.constant dense<0.000000e+00> : vector<10000x256xf32>
    %dot_general3A_17 = tpu.matmul %get3A_12, %get3A_15, %dot_general3A_16 {dimension_numbers = #tpu.dot_dimension_numbers<[1], [0], [0], [1], [0, 0, 1, 1], [], []>, transpose_lhs_hint = false} : vector<10000x64xf32>, vector<64x256xf32>, vector<10000x256xf32> -> vector<10000x256xf32>
    %add3A = arith.addf %dot_general3A_7, %dot_general3A_17 : vector<10000x256xf32>
    %get3A_18 = arith.constant 0 : index
    %get3A_19 = arith.constant 0 : index
    %get3A_20 = vector.load %arg4[%get3A_18, %get3A_19] : memref<1x256xf32, #tpu.memory_space<vmem>>, vector<1x256xf32>
    %add3A_21 = vector.broadcast %get3A_20 : vector<1x256xf32> to vector<10000x256xf32>
    %add3A_22 = arith.addf %add3A, %add3A_21 : vector<10000x256xf32>
    %get3A_23 = arith.constant 0 : index
    %get3A_24 = arith.constant 0 : index
    %get3A_25 = vector.load %arg5[%get3A_23, %get3A_24] : memref<1x1xf32, #tpu.memory_space<vmem>>, vector<1x1xf32>
    %get3A_26 = vector.extract %get3A_25[0, 0] : f32 from vector<1x1xf32>
    %get3A_27 = arith.constant 0 : index
    %get3A_28 = arith.constant 0 : index
    %get3A_29 = vector.load %arg6[%get3A_27, %get3A_28] : memref<1x1xf32, #tpu.memory_space<vmem>>, vector<1x1xf32>
    %get3A_30 = vector.extract %get3A_29[0, 0] : f32 from vector<1x1xf32>
    %reduce_sum3A = vector.shape_cast %add3A_22 : vector<10000x256xf32> to vector<1x10000x256xf32>
    %reduce_sum3A_31 = arith.constant dense<0.000000e+00> : vector<1xf32>
    %reduce_sum3A_32 = vector.multi_reduction <add>, %reduce_sum3A, %reduce_sum3A_31 [1, 2] : vector<1x10000x256xf32> to vector<1xf32>
    %reduce_sum3A_33 = vector.shape_cast %reduce_sum3A_32 : vector<1xf32> to vector<1x1x1xf32>
    %reduce_sum3A_34 = vector.extract %reduce_sum3A_33[0, 0, 0] : f32 from vector<1x1x1xf32>
    %div3A = arith.constant 2.560000e+06 : f32
    %div3A_35 = arith.divf %reduce_sum3A_34, %div3A : f32
    %sub3A = vector.broadcast %div3A_35 : f32 to vector<10000x256xf32>
    %sub3A_36 = arith.subf %add3A_22, %sub3A : vector<10000x256xf32>
    %integer_pow3A = arith.mulf %sub3A_36, %sub3A_36 : vector<10000x256xf32>
    %reduce_sum3A_37 = vector.shape_cast %integer_pow3A : vector<10000x256xf32> to vector<1x10000x256xf32>
    %reduce_sum3A_38 = arith.constant dense<0.000000e+00> : vector<1xf32>
    %reduce_sum3A_39 = vector.multi_reduction <add>, %reduce_sum3A_37, %reduce_sum3A_38 [1, 2] : vector<1x10000x256xf32> to vector<1xf32>
    %reduce_sum3A_40 = vector.shape_cast %reduce_sum3A_39 : vector<1xf32> to vector<1x1x1xf32>
    %reduce_sum3A_41 = vector.extract %reduce_sum3A_40[0, 0, 0] : f32 from vector<1x1x1xf32>
    %div3A_42 = arith.constant 2.560000e+06 : f32
    %div3A_43 = arith.divf %reduce_sum3A_41, %div3A_42 : f32
    %sqrt3A = math.sqrt %div3A_43 : f32
    %sub3A_44 = vector.broadcast %div3A_35 : f32 to vector<10000x256xf32>
    %sub3A_45 = arith.subf %add3A_22, %sub3A_44 : vector<10000x256xf32>
    %add3A_46 = arith.constant 9.99999974E-6 : f32
    %add3A_47 = arith.addf %sqrt3A, %add3A_46 : f32
    %div3A_48 = vector.broadcast %add3A_47 : f32 to vector<10000x256xf32>
    %div3A_49 = arith.divf %sub3A_45, %div3A_48 : vector<10000x256xf32>
    %mul3A = vector.broadcast %get3A_26 : f32 to vector<10000x256xf32>
    %mul3A_50 = arith.mulf %div3A_49, %mul3A : vector<10000x256xf32>
    %add3A_51 = vector.broadcast %get3A_30 : f32 to vector<10000x256xf32>
    %add3A_52 = arith.addf %mul3A_50, %add3A_51 : vector<10000x256xf32>
    %max3A = arith.constant 0.000000e+00 : f32
    %max3A_53 = vector.broadcast %max3A : f32 to vector<10000x256xf32>
    %max3A_54 = arith.maximumf %add3A_52, %max3A_53 : vector<10000x256xf32>
    %get3A_55 = arith.constant 0 : index
    %get3A_56 = arith.constant 0 : index
    %get3A_57 = vector.load %arg0[%get3A_55, %get3A_56] : memref<10000x128xf32, #tpu.memory_space<vmem>>, vector<10000x128xf32>
    %get3A_58 = arith.constant 0 : index
    %get3A_59 = arith.constant 0 : index
    %get3A_60 = vector.load %arg7[%get3A_58, %get3A_59] : memref<256x128xf32, #tpu.memory_space<vmem>>, vector<256x128xf32>
    %dot_general3A_61 = arith.constant dense<0.000000e+00> : vector<10000x128xf32>
    %dot_general3A_62 = tpu.matmul %max3A_54, %get3A_60, %dot_general3A_61 {dimension_numbers = #tpu.dot_dimension_numbers<[1], [0], [0], [1], [0, 0, 1, 1], [], []>, transpose_lhs_hint = false} : vector<10000x256xf32>, vector<256x128xf32>, vector<10000x128xf32> -> vector<10000x128xf32>
    %add3A_63 = arith.addf %get3A_57, %dot_general3A_62 : vector<10000x128xf32>
    %get3A_64 = arith.constant 0 : index
    %get3A_65 = arith.constant 0 : index
    %get3A_66 = vector.load %arg8[%get3A_64, %get3A_65] : memref<1x128xf32, #tpu.memory_space<vmem>>, vector<1x128xf32>
    %add3A_67 = vector.broadcast %get3A_66 : vector<1x128xf32> to vector<10000x128xf32>
    %add3A_68 = arith.addf %add3A_63, %add3A_67 : vector<10000x128xf32>
    %swap3A = arith.constant 0 : index
    %swap3A_69 = arith.constant 0 : index
    %swap3A_70 = vector.load %arg11[%swap3A, %swap3A_69] : memref<10000x128xf32, #tpu.memory_space<vmem>>, vector<10000x128xf32>
    tpu.vector_store %arg11[%swap3A, %swap3A_69], %add3A_68 {strides = array<i32>} : memref<10000x128xf32, #tpu.memory_space<vmem>>, vector<10000x128xf32>,
    %get3A_71 = arith.constant 0 : index
    %get3A_72 = arith.constant 0 : index
    %get3A_73 = vector.load %arg9[%get3A_71, %get3A_72] : memref<1x1xf32, #tpu.memory_space<vmem>>, vector<1x1xf32>
    %get3A_74 = vector.extract %get3A_73[0, 0] : f32 from vector<1x1xf32>
    %get3A_75 = arith.constant 0 : index
    %get3A_76 = arith.constant 0 : index
    %get3A_77 = vector.load %arg10[%get3A_75, %get3A_76] : memref<1x1xf32, #tpu.memory_space<vmem>>, vector<1x1xf32>
    %get3A_78 = vector.extract %get3A_77[0, 0] : f32 from vector<1x1xf32>
    %reduce_sum3A_79 = vector.shape_cast %add3A_68 : vector<10000x128xf32> to vector<1x10000x128xf32>
    %reduce_sum3A_80 = arith.constant dense<0.000000e+00> : vector<1xf32>
    %reduce_sum3A_81 = vector.multi_reduction <add>, %reduce_sum3A_79, %reduce_sum3A_80 [1, 2] : vector<1x10000x128xf32> to vector<1xf32>
    %reduce_sum3A_82 = vector.shape_cast %reduce_sum3A_81 : vector<1xf32> to vector<1x1x1xf32>
    %reduce_sum3A_83 = vector.extract %reduce_sum3A_82[0, 0, 0] : f32 from vector<1x1x1xf32>
    %div3A_84 = arith.constant 1.280000e+06 : f32
    %div3A_85 = arith.divf %reduce_sum3A_83, %div3A_84 : f32
    %sub3A_86 = vector.broadcast %div3A_85 : f32 to vector<10000x128xf32>
    %sub3A_87 = arith.subf %add3A_68, %sub3A_86 : vector<10000x128xf32>
    %integer_pow3A_88 = arith.mulf %sub3A_87, %sub3A_87 : vector<10000x128xf32>
    %reduce_sum3A_89 = vector.shape_cast %integer_pow3A_88 : vector<10000x128xf32> to vector<1x10000x128xf32>
    %reduce_sum3A_90 = arith.constant dense<0.000000e+00> : vector<1xf32>
    %reduce_sum3A_91 = vector.multi_reduction <add>, %reduce_sum3A_89, %reduce_sum3A_90 [1, 2] : vector<1x10000x128xf32> to vector<1xf32>
    %reduce_sum3A_92 = vector.shape_cast %reduce_sum3A_91 : vector<1xf32> to vector<1x1x1xf32>
    %reduce_sum3A_93 = vector.extract %reduce_sum3A_92[0, 0, 0] : f32 from vector<1x1x1xf32>
    %div3A_94 = arith.constant 1.280000e+06 : f32
    %div3A_95 = arith.divf %reduce_sum3A_93, %div3A_94 : f32
    %sqrt3A_96 = math.sqrt %div3A_95 : f32
    %sub3A_97 = vector.broadcast %div3A_85 : f32 to vector<10000x128xf32>
    %sub3A_98 = arith.subf %add3A_68, %sub3A_97 : vector<10000x128xf32>
    %add3A_99 = arith.constant 9.99999974E-6 : f32
    %add3A_100 = arith.addf %sqrt3A_96, %add3A_99 : f32
    %div3A_101 = vector.broadcast %add3A_100 : f32 to vector<10000x128xf32>
    %div3A_102 = arith.divf %sub3A_98, %div3A_101 : vector<10000x128xf32>
    %mul3A_103 = vector.broadcast %get3A_74 : f32 to vector<10000x128xf32>
    %mul3A_104 = arith.mulf %div3A_102, %mul3A_103 : vector<10000x128xf32>
    %add3A_105 = vector.broadcast %get3A_78 : f32 to vector<10000x128xf32>
    %add3A_106 = arith.addf %mul3A_104, %add3A_105 : vector<10000x128xf32>
    %max3A_107 = arith.constant 0.000000e+00 : f32
    %max3A_108 = vector.broadcast %max3A_107 : f32 to vector<10000x128xf32>
    %max3A_109 = arith.maximumf %add3A_106, %max3A_108 : vector<10000x128xf32>
    %swap3A_110 = arith.constant 0 : index
    %swap3A_111 = arith.constant 0 : index
    %swap3A_112 = vector.load %arg12[%swap3A_110, %swap3A_111] : memref<10000x128xf32, #tpu.memory_space<vmem>>, vector<10000x128xf32>
    tpu.vector_store %arg12[%swap3A_110, %swap3A_111], %max3A_109 {strides = array<i32>} : memref<10000x128xf32, #tpu.memory_space<vmem>>, vector<10000x128xf32>,
    return
  }
}

module attributes {stable_mosaic.version = 14 : i64} {
  func.func @_final_body(%arg0: memref<10000x128xf32, #tpu.memory_space<vmem>>, %arg1: memref<128x128xf32, #tpu.memory_space<vmem>>, %arg2: memref<1x128xf32, #tpu.memory_space<vmem>>, %arg3: memref<10000x128xf32, #tpu.memory_space<vmem>>) attributes {dimension_semantics = [], scalar_prefetch = 0 : i64, scratch_operands = 0 : i64, tpu.core_type = #tpu.core_type<tc>} {
    %get3A = arith.constant 0 : index
    %get3A_0 = arith.constant 0 : index
    %get3A_1 = vector.load %arg0[%get3A, %get3A_0] : memref<10000x128xf32, #tpu.memory_space<vmem>>, vector<10000x128xf32>
    %get3A_2 = arith.constant 0 : index
    %get3A_3 = arith.constant 0 : index
    %get3A_4 = vector.load %arg1[%get3A_2, %get3A_3] : memref<128x128xf32, #tpu.memory_space<vmem>>, vector<128x128xf32>
    %dot_general3A = arith.constant dense<0.000000e+00> : vector<10000x128xf32>
    %dot_general3A_5 = tpu.matmul %get3A_1, %get3A_4, %dot_general3A {dimension_numbers = #tpu.dot_dimension_numbers<[1], [0], [0], [1], [0, 0, 1, 1], [], []>, transpose_lhs_hint = false} : vector<10000x128xf32>, vector<128x128xf32>, vector<10000x128xf32> -> vector<10000x128xf32>
    %get3A_6 = arith.constant 0 : index
    %get3A_7 = arith.constant 0 : index
    %get3A_8 = vector.load %arg2[%get3A_6, %get3A_7] : memref<1x128xf32, #tpu.memory_space<vmem>>, vector<1x128xf32>
    %add3A = vector.broadcast %get3A_8 : vector<1x128xf32> to vector<10000x128xf32>
    %add3A_9 = arith.addf %dot_general3A_5, %add3A : vector<10000x128xf32>
    %swap3A = arith.constant 0 : index
    %swap3A_10 = arith.constant 0 : index
    %swap3A_11 = vector.load %arg3[%swap3A, %swap3A_10] : memref<10000x128xf32, #tpu.memory_space<vmem>>, vector<10000x128xf32>
    tpu.vector_store %arg3[%swap3A, %swap3A_10], %add3A_9 {strides = array<i32>} : memref<10000x128xf32, #tpu.memory_space<vmem>>, vector<10000x128xf32>,
    return
  }
}

</mosaic_0001>

<sc_bundles>
// kernel: kernel.11.cloned.1.call-start
scs
__scs_entry_jumppad:
0x0: {  	(pc) =	sbr.rel $0x88, $3  }
0x1: {  	(tag) =	ssettag $0x0;
	lr =	simm.s32 $0x1  }
0x2: {  	[smem:$0x3F7B] =	sst lr;
	_ =	strace $0xD0000000  }
0x3: {  	_ = 	snop  }
0x4: {  	_ = 	snop  }
0x5: {  	_ = 	snop  }
0x6: {  	_ = 	snop  }
0x7: {  	_ = 	snop  }
__scs_overlays_trampoline_lowered:
0x8: {  	[smem:$0x3F8A] =	sst s0  }
0x9: {  	[smem:$0x3F8B] =	sst s1  }
0xa: {  	[smem:$0x3F8C] =	sst s2  }
0xb: {  	[smem:$0x3F8D] =	sst s3  }
0xc: {  	[smem:$0x3F8E] =	sst s4  }
0xd: {  	[smem:$0x3F8F] =	sst s5  }
0xe: {  	[smem:$0x3F90] =	sst s6  }
0xf: {  	[smem:$0x3F91] =	sst s7  }
0x10: {  	[smem:$0x3F92] =	sst s8  }
0x11: {  	[smem:$0x3F93] =	sst s9;
	s0 =	simm.s32 @!p0 $0x0  }
0x12: {  	s1 =	sld [smem:$0x3F79];
	s0 =	simm.s32 @p0 $0x1  }
0x13: {  	[smem:$0x3F94] =	sst s0;
	s0 =	simm.s32 @!p1 $0x0  }
0x14: {  	s2 =	sld [smem:$0x3F78];
	s0 =	simm.s32 @p1 $0x1  }
0x15: {  	[smem:$0x3F95] =	sst s0;
	s0 =	simm.s32 @!p2 $0x0  }
0x16: {  	s3 =	sld [smem:$0x3FDB];
	s0 =	simm.s32 @p2 $0x1  }
0x17: {  	s4 =	simm.s32 $0x1BF5;
	[smem:$0x3F97] =	sst s0  }
0x18: {  	s0 =	sld [smem:$0x3F7A];
	_ =	swait.ge [sflag:s4], $0x0  }
0x19: {  	s7 =	sld [smem:$0x3F7B]  }
0x1a: {  	s8 =	sadd.s32 $0xFFFFE003, lr  }
0x1b: {  	s9 =	sadd.s32 $0xFFFFFEF7, lr;
	s5 =	simm.s32 $0xFFFFFFFF;
	p2 =	slt.u32 s8, $0xFFFFF086  }
0x1c: {  	p1 =	slt.u32 s9, $0xF7A;
	s5 =	simm.s32 @!p2 $0x0  }
0x1d: {  	s5 =	simm.s32 @p1 $0x1;
	p0 =	seq.s32 s7, s2  }
0x1e: {  	s7 =	smul.u32 @!p0 $0xF7A, s2;
	p2 =	seq.s32 @!p0 s5, $0x0  }
0x1f: {  	s9 =	smul.u32 $0xF7A, s1;
	s8 =	simm.s32 @!p0 $0x1BF5;
	p2 =	por !p2, p0  }
0x20: {  	[sflag:s8] =	ssyncset.s32 @!p0 $0xFFFFF086;
	s6 =	sadd.s32 @!p0 s3, s7;
	s7 =	simm.s32 @!p0 $0x108  }
0x21: {  	s3 =	sadd.s32 s3, s9;
	s6 =	sadd.s32 @!p0 $0x88, s6;
	s7 =	simm.s32 @p2 $0x1082  }
0x22: {  	[simem:s7], [sflag:s8] =	dma.local @!p0 [hbm:s6], $0xF7A  }
0x23: {  	s9 =	sor.u32 $0xD0000000, s2;
	s6 =	simm.s32 $0x108;
	_ =	swait.ge @!p0 [sflag:s8], $0x0  }
0x24: {  	s3 =	sadd.s32 $0x88, s3;
	s6 =	simm.s32 @!p1 $0x1082;
	[sflag:s4] =	ssyncset.s32 $0xFFFFF086  }
0x25: {  	[simem:s6], [sflag:s4] =	dma.local [hbm:s3], $0xF7A  }
0x26: {  	[smem:$0x3F7B] =	sst s1;
	(tag) =	ssettag s2;
	_ =	strace s9  }
0x27: {  	s1 =	sld [smem:$0x3F8B]  }
0x28: {  	s2 =	sld [smem:$0x3F8C]  }
0x29: {  	s4 =	sld [smem:$0x3F8E]  }
0x2a: {  	p0 =	seq.s32 s5, $0x0;
	s5 =	sld [smem:$0x3F8F]  }
0x2b: {  	s6 =	sld [smem:$0x3F90]  }
0x2c: {  	s7 =	sld [smem:$0x3F91]  }
0x2d: {  	s3 =	simm.s32 $0x108;
	s8 =	sld [smem:$0x3F92]  }
0x2e: {  	s3 =	simm.s32 @!p0 $0x1082;
	s9 =	sld [smem:$0x3F93]  }
0x2f: {  	lr =	sadd.s32 s0, s3;
	s0 =	sld [smem:$0x3F8A]  }
0x30: {  	s3 =	sld [smem:$0x3F8D]  }
0x31: {  	[smem:$0x3F96] =	sst s10  }
0x32: {  	s10 =	sld [smem:$0x3F94];
	_ =	sdelay $0x3  }
0x33: {  	p0 =	seq.s32 s10, $0x1;
	s10 =	sld [smem:$0x3F96];
	_ =	sdelay $0x3  }
0x34: {  	[smem:$0x3F96] =	sst s10  }
0x35: {  	s10 =	sld [smem:$0x3F95];
	_ =	sdelay $0x3  }
0x36: {  	p1 =	seq.s32 s10, $0x1;
	s10 =	sld [smem:$0x3F96];
	_ =	sdelay $0x3  }
0x37: {  	[smem:$0x3F96] =	sst s10  }
0x38: {  	s10 =	sld [smem:$0x3F97]  }
0x39: {  	_ = 	snop;
	(pc) =	sbr.ind lr, $3  }
0x3a: {  	_ = 	snop  }
0x3b: {  	_ = 	snop  }
0x3c: {  	p2 =	seq.s32 s10, $0x1;
	s10 =	sld [smem:$0x3F96]  }
0x3d: {  	_ =	shalt  }
0x3e: {  	_ =	shalt  }
0x3f: {  	_ =	shalt  }
0x40: {  	_ =	shalt  }
0x41: {  	_ =	shalt  }
0x42: {  	_ =	shalt  }
0x43: {  	_ =	shalt  }
0x44: {  	_ =	shalt  }
0x45: {  	_ =	shalt  }
0x46: {  	_ =	shalt  }
0x47: {  	_ =	shalt  }
0x48: {  	_ =	shalt  }
0x49: {  	_ =	shalt  }
0x4a: {  	_ =	shalt  }
0x4b: {  	_ =	shalt  }
0x4c: {  	_ =	shalt  }
0x4d: {  	_ =	shalt  }
0x4e: {  	_ =	shalt  }
0x4f: {  	_ =	shalt  }
0x50: {  	_ =	shalt  }
0x51: {  	_ =	shalt  }
0x52: {  	_ =	shalt  }
0x53: {  	_ =	shalt  }
0x54: {  	_ =	shalt  }
0x55: {  	_ =	shalt  }
0x56: {  	_ =	shalt  }
0x57: {  	_ =	shalt  }
0x58: {  	_ =	shalt  }
0x59: {  	_ =	shalt  }
0x5a: {  	_ =	shalt  }
0x5b: {  	_ =	shalt  }
0x5c: {  	_ =	shalt  }
0x5d: {  	_ =	shalt  }
0x5e: {  	_ =	shalt  }
0x5f: {  	_ =	shalt  }
0x60: {  	_ =	shalt  }
0x61: {  	_ =	shalt  }
0x62: {  	_ =	shalt  }
0x63: {  	_ =	shalt  }
0x64: {  	_ =	shalt  }
0x65: {  	_ =	shalt  }
0x66: {  	_ =	shalt  }
0x67: {  	_ =	shalt  }
0x68: {  	_ =	shalt  }
0x69: {  	_ =	shalt  }
0x6a: {  	_ =	shalt  }
0x6b: {  	_ =	shalt  }
0x6c: {  	_ =	shalt  }
0x6d: {  	_ =	shalt  }
0x6e: {  	_ =	shalt  }
0x6f: {  	_ =	shalt  }
0x70: {  	_ =	shalt  }
0x71: {  	_ =	shalt  }
0x72: {  	_ =	shalt  }
0x73: {  	_ =	shalt  }
0x74: {  	_ =	shalt  }
0x75: {  	_ =	shalt  }
0x76: {  	_ =	shalt  }
0x77: {  	_ =	shalt  }
0x78: {  	_ =	shalt  }
0x79: {  	_ =	shalt  }
0x7a: {  	_ =	shalt  }
0x7b: {  	_ =	shalt  }
0x7c: {  	_ =	shalt  }
0x7d: {  	_ =	shalt  }
0x7e: {  	_ =	shalt  }
0x7f: {  	_ =	shalt  }
0x80: {  	_ =	shalt  }
0x81: {  	_ =	shalt  }
0x82: {  	_ =	shalt  }
0x83: {  	_ =	shalt  }
0x84: {  	_ =	shalt  }
0x85: {  	_ =	shalt  }
0x86: {  	_ =	shalt  }
0x87: {  	_ =	shalt  }
.Lfunc_end0:
.L_simem_size_0:
called_computation_lowered:
.L_overlay_start_0:
0x88: {  	s2 =	sld [smem:$0x3FD9]  }
0x89: {  	s3 =	sld [smem:$0x3FFE];
	_ =	sdelay $0x1  }
0x8a: {  	s1 =	srdreg.scid  }
0x8b: {  	s0 =	sand.u32 $0x1, s1  }
0x8c: {  	s16 =	sshll.u32 s0, $0xA;
	s2 =	sadd.s32 s3, s2  }
0x8d: {  	s2 =	sadd.s32 s2, s16  }
0x8e: {  	[smem:$0x3FA2] =	sst s2  }
0x8f: {  	_ = 	snop  }
0x90: {  	(tm) =	ssettm $0x1  }
0x91: {  	s17 =	sld [smem:$0x3FFB];
	_ =	sdelay $0x3  }
0x92: {  	_ =	strace s17  }
0x93: {  	s2 =	sld [smem:$0x3FFC];
	_ =	sdelay $0x3  }
0x94: {  	_ =	strace s2  }
0x95: {  	s2 =	sld [smem:$0x3FFD];
	_ =	sdelay $0x3  }
0x96: {  	_ =	strace s2  }
0x97: {  	_ =	strace $0x8FFFFFFF  }
0x98: {  	s18 =	sld [smem:$0x3FDB];
	_ =	sdelay $0x1  }
0x99: {  	s19 =	simm.s32 $_scs_section_size  }
0x9a: {  	s4 =	simm.s32 $_size__tile_overlayer_lowered;
	s5 =	simm.s32 $_tile_overlayer_lowered  }
0x9b: {  	s22 =	simm.s32 $0x1BFF;
	s21 =	sshll.u32 s5, $0x1;
	s2 =	sadd.s32 s19, s18  }
0x9c: {  	s6 =	simm.s32 $0x0;
	s20 =	sshll.u32 s4, $0x1;
	s4 =	sadd.s32 s21, s2  }
0x9d: {  	[timem:s6], [sflag:s22] =	dma.local [hbm:s4], s20  }
0x9e: {  	_ =	swait.ge [sflag:s22], s20  }
0x9f: {  	s3 =	ssub.s32 $0x0, s20;
	[sflag:s22] =	ssyncset.done $0x0  }
0xa0: {  	[sflag:s22] =	ssyncadd.s32 s3;
	_ =	sdelay $0x1  }
0xa1: {  	s23 =	simm.s32 $0x1B8B  }
0xa2: {  	_ =	swait.ge [sflag:s23], $0x1  }
0xa3: {  	[sflag:s23] =	ssyncset.done $0x0  }
0xa4: {  	s25 =	simm.s32 $0x1B8E;
	s24 =	sld [smem:$0x3FFE];
	[sflag:s23] =	ssyncadd.s32 $0xFFFFFFFF  }
0xa5: {  	s26 =	simm.s32 $execute0_lowered;
	[smem:$0x3FD2] =	sst s25  }
0xa6: {  	s4 =	sshll.u32 s26, $0x1;
	_ =	strace $0x80000046;
	[dreg:$0x1] =	wrdreg $0xFFFFFFFF  }
0xa7: {  	s28 =	simm.s32 $_size_execute0_lowered;
	s2 =	sadd.s32 s2, s4;
	[dreg:$0x0] =	wrdreg $0x0  }
0xa8: {  	s4 =	sshll.u32 s28, $0x1;
	[dreg:$0x2] =	wrdreg s2  }
0xa9: {  	[dreg:$0x3] =	wrdreg s4  }
0xaa: {  	[dreg:$0x4] =	wrdreg $0xC0  }
0xab: {  	_ =	task [dreg:s6], $0x5FFFF  }
0xac: {  	[dreg:$0x1] =	wrdreg $0xFFFFFFFF  }
0xad: {  	[dreg:$0x0] =	wrdreg $0x60  }
0xae: {  	[dreg:$0x2] =	wrdreg s24  }
0xaf: {  	[dreg:$0x3] =	wrdreg $0x0  }
0xb0: {  	[dreg:$0x4] =	wrdreg $0x9  }
0xb1: {  	_ =	task.clear_ibuf [dreg:s6], $0x5FFFF;
	_ =	strace $0x90000046  }
0xb2: {  	s29 =	simm.s32 $0x9;
	_ =	strace $0x80000048  }
0xb3: {  	_ =	swait.ge [sflag:s29], $0x1  }
0xb4: {  	[sflag:s29] =	ssyncadd.s32 $0xFFFFFFFF  }
0xb5: {  	_ =	strace $0x90000048  }
0xb6: {  	_ =	sfence  }
0xb7: {  	s30 =	sld [smem:$0x0];
	_ =	sdelay $0x2  }
0xb8: {  	s31 =	sshll.u32 s1, $0xD;
	s1 =	sshrl.u32 s1, $0x2  }
0xb9: {  	s3 =	sand.u32 $0x4000, s31;
	s1 =	sadd.s32 s1, s30  }
0xba: {  	s0 =	sor.u32 s3, s0;
	s1 =	sshll.u32 s1, $0x11  }
0xbb: {  	s0 =	sor.u32 s1, s0  }
0xbc: {  	s0 =	sadd.s32 $0x8F2B, s0  }
0xbd: {  	[sflag:s0] =	ssyncadd.remote.s32 $0x1  }
0xbe: {  	_ =	sfence.sel $0xFFFF  }
0xbf: {  	[dreg:$0x0] =	wrdreg $0xFFFFFFFF;
	(pc) =	sbr.abs _section_cstart, $3  }
0xc0: {  	[dreg:$0x1] =	wrdreg $0xFFFFFFFF  }
0xc1: {  	_ =	task.clear_ibuf [dreg:s6], $0x2FFFF;
	_ =	strace $0x9FFFFFFF  }
0xc2: {  	(tm) =	ssettm $0x7FFFFFFF  }
0xc3: {  	_ =	shalt  }
tec
execute0_lowered:
.L_overlay_start_1:
0x0: {  	(tag) =	ssettag $0x1  }
0x1: {  	s0 =	rddreg [dreg:$0x0]  }
0x2: {  	s1 =	rddreg [dreg:$0x1];
	s2 =	simm.s32 $0x0;
	s4 =	srdreg.scid  }
0x3: {  	s13 =	stileid.u32;
	s12 =	simm.s32 $0xA;
	s17 =	simm.s32 $0x1B180  }
0x4: {  	s18 =	simm.s32 $0x2;
	s20 =	simm.s32 $0x13880;
	s21 =	simm.s32 $0x13900  }
0x5: {  	s22 =	simm.s32 $0x50;
	s23 =	simm.s32 $0x13980;
	s28 =	simm.s32 $0x1C580  }
0x6: {  	s29 =	simm.s32 $0x1D980;
	s30 =	simm.s32 $0x0;
	[smem:$0x7FF] =	sst s2  }
0x7: {  	s3 =	sadd.s32 $0x18600, s0;
	s5 =	sadd.s32 $0x4FA800, s0;
	s6 =	sadd.s32 $0xE800, s0  }
0x8: {  	s7 =	sadd.s32 $0x4A00, s0;
	s4 =	sand.u32 $0x1, s4;
	s9 =	smul.u32 $0x280, s13  }
0x9: {  	s8 =	sadd.s32 $0x3F800, s0;
	s10 =	sadd.s32 $0x3FA00, s0;
	s11 =	smul.u32 $0x4E20, s13  }
0xa: {  	p0 =	seq.s32 s13, $0xF;
	s15 =	smul.u32 $0x50000, s13;
	s26 =	sshll.u32 s4, $0x6  }
0xb: {  	_ =	strace $0x80000047;
	[dreg:$0x3] =	wrdreg s8;
	s31 =	sor.u32 $0x13980, s26  }
0xc: {  	s24 =	ssub.s32 $0x2, s4;
	s14 =	smul.u32 $0x2710, s4;
	s12 =	simm.s32 @!p0 $0x10;
	v0 =	vmov s31  }
0xd: {  	s13 =	smul.u32 $0x2710000, s4;
	s25 =	sshrl.u32 s24, $0x1;
	s8 =	sor.u32 $0x1C580, s26  }
0xe: {  	s15 =	sshrl.u32 s15, $0x2;
	s26 =	simm.s32 $0x18980;
	s0 =	ssub.s32 s24, s25  }
0xf: {  	s14 =	sadd.s32 s9, s14;
	s16 =	sadd.s32 s15, s1;
	s0 =	smax.u32 s0, $0x1  }
0x10: {  	v2 =	vimm.f32 $0.0e+00;
	s24 =	simm.s32 $0x1;
	s25 =	simm.s32 $0x16180;
	v1 =	vmov s8;
	[dreg:$0x4] =	wrdreg s0  }
.LBB2_1:
0x11: {  	s0 =	simm.s32 $0x0;
	s4 =	simm.s32 $0x200  }
.LBB2_2:
0x12: {  	p0 =	sne.s32 s4, $0x4E00;
	[tilespmem:s0+$0x1B1F0] =	vst v2  }
0x13: {  	[tilespmem:s0+$0x1B180] =	vst v2  }
0x14: {  	[tilespmem:s0+$0x1B190] =	vst v2  }
.Ltmp0:
0x15: {  	[tilespmem:s0+$0x1B1A0] =	vst v2;
	(pc) =	sbr.rel @p0 .LBB2_2-.Ltmp0, $4  }
0x16: {  	[tilespmem:s0+$0x1B1B0] =	vst v2  }
0x17: {  	[tilespmem:s0+$0x1B1C0] =	vst v2  }
0x18: {  	[tilespmem:s0+$0x1B1D0] =	vst v2  }
0x19: {  	[tilespmem:s0+$0x1B1E0] =	vst v2;
	s0 =	sshra.s32 s4, $0x2;
	s4 =	sadd.s32 $0x200, s4  }
0x1a: {  	[tilespmem:s0+$0x1B1F0] =	vst v2  }
0x1b: {  	[tilespmem:s0+$0x1B180] =	vst v2  }
0x1c: {  	[tilespmem:s0+$0x1B190] =	vst v2  }
0x1d: {  	[tilespmem:s0+$0x1B1A0] =	vst v2  }
0x1e: {  	[tilespmem:s0+$0x1B1B0] =	vst v2  }
0x1f: {  	[tilespmem:s0+$0x1B1C0] =	vst v2;
	p0 =	sne.s32 s12, $0x1  }
.Ltmp1:
0x20: {  	[tilespmem:s0+$0x1B1D0] =	vst v2;
	(pc) =	sbr.rel @!p0 .LBB2_5-.Ltmp1, $4  }
0x21: {  	[tilespmem:s0+$0x1B1E0] =	vst v2  }
0x22: {  	[spmem:s16] =	stream.linear.scatter [tilespmem:s17], [sflag:$0x2], $0x1400, $0x38;
	[tilespmem:$0x1EE00] =	vst v63  }
0x23: {  	_ =	swait.ge [sflag:s18], $0x1400  }
0x24: {  	s0 =	sadd.s32 $0xFFFFFFFF, s12;
	s4 =	smov.u32 s16;
	[sflag:s18] =	ssyncset.done $0x0  }
.LBB2_4:
0x25: {  	p0 =	sne.s32 s0, $0x1;
	[sflag:s18] =	ssyncadd.s32 $0xFFFFEC00;
	s4 =	sadd.s32 $0x1400, s4  }
.Ltmp2:
0x26: {  	s0 =	sadd.s32 $0xFFFFFFFF, s0;
	(pc) =	sbr.rel @p0 .LBB2_4-.Ltmp2, $4  }
0x27: {  	_ = 	snop  }
0x28: {  	[spmem:s4] =	stream.linear.scatter [tilespmem:s17], [sflag:$0x2], $0x1400, $0x38;
	[tilespmem:$0x1EE00] =	vst v63  }
0x29: {  	_ =	swait.ge [sflag:s18], $0x1400  }
0x2a: {  	[sflag:s18] =	ssyncset.done $0x0  }
.LBB2_5:
0x2b: {  	[sflag:s18] =	ssyncadd.s32 $0xFFFFEC00  }
0x2c: {  	s31 =	simm.s32 $0x0;
	s0 =	rddreg [dreg:$0x3];
	s4 =	simm.s32 $0x1ED80  }
0x2d: {  	[tilespmem:s4], [sflag:$0x2] =	stream.linear.gather [hbm4b:s0+s31], $0x80, $0x38;
	[tilespmem:$0x1EE00] =	vst v63  }
0x2e: {  	_ =	swait.ge [sflag:s18], $0x80  }
0x2f: {  	[sflag:s18] =	ssyncset.done $0x0  }
0x30: {  	[sflag:s18] =	ssyncadd.s32 $0xFFFFFF80  }
0x31: {  	[bflag:$0x0] =	sbarrier.arrive $0xFFFF  }
0x32: {  	s0 =	simm.s32 $0x0;
	v3 =	vld [tilespmem:$0x1ED80]  }
.LBB2_6:
0x33: {  	s4 =	smul.u32 $0x50, s0;
	_ =	sdelay $0x1  }
0x34: {  	s4 =	sadd.s32 s11, s4  }
0x35: {  	s8 =	sshrl.u32 s4, $0x3  }
0x36: {  	s15 =	sadd.s32 s6, s8  }
0x37: {  	[tilespmem:s20], [sflag:$0x2] =	stream.linear.gather [hbm4b:s15+s31], $0x50, $0x38;
	[tilespmem:$0x1EE00] =	vst v63  }
0x38: {  	_ =	swait.ge [sflag:s18], $0x50  }
0x39: {  	[sflag:s18] =	ssyncset.done $0x0  }
0x3a: {  	s8 =	sadd.s32 s7, s8;
	[sflag:s18] =	ssyncadd.s32 $0xFFFFFFB0  }
0x3b: {  	[tilespmem:s21], [sflag:$0x2] =	stream.linear.gather [hbm4b:s8+s31], $0x50, $0x38;
	[tilespmem:$0x1EE00] =	vst v63  }
0x3c: {  	_ =	swait.ge [sflag:s18], $0x50  }
0x3d: {  	[sflag:s18] =	ssyncset.done $0x0  }
0x3e: {  	s4 =	sshll.u32 s4, $0x7;
	[sflag:s18] =	ssyncadd.s32 $0xFFFFFFB0  }
0x3f: {  	[tilespmem:s23], [sflag:$0x1] =	stream.indirect.gather [hbm4b:s3+s22], $0x80, s20, s22, $0xb8;
	[tilespmem:$0x1EE00] =	vst v63  }
0x40: {  	s4 =	sadd.s32 s13, s4;
	_ =	swait.ge [sflag:s24], $0x2800  }
0x41: {  	s4 =	sshrl.u32 s4, $0x3;
	[sflag:s24] =	ssyncset.done $0x0  }
0x42: {  	s4 =	sadd.s32 s5, s4;
	[sflag:s24] =	ssyncadd.s32 $0xFFFFD800  }
0x43: {  	[tilespmem:s25], [sflag:$0x2] =	stream.linear.gather [hbm4b:s4+s31], $0x2800, $0x38;
	[tilespmem:$0x1EE00] =	vst v63  }
0x44: {  	_ =	swait.ge [sflag:s18], $0x2800  }
0x45: {  	[sflag:s18] =	ssyncset.done $0x0  }
0x46: {  	s19 =	simm.s32 $0x200;
	s4 =	simm.s32 $0x0;
	[sflag:s18] =	ssyncadd.s32 $0xFFFFD800  }
.LBB2_7:
0x47: {  	p0 =	sne.s32 s19, $0x9E00;
	v4 =	vld.idx.msk [tilespmem:v0+s4+$0x0 ss:$0x1], $0xffff  }
0x48: {  	v5 =	vld [tilespmem:s4+$0x16180];
	_ =	sdelay $0x4  }
0x49: {  	v4 =	vadd.f32 v5, v4;
	_ =	sdelay $0x1  }
0x4a: {  	v4 =	vmax.f32 v4, $0.0e+00  }
0x4b: {  	v4 =	vadd.f32 $1.000000010e-07, v4;
	_ =	sdelay $0x1  }
0x4c: {  	v5 =	vmul.f32 v4, v3;
	_ =	sdelay $0x1  }
0x4d: {  	v5 =	vmul.f32 $1.442695020e+00, v5;
	_ =	sdelay $0x1  }
0x4e: {  	(erf) = vpow2.f32 v5;
	_ =	sdelay $0x8  }
0x4f: {  	v5 =	vpop (erf)  }
0x50: {  	v4 =	vmul.f32 v5, v4;
	[tilespmem:s4+$0x189C0] =	vst v5;
	_ =	sdelay $0x1  }
0x51: {  	[tilespmem:s4+$0x18980] =	vst v4  }
0x52: {  	v4 =	vld.idx.msk [tilespmem:v0+s4+$0x10 ss:$0x1], $0xffff  }
0x53: {  	v5 =	vld [tilespmem:s4+$0x16190];
	_ =	sdelay $0x4  }
0x54: {  	v4 =	vadd.f32 v5, v4;
	_ =	sdelay $0x1  }
0x55: {  	v4 =	vmax.f32 v4, $0.0e+00  }
0x56: {  	v4 =	vadd.f32 $1.000000010e-07, v4;
	_ =	sdelay $0x1  }
0x57: {  	v5 =	vmul.f32 v4, v3;
	_ =	sdelay $0x1  }
0x58: {  	v5 =	vmul.f32 $1.442695020e+00, v5;
	_ =	sdelay $0x1  }
0x59: {  	(erf) = vpow2.f32 v5;
	_ =	sdelay $0x8  }
0x5a: {  	v5 =	vpop (erf)  }
0x5b: {  	v4 =	vmul.f32 v5, v4;
	[tilespmem:s4+$0x189D0] =	vst v5;
	_ =	sdelay $0x1  }
0x5c: {  	[tilespmem:s4+$0x18990] =	vst v4  }
0x5d: {  	v4 =	vld.idx.msk [tilespmem:v0+s4+$0x20 ss:$0x1], $0xffff  }
0x5e: {  	v5 =	vld [tilespmem:s4+$0x161A0];
	_ =	sdelay $0x4  }
0x5f: {  	v4 =	vadd.f32 v5, v4;
	_ =	sdelay $0x1  }
0x60: {  	v4 =	vmax.f32 v4, $0.0e+00  }
0x61: {  	v4 =	vadd.f32 $1.000000010e-07, v4;
	_ =	sdelay $0x1  }
0x62: {  	v5 =	vmul.f32 v4, v3;
	_ =	sdelay $0x1  }
0x63: {  	v5 =	vmul.f32 $1.442695020e+00, v5;
	_ =	sdelay $0x1  }
0x64: {  	(erf) = vpow2.f32 v5;
	_ =	sdelay $0x8  }
0x65: {  	v5 =	vpop (erf)  }
0x66: {  	v4 =	vmul.f32 v5, v4;
	[tilespmem:s4+$0x189E0] =	vst v5;
	_ =	sdelay $0x1  }
0x67: {  	[tilespmem:s4+$0x189A0] =	vst v4  }
0x68: {  	v4 =	vld.idx.msk [tilespmem:v0+s4+$0x30 ss:$0x1], $0xffff  }
0x69: {  	v5 =	vld [tilespmem:s4+$0x161B0];
	_ =	sdelay $0x4  }
0x6a: {  	v4 =	vadd.f32 v5, v4;
	_ =	sdelay $0x1  }
0x6b: {  	v4 =	vmax.f32 v4, $0.0e+00  }
0x6c: {  	v4 =	vadd.f32 $1.000000010e-07, v4;
	_ =	sdelay $0x1  }
0x6d: {  	v5 =	vmul.f32 v4, v3;
	_ =	sdelay $0x1  }
0x6e: {  	v5 =	vmul.f32 $1.442695020e+00, v5;
	_ =	sdelay $0x1  }
0x6f: {  	(erf) = vpow2.f32 v5;
	_ =	sdelay $0x7  }
.Ltmp3:
0x70: {  	(pc) =	sbr.rel @p0 .LBB2_7-.Ltmp3, $3  }
0x71: {  	v5 =	vpop (erf)  }
0x72: {  	v4 =	vmul.f32 v5, v4;
	[tilespmem:s4+$0x189F0] =	vst v5;
	_ =	sdelay $0x1  }
0x73: {  	[tilespmem:s4+$0x189B0] =	vst v4;
	s4 =	sshra.s32 s19, $0x2;
	s19 =	sadd.s32 $0x200, s19  }
0x74: {  	_ =	sdelay $0x3  }
0x75: {  	v4 =	vld.idx.msk [tilespmem:v0+s4+$0x0 ss:$0x1], $0xffff  }
0x76: {  	v5 =	vld [tilespmem:s4+$0x16180];
	_ =	sdelay $0x4  }
0x77: {  	v4 =	vadd.f32 v5, v4;
	_ =	sdelay $0x1  }
0x78: {  	v4 =	vmax.f32 v4, $0.0e+00  }
0x79: {  	v4 =	vadd.f32 $1.000000010e-07, v4;
	_ =	sdelay $0x1  }
0x7a: {  	v5 =	vmul.f32 v4, v3;
	_ =	sdelay $0x1  }
0x7b: {  	v5 =	vmul.f32 $1.442695020e+00, v5;
	_ =	sdelay $0x1  }
0x7c: {  	(erf) = vpow2.f32 v5;
	_ =	sdelay $0x8  }
0x7d: {  	v5 =	vpop (erf)  }
0x7e: {  	v4 =	vmul.f32 v5, v4  }
0x7f: {  	[tilespmem:s4+$0x189C0] =	vst v5  }
0x80: {  	v5 =	vld [tilespmem:s4+$0x16190];
	[tilespmem:s4+$0x18980] =	vst v4  }
0x81: {  	v4 =	vld.idx.msk [tilespmem:v0+s4+$0x10 ss:$0x1], $0xffff;
	_ =	sdelay $0x4  }
0x82: {  	v4 =	vadd.f32 v5, v4;
	_ =	sdelay $0x1  }
0x83: {  	v4 =	vmax.f32 v4, $0.0e+00  }
0x84: {  	v4 =	vadd.f32 $1.000000010e-07, v4;
	_ =	sdelay $0x1  }
0x85: {  	v5 =	vmul.f32 v4, v3;
	_ =	sdelay $0x1  }
0x86: {  	v5 =	vmul.f32 $1.442695020e+00, v5;
	_ =	sdelay $0x1  }
0x87: {  	(erf) = vpow2.f32 v5;
	_ =	sdelay $0x8  }
0x88: {  	v5 =	vpop (erf)  }
0x89: {  	v4 =	vmul.f32 v5, v4  }
0x8a: {  	[tilespmem:s4+$0x189D0] =	vst v5  }
0x8b: {  	v5 =	vld [tilespmem:s4+$0x161A0];
	[tilespmem:s4+$0x18990] =	vst v4  }
0x8c: {  	v4 =	vld.idx.msk [tilespmem:v0+s4+$0x20 ss:$0x1], $0xffff;
	_ =	sdelay $0x4  }
0x8d: {  	v4 =	vadd.f32 v5, v4;
	_ =	sdelay $0x1  }
0x8e: {  	v4 =	vmax.f32 v4, $0.0e+00  }
0x8f: {  	v4 =	vadd.f32 $1.000000010e-07, v4;
	_ =	sdelay $0x1  }
0x90: {  	v5 =	vmul.f32 v4, v3;
	_ =	sdelay $0x1  }
0x91: {  	v5 =	vmul.f32 $1.442695020e+00, v5;
	_ =	sdelay $0x1  }
0x92: {  	(erf) = vpow2.f32 v5;
	_ =	sdelay $0x8  }
0x93: {  	v5 =	vpop (erf)  }
0x94: {  	v4 =	vmul.f32 v5, v4  }
0x95: {  	[tilespmem:s4+$0x189E0] =	vst v5  }
0x96: {  	v5 =	vld [tilespmem:s4+$0x161B0];
	[tilespmem:s4+$0x189A0] =	vst v4  }
0x97: {  	v4 =	vld.idx.msk [tilespmem:v0+s4+$0x30 ss:$0x1], $0xffff;
	_ =	sdelay $0x4  }
0x98: {  	v4 =	vadd.f32 v5, v4;
	_ =	sdelay $0x1  }
0x99: {  	v4 =	vmax.f32 v4, $0.0e+00  }
0x9a: {  	v4 =	vadd.f32 $1.000000010e-07, v4;
	_ =	sdelay $0x1  }
0x9b: {  	v5 =	vmul.f32 v4, v3;
	_ =	sdelay $0x1  }
0x9c: {  	v5 =	vmul.f32 $1.442695020e+00, v5;
	_ =	sdelay $0x1  }
0x9d: {  	(erf) = vpow2.f32 v5;
	_ =	sdelay $0x8  }
0x9e: {  	v5 =	vpop (erf)  }
0x9f: {  	s0 =	sadd.s32 $0x1, s0;
	v4 =	vmul.f32 v5, v4  }
0xa0: {  	p0 =	sne.s32 s0, $0xFA;
	[tilespmem:s4+$0x189F0] =	vst v5  }
.Ltmp4:
0xa1: {  	[tilespmem:s4+$0x189B0] =	vst v4;
	(pc) =	sbr.rel @p0 .LBB2_6-.Ltmp4, $4  }
0xa2: {  	[spmem:s1] =	stream.indirect.scatter.add.f32 [tilespmem:s26], [sflag:$0x2], $0x80, s21, s22, $0xb8;
	[tilespmem:$0x1EE00] =	vst v63  }
0xa3: {  	_ =	swait.ge [sflag:s18], $0x2800  }
0xa4: {  	[sflag:s18] =	ssyncset.done $0x0  }
0xa5: {  	[sflag:s18] =	ssyncadd.s32 $0xFFFFD800  }
0xa6: {  	[bflag:$0x0] =	sbarrier.arrive $0xFFFF;
	s0 =	simm.s32 $0x0;
	s4 =	simm.s32 $0x0  }
.LBB2_10:
0xa7: {  	s31 =	smul.u32 $0x28, s4;
	_ =	sdelay $0x1  }
0xa8: {  	s8 =	sadd.s32 s9, s31  }
0xa9: {  	s15 =	sshll.u32 s8, $0x9  }
0xaa: {  	s15 =	sshra.s32 s15, $0x2  }
0xab: {  	s15 =	sadd.s32 s15, s1  }
0xac: {  	[tilespmem:s17], [sflag:$0x2] =	stream.linear.gather [spmem:s15], $0x1400, $0x38;
	[tilespmem:$0x1EE00] =	vst v63  }
0xad: {  	_ =	swait.ge [sflag:s18], $0x1400  }
0xae: {  	s8 =	sshll.u32 s8, $0x4;
	[sflag:s18] =	ssyncset.done $0x0  }
0xaf: {  	s8 =	sadd.s32 s3, s8;
	[sflag:s18] =	ssyncadd.s32 $0xFFFFEC00  }
0xb0: {  	[tilespmem:s28], [sflag:$0x2] =	stream.linear.gather [hbm4b:s8+s0], $0x1400, $0x38;
	[tilespmem:$0x1EE00] =	vst v63  }
0xb1: {  	_ =	swait.ge [sflag:s18], $0x1400  }
0xb2: {  	[sflag:s18] =	ssyncset.done $0x0  }
0xb3: {  	s19 =	simm.s32 $0x0;
	[sflag:s18] =	ssyncadd.s32 $0xFFFFEC00  }
0xb4: {  	v3 =	vld [tilespmem:s19+$0x1B1C0];
	_ =	sdelay $0x4  }
0xb5: {  	v3 =	vadd.f32 $1.000000010e-07, v3;
	_ =	sdelay $0x1  }
0xb6: {  	(erf) = vrcp.f32 v3;
	_ =	sdelay $0x1  }
0xb7: {  	v3 =	vld [tilespmem:s19+$0x1B1D0];
	_ =	sdelay $0x3  }
0xb8: {  	v4 =	vld [tilespmem:s19+$0x1B180]  }
0xb9: {  	v3 =	vadd.f32 $1.000000010e-07, v3  }
0xba: {  	v5 =	vld.idx.msk [tilespmem:v1+s19+$0x0 ss:$0x1], $0xffff  }
0xbb: {  	v6 =	vpop (erf);
	(erf) = vrcp.f32 v3;
	_ =	sdelay $0x1  }
0xbc: {  	v3 =	vmul.f32 v6, v4;
	v4 =	vld [tilespmem:s19+$0x1B1E0];
	_ =	sdelay $0x1  }
0xbd: {  	v3 =	vadd.f32 v3, v5;
	_ =	sdelay $0x1  }
0xbe: {  	[tilespmem:s19+$0x1D980] =	vst v3;
	v3 =	vld [tilespmem:s19+$0x1B190]  }
0xbf: {  	v4 =	vadd.f32 $1.000000010e-07, v4  }
0xc0: {  	v5 =	vld.idx.msk [tilespmem:v1+s19+$0x10 ss:$0x1], $0xffff  }
0xc1: {  	v6 =	vpop (erf);
	(erf) = vrcp.f32 v4;
	_ =	sdelay $0x1  }
0xc2: {  	v4 =	vld [tilespmem:s19+$0x1B1F0];
	v3 =	vmul.f32 v6, v3;
	_ =	sdelay $0x1  }
0xc3: {  	v3 =	vadd.f32 v3, v5  }
0xc4: {  	v5 =	vld [tilespmem:s19+$0x1B1A0]  }
0xc5: {  	[tilespmem:s19+$0x1D990] =	vst v3  }
0xc6: {  	v4 =	vadd.f32 $1.000000010e-07, v4;
	v3 =	vld.idx.msk [tilespmem:v1+s19+$0x20 ss:$0x1], $0xffff;
	_ =	sdelay $0x1  }
0xc7: {  	v6 =	vpop (erf);
	(erf) = vrcp.f32 v4  }
0xc8: {  	s15 =	simm.s32 $0x400;
	s8 =	simm.s32 $0x80;
	v4 =	vmul.f32 v6, v5  }
.LBB2_11:
0xc9: {  	p0 =	sne.s32 s15, $0x4E00;
	v5 =	vld [tilespmem:s8+$0x1B1C0]  }
0xca: {  	v3 =	vadd.f32 v4, v3;
	_ =	sdelay $0x1  }
0xcb: {  	[tilespmem:s19+$0x1D9A0] =	vst v3;
	v3 =	vld [tilespmem:s19+$0x1B1B0]  }
0xcc: {  	v4 =	vld.idx.msk [tilespmem:v1+s19+$0x30 ss:$0x1], $0xffff  }
0xcd: {  	v6 =	vadd.f32 $1.000000010e-07, v5;
	_ =	sdelay $0x1  }
0xce: {  	(erf) = vrcp.f32 v6;
	v5 =	vpop (erf)  }
0xcf: {  	v3 =	vmul.f32 v5, v3  }
0xd0: {  	v5 =	vld [tilespmem:s8+$0x1B1D0]  }
0xd1: {  	v3 =	vadd.f32 v3, v4;
	_ =	sdelay $0x1  }
0xd2: {  	v4 =	vld [tilespmem:s8+$0x1B180];
	[tilespmem:s19+$0x1D9B0] =	vst v3;
	s19 =	smov.u32 s8  }
0xd3: {  	v3 =	vld.idx.msk [tilespmem:v1+s19+$0x0 ss:$0x1], $0xffff  }
0xd4: {  	v5 =	vadd.f32 $1.000000010e-07, v5;
	_ =	sdelay $0x1  }
0xd5: {  	v6 =	vpop (erf);
	(erf) = vrcp.f32 v5  }
0xd6: {  	v4 =	vmul.f32 v6, v4  }
0xd7: {  	v5 =	vld [tilespmem:s19+$0x1B1E0]  }
0xd8: {  	v3 =	vadd.f32 v4, v3;
	_ =	sdelay $0x1  }
0xd9: {  	[tilespmem:s19+$0x1D980] =	vst v3;
	v3 =	vld [tilespmem:s19+$0x1B190]  }
0xda: {  	v4 =	vld.idx.msk [tilespmem:v1+s19+$0x10 ss:$0x1], $0xffff  }
0xdb: {  	v5 =	vadd.f32 $1.000000010e-07, v5;
	_ =	sdelay $0x1  }
0xdc: {  	v6 =	vpop (erf);
	(erf) = vrcp.f32 v5  }
0xdd: {  	v3 =	vmul.f32 v6, v3  }
0xde: {  	v5 =	vld [tilespmem:s19+$0x1B1F0]  }
0xdf: {  	v3 =	vadd.f32 v3, v4;
	_ =	sdelay $0x1  }
0xe0: {  	[tilespmem:s19+$0x1D990] =	vst v3;
	v4 =	vld [tilespmem:s19+$0x1B1A0]  }
.Ltmp5:
0xe1: {  	v3 =	vld.idx.msk [tilespmem:v1+s19+$0x20 ss:$0x1], $0xffff;
	(pc) =	sbr.rel @p0 .LBB2_11-.Ltmp5, $3  }
0xe2: {  	v5 =	vadd.f32 $1.000000010e-07, v5;
	_ =	sdelay $0x1  }
0xe3: {  	v6 =	vpop (erf);
	(erf) = vrcp.f32 v5  }
0xe4: {  	s8 =	sshra.s32 s15, $0x2;
	s15 =	sadd.s32 $0x200, s15;
	v4 =	vmul.f32 v6, v4  }
0xe5: {  	v5 =	vld [tilespmem:s8+$0x1B1C0];
	_ =	sdelay $0x1  }
0xe6: {  	v3 =	vadd.f32 v4, v3;
	_ =	sdelay $0x1  }
0xe7: {  	[tilespmem:s19+$0x1D9A0] =	vst v3;
	v3 =	vld [tilespmem:s19+$0x1B1B0]  }
0xe8: {  	v50 =	vadd.f32 $1.000000010e-07, v5  }
0xe9: {  	v51 =	vld.idx.msk [tilespmem:v1+s19+$0x30 ss:$0x1], $0xffff  }
0xea: {  	(erf) = vrcp.f32 v50  }
0xeb: {  	v52 =	vpop (erf)  }
0xec: {  	v53 =	vld [tilespmem:s8+$0x1B1D0];
	v3 =	vmul.f32 v52, v3;
	_ =	sdelay $0x1  }
0xed: {  	v3 =	vadd.f32 v3, v51  }
0xee: {  	v54 =	vld [tilespmem:s8+$0x1B180]  }
0xef: {  	[tilespmem:s19+$0x1D9B0] =	vst v3  }
0xf0: {  	v4 =	vadd.f32 $1.000000010e-07, v53;
	v3 =	vld.idx.msk [tilespmem:v1+s8+$0x0 ss:$0x1], $0xffff;
	_ =	sdelay $0x1  }
0xf1: {  	(erf) = vrcp.f32 v4;
	v6 =	vpop (erf)  }
0xf2: {  	v55 =	vmul.f32 v6, v54  }
0xf3: {  	v56 =	vld [tilespmem:s8+$0x1B1E0]  }
0xf4: {  	v3 =	vadd.f32 v55, v3;
	_ =	sdelay $0x1  }
0xf5: {  	[tilespmem:s8+$0x1D980] =	vst v3;
	v3 =	vld [tilespmem:s8+$0x1B190];
	_ =	sdelay $0x1  }
0xf6: {  	v4 =	vadd.f32 $1.000000010e-07, v56;
	v57 =	vld.idx.msk [tilespmem:v1+s8+$0x10 ss:$0x1], $0xffff;
	_ =	sdelay $0x1  }
0xf7: {  	v58 =	vpop (erf);
	(erf) = vrcp.f32 v4  }
0xf8: {  	v3 =	vmul.f32 v58, v3  }
0xf9: {  	v59 =	vld [tilespmem:s8+$0x1B1F0]  }
0xfa: {  	v3 =	vadd.f32 v3, v57;
	_ =	sdelay $0x1  }
0xfb: {  	[tilespmem:s8+$0x1D990] =	vst v3;
	v3 =	vld [tilespmem:s8+$0x1B1A0];
	_ =	sdelay $0x1  }
0xfc: {  	v4 =	vadd.f32 $1.000000010e-07, v59;
	v60 =	vld.idx.msk [tilespmem:v1+s8+$0x20 ss:$0x1], $0xffff;
	_ =	sdelay $0x1  }
0xfd: {  	v61 =	vpop (erf);
	(erf) = vrcp.f32 v4  }
0xfe: {  	v3 =	vmul.f32 v61, v3;
	_ =	sdelay $0x1  }
0xff: {  	v3 =	vadd.f32 v3, v60;
	_ =	sdelay $0x1  }
0x100: {  	[tilespmem:s8+$0x1D9A0] =	vst v3;
	v3 =	vld [tilespmem:s8+$0x1B1B0];
	_ =	sdelay $0x1  }
0x101: {  	v62 =	vld.idx.msk [tilespmem:v1+s8+$0x30 ss:$0x1], $0xffff;
	_ =	sdelay $0x1  }
0x102: {  	v63 =	vpop (erf)  }
0x103: {  	v3 =	vmul.f32 v63, v3;
	_ =	sdelay $0x1  }
0x104: {  	s15 =	sadd.s32 s31, s14;
	s4 =	sadd.s32 $0x1, s4;
	v3 =	vadd.f32 v3, v62  }
0x105: {  	s15 =	sshll.u32 s15, $0x4;
	p0 =	sne.s32 s4, s12  }
.Ltmp6:
0x106: {  	s31 =	sadd.s32 s10, s15;
	[tilespmem:s8+$0x1D9B0] =	vst v3;
	(pc) =	sbr.rel @p0 .LBB2_10-.Ltmp6, $4  }
0x107: {  	[hbm4b:s31+s2] =	stream.linear.scatter [tilespmem:s29], [sflag:$0x2], $0x1400, $0x38;
	[tilespmem:$0x1EE00] =	vst v63  }
0x108: {  	_ =	swait.ge [sflag:s18], $0x1400  }
0x109: {  	[sflag:s18] =	ssyncset.done $0x0  }
0x10a: {  	[sflag:s18] =	ssyncadd.s32 $0xFFFFEC00  }
0x10b: {  	s30 =	sadd.s32 $0x1, s30;
	s0 =	rddreg [dreg:$0x4]  }
0x10c: {  	p0 =	sne.s32 s30, s0  }
.Ltmp7:
0x10d: {  	_ = 	snop;
	(pc) =	sbr.rel @p0 .LBB2_1-.Ltmp7, $1  }
0x10e: {  	_ =	sdelay $0x3  }
0x10f: {  	_ =	sfence.sel $0x180000  }
0x110: {  	[bflag:$0x0] =	sbarrier.arrive $0xFFFF  }
0x111: {  	_ =	strace $0x90000047  }
0x112: {  	s0 =	stileid.u32;
	[bflag:$0x2] =	sbarrier.arrive $0xFFFF  }
0x113: {  	p0 =	sne.s32 s0, $0x0;
	s0 =	rddreg [dreg:$0x2]  }
0x114: {  	s0 =	sadd.s32 @!p0 $0x100000, s0  }
0x115: {  	[sflag:s0] =	ssyncadd.tile.s32 @!p0 $0x1;
	_ =	shalt  }
.Lfunc_end2:
_tile_overlayer_lowered:
.L_overlay_start_2:
0x116: {  	(tag) =	ssettag $0x2  }
0x117: {  	s0 =	rddreg [dreg:$0x0];
	s2 =	stileid.u32  }
0x118: {  	s1 =	rddreg [dreg:$0x1];
	p0 =	sne.s32 s2, $0x0  }
0x119: {  	s3 =	rddreg [dreg:$0x2];
	[bflag:$0x3] =	sbarrier.arrive $0xFFFF;
	s2 =	simm.s32 @!p0 $0x1C02  }
0x11a: {  	[timem:s3], [sflag:s2] =	dma.local @!p0 [hbm:s0], s1  }
0x11b: {  	s0 =	simm.s32 @!p0 $0x2  }
0x11c: {  	_ =	swait.ge @!p0 [sflag:s0], s1  }
0x11d: {  	s1 =	ssub.s32 @!p0 $0x0, s1;
	[sflag:s0] =	ssyncset.done @!p0 $0x0  }
0x11e: {  	[sflag:s0] =	ssyncadd.s32 @!p0 s1  }
0x11f: {  	[bflag:$0x3] =	sbarrier.arrive $0xFFFF  }
0x120: {  	_ =	shalt  }

// kernel: kernel.14.cloned.1.call-start
scs
__scs_entry_jumppad:
0x0: {  	(pc) =	sbr.rel $0x88, $3  }
0x1: {  	(tag) =	ssettag $0x0;
	lr =	simm.s32 $0x1  }
0x2: {  	[smem:$0x3F7B] =	sst lr;
	_ =	strace $0xD0000000  }
0x3: {  	_ = 	snop  }
0x4: {  	_ = 	snop  }
0x5: {  	_ = 	snop  }
0x6: {  	_ = 	snop  }
0x7: {  	_ = 	snop  }
__scs_overlays_trampoline_lowered:
0x8: {  	[smem:$0x3F8A] =	sst s0  }
0x9: {  	[smem:$0x3F8B] =	sst s1  }
0xa: {  	[smem:$0x3F8C] =	sst s2  }
0xb: {  	[smem:$0x3F8D] =	sst s3  }
0xc: {  	[smem:$0x3F8E] =	sst s4  }
0xd: {  	[smem:$0x3F8F] =	sst s5  }
0xe: {  	[smem:$0x3F90] =	sst s6  }
0xf: {  	[smem:$0x3F91] =	sst s7  }
0x10: {  	[smem:$0x3F92] =	sst s8  }
0x11: {  	[smem:$0x3F93] =	sst s9;
	s0 =	simm.s32 @!p0 $0x0  }
0x12: {  	s1 =	sld [smem:$0x3F79];
	s0 =	simm.s32 @p0 $0x1  }
0x13: {  	[smem:$0x3F94] =	sst s0;
	s0 =	simm.s32 @!p1 $0x0  }
0x14: {  	s2 =	sld [smem:$0x3F78];
	s0 =	simm.s32 @p1 $0x1  }
0x15: {  	[smem:$0x3F95] =	sst s0;
	s0 =	simm.s32 @!p2 $0x0  }
0x16: {  	s3 =	sld [smem:$0x3FDB];
	s0 =	simm.s32 @p2 $0x1  }
0x17: {  	s4 =	simm.s32 $0x1BF5;
	[smem:$0x3F97] =	sst s0  }
0x18: {  	s0 =	sld [smem:$0x3F7A];
	_ =	swait.ge [sflag:s4], $0x0  }
0x19: {  	s7 =	sld [smem:$0x3F7B]  }
0x1a: {  	s8 =	sadd.s32 $0xFFFFE003, lr  }
0x1b: {  	s9 =	sadd.s32 $0xFFFFFEF7, lr;
	s5 =	simm.s32 $0xFFFFFFFF;
	p2 =	slt.u32 s8, $0xFFFFF086  }
0x1c: {  	p1 =	slt.u32 s9, $0xF7A;
	s5 =	simm.s32 @!p2 $0x0  }
0x1d: {  	s5 =	simm.s32 @p1 $0x1;
	p0 =	seq.s32 s7, s2  }
0x1e: {  	s7 =	smul.u32 @!p0 $0xF7A, s2;
	p2 =	seq.s32 @!p0 s5, $0x0  }
0x1f: {  	s9 =	smul.u32 $0xF7A, s1;
	s8 =	simm.s32 @!p0 $0x1BF5;
	p2 =	por !p2, p0  }
0x20: {  	[sflag:s8] =	ssyncset.s32 @!p0 $0xFFFFF086;
	s6 =	sadd.s32 @!p0 s3, s7;
	s7 =	simm.s32 @!p0 $0x108  }
0x21: {  	s3 =	sadd.s32 s3, s9;
	s6 =	sadd.s32 @!p0 $0x88, s6;
	s7 =	simm.s32 @p2 $0x1082  }
0x22: {  	[simem:s7], [sflag:s8] =	dma.local @!p0 [hbm:s6], $0xF7A  }
0x23: {  	s9 =	sor.u32 $0xD0000000, s2;
	s6 =	simm.s32 $0x108;
	_ =	swait.ge @!p0 [sflag:s8], $0x0  }
0x24: {  	s3 =	sadd.s32 $0x88, s3;
	s6 =	simm.s32 @!p1 $0x1082;
	[sflag:s4] =	ssyncset.s32 $0xFFFFF086  }
0x25: {  	[simem:s6], [sflag:s4] =	dma.local [hbm:s3], $0xF7A  }
0x26: {  	[smem:$0x3F7B] =	sst s1;
	(tag) =	ssettag s2;
	_ =	strace s9  }
0x27: {  	s1 =	sld [smem:$0x3F8B]  }
0x28: {  	s2 =	sld [smem:$0x3F8C]  }
0x29: {  	s4 =	sld [smem:$0x3F8E]  }
0x2a: {  	p0 =	seq.s32 s5, $0x0;
	s5 =	sld [smem:$0x3F8F]  }
0x2b: {  	s6 =	sld [smem:$0x3F90]  }
0x2c: {  	s7 =	sld [smem:$0x3F91]  }
0x2d: {  	s3 =	simm.s32 $0x108;
	s8 =	sld [smem:$0x3F92]  }
0x2e: {  	s3 =	simm.s32 @!p0 $0x1082;
	s9 =	sld [smem:$0x3F93]  }
0x2f: {  	lr =	sadd.s32 s0, s3;
	s0 =	sld [smem:$0x3F8A]  }
0x30: {  	s3 =	sld [smem:$0x3F8D]  }
0x31: {  	[smem:$0x3F96] =	sst s10  }
0x32: {  	s10 =	sld [smem:$0x3F94];
	_ =	sdelay $0x3  }
0x33: {  	p0 =	seq.s32 s10, $0x1;
	s10 =	sld [smem:$0x3F96];
	_ =	sdelay $0x3  }
0x34: {  	[smem:$0x3F96] =	sst s10  }
0x35: {  	s10 =	sld [smem:$0x3F95];
	_ =	sdelay $0x3  }
0x36: {  	p1 =	seq.s32 s10, $0x1;
	s10 =	sld [smem:$0x3F96];
	_ =	sdelay $0x3  }
0x37: {  	[smem:$0x3F96] =	sst s10  }
0x38: {  	s10 =	sld [smem:$0x3F97]  }
0x39: {  	_ = 	snop;
	(pc) =	sbr.ind lr, $3  }
0x3a: {  	_ = 	snop  }
0x3b: {  	_ = 	snop  }
0x3c: {  	p2 =	seq.s32 s10, $0x1;
	s10 =	sld [smem:$0x3F96]  }
0x3d: {  	_ =	shalt  }
0x3e: {  	_ =	shalt  }
0x3f: {  	_ =	shalt  }
0x40: {  	_ =	shalt  }
0x41: {  	_ =	shalt  }
0x42: {  	_ =	shalt  }
0x43: {  	_ =	shalt  }
0x44: {  	_ =	shalt  }
0x45: {  	_ =	shalt  }
0x46: {  	_ =	shalt  }
0x47: {  	_ =	shalt  }
0x48: {  	_ =	shalt  }
0x49: {  	_ =	shalt  }
0x4a: {  	_ =	shalt  }
0x4b: {  	_ =	shalt  }
0x4c: {  	_ =	shalt  }
0x4d: {  	_ =	shalt  }
0x4e: {  	_ =	shalt  }
0x4f: {  	_ =	shalt  }
0x50: {  	_ =	shalt  }
0x51: {  	_ =	shalt  }
0x52: {  	_ =	shalt  }
0x53: {  	_ =	shalt  }
0x54: {  	_ =	shalt  }
0x55: {  	_ =	shalt  }
0x56: {  	_ =	shalt  }
0x57: {  	_ =	shalt  }
0x58: {  	_ =	shalt  }
0x59: {  	_ =	shalt  }
0x5a: {  	_ =	shalt  }
0x5b: {  	_ =	shalt  }
0x5c: {  	_ =	shalt  }
0x5d: {  	_ =	shalt  }
0x5e: {  	_ =	shalt  }
0x5f: {  	_ =	shalt  }
0x60: {  	_ =	shalt  }
0x61: {  	_ =	shalt  }
0x62: {  	_ =	shalt  }
0x63: {  	_ =	shalt  }
0x64: {  	_ =	shalt  }
0x65: {  	_ =	shalt  }
0x66: {  	_ =	shalt  }
0x67: {  	_ =	shalt  }
0x68: {  	_ =	shalt  }
0x69: {  	_ =	shalt  }
0x6a: {  	_ =	shalt  }
0x6b: {  	_ =	shalt  }
0x6c: {  	_ =	shalt  }
0x6d: {  	_ =	shalt  }
0x6e: {  	_ =	shalt  }
0x6f: {  	_ =	shalt  }
0x70: {  	_ =	shalt  }
0x71: {  	_ =	shalt  }
0x72: {  	_ =	shalt  }
0x73: {  	_ =	shalt  }
0x74: {  	_ =	shalt  }
0x75: {  	_ =	shalt  }
0x76: {  	_ =	shalt  }
0x77: {  	_ =	shalt  }
0x78: {  	_ =	shalt  }
0x79: {  	_ =	shalt  }
0x7a: {  	_ =	shalt  }
0x7b: {  	_ =	shalt  }
0x7c: {  	_ =	shalt  }
0x7d: {  	_ =	shalt  }
0x7e: {  	_ =	shalt  }
0x7f: {  	_ =	shalt  }
0x80: {  	_ =	shalt  }
0x81: {  	_ =	shalt  }
0x82: {  	_ =	shalt  }
0x83: {  	_ =	shalt  }
0x84: {  	_ =	shalt  }
0x85: {  	_ =	shalt  }
0x86: {  	_ =	shalt  }
0x87: {  	_ =	shalt  }
.Lfunc_end0:
.L_simem_size_0:
called_computation.1_lowered:
.L_overlay_start_0:
0x88: {  	s2 =	sld [smem:$0x3FD9]  }
0x89: {  	s3 =	sld [smem:$0x3FFE];
	_ =	sdelay $0x1  }
0x8a: {  	s1 =	srdreg.scid  }
0x8b: {  	s0 =	sand.u32 $0x1, s1  }
0x8c: {  	s16 =	sshll.u32 s0, $0xA;
	s2 =	sadd.s32 s3, s2  }
0x8d: {  	s2 =	sadd.s32 s2, s16  }
0x8e: {  	[smem:$0x3FA2] =	sst s2  }
0x8f: {  	_ = 	snop  }
0x90: {  	(tm) =	ssettm $0x1  }
0x91: {  	s17 =	sld [smem:$0x3FFB];
	_ =	sdelay $0x3  }
0x92: {  	_ =	strace s17  }
0x93: {  	s2 =	sld [smem:$0x3FFC];
	_ =	sdelay $0x3  }
0x94: {  	_ =	strace s2  }
0x95: {  	s2 =	sld [smem:$0x3FFD];
	_ =	sdelay $0x3  }
0x96: {  	_ =	strace s2  }
0x97: {  	_ =	strace $0x8FFFFFFF  }
0x98: {  	s18 =	sld [smem:$0x3FDB];
	_ =	sdelay $0x1  }
0x99: {  	s19 =	simm.s32 $_scs_section_size  }
0x9a: {  	s4 =	simm.s32 $_size__tile_overlayer_lowered;
	s5 =	simm.s32 $_tile_overlayer_lowered  }
0x9b: {  	s22 =	simm.s32 $0x1BFF;
	s21 =	sshll.u32 s5, $0x1;
	s2 =	sadd.s32 s19, s18  }
0x9c: {  	s6 =	simm.s32 $0x0;
	s20 =	sshll.u32 s4, $0x1;
	s4 =	sadd.s32 s21, s2  }
0x9d: {  	[timem:s6], [sflag:s22] =	dma.local [hbm:s4], s20  }
0x9e: {  	_ =	swait.ge [sflag:s22], s20  }
0x9f: {  	s3 =	ssub.s32 $0x0, s20;
	[sflag:s22] =	ssyncset.done $0x0  }
0xa0: {  	[sflag:s22] =	ssyncadd.s32 s3;
	_ =	sdelay $0x1  }
0xa1: {  	s23 =	simm.s32 $0x1B8B  }
0xa2: {  	_ =	swait.ge [sflag:s23], $0x1  }
0xa3: {  	[sflag:s23] =	ssyncset.done $0x0  }
0xa4: {  	s25 =	simm.s32 $0x1B8E;
	s24 =	sld [smem:$0x3FFE];
	[sflag:s23] =	ssyncadd.s32 $0xFFFFFFFF  }
0xa5: {  	s26 =	simm.s32 $execute0_lowered;
	[smem:$0x3FD2] =	sst s25  }
0xa6: {  	s4 =	sshll.u32 s26, $0x1;
	_ =	strace $0x80000049;
	[dreg:$0x1] =	wrdreg $0xFFFFFFFF  }
0xa7: {  	s28 =	simm.s32 $_size_execute0_lowered;
	s2 =	sadd.s32 s2, s4;
	[dreg:$0x0] =	wrdreg $0x0  }
0xa8: {  	s4 =	sshll.u32 s28, $0x1;
	[dreg:$0x2] =	wrdreg s2  }
0xa9: {  	[dreg:$0x3] =	wrdreg s4  }
0xaa: {  	[dreg:$0x4] =	wrdreg $0xC0  }
0xab: {  	_ =	task [dreg:s6], $0x5FFFF  }
0xac: {  	[dreg:$0x1] =	wrdreg $0xFFFFFFFF  }
0xad: {  	[dreg:$0x0] =	wrdreg $0x60  }
0xae: {  	[dreg:$0x2] =	wrdreg s24  }
0xaf: {  	[dreg:$0x3] =	wrdreg $0x0  }
0xb0: {  	[dreg:$0x4] =	wrdreg $0x9  }
0xb1: {  	_ =	task.clear_ibuf [dreg:s6], $0x5FFFF;
	_ =	strace $0x90000049  }
0xb2: {  	s29 =	simm.s32 $0x9;
	_ =	strace $0x8000004B  }
0xb3: {  	_ =	swait.ge [sflag:s29], $0x1  }
0xb4: {  	[sflag:s29] =	ssyncadd.s32 $0xFFFFFFFF  }
0xb5: {  	_ =	strace $0x9000004B  }
0xb6: {  	_ =	sfence  }
0xb7: {  	s30 =	sld [smem:$0x0];
	_ =	sdelay $0x2  }
0xb8: {  	s31 =	sshll.u32 s1, $0xD;
	s1 =	sshrl.u32 s1, $0x2  }
0xb9: {  	s3 =	sand.u32 $0x4000, s31;
	s1 =	sadd.s32 s1, s30  }
0xba: {  	s0 =	sor.u32 s3, s0;
	s1 =	sshll.u32 s1, $0x11  }
0xbb: {  	s0 =	sor.u32 s1, s0  }
0xbc: {  	s0 =	sadd.s32 $0x8F2B, s0  }
0xbd: {  	[sflag:s0] =	ssyncadd.remote.s32 $0x1  }
0xbe: {  	_ =	sfence.sel $0xFFFF  }
0xbf: {  	[dreg:$0x0] =	wrdreg $0xFFFFFFFF;
	(pc) =	sbr.abs _section_cstart, $3  }
0xc0: {  	[dreg:$0x1] =	wrdreg $0xFFFFFFFF  }
0xc1: {  	_ =	task.clear_ibuf [dreg:s6], $0x2FFFF;
	_ =	strace $0x9FFFFFFF  }
0xc2: {  	(tm) =	ssettm $0x7FFFFFFF  }
0xc3: {  	_ =	shalt  }
tec
execute0_lowered:
.L_overlay_start_1:
0x0: {  	(tag) =	ssettag $0x1  }
0x1: {  	s0 =	rddreg [dreg:$0x0]  }
0x2: {  	s1 =	rddreg [dreg:$0x1];
	s2 =	simm.s32 $0x0;
	s4 =	srdreg.scid  }
0x3: {  	s13 =	stileid.u32;
	s12 =	simm.s32 $0xA;
	s17 =	simm.s32 $0x1B180  }
0x4: {  	s18 =	simm.s32 $0x2;
	s20 =	simm.s32 $0x13880;
	s21 =	simm.s32 $0x13900  }
0x5: {  	s22 =	simm.s32 $0x50;
	s23 =	simm.s32 $0x13980;
	s28 =	simm.s32 $0x1C580  }
0x6: {  	s29 =	simm.s32 $0x1D980;
	s30 =	simm.s32 $0x0;
	[smem:$0x7FF] =	sst s2  }
0x7: {  	s3 =	sadd.s32 $0x18600, s0;
	s5 =	sadd.s32 $0x4FA800, s0;
	s6 =	sadd.s32 $0xE800, s0  }
0x8: {  	s7 =	sadd.s32 $0x4A00, s0;
	s4 =	sand.u32 $0x1, s4;
	s9 =	smul.u32 $0x280, s13  }
0x9: {  	s8 =	sadd.s32 $0x3F800, s0;
	s10 =	sadd.s32 $0x3FA00, s0;
	s11 =	smul.u32 $0x4E20, s13  }
0xa: {  	p0 =	seq.s32 s13, $0xF;
	s15 =	smul.u32 $0x50000, s13;
	s26 =	sshll.u32 s4, $0x6  }
0xb: {  	_ =	strace $0x8000004A;
	[dreg:$0x3] =	wrdreg s8;
	s31 =	sor.u32 $0x13980, s26  }
0xc: {  	s24 =	ssub.s32 $0x2, s4;
	s14 =	smul.u32 $0x2710, s4;
	s12 =	simm.s32 @!p0 $0x10;
	v0 =	vmov s31  }
0xd: {  	s13 =	smul.u32 $0x2710000, s4;
	s25 =	sshrl.u32 s24, $0x1;
	s8 =	sor.u32 $0x1C580, s26  }
0xe: {  	s15 =	sshrl.u32 s15, $0x2;
	s26 =	simm.s32 $0x18980;
	s0 =	ssub.s32 s24, s25  }
0xf: {  	s14 =	sadd.s32 s9, s14;
	s16 =	sadd.s32 s15, s1;
	s0 =	smax.u32 s0, $0x1  }
0x10: {  	v2 =	vimm.f32 $0.0e+00;
	s24 =	simm.s32 $0x1;
	s25 =	simm.s32 $0x16180;
	v1 =	vmov s8;
	[dreg:$0x4] =	wrdreg s0  }
.LBB2_1:
0x11: {  	s0 =	simm.s32 $0x0;
	s4 =	simm.s32 $0x200  }
.LBB2_2:
0x12: {  	p0 =	sne.s32 s4, $0x4E00;
	[tilespmem:s0+$0x1B1F0] =	vst v2  }
0x13: {  	[tilespmem:s0+$0x1B180] =	vst v2  }
0x14: {  	[tilespmem:s0+$0x1B190] =	vst v2  }
.Ltmp0:
0x15: {  	[tilespmem:s0+$0x1B1A0] =	vst v2;
	(pc) =	sbr.rel @p0 .LBB2_2-.Ltmp0, $4  }
0x16: {  	[tilespmem:s0+$0x1B1B0] =	vst v2  }
0x17: {  	[tilespmem:s0+$0x1B1C0] =	vst v2  }
0x18: {  	[tilespmem:s0+$0x1B1D0] =	vst v2  }
0x19: {  	[tilespmem:s0+$0x1B1E0] =	vst v2;
	s0 =	sshra.s32 s4, $0x2;
	s4 =	sadd.s32 $0x200, s4  }
0x1a: {  	[tilespmem:s0+$0x1B1F0] =	vst v2  }
0x1b: {  	[tilespmem:s0+$0x1B180] =	vst v2  }
0x1c: {  	[tilespmem:s0+$0x1B190] =	vst v2  }
0x1d: {  	[tilespmem:s0+$0x1B1A0] =	vst v2  }
0x1e: {  	[tilespmem:s0+$0x1B1B0] =	vst v2  }
0x1f: {  	[tilespmem:s0+$0x1B1C0] =	vst v2;
	p0 =	sne.s32 s12, $0x1  }
.Ltmp1:
0x20: {  	[tilespmem:s0+$0x1B1D0] =	vst v2;
	(pc) =	sbr.rel @!p0 .LBB2_5-.Ltmp1, $4  }
0x21: {  	[tilespmem:s0+$0x1B1E0] =	vst v2  }
0x22: {  	[spmem:s16] =	stream.linear.scatter [tilespmem:s17], [sflag:$0x2], $0x1400, $0x38;
	[tilespmem:$0x1EE00] =	vst v63  }
0x23: {  	_ =	swait.ge [sflag:s18], $0x1400  }
0x24: {  	s0 =	sadd.s32 $0xFFFFFFFF, s12;
	s4 =	smov.u32 s16;
	[sflag:s18] =	ssyncset.done $0x0  }
.LBB2_4:
0x25: {  	p0 =	sne.s32 s0, $0x1;
	[sflag:s18] =	ssyncadd.s32 $0xFFFFEC00;
	s4 =	sadd.s32 $0x1400, s4  }
.Ltmp2:
0x26: {  	s0 =	sadd.s32 $0xFFFFFFFF, s0;
	(pc) =	sbr.rel @p0 .LBB2_4-.Ltmp2, $4  }
0x27: {  	_ = 	snop  }
0x28: {  	[spmem:s4] =	stream.linear.scatter [tilespmem:s17], [sflag:$0x2], $0x1400, $0x38;
	[tilespmem:$0x1EE00] =	vst v63  }
0x29: {  	_ =	swait.ge [sflag:s18], $0x1400  }
0x2a: {  	[sflag:s18] =	ssyncset.done $0x0  }
.LBB2_5:
0x2b: {  	[sflag:s18] =	ssyncadd.s32 $0xFFFFEC00  }
0x2c: {  	s31 =	simm.s32 $0x0;
	s0 =	rddreg [dreg:$0x3];
	s4 =	simm.s32 $0x1ED80  }
0x2d: {  	[tilespmem:s4], [sflag:$0x2] =	stream.linear.gather [hbm4b:s0+s31], $0x80, $0x38;
	[tilespmem:$0x1EE00] =	vst v63  }
0x2e: {  	_ =	swait.ge [sflag:s18], $0x80  }
0x2f: {  	[sflag:s18] =	ssyncset.done $0x0  }
0x30: {  	[sflag:s18] =	ssyncadd.s32 $0xFFFFFF80  }
0x31: {  	[bflag:$0x0] =	sbarrier.arrive $0xFFFF  }
0x32: {  	s0 =	simm.s32 $0x0;
	v3 =	vld [tilespmem:$0x1ED80]  }
.LBB2_6:
0x33: {  	s4 =	smul.u32 $0x50, s0;
	_ =	sdelay $0x1  }
0x34: {  	s4 =	sadd.s32 s11, s4  }
0x35: {  	s8 =	sshrl.u32 s4, $0x3  }
0x36: {  	s15 =	sadd.s32 s6, s8  }
0x37: {  	[tilespmem:s20], [sflag:$0x2] =	stream.linear.gather [hbm4b:s15+s31], $0x50, $0x38;
	[tilespmem:$0x1EE00] =	vst v63  }
0x38: {  	_ =	swait.ge [sflag:s18], $0x50  }
0x39: {  	[sflag:s18] =	ssyncset.done $0x0  }
0x3a: {  	s8 =	sadd.s32 s7, s8;
	[sflag:s18] =	ssyncadd.s32 $0xFFFFFFB0  }
0x3b: {  	[tilespmem:s21], [sflag:$0x2] =	stream.linear.gather [hbm4b:s8+s31], $0x50, $0x38;
	[tilespmem:$0x1EE00] =	vst v63  }
0x3c: {  	_ =	swait.ge [sflag:s18], $0x50  }
0x3d: {  	[sflag:s18] =	ssyncset.done $0x0  }
0x3e: {  	s4 =	sshll.u32 s4, $0x7;
	[sflag:s18] =	ssyncadd.s32 $0xFFFFFFB0  }
0x3f: {  	[tilespmem:s23], [sflag:$0x1] =	stream.indirect.gather [hbm4b:s3+s22], $0x80, s20, s22, $0xb8;
	[tilespmem:$0x1EE00] =	vst v63  }
0x40: {  	s4 =	sadd.s32 s13, s4;
	_ =	swait.ge [sflag:s24], $0x2800  }
0x41: {  	s4 =	sshrl.u32 s4, $0x3;
	[sflag:s24] =	ssyncset.done $0x0  }
0x42: {  	s4 =	sadd.s32 s5, s4;
	[sflag:s24] =	ssyncadd.s32 $0xFFFFD800  }
0x43: {  	[tilespmem:s25], [sflag:$0x2] =	stream.linear.gather [hbm4b:s4+s31], $0x2800, $0x38;
	[tilespmem:$0x1EE00] =	vst v63  }
0x44: {  	_ =	swait.ge [sflag:s18], $0x2800  }
0x45: {  	[sflag:s18] =	ssyncset.done $0x0  }
0x46: {  	s19 =	simm.s32 $0x200;
	s4 =	simm.s32 $0x0;
	[sflag:s18] =	ssyncadd.s32 $0xFFFFD800  }
.LBB2_7:
0x47: {  	p0 =	sne.s32 s19, $0x9E00;
	v4 =	vld.idx.msk [tilespmem:v0+s4+$0x0 ss:$0x1], $0xffff  }
0x48: {  	v5 =	vld [tilespmem:s4+$0x16180];
	_ =	sdelay $0x4  }
0x49: {  	v4 =	vadd.f32 v5, v4;
	_ =	sdelay $0x1  }
0x4a: {  	v4 =	vmax.f32 v4, $0.0e+00  }
0x4b: {  	v4 =	vadd.f32 $1.000000010e-07, v4;
	_ =	sdelay $0x1  }
0x4c: {  	v5 =	vmul.f32 v4, v3;
	_ =	sdelay $0x1  }
0x4d: {  	v5 =	vmul.f32 $1.442695020e+00, v5;
	_ =	sdelay $0x1  }
0x4e: {  	(erf) = vpow2.f32 v5;
	_ =	sdelay $0x8  }
0x4f: {  	v5 =	vpop (erf)  }
0x50: {  	v4 =	vmul.f32 v5, v4;
	[tilespmem:s4+$0x189C0] =	vst v5;
	_ =	sdelay $0x1  }
0x51: {  	[tilespmem:s4+$0x18980] =	vst v4  }
0x52: {  	v4 =	vld.idx.msk [tilespmem:v0+s4+$0x10 ss:$0x1], $0xffff  }
0x53: {  	v5 =	vld [tilespmem:s4+$0x16190];
	_ =	sdelay $0x4  }
0x54: {  	v4 =	vadd.f32 v5, v4;
	_ =	sdelay $0x1  }
0x55: {  	v4 =	vmax.f32 v4, $0.0e+00  }
0x56: {  	v4 =	vadd.f32 $1.000000010e-07, v4;
	_ =	sdelay $0x1  }
0x57: {  	v5 =	vmul.f32 v4, v3;
	_ =	sdelay $0x1  }
0x58: {  	v5 =	vmul.f32 $1.442695020e+00, v5;
	_ =	sdelay $0x1  }
0x59: {  	(erf) = vpow2.f32 v5;
	_ =	sdelay $0x8  }
0x5a: {  	v5 =	vpop (erf)  }
0x5b: {  	v4 =	vmul.f32 v5, v4;
	[tilespmem:s4+$0x189D0] =	vst v5;
	_ =	sdelay $0x1  }
0x5c: {  	[tilespmem:s4+$0x18990] =	vst v4  }
0x5d: {  	v4 =	vld.idx.msk [tilespmem:v0+s4+$0x20 ss:$0x1], $0xffff  }
0x5e: {  	v5 =	vld [tilespmem:s4+$0x161A0];
	_ =	sdelay $0x4  }
0x5f: {  	v4 =	vadd.f32 v5, v4;
	_ =	sdelay $0x1  }
0x60: {  	v4 =	vmax.f32 v4, $0.0e+00  }
0x61: {  	v4 =	vadd.f32 $1.000000010e-07, v4;
	_ =	sdelay $0x1  }
0x62: {  	v5 =	vmul.f32 v4, v3;
	_ =	sdelay $0x1  }
0x63: {  	v5 =	vmul.f32 $1.442695020e+00, v5;
	_ =	sdelay $0x1  }
0x64: {  	(erf) = vpow2.f32 v5;
	_ =	sdelay $0x8  }
0x65: {  	v5 =	vpop (erf)  }
0x66: {  	v4 =	vmul.f32 v5, v4;
	[tilespmem:s4+$0x189E0] =	vst v5;
	_ =	sdelay $0x1  }
0x67: {  	[tilespmem:s4+$0x189A0] =	vst v4  }
0x68: {  	v4 =	vld.idx.msk [tilespmem:v0+s4+$0x30 ss:$0x1], $0xffff  }
0x69: {  	v5 =	vld [tilespmem:s4+$0x161B0];
	_ =	sdelay $0x4  }
0x6a: {  	v4 =	vadd.f32 v5, v4;
	_ =	sdelay $0x1  }
0x6b: {  	v4 =	vmax.f32 v4, $0.0e+00  }
0x6c: {  	v4 =	vadd.f32 $1.000000010e-07, v4;
	_ =	sdelay $0x1  }
0x6d: {  	v5 =	vmul.f32 v4, v3;
	_ =	sdelay $0x1  }
0x6e: {  	v5 =	vmul.f32 $1.442695020e+00, v5;
	_ =	sdelay $0x1  }
0x6f: {  	(erf) = vpow2.f32 v5;
	_ =	sdelay $0x7  }
.Ltmp3:
0x70: {  	(pc) =	sbr.rel @p0 .LBB2_7-.Ltmp3, $3  }
0x71: {  	v5 =	vpop (erf)  }
0x72: {  	v4 =	vmul.f32 v5, v4;
	[tilespmem:s4+$0x189F0] =	vst v5;
	_ =	sdelay $0x1  }
0x73: {  	[tilespmem:s4+$0x189B0] =	vst v4;
	s4 =	sshra.s32 s19, $0x2;
	s19 =	sadd.s32 $0x200, s19  }
0x74: {  	_ =	sdelay $0x3  }
0x75: {  	v4 =	vld.idx.msk [tilespmem:v0+s4+$0x0 ss:$0x1], $0xffff  }
0x76: {  	v5 =	vld [tilespmem:s4+$0x16180];
	_ =	sdelay $0x4  }
0x77: {  	v4 =	vadd.f32 v5, v4;
	_ =	sdelay $0x1  }
0x78: {  	v4 =	vmax.f32 v4, $0.0e+00  }
0x79: {  	v4 =	vadd.f32 $1.000000010e-07, v4;
	_ =	sdelay $0x1  }
0x7a: {  	v5 =	vmul.f32 v4, v3;
	_ =	sdelay $0x1  }
0x7b: {  	v5 =	vmul.f32 $1.442695020e+00, v5;
	_ =	sdelay $0x1  }
0x7c: {  	(erf) = vpow2.f32 v5;
	_ =	sdelay $0x8  }
0x7d: {  	v5 =	vpop (erf)  }
0x7e: {  	v4 =	vmul.f32 v5, v4  }
0x7f: {  	[tilespmem:s4+$0x189C0] =	vst v5  }
0x80: {  	v5 =	vld [tilespmem:s4+$0x16190];
	[tilespmem:s4+$0x18980] =	vst v4  }
0x81: {  	v4 =	vld.idx.msk [tilespmem:v0+s4+$0x10 ss:$0x1], $0xffff;
	_ =	sdelay $0x4  }
0x82: {  	v4 =	vadd.f32 v5, v4;
	_ =	sdelay $0x1  }
0x83: {  	v4 =	vmax.f32 v4, $0.0e+00  }
0x84: {  	v4 =	vadd.f32 $1.000000010e-07, v4;
	_ =	sdelay $0x1  }
0x85: {  	v5 =	vmul.f32 v4, v3;
	_ =	sdelay $0x1  }
0x86: {  	v5 =	vmul.f32 $1.442695020e+00, v5;
	_ =	sdelay $0x1  }
0x87: {  	(erf) = vpow2.f32 v5;
	_ =	sdelay $0x8  }
0x88: {  	v5 =	vpop (erf)  }
0x89: {  	v4 =	vmul.f32 v5, v4  }
0x8a: {  	[tilespmem:s4+$0x189D0] =	vst v5  }
0x8b: {  	v5 =	vld [tilespmem:s4+$0x161A0];
	[tilespmem:s4+$0x18990] =	vst v4  }
0x8c: {  	v4 =	vld.idx.msk [tilespmem:v0+s4+$0x20 ss:$0x1], $0xffff;
	_ =	sdelay $0x4  }
0x8d: {  	v4 =	vadd.f32 v5, v4;
	_ =	sdelay $0x1  }
0x8e: {  	v4 =	vmax.f32 v4, $0.0e+00  }
0x8f: {  	v4 =	vadd.f32 $1.000000010e-07, v4;
	_ =	sdelay $0x1  }
0x90: {  	v5 =	vmul.f32 v4, v3;
	_ =	sdelay $0x1  }
0x91: {  	v5 =	vmul.f32 $1.442695020e+00, v5;
	_ =	sdelay $0x1  }
0x92: {  	(erf) = vpow2.f32 v5;
	_ =	sdelay $0x8  }
0x93: {  	v5 =	vpop (erf)  }
0x94: {  	v4 =	vmul.f32 v5, v4  }
0x95: {  	[tilespmem:s4+$0x189E0] =	vst v5  }
0x96: {  	v5 =	vld [tilespmem:s4+$0x161B0];
	[tilespmem:s4+$0x189A0] =	vst v4  }
0x97: {  	v4 =	vld.idx.msk [tilespmem:v0+s4+$0x30 ss:$0x1], $0xffff;
	_ =	sdelay $0x4  }
0x98: {  	v4 =	vadd.f32 v5, v4;
	_ =	sdelay $0x1  }
0x99: {  	v4 =	vmax.f32 v4, $0.0e+00  }
0x9a: {  	v4 =	vadd.f32 $1.000000010e-07, v4;
	_ =	sdelay $0x1  }
0x9b: {  	v5 =	vmul.f32 v4, v3;
	_ =	sdelay $0x1  }
0x9c: {  	v5 =	vmul.f32 $1.442695020e+00, v5;
	_ =	sdelay $0x1  }
0x9d: {  	(erf) = vpow2.f32 v5;
	_ =	sdelay $0x8  }
0x9e: {  	v5 =	vpop (erf)  }
0x9f: {  	s0 =	sadd.s32 $0x1, s0;
	v4 =	vmul.f32 v5, v4  }
0xa0: {  	p0 =	sne.s32 s0, $0xFA;
	[tilespmem:s4+$0x189F0] =	vst v5  }
.Ltmp4:
0xa1: {  	[tilespmem:s4+$0x189B0] =	vst v4;
	(pc) =	sbr.rel @p0 .LBB2_6-.Ltmp4, $4  }
0xa2: {  	[spmem:s1] =	stream.indirect.scatter.add.f32 [tilespmem:s26], [sflag:$0x2], $0x80, s21, s22, $0xb8;
	[tilespmem:$0x1EE00] =	vst v63  }
0xa3: {  	_ =	swait.ge [sflag:s18], $0x2800  }
0xa4: {  	[sflag:s18] =	ssyncset.done $0x0  }
0xa5: {  	[sflag:s18] =	ssyncadd.s32 $0xFFFFD800  }
0xa6: {  	[bflag:$0x0] =	sbarrier.arrive $0xFFFF;
	s0 =	simm.s32 $0x0;
	s4 =	simm.s32 $0x0  }
.LBB2_10:
0xa7: {  	s31 =	smul.u32 $0x28, s4;
	_ =	sdelay $0x1  }
0xa8: {  	s8 =	sadd.s32 s9, s31  }
0xa9: {  	s15 =	sshll.u32 s8, $0x9  }
0xaa: {  	s15 =	sshra.s32 s15, $0x2  }
0xab: {  	s15 =	sadd.s32 s15, s1  }
0xac: {  	[tilespmem:s17], [sflag:$0x2] =	stream.linear.gather [spmem:s15], $0x1400, $0x38;
	[tilespmem:$0x1EE00] =	vst v63  }
0xad: {  	_ =	swait.ge [sflag:s18], $0x1400  }
0xae: {  	s8 =	sshll.u32 s8, $0x4;
	[sflag:s18] =	ssyncset.done $0x0  }
0xaf: {  	s8 =	sadd.s32 s3, s8;
	[sflag:s18] =	ssyncadd.s32 $0xFFFFEC00  }
0xb0: {  	[tilespmem:s28], [sflag:$0x2] =	stream.linear.gather [hbm4b:s8+s0], $0x1400, $0x38;
	[tilespmem:$0x1EE00] =	vst v63  }
0xb1: {  	_ =	swait.ge [sflag:s18], $0x1400  }
0xb2: {  	[sflag:s18] =	ssyncset.done $0x0  }
0xb3: {  	s19 =	simm.s32 $0x0;
	[sflag:s18] =	ssyncadd.s32 $0xFFFFEC00  }
0xb4: {  	v3 =	vld [tilespmem:s19+$0x1B1C0];
	_ =	sdelay $0x4  }
0xb5: {  	v3 =	vadd.f32 $1.000000010e-07, v3;
	_ =	sdelay $0x1  }
0xb6: {  	(erf) = vrcp.f32 v3;
	_ =	sdelay $0x1  }
0xb7: {  	v3 =	vld [tilespmem:s19+$0x1B1D0];
	_ =	sdelay $0x3  }
0xb8: {  	v4 =	vld [tilespmem:s19+$0x1B180]  }
0xb9: {  	v3 =	vadd.f32 $1.000000010e-07, v3  }
0xba: {  	v5 =	vld.idx.msk [tilespmem:v1+s19+$0x0 ss:$0x1], $0xffff  }
0xbb: {  	v6 =	vpop (erf);
	(erf) = vrcp.f32 v3;
	_ =	sdelay $0x1  }
0xbc: {  	v3 =	vmul.f32 v6, v4;
	v4 =	vld [tilespmem:s19+$0x1B1E0];
	_ =	sdelay $0x1  }
0xbd: {  	v3 =	vadd.f32 v3, v5;
	_ =	sdelay $0x1  }
0xbe: {  	[tilespmem:s19+$0x1D980] =	vst v3;
	v3 =	vld [tilespmem:s19+$0x1B190]  }
0xbf: {  	v4 =	vadd.f32 $1.000000010e-07, v4  }
0xc0: {  	v5 =	vld.idx.msk [tilespmem:v1+s19+$0x10 ss:$0x1], $0xffff  }
0xc1: {  	v6 =	vpop (erf);
	(erf) = vrcp.f32 v4;
	_ =	sdelay $0x1  }
0xc2: {  	v4 =	vld [tilespmem:s19+$0x1B1F0];
	v3 =	vmul.f32 v6, v3;
	_ =	sdelay $0x1  }
0xc3: {  	v3 =	vadd.f32 v3, v5  }
0xc4: {  	v5 =	vld [tilespmem:s19+$0x1B1A0]  }
0xc5: {  	[tilespmem:s19+$0x1D990] =	vst v3  }
0xc6: {  	v4 =	vadd.f32 $1.000000010e-07, v4;
	v3 =	vld.idx.msk [tilespmem:v1+s19+$0x20 ss:$0x1], $0xffff;
	_ =	sdelay $0x1  }
0xc7: {  	v6 =	vpop (erf);
	(erf) = vrcp.f32 v4  }
0xc8: {  	s15 =	simm.s32 $0x400;
	s8 =	simm.s32 $0x80;
	v4 =	vmul.f32 v6, v5  }
.LBB2_11:
0xc9: {  	p0 =	sne.s32 s15, $0x4E00;
	v5 =	vld [tilespmem:s8+$0x1B1C0]  }
0xca: {  	v3 =	vadd.f32 v4, v3;
	_ =	sdelay $0x1  }
0xcb: {  	[tilespmem:s19+$0x1D9A0] =	vst v3;
	v3 =	vld [tilespmem:s19+$0x1B1B0]  }
0xcc: {  	v4 =	vld.idx.msk [tilespmem:v1+s19+$0x30 ss:$0x1], $0xffff  }
0xcd: {  	v6 =	vadd.f32 $1.000000010e-07, v5;
	_ =	sdelay $0x1  }
0xce: {  	(erf) = vrcp.f32 v6;
	v5 =	vpop (erf)  }
0xcf: {  	v3 =	vmul.f32 v5, v3  }
0xd0: {  	v5 =	vld [tilespmem:s8+$0x1B1D0]  }
0xd1: {  	v3 =	vadd.f32 v3, v4;
	_ =	sdelay $0x1  }
0xd2: {  	v4 =	vld [tilespmem:s8+$0x1B180];
	[tilespmem:s19+$0x1D9B0] =	vst v3;
	s19 =	smov.u32 s8  }
0xd3: {  	v3 =	vld.idx.msk [tilespmem:v1+s19+$0x0 ss:$0x1], $0xffff  }
0xd4: {  	v5 =	vadd.f32 $1.000000010e-07, v5;
	_ =	sdelay $0x1  }
0xd5: {  	v6 =	vpop (erf);
	(erf) = vrcp.f32 v5  }
0xd6: {  	v4 =	vmul.f32 v6, v4  }
0xd7: {  	v5 =	vld [tilespmem:s19+$0x1B1E0]  }
0xd8: {  	v3 =	vadd.f32 v4, v3;
	_ =	sdelay $0x1  }
0xd9: {  	[tilespmem:s19+$0x1D980] =	vst v3;
	v3 =	vld [tilespmem:s19+$0x1B190]  }
0xda: {  	v4 =	vld.idx.msk [tilespmem:v1+s19+$0x10 ss:$0x1], $0xffff  }
0xdb: {  	v5 =	vadd.f32 $1.000000010e-07, v5;
	_ =	sdelay $0x1  }
0xdc: {  	v6 =	vpop (erf);
	(erf) = vrcp.f32 v5  }
0xdd: {  	v3 =	vmul.f32 v6, v3  }
0xde: {  	v5 =	vld [tilespmem:s19+$0x1B1F0]  }
0xdf: {  	v3 =	vadd.f32 v3, v4;
	_ =	sdelay $0x1  }
0xe0: {  	[tilespmem:s19+$0x1D990] =	vst v3;
	v4 =	vld [tilespmem:s19+$0x1B1A0]  }
.Ltmp5:
0xe1: {  	v3 =	vld.idx.msk [tilespmem:v1+s19+$0x20 ss:$0x1], $0xffff;
	(pc) =	sbr.rel @p0 .LBB2_11-.Ltmp5, $3  }
0xe2: {  	v5 =	vadd.f32 $1.000000010e-07, v5;
	_ =	sdelay $0x1  }
0xe3: {  	v6 =	vpop (erf);
	(erf) = vrcp.f32 v5  }
0xe4: {  	s8 =	sshra.s32 s15, $0x2;
	s15 =	sadd.s32 $0x200, s15;
	v4 =	vmul.f32 v6, v4  }
0xe5: {  	v5 =	vld [tilespmem:s8+$0x1B1C0];
	_ =	sdelay $0x1  }
0xe6: {  	v3 =	vadd.f32 v4, v3;
	_ =	sdelay $0x1  }
0xe7: {  	[tilespmem:s19+$0x1D9A0] =	vst v3;
	v3 =	vld [tilespmem:s19+$0x1B1B0]  }
0xe8: {  	v50 =	vadd.f32 $1.000000010e-07, v5  }
0xe9: {  	v51 =	vld.idx.msk [tilespmem:v1+s19+$0x30 ss:$0x1], $0xffff  }
0xea: {  	(erf) = vrcp.f32 v50  }
0xeb: {  	v52 =	vpop (erf)  }
0xec: {  	v53 =	vld [tilespmem:s8+$0x1B1D0];
	v3 =	vmul.f32 v52, v3;
	_ =	sdelay $0x1  }
0xed: {  	v3 =	vadd.f32 v3, v51  }
0xee: {  	v54 =	vld [tilespmem:s8+$0x1B180]  }
0xef: {  	[tilespmem:s19+$0x1D9B0] =	vst v3  }
0xf0: {  	v4 =	vadd.f32 $1.000000010e-07, v53;
	v3 =	vld.idx.msk [tilespmem:v1+s8+$0x0 ss:$0x1], $0xffff;
	_ =	sdelay $0x1  }
0xf1: {  	(erf) = vrcp.f32 v4;
	v6 =	vpop (erf)  }
0xf2: {  	v55 =	vmul.f32 v6, v54  }
0xf3: {  	v56 =	vld [tilespmem:s8+$0x1B1E0]  }
0xf4: {  	v3 =	vadd.f32 v55, v3;
	_ =	sdelay $0x1  }
0xf5: {  	[tilespmem:s8+$0x1D980] =	vst v3;
	v3 =	vld [tilespmem:s8+$0x1B190];
	_ =	sdelay $0x1  }
0xf6: {  	v4 =	vadd.f32 $1.000000010e-07, v56;
	v57 =	vld.idx.msk [tilespmem:v1+s8+$0x10 ss:$0x1], $0xffff;
	_ =	sdelay $0x1  }
0xf7: {  	v58 =	vpop (erf);
	(erf) = vrcp.f32 v4  }
0xf8: {  	v3 =	vmul.f32 v58, v3  }
0xf9: {  	v59 =	vld [tilespmem:s8+$0x1B1F0]  }
0xfa: {  	v3 =	vadd.f32 v3, v57;
	_ =	sdelay $0x1  }
0xfb: {  	[tilespmem:s8+$0x1D990] =	vst v3;
	v3 =	vld [tilespmem:s8+$0x1B1A0];
	_ =	sdelay $0x1  }
0xfc: {  	v4 =	vadd.f32 $1.000000010e-07, v59;
	v60 =	vld.idx.msk [tilespmem:v1+s8+$0x20 ss:$0x1], $0xffff;
	_ =	sdelay $0x1  }
0xfd: {  	v61 =	vpop (erf);
	(erf) = vrcp.f32 v4  }
0xfe: {  	v3 =	vmul.f32 v61, v3;
	_ =	sdelay $0x1  }
0xff: {  	v3 =	vadd.f32 v3, v60;
	_ =	sdelay $0x1  }
0x100: {  	[tilespmem:s8+$0x1D9A0] =	vst v3;
	v3 =	vld [tilespmem:s8+$0x1B1B0];
	_ =	sdelay $0x1  }
0x101: {  	v62 =	vld.idx.msk [tilespmem:v1+s8+$0x30 ss:$0x1], $0xffff;
	_ =	sdelay $0x1  }
0x102: {  	v63 =	vpop (erf)  }
0x103: {  	v3 =	vmul.f32 v63, v3;
	_ =	sdelay $0x1  }
0x104: {  	s15 =	sadd.s32 s31, s14;
	s4 =	sadd.s32 $0x1, s4;
	v3 =	vadd.f32 v3, v62  }
0x105: {  	s15 =	sshll.u32 s15, $0x4;
	p0 =	sne.s32 s4, s12  }
.Ltmp6:
0x106: {  	s31 =	sadd.s32 s10, s15;
	[tilespmem:s8+$0x1D9B0] =	vst v3;
	(pc) =	sbr.rel @p0 .LBB2_10-.Ltmp6, $4  }
0x107: {  	[hbm4b:s31+s2] =	stream.linear.scatter [tilespmem:s29], [sflag:$0x2], $0x1400, $0x38;
	[tilespmem:$0x1EE00] =	vst v63  }
0x108: {  	_ =	swait.ge [sflag:s18], $0x1400  }
0x109: {  	[sflag:s18] =	ssyncset.done $0x0  }
0x10a: {  	[sflag:s18] =	ssyncadd.s32 $0xFFFFEC00  }
0x10b: {  	s30 =	sadd.s32 $0x1, s30;
	s0 =	rddreg [dreg:$0x4]  }
0x10c: {  	p0 =	sne.s32 s30, s0  }
.Ltmp7:
0x10d: {  	_ = 	snop;
	(pc) =	sbr.rel @p0 .LBB2_1-.Ltmp7, $1  }
0x10e: {  	_ =	sdelay $0x3  }
0x10f: {  	_ =	sfence.sel $0x180000  }
0x110: {  	[bflag:$0x0] =	sbarrier.arrive $0xFFFF  }
0x111: {  	_ =	strace $0x9000004A  }
0x112: {  	s0 =	stileid.u32;
	[bflag:$0x2] =	sbarrier.arrive $0xFFFF  }
0x113: {  	p0 =	sne.s32 s0, $0x0;
	s0 =	rddreg [dreg:$0x2]  }
0x114: {  	s0 =	sadd.s32 @!p0 $0x100000, s0  }
0x115: {  	[sflag:s0] =	ssyncadd.tile.s32 @!p0 $0x1;
	_ =	shalt  }
.Lfunc_end2:
_tile_overlayer_lowered:
.L_overlay_start_2:
0x116: {  	(tag) =	ssettag $0x2  }
0x117: {  	s0 =	rddreg [dreg:$0x0];
	s2 =	stileid.u32  }
0x118: {  	s1 =	rddreg [dreg:$0x1];
	p0 =	sne.s32 s2, $0x0  }
0x119: {  	s3 =	rddreg [dreg:$0x2];
	[bflag:$0x3] =	sbarrier.arrive $0xFFFF;
	s2 =	simm.s32 @!p0 $0x1C02  }
0x11a: {  	[timem:s3], [sflag:s2] =	dma.local @!p0 [hbm:s0], s1  }
0x11b: {  	s0 =	simm.s32 @!p0 $0x2  }
0x11c: {  	_ =	swait.ge @!p0 [sflag:s0], s1  }
0x11d: {  	s1 =	ssub.s32 @!p0 $0x0, s1;
	[sflag:s0] =	ssyncset.done @!p0 $0x0  }
0x11e: {  	[sflag:s0] =	ssyncadd.s32 @!p0 s1  }
0x11f: {  	[bflag:$0x3] =	sbarrier.arrive $0xFFFF  }
0x120: {  	_ =	shalt  }

// kernel: kernel.17.cloned.1.call-start
scs
__scs_entry_jumppad:
0x0: {  	(pc) =	sbr.rel $0x88, $3  }
0x1: {  	(tag) =	ssettag $0x0;
	lr =	simm.s32 $0x1  }
0x2: {  	[smem:$0x3F7B] =	sst lr;
	_ =	strace $0xD0000000  }
0x3: {  	_ = 	snop  }
0x4: {  	_ = 	snop  }
0x5: {  	_ = 	snop  }
0x6: {  	_ = 	snop  }
0x7: {  	_ = 	snop  }
__scs_overlays_trampoline_lowered:
0x8: {  	[smem:$0x3F8A] =	sst s0  }
0x9: {  	[smem:$0x3F8B] =	sst s1  }
0xa: {  	[smem:$0x3F8C] =	sst s2  }
0xb: {  	[smem:$0x3F8D] =	sst s3  }
0xc: {  	[smem:$0x3F8E] =	sst s4  }
0xd: {  	[smem:$0x3F8F] =	sst s5  }
0xe: {  	[smem:$0x3F90] =	sst s6  }
0xf: {  	[smem:$0x3F91] =	sst s7  }
0x10: {  	[smem:$0x3F92] =	sst s8  }
0x11: {  	[smem:$0x3F93] =	sst s9;
	s0 =	simm.s32 @!p0 $0x0  }
0x12: {  	s1 =	sld [smem:$0x3F79];
	s0 =	simm.s32 @p0 $0x1  }
0x13: {  	[smem:$0x3F94] =	sst s0;
	s0 =	simm.s32 @!p1 $0x0  }
0x14: {  	s2 =	sld [smem:$0x3F78];
	s0 =	simm.s32 @p1 $0x1  }
0x15: {  	[smem:$0x3F95] =	sst s0;
	s0 =	simm.s32 @!p2 $0x0  }
0x16: {  	s3 =	sld [smem:$0x3FDB];
	s0 =	simm.s32 @p2 $0x1  }
0x17: {  	s4 =	simm.s32 $0x1BF5;
	[smem:$0x3F97] =	sst s0  }
0x18: {  	s0 =	sld [smem:$0x3F7A];
	_ =	swait.ge [sflag:s4], $0x0  }
0x19: {  	s7 =	sld [smem:$0x3F7B]  }
0x1a: {  	s8 =	sadd.s32 $0xFFFFE003, lr  }
0x1b: {  	s9 =	sadd.s32 $0xFFFFFEF7, lr;
	s5 =	simm.s32 $0xFFFFFFFF;
	p2 =	slt.u32 s8, $0xFFFFF086  }
0x1c: {  	p1 =	slt.u32 s9, $0xF7A;
	s5 =	simm.s32 @!p2 $0x0  }
0x1d: {  	s5 =	simm.s32 @p1 $0x1;
	p0 =	seq.s32 s7, s2  }
0x1e: {  	s7 =	smul.u32 @!p0 $0xF7A, s2;
	p2 =	seq.s32 @!p0 s5, $0x0  }
0x1f: {  	s9 =	smul.u32 $0xF7A, s1;
	s8 =	simm.s32 @!p0 $0x1BF5;
	p2 =	por !p2, p0  }
0x20: {  	[sflag:s8] =	ssyncset.s32 @!p0 $0xFFFFF086;
	s6 =	sadd.s32 @!p0 s3, s7;
	s7 =	simm.s32 @!p0 $0x108  }
0x21: {  	s3 =	sadd.s32 s3, s9;
	s6 =	sadd.s32 @!p0 $0x88, s6;
	s7 =	simm.s32 @p2 $0x1082  }
0x22: {  	[simem:s7], [sflag:s8] =	dma.local @!p0 [hbm:s6], $0xF7A  }
0x23: {  	s9 =	sor.u32 $0xD0000000, s2;
	s6 =	simm.s32 $0x108;
	_ =	swait.ge @!p0 [sflag:s8], $0x0  }
0x24: {  	s3 =	sadd.s32 $0x88, s3;
	s6 =	simm.s32 @!p1 $0x1082;
	[sflag:s4] =	ssyncset.s32 $0xFFFFF086  }
0x25: {  	[simem:s6], [sflag:s4] =	dma.local [hbm:s3], $0xF7A  }
0x26: {  	[smem:$0x3F7B] =	sst s1;
	(tag) =	ssettag s2;
	_ =	strace s9  }
0x27: {  	s1 =	sld [smem:$0x3F8B]  }
0x28: {  	s2 =	sld [smem:$0x3F8C]  }
0x29: {  	s4 =	sld [smem:$0x3F8E]  }
0x2a: {  	p0 =	seq.s32 s5, $0x0;
	s5 =	sld [smem:$0x3F8F]  }
0x2b: {  	s6 =	sld [smem:$0x3F90]  }
0x2c: {  	s7 =	sld [smem:$0x3F91]  }
0x2d: {  	s3 =	simm.s32 $0x108;
	s8 =	sld [smem:$0x3F92]  }
0x2e: {  	s3 =	simm.s32 @!p0 $0x1082;
	s9 =	sld [smem:$0x3F93]  }
0x2f: {  	lr =	sadd.s32 s0, s3;
	s0 =	sld [smem:$0x3F8A]  }
0x30: {  	s3 =	sld [smem:$0x3F8D]  }
0x31: {  	[smem:$0x3F96] =	sst s10  }
0x32: {  	s10 =	sld [smem:$0x3F94];
	_ =	sdelay $0x3  }
0x33: {  	p0 =	seq.s32 s10, $0x1;
	s10 =	sld [smem:$0x3F96];
	_ =	sdelay $0x3  }
0x34: {  	[smem:$0x3F96] =	sst s10  }
0x35: {  	s10 =	sld [smem:$0x3F95];
	_ =	sdelay $0x3  }
0x36: {  	p1 =	seq.s32 s10, $0x1;
	s10 =	sld [smem:$0x3F96];
	_ =	sdelay $0x3  }
0x37: {  	[smem:$0x3F96] =	sst s10  }
0x38: {  	s10 =	sld [smem:$0x3F97]  }
0x39: {  	_ = 	snop;
	(pc) =	sbr.ind lr, $3  }
0x3a: {  	_ = 	snop  }
0x3b: {  	_ = 	snop  }
0x3c: {  	p2 =	seq.s32 s10, $0x1;
	s10 =	sld [smem:$0x3F96]  }
0x3d: {  	_ =	shalt  }
0x3e: {  	_ =	shalt  }
0x3f: {  	_ =	shalt  }
0x40: {  	_ =	shalt  }
0x41: {  	_ =	shalt  }
0x42: {  	_ =	shalt  }
0x43: {  	_ =	shalt  }
0x44: {  	_ =	shalt  }
0x45: {  	_ =	shalt  }
0x46: {  	_ =	shalt  }
0x47: {  	_ =	shalt  }
0x48: {  	_ =	shalt  }
0x49: {  	_ =	shalt  }
0x4a: {  	_ =	shalt  }
0x4b: {  	_ =	shalt  }
0x4c: {  	_ =	shalt  }
0x4d: {  	_ =	shalt  }
0x4e: {  	_ =	shalt  }
0x4f: {  	_ =	shalt  }
0x50: {  	_ =	shalt  }
0x51: {  	_ =	shalt  }
0x52: {  	_ =	shalt  }
0x53: {  	_ =	shalt  }
0x54: {  	_ =	shalt  }
0x55: {  	_ =	shalt  }
0x56: {  	_ =	shalt  }
0x57: {  	_ =	shalt  }
0x58: {  	_ =	shalt  }
0x59: {  	_ =	shalt  }
0x5a: {  	_ =	shalt  }
0x5b: {  	_ =	shalt  }
0x5c: {  	_ =	shalt  }
0x5d: {  	_ =	shalt  }
0x5e: {  	_ =	shalt  }
0x5f: {  	_ =	shalt  }
0x60: {  	_ =	shalt  }
0x61: {  	_ =	shalt  }
0x62: {  	_ =	shalt  }
0x63: {  	_ =	shalt  }
0x64: {  	_ =	shalt  }
0x65: {  	_ =	shalt  }
0x66: {  	_ =	shalt  }
0x67: {  	_ =	shalt  }
0x68: {  	_ =	shalt  }
0x69: {  	_ =	shalt  }
0x6a: {  	_ =	shalt  }
0x6b: {  	_ =	shalt  }
0x6c: {  	_ =	shalt  }
0x6d: {  	_ =	shalt  }
0x6e: {  	_ =	shalt  }
0x6f: {  	_ =	shalt  }
0x70: {  	_ =	shalt  }
0x71: {  	_ =	shalt  }
0x72: {  	_ =	shalt  }
0x73: {  	_ =	shalt  }
0x74: {  	_ =	shalt  }
0x75: {  	_ =	shalt  }
0x76: {  	_ =	shalt  }
0x77: {  	_ =	shalt  }
0x78: {  	_ =	shalt  }
0x79: {  	_ =	shalt  }
0x7a: {  	_ =	shalt  }
0x7b: {  	_ =	shalt  }
0x7c: {  	_ =	shalt  }
0x7d: {  	_ =	shalt  }
0x7e: {  	_ =	shalt  }
0x7f: {  	_ =	shalt  }
0x80: {  	_ =	shalt  }
0x81: {  	_ =	shalt  }
0x82: {  	_ =	shalt  }
0x83: {  	_ =	shalt  }
0x84: {  	_ =	shalt  }
0x85: {  	_ =	shalt  }
0x86: {  	_ =	shalt  }
0x87: {  	_ =	shalt  }
.Lfunc_end0:
.L_simem_size_0:
called_computation.2_lowered:
.L_overlay_start_0:
0x88: {  	s2 =	sld [smem:$0x3FD9]  }
0x89: {  	s3 =	sld [smem:$0x3FFE];
	_ =	sdelay $0x1  }
0x8a: {  	s1 =	srdreg.scid  }
0x8b: {  	s0 =	sand.u32 $0x1, s1  }
0x8c: {  	s16 =	sshll.u32 s0, $0xA;
	s2 =	sadd.s32 s3, s2  }
0x8d: {  	s2 =	sadd.s32 s2, s16  }
0x8e: {  	[smem:$0x3FA2] =	sst s2  }
0x8f: {  	_ = 	snop  }
0x90: {  	(tm) =	ssettm $0x1  }
0x91: {  	s17 =	sld [smem:$0x3FFB];
	_ =	sdelay $0x3  }
0x92: {  	_ =	strace s17  }
0x93: {  	s2 =	sld [smem:$0x3FFC];
	_ =	sdelay $0x3  }
0x94: {  	_ =	strace s2  }
0x95: {  	s2 =	sld [smem:$0x3FFD];
	_ =	sdelay $0x3  }
0x96: {  	_ =	strace s2  }
0x97: {  	_ =	strace $0x8FFFFFFF  }
0x98: {  	s18 =	sld [smem:$0x3FDB];
	_ =	sdelay $0x1  }
0x99: {  	s19 =	simm.s32 $_scs_section_size  }
0x9a: {  	s4 =	simm.s32 $_size__tile_overlayer_lowered;
	s5 =	simm.s32 $_tile_overlayer_lowered  }
0x9b: {  	s22 =	simm.s32 $0x1BFF;
	s21 =	sshll.u32 s5, $0x1;
	s2 =	sadd.s32 s19, s18  }
0x9c: {  	s6 =	simm.s32 $0x0;
	s20 =	sshll.u32 s4, $0x1;
	s4 =	sadd.s32 s21, s2  }
0x9d: {  	[timem:s6], [sflag:s22] =	dma.local [hbm:s4], s20  }
0x9e: {  	_ =	swait.ge [sflag:s22], s20  }
0x9f: {  	s3 =	ssub.s32 $0x0, s20;
	[sflag:s22] =	ssyncset.done $0x0  }
0xa0: {  	[sflag:s22] =	ssyncadd.s32 s3;
	_ =	sdelay $0x1  }
0xa1: {  	s23 =	simm.s32 $0x1B8B  }
0xa2: {  	_ =	swait.ge [sflag:s23], $0x1  }
0xa3: {  	[sflag:s23] =	ssyncset.done $0x0  }
0xa4: {  	s25 =	simm.s32 $0x1B8E;
	s24 =	sld [smem:$0x3FFE];
	[sflag:s23] =	ssyncadd.s32 $0xFFFFFFFF  }
0xa5: {  	s26 =	simm.s32 $execute0_lowered;
	[smem:$0x3FD2] =	sst s25  }
0xa6: {  	s4 =	sshll.u32 s26, $0x1;
	_ =	strace $0x8000004C;
	[dreg:$0x1] =	wrdreg $0xFFFFFFFF  }
0xa7: {  	s28 =	simm.s32 $_size_execute0_lowered;
	s2 =	sadd.s32 s2, s4;
	[dreg:$0x0] =	wrdreg $0x0  }
0xa8: {  	s4 =	sshll.u32 s28, $0x1;
	[dreg:$0x2] =	wrdreg s2  }
0xa9: {  	[dreg:$0x3] =	wrdreg s4  }
0xaa: {  	[dreg:$0x4] =	wrdreg $0xC0  }
0xab: {  	_ =	task [dreg:s6], $0x5FFFF  }
0xac: {  	[dreg:$0x1] =	wrdreg $0xFFFFFFFF  }
0xad: {  	[dreg:$0x0] =	wrdreg $0x60  }
0xae: {  	[dreg:$0x2] =	wrdreg s24  }
0xaf: {  	[dreg:$0x3] =	wrdreg $0x0  }
0xb0: {  	[dreg:$0x4] =	wrdreg $0x9  }
0xb1: {  	_ =	task.clear_ibuf [dreg:s6], $0x5FFFF;
	_ =	strace $0x9000004C  }
0xb2: {  	s29 =	simm.s32 $0x9;
	_ =	strace $0x8000004E  }
0xb3: {  	_ =	swait.ge [sflag:s29], $0x1  }
0xb4: {  	[sflag:s29] =	ssyncadd.s32 $0xFFFFFFFF  }
0xb5: {  	_ =	strace $0x9000004E  }
0xb6: {  	_ =	sfence  }
0xb7: {  	s30 =	sld [smem:$0x0];
	_ =	sdelay $0x2  }
0xb8: {  	s31 =	sshll.u32 s1, $0xD;
	s1 =	sshrl.u32 s1, $0x2  }
0xb9: {  	s3 =	sand.u32 $0x4000, s31;
	s1 =	sadd.s32 s1, s30  }
0xba: {  	s0 =	sor.u32 s3, s0;
	s1 =	sshll.u32 s1, $0x11  }
0xbb: {  	s0 =	sor.u32 s1, s0  }
0xbc: {  	s0 =	sadd.s32 $0x8F2B, s0  }
0xbd: {  	[sflag:s0] =	ssyncadd.remote.s32 $0x1  }
0xbe: {  	_ =	sfence.sel $0xFFFF  }
0xbf: {  	[dreg:$0x0] =	wrdreg $0xFFFFFFFF;
	(pc) =	sbr.abs _section_cstart, $3  }
0xc0: {  	[dreg:$0x1] =	wrdreg $0xFFFFFFFF  }
0xc1: {  	_ =	task.clear_ibuf [dreg:s6], $0x2FFFF;
	_ =	strace $0x9FFFFFFF  }
0xc2: {  	(tm) =	ssettm $0x7FFFFFFF  }
0xc3: {  	_ =	shalt  }
tec
execute0_lowered:
.L_overlay_start_1:
0x0: {  	(tag) =	ssettag $0x1  }
0x1: {  	s0 =	rddreg [dreg:$0x0]  }
0x2: {  	s1 =	rddreg [dreg:$0x1];
	s2 =	simm.s32 $0x0;
	s4 =	srdreg.scid  }
0x3: {  	s13 =	stileid.u32;
	s12 =	simm.s32 $0xA;
	s17 =	simm.s32 $0x1B180  }
0x4: {  	s18 =	simm.s32 $0x2;
	s20 =	simm.s32 $0x13880;
	s21 =	simm.s32 $0x13900  }
0x5: {  	s22 =	simm.s32 $0x50;
	s23 =	simm.s32 $0x13980;
	s28 =	simm.s32 $0x1C580  }
0x6: {  	s29 =	simm.s32 $0x1D980;
	s30 =	simm.s32 $0x0;
	[smem:$0x7FF] =	sst s2  }
0x7: {  	s3 =	sadd.s32 $0x18600, s0;
	s5 =	sadd.s32 $0x4FA800, s0;
	s6 =	sadd.s32 $0xE800, s0  }
0x8: {  	s7 =	sadd.s32 $0x4A00, s0;
	s4 =	sand.u32 $0x1, s4;
	s9 =	smul.u32 $0x280, s13  }
0x9: {  	s8 =	sadd.s32 $0x3F800, s0;
	s10 =	sadd.s32 $0x3FA00, s0;
	s11 =	smul.u32 $0x4E20, s13  }
0xa: {  	p0 =	seq.s32 s13, $0xF;
	s15 =	smul.u32 $0x50000, s13;
	s26 =	sshll.u32 s4, $0x6  }
0xb: {  	_ =	strace $0x8000004D;
	[dreg:$0x3] =	wrdreg s8;
	s31 =	sor.u32 $0x13980, s26  }
0xc: {  	s24 =	ssub.s32 $0x2, s4;
	s14 =	smul.u32 $0x2710, s4;
	s12 =	simm.s32 @!p0 $0x10;
	v0 =	vmov s31  }
0xd: {  	s13 =	smul.u32 $0x2710000, s4;
	s25 =	sshrl.u32 s24, $0x1;
	s8 =	sor.u32 $0x1C580, s26  }
0xe: {  	s15 =	sshrl.u32 s15, $0x2;
	s26 =	simm.s32 $0x18980;
	s0 =	ssub.s32 s24, s25  }
0xf: {  	s14 =	sadd.s32 s9, s14;
	s16 =	sadd.s32 s15, s1;
	s0 =	smax.u32 s0, $0x1  }
0x10: {  	v2 =	vimm.f32 $0.0e+00;
	s24 =	simm.s32 $0x1;
	s25 =	simm.s32 $0x16180;
	v1 =	vmov s8;
	[dreg:$0x4] =	wrdreg s0  }
.LBB2_1:
0x11: {  	s0 =	simm.s32 $0x0;
	s4 =	simm.s32 $0x200  }
.LBB2_2:
0x12: {  	p0 =	sne.s32 s4, $0x4E00;
	[tilespmem:s0+$0x1B1F0] =	vst v2  }
0x13: {  	[tilespmem:s0+$0x1B180] =	vst v2  }
0x14: {  	[tilespmem:s0+$0x1B190] =	vst v2  }
.Ltmp0:
0x15: {  	[tilespmem:s0+$0x1B1A0] =	vst v2;
	(pc) =	sbr.rel @p0 .LBB2_2-.Ltmp0, $4  }
0x16: {  	[tilespmem:s0+$0x1B1B0] =	vst v2  }
0x17: {  	[tilespmem:s0+$0x1B1C0] =	vst v2  }
0x18: {  	[tilespmem:s0+$0x1B1D0] =	vst v2  }
0x19: {  	[tilespmem:s0+$0x1B1E0] =	vst v2;
	s0 =	sshra.s32 s4, $0x2;
	s4 =	sadd.s32 $0x200, s4  }
0x1a: {  	[tilespmem:s0+$0x1B1F0] =	vst v2  }
0x1b: {  	[tilespmem:s0+$0x1B180] =	vst v2  }
0x1c: {  	[tilespmem:s0+$0x1B190] =	vst v2  }
0x1d: {  	[tilespmem:s0+$0x1B1A0] =	vst v2  }
0x1e: {  	[tilespmem:s0+$0x1B1B0] =	vst v2  }
0x1f: {  	[tilespmem:s0+$0x1B1C0] =	vst v2;
	p0 =	sne.s32 s12, $0x1  }
.Ltmp1:
0x20: {  	[tilespmem:s0+$0x1B1D0] =	vst v2;
	(pc) =	sbr.rel @!p0 .LBB2_5-.Ltmp1, $4  }
0x21: {  	[tilespmem:s0+$0x1B1E0] =	vst v2  }
0x22: {  	[spmem:s16] =	stream.linear.scatter [tilespmem:s17], [sflag:$0x2], $0x1400, $0x38;
	[tilespmem:$0x1EE00] =	vst v63  }
0x23: {  	_ =	swait.ge [sflag:s18], $0x1400  }
0x24: {  	s0 =	sadd.s32 $0xFFFFFFFF, s12;
	s4 =	smov.u32 s16;
	[sflag:s18] =	ssyncset.done $0x0  }
.LBB2_4:
0x25: {  	p0 =	sne.s32 s0, $0x1;
	[sflag:s18] =	ssyncadd.s32 $0xFFFFEC00;
	s4 =	sadd.s32 $0x1400, s4  }
.Ltmp2:
0x26: {  	s0 =	sadd.s32 $0xFFFFFFFF, s0;
	(pc) =	sbr.rel @p0 .LBB2_4-.Ltmp2, $4  }
0x27: {  	_ = 	snop  }
0x28: {  	[spmem:s4] =	stream.linear.scatter [tilespmem:s17], [sflag:$0x2], $0x1400, $0x38;
	[tilespmem:$0x1EE00] =	vst v63  }
0x29: {  	_ =	swait.ge [sflag:s18], $0x1400  }
0x2a: {  	[sflag:s18] =	ssyncset.done $0x0  }
.LBB2_5:
0x2b: {  	[sflag:s18] =	ssyncadd.s32 $0xFFFFEC00  }
0x2c: {  	s31 =	simm.s32 $0x0;
	s0 =	rddreg [dreg:$0x3];
	s4 =	simm.s32 $0x1ED80  }
0x2d: {  	[tilespmem:s4], [sflag:$0x2] =	stream.linear.gather [hbm4b:s0+s31], $0x80, $0x38;
	[tilespmem:$0x1EE00] =	vst v63  }
0x2e: {  	_ =	swait.ge [sflag:s18], $0x80  }
0x2f: {  	[sflag:s18] =	ssyncset.done $0x0  }
0x30: {  	[sflag:s18] =	ssyncadd.s32 $0xFFFFFF80  }
0x31: {  	[bflag:$0x0] =	sbarrier.arrive $0xFFFF  }
0x32: {  	s0 =	simm.s32 $0x0;
	v3 =	vld [tilespmem:$0x1ED80]  }
.LBB2_6:
0x33: {  	s4 =	smul.u32 $0x50, s0;
	_ =	sdelay $0x1  }
0x34: {  	s4 =	sadd.s32 s11, s4  }
0x35: {  	s8 =	sshrl.u32 s4, $0x3  }
0x36: {  	s15 =	sadd.s32 s6, s8  }
0x37: {  	[tilespmem:s20], [sflag:$0x2] =	stream.linear.gather [hbm4b:s15+s31], $0x50, $0x38;
	[tilespmem:$0x1EE00] =	vst v63  }
0x38: {  	_ =	swait.ge [sflag:s18], $0x50  }
0x39: {  	[sflag:s18] =	ssyncset.done $0x0  }
0x3a: {  	s8 =	sadd.s32 s7, s8;
	[sflag:s18] =	ssyncadd.s32 $0xFFFFFFB0  }
0x3b: {  	[tilespmem:s21], [sflag:$0x2] =	stream.linear.gather [hbm4b:s8+s31], $0x50, $0x38;
	[tilespmem:$0x1EE00] =	vst v63  }
0x3c: {  	_ =	swait.ge [sflag:s18], $0x50  }
0x3d: {  	[sflag:s18] =	ssyncset.done $0x0  }
0x3e: {  	s4 =	sshll.u32 s4, $0x7;
	[sflag:s18] =	ssyncadd.s32 $0xFFFFFFB0  }
0x3f: {  	[tilespmem:s23], [sflag:$0x1] =	stream.indirect.gather [hbm4b:s3+s22], $0x80, s20, s22, $0xb8;
	[tilespmem:$0x1EE00] =	vst v63  }
0x40: {  	s4 =	sadd.s32 s13, s4;
	_ =	swait.ge [sflag:s24], $0x2800  }
0x41: {  	s4 =	sshrl.u32 s4, $0x3;
	[sflag:s24] =	ssyncset.done $0x0  }
0x42: {  	s4 =	sadd.s32 s5, s4;
	[sflag:s24] =	ssyncadd.s32 $0xFFFFD800  }
0x43: {  	[tilespmem:s25], [sflag:$0x2] =	stream.linear.gather [hbm4b:s4+s31], $0x2800, $0x38;
	[tilespmem:$0x1EE00] =	vst v63  }
0x44: {  	_ =	swait.ge [sflag:s18], $0x2800  }
0x45: {  	[sflag:s18] =	ssyncset.done $0x0  }
0x46: {  	s19 =	simm.s32 $0x200;
	s4 =	simm.s32 $0x0;
	[sflag:s18] =	ssyncadd.s32 $0xFFFFD800  }
.LBB2_7:
0x47: {  	p0 =	sne.s32 s19, $0x9E00;
	v4 =	vld.idx.msk [tilespmem:v0+s4+$0x0 ss:$0x1], $0xffff  }
0x48: {  	v5 =	vld [tilespmem:s4+$0x16180];
	_ =	sdelay $0x4  }
0x49: {  	v4 =	vadd.f32 v5, v4;
	_ =	sdelay $0x1  }
0x4a: {  	v4 =	vmax.f32 v4, $0.0e+00  }
0x4b: {  	v4 =	vadd.f32 $1.000000010e-07, v4;
	_ =	sdelay $0x1  }
0x4c: {  	v5 =	vmul.f32 v4, v3;
	_ =	sdelay $0x1  }
0x4d: {  	v5 =	vmul.f32 $1.442695020e+00, v5;
	_ =	sdelay $0x1  }
0x4e: {  	(erf) = vpow2.f32 v5;
	_ =	sdelay $0x8  }
0x4f: {  	v5 =	vpop (erf)  }
0x50: {  	v4 =	vmul.f32 v5, v4;
	[tilespmem:s4+$0x189C0] =	vst v5;
	_ =	sdelay $0x1  }
0x51: {  	[tilespmem:s4+$0x18980] =	vst v4  }
0x52: {  	v4 =	vld.idx.msk [tilespmem:v0+s4+$0x10 ss:$0x1], $0xffff  }
0x53: {  	v5 =	vld [tilespmem:s4+$0x16190];
	_ =	sdelay $0x4  }
0x54: {  	v4 =	vadd.f32 v5, v4;
	_ =	sdelay $0x1  }
0x55: {  	v4 =	vmax.f32 v4, $0.0e+00  }
0x56: {  	v4 =	vadd.f32 $1.000000010e-07, v4;
	_ =	sdelay $0x1  }
0x57: {  	v5 =	vmul.f32 v4, v3;
	_ =	sdelay $0x1  }
0x58: {  	v5 =	vmul.f32 $1.442695020e+00, v5;
	_ =	sdelay $0x1  }
0x59: {  	(erf) = vpow2.f32 v5;
	_ =	sdelay $0x8  }
0x5a: {  	v5 =	vpop (erf)  }
0x5b: {  	v4 =	vmul.f32 v5, v4;
	[tilespmem:s4+$0x189D0] =	vst v5;
	_ =	sdelay $0x1  }
0x5c: {  	[tilespmem:s4+$0x18990] =	vst v4  }
0x5d: {  	v4 =	vld.idx.msk [tilespmem:v0+s4+$0x20 ss:$0x1], $0xffff  }
0x5e: {  	v5 =	vld [tilespmem:s4+$0x161A0];
	_ =	sdelay $0x4  }
0x5f: {  	v4 =	vadd.f32 v5, v4;
	_ =	sdelay $0x1  }
0x60: {  	v4 =	vmax.f32 v4, $0.0e+00  }
0x61: {  	v4 =	vadd.f32 $1.000000010e-07, v4;
	_ =	sdelay $0x1  }
0x62: {  	v5 =	vmul.f32 v4, v3;
	_ =	sdelay $0x1  }
0x63: {  	v5 =	vmul.f32 $1.442695020e+00, v5;
	_ =	sdelay $0x1  }
0x64: {  	(erf) = vpow2.f32 v5;
	_ =	sdelay $0x8  }
0x65: {  	v5 =	vpop (erf)  }
0x66: {  	v4 =	vmul.f32 v5, v4;
	[tilespmem:s4+$0x189E0] =	vst v5;
	_ =	sdelay $0x1  }
0x67: {  	[tilespmem:s4+$0x189A0] =	vst v4  }
0x68: {  	v4 =	vld.idx.msk [tilespmem:v0+s4+$0x30 ss:$0x1], $0xffff  }
0x69: {  	v5 =	vld [tilespmem:s4+$0x161B0];
	_ =	sdelay $0x4  }
0x6a: {  	v4 =	vadd.f32 v5, v4;
	_ =	sdelay $0x1  }
0x6b: {  	v4 =	vmax.f32 v4, $0.0e+00  }
0x6c: {  	v4 =	vadd.f32 $1.000000010e-07, v4;
	_ =	sdelay $0x1  }
0x6d: {  	v5 =	vmul.f32 v4, v3;
	_ =	sdelay $0x1  }
0x6e: {  	v5 =	vmul.f32 $1.442695020e+00, v5;
	_ =	sdelay $0x1  }
0x6f: {  	(erf) = vpow2.f32 v5;
	_ =	sdelay $0x7  }
.Ltmp3:
0x70: {  	(pc) =	sbr.rel @p0 .LBB2_7-.Ltmp3, $3  }
0x71: {  	v5 =	vpop (erf)  }
0x72: {  	v4 =	vmul.f32 v5, v4;
	[tilespmem:s4+$0x189F0] =	vst v5;
	_ =	sdelay $0x1  }
0x73: {  	[tilespmem:s4+$0x189B0] =	vst v4;
	s4 =	sshra.s32 s19, $0x2;
	s19 =	sadd.s32 $0x200, s19  }
0x74: {  	_ =	sdelay $0x3  }
0x75: {  	v4 =	vld.idx.msk [tilespmem:v0+s4+$0x0 ss:$0x1], $0xffff  }
0x76: {  	v5 =	vld [tilespmem:s4+$0x16180];
	_ =	sdelay $0x4  }
0x77: {  	v4 =	vadd.f32 v5, v4;
	_ =	sdelay $0x1  }
0x78: {  	v4 =	vmax.f32 v4, $0.0e+00  }
0x79: {  	v4 =	vadd.f32 $1.000000010e-07, v4;
	_ =	sdelay $0x1  }
0x7a: {  	v5 =	vmul.f32 v4, v3;
	_ =	sdelay $0x1  }
0x7b: {  	v5 =	vmul.f32 $1.442695020e+00, v5;
	_ =	sdelay $0x1  }
0x7c: {  	(erf) = vpow2.f32 v5;
	_ =	sdelay $0x8  }
0x7d: {  	v5 =	vpop (erf)  }
0x7e: {  	v4 =	vmul.f32 v5, v4  }
0x7f: {  	[tilespmem:s4+$0x189C0] =	vst v5  }
0x80: {  	v5 =	vld [tilespmem:s4+$0x16190];
	[tilespmem:s4+$0x18980] =	vst v4  }
0x81: {  	v4 =	vld.idx.msk [tilespmem:v0+s4+$0x10 ss:$0x1], $0xffff;
	_ =	sdelay $0x4  }
0x82: {  	v4 =	vadd.f32 v5, v4;
	_ =	sdelay $0x1  }
0x83: {  	v4 =	vmax.f32 v4, $0.0e+00  }
0x84: {  	v4 =	vadd.f32 $1.000000010e-07, v4;
	_ =	sdelay $0x1  }
0x85: {  	v5 =	vmul.f32 v4, v3;
	_ =	sdelay $0x1  }
0x86: {  	v5 =	vmul.f32 $1.442695020e+00, v5;
	_ =	sdelay $0x1  }
0x87: {  	(erf) = vpow2.f32 v5;
	_ =	sdelay $0x8  }
0x88: {  	v5 =	vpop (erf)  }
0x89: {  	v4 =	vmul.f32 v5, v4  }
0x8a: {  	[tilespmem:s4+$0x189D0] =	vst v5  }
0x8b: {  	v5 =	vld [tilespmem:s4+$0x161A0];
	[tilespmem:s4+$0x18990] =	vst v4  }
0x8c: {  	v4 =	vld.idx.msk [tilespmem:v0+s4+$0x20 ss:$0x1], $0xffff;
	_ =	sdelay $0x4  }
0x8d: {  	v4 =	vadd.f32 v5, v4;
	_ =	sdelay $0x1  }
0x8e: {  	v4 =	vmax.f32 v4, $0.0e+00  }
0x8f: {  	v4 =	vadd.f32 $1.000000010e-07, v4;
	_ =	sdelay $0x1  }
0x90: {  	v5 =	vmul.f32 v4, v3;
	_ =	sdelay $0x1  }
0x91: {  	v5 =	vmul.f32 $1.442695020e+00, v5;
	_ =	sdelay $0x1  }
0x92: {  	(erf) = vpow2.f32 v5;
	_ =	sdelay $0x8  }
0x93: {  	v5 =	vpop (erf)  }
0x94: {  	v4 =	vmul.f32 v5, v4  }
0x95: {  	[tilespmem:s4+$0x189E0] =	vst v5  }
0x96: {  	v5 =	vld [tilespmem:s4+$0x161B0];
	[tilespmem:s4+$0x189A0] =	vst v4  }
0x97: {  	v4 =	vld.idx.msk [tilespmem:v0+s4+$0x30 ss:$0x1], $0xffff;
	_ =	sdelay $0x4  }
0x98: {  	v4 =	vadd.f32 v5, v4;
	_ =	sdelay $0x1  }
0x99: {  	v4 =	vmax.f32 v4, $0.0e+00  }
0x9a: {  	v4 =	vadd.f32 $1.000000010e-07, v4;
	_ =	sdelay $0x1  }
0x9b: {  	v5 =	vmul.f32 v4, v3;
	_ =	sdelay $0x1  }
0x9c: {  	v5 =	vmul.f32 $1.442695020e+00, v5;
	_ =	sdelay $0x1  }
0x9d: {  	(erf) = vpow2.f32 v5;
	_ =	sdelay $0x8  }
0x9e: {  	v5 =	vpop (erf)  }
0x9f: {  	s0 =	sadd.s32 $0x1, s0;
	v4 =	vmul.f32 v5, v4  }
0xa0: {  	p0 =	sne.s32 s0, $0xFA;
	[tilespmem:s4+$0x189F0] =	vst v5  }
.Ltmp4:
0xa1: {  	[tilespmem:s4+$0x189B0] =	vst v4;
	(pc) =	sbr.rel @p0 .LBB2_6-.Ltmp4, $4  }
0xa2: {  	[spmem:s1] =	stream.indirect.scatter.add.f32 [tilespmem:s26], [sflag:$0x2], $0x80, s21, s22, $0xb8;
	[tilespmem:$0x1EE00] =	vst v63  }
0xa3: {  	_ =	swait.ge [sflag:s18], $0x2800  }
0xa4: {  	[sflag:s18] =	ssyncset.done $0x0  }
0xa5: {  	[sflag:s18] =	ssyncadd.s32 $0xFFFFD800  }
0xa6: {  	[bflag:$0x0] =	sbarrier.arrive $0xFFFF;
	s0 =	simm.s32 $0x0;
	s4 =	simm.s32 $0x0  }
.LBB2_10:
0xa7: {  	s31 =	smul.u32 $0x28, s4;
	_ =	sdelay $0x1  }
0xa8: {  	s8 =	sadd.s32 s9, s31  }
0xa9: {  	s15 =	sshll.u32 s8, $0x9  }
0xaa: {  	s15 =	sshra.s32 s15, $0x2  }
0xab: {  	s15 =	sadd.s32 s15, s1  }
0xac: {  	[tilespmem:s17], [sflag:$0x2] =	stream.linear.gather [spmem:s15], $0x1400, $0x38;
	[tilespmem:$0x1EE00] =	vst v63  }
0xad: {  	_ =	swait.ge [sflag:s18], $0x1400  }
0xae: {  	s8 =	sshll.u32 s8, $0x4;
	[sflag:s18] =	ssyncset.done $0x0  }
0xaf: {  	s8 =	sadd.s32 s3, s8;
	[sflag:s18] =	ssyncadd.s32 $0xFFFFEC00  }
0xb0: {  	[tilespmem:s28], [sflag:$0x2] =	stream.linear.gather [hbm4b:s8+s0], $0x1400, $0x38;
	[tilespmem:$0x1EE00] =	vst v63  }
0xb1: {  	_ =	swait.ge [sflag:s18], $0x1400  }
0xb2: {  	[sflag:s18] =	ssyncset.done $0x0  }
0xb3: {  	s19 =	simm.s32 $0x0;
	[sflag:s18] =	ssyncadd.s32 $0xFFFFEC00  }
0xb4: {  	v3 =	vld [tilespmem:s19+$0x1B1C0];
	_ =	sdelay $0x4  }
0xb5: {  	v3 =	vadd.f32 $1.000000010e-07, v3;
	_ =	sdelay $0x1  }
0xb6: {  	(erf) = vrcp.f32 v3;
	_ =	sdelay $0x1  }
0xb7: {  	v3 =	vld [tilespmem:s19+$0x1B1D0];
	_ =	sdelay $0x3  }
0xb8: {  	v4 =	vld [tilespmem:s19+$0x1B180]  }
0xb9: {  	v3 =	vadd.f32 $1.000000010e-07, v3  }
0xba: {  	v5 =	vld.idx.msk [tilespmem:v1+s19+$0x0 ss:$0x1], $0xffff  }
0xbb: {  	v6 =	vpop (erf);
	(erf) = vrcp.f32 v3;
	_ =	sdelay $0x1  }
0xbc: {  	v3 =	vmul.f32 v6, v4;
	v4 =	vld [tilespmem:s19+$0x1B1E0];
	_ =	sdelay $0x1  }
0xbd: {  	v3 =	vadd.f32 v3, v5;
	_ =	sdelay $0x1  }
0xbe: {  	[tilespmem:s19+$0x1D980] =	vst v3;
	v3 =	vld [tilespmem:s19+$0x1B190]  }
0xbf: {  	v4 =	vadd.f32 $1.000000010e-07, v4  }
0xc0: {  	v5 =	vld.idx.msk [tilespmem:v1+s19+$0x10 ss:$0x1], $0xffff  }
0xc1: {  	v6 =	vpop (erf);
	(erf) = vrcp.f32 v4;
	_ =	sdelay $0x1  }
0xc2: {  	v4 =	vld [tilespmem:s19+$0x1B1F0];
	v3 =	vmul.f32 v6, v3;
	_ =	sdelay $0x1  }
0xc3: {  	v3 =	vadd.f32 v3, v5  }
0xc4: {  	v5 =	vld [tilespmem:s19+$0x1B1A0]  }
0xc5: {  	[tilespmem:s19+$0x1D990] =	vst v3  }
0xc6: {  	v4 =	vadd.f32 $1.000000010e-07, v4;
	v3 =	vld.idx.msk [tilespmem:v1+s19+$0x20 ss:$0x1], $0xffff;
	_ =	sdelay $0x1  }
0xc7: {  	v6 =	vpop (erf);
	(erf) = vrcp.f32 v4  }
0xc8: {  	s15 =	simm.s32 $0x400;
	s8 =	simm.s32 $0x80;
	v4 =	vmul.f32 v6, v5  }
.LBB2_11:
0xc9: {  	p0 =	sne.s32 s15, $0x4E00;
	v5 =	vld [tilespmem:s8+$0x1B1C0]  }
0xca: {  	v3 =	vadd.f32 v4, v3;
	_ =	sdelay $0x1  }
0xcb: {  	[tilespmem:s19+$0x1D9A0] =	vst v3;
	v3 =	vld [tilespmem:s19+$0x1B1B0]  }
0xcc: {  	v4 =	vld.idx.msk [tilespmem:v1+s19+$0x30 ss:$0x1], $0xffff  }
0xcd: {  	v6 =	vadd.f32 $1.000000010e-07, v5;
	_ =	sdelay $0x1  }
0xce: {  	(erf) = vrcp.f32 v6;
	v5 =	vpop (erf)  }
0xcf: {  	v3 =	vmul.f32 v5, v3  }
0xd0: {  	v5 =	vld [tilespmem:s8+$0x1B1D0]  }
0xd1: {  	v3 =	vadd.f32 v3, v4;
	_ =	sdelay $0x1  }
0xd2: {  	v4 =	vld [tilespmem:s8+$0x1B180];
	[tilespmem:s19+$0x1D9B0] =	vst v3;
	s19 =	smov.u32 s8  }
0xd3: {  	v3 =	vld.idx.msk [tilespmem:v1+s19+$0x0 ss:$0x1], $0xffff  }
0xd4: {  	v5 =	vadd.f32 $1.000000010e-07, v5;
	_ =	sdelay $0x1  }
0xd5: {  	v6 =	vpop (erf);
	(erf) = vrcp.f32 v5  }
0xd6: {  	v4 =	vmul.f32 v6, v4  }
0xd7: {  	v5 =	vld [tilespmem:s19+$0x1B1E0]  }
0xd8: {  	v3 =	vadd.f32 v4, v3;
	_ =	sdelay $0x1  }
0xd9: {  	[tilespmem:s19+$0x1D980] =	vst v3;
	v3 =	vld [tilespmem:s19+$0x1B190]  }
0xda: {  	v4 =	vld.idx.msk [tilespmem:v1+s19+$0x10 ss:$0x1], $0xffff  }
0xdb: {  	v5 =	vadd.f32 $1.000000010e-07, v5;
	_ =	sdelay $0x1  }
0xdc: {  	v6 =	vpop (erf);
	(erf) = vrcp.f32 v5  }
0xdd: {  	v3 =	vmul.f32 v6, v3  }
0xde: {  	v5 =	vld [tilespmem:s19+$0x1B1F0]  }
0xdf: {  	v3 =	vadd.f32 v3, v4;
	_ =	sdelay $0x1  }
0xe0: {  	[tilespmem:s19+$0x1D990] =	vst v3;
	v4 =	vld [tilespmem:s19+$0x1B1A0]  }
.Ltmp5:
0xe1: {  	v3 =	vld.idx.msk [tilespmem:v1+s19+$0x20 ss:$0x1], $0xffff;
	(pc) =	sbr.rel @p0 .LBB2_11-.Ltmp5, $3  }
0xe2: {  	v5 =	vadd.f32 $1.000000010e-07, v5;
	_ =	sdelay $0x1  }
0xe3: {  	v6 =	vpop (erf);
	(erf) = vrcp.f32 v5  }
0xe4: {  	s8 =	sshra.s32 s15, $0x2;
	s15 =	sadd.s32 $0x200, s15;
	v4 =	vmul.f32 v6, v4  }
0xe5: {  	v5 =	vld [tilespmem:s8+$0x1B1C0];
	_ =	sdelay $0x1  }
0xe6: {  	v3 =	vadd.f32 v4, v3;
	_ =	sdelay $0x1  }
0xe7: {  	[tilespmem:s19+$0x1D9A0] =	vst v3;
	v3 =	vld [tilespmem:s19+$0x1B1B0]  }
0xe8: {  	v50 =	vadd.f32 $1.000000010e-07, v5  }
0xe9: {  	v51 =	vld.idx.msk [tilespmem:v1+s19+$0x30 ss:$0x1], $0xffff  }
0xea: {  	(erf) = vrcp.f32 v50  }
0xeb: {  	v52 =	vpop (erf)  }
0xec: {  	v53 =	vld [tilespmem:s8+$0x1B1D0];
	v3 =	vmul.f32 v52, v3;
	_ =	sdelay $0x1  }
0xed: {  	v3 =	vadd.f32 v3, v51  }
0xee: {  	v54 =	vld [tilespmem:s8+$0x1B180]  }
0xef: {  	[tilespmem:s19+$0x1D9B0] =	vst v3  }
0xf0: {  	v4 =	vadd.f32 $1.000000010e-07, v53;
	v3 =	vld.idx.msk [tilespmem:v1+s8+$0x0 ss:$0x1], $0xffff;
	_ =	sdelay $0x1  }
0xf1: {  	(erf) = vrcp.f32 v4;
	v6 =	vpop (erf)  }
0xf2: {  	v55 =	vmul.f32 v6, v54  }
0xf3: {  	v56 =	vld [tilespmem:s8+$0x1B1E0]  }
0xf4: {  	v3 =	vadd.f32 v55, v3;
	_ =	sdelay $0x1  }
0xf5: {  	[tilespmem:s8+$0x1D980] =	vst v3;
	v3 =	vld [tilespmem:s8+$0x1B190];
	_ =	sdelay $0x1  }
0xf6: {  	v4 =	vadd.f32 $1.000000010e-07, v56;
	v57 =	vld.idx.msk [tilespmem:v1+s8+$0x10 ss:$0x1], $0xffff;
	_ =	sdelay $0x1  }
0xf7: {  	v58 =	vpop (erf);
	(erf) = vrcp.f32 v4  }
0xf8: {  	v3 =	vmul.f32 v58, v3  }
0xf9: {  	v59 =	vld [tilespmem:s8+$0x1B1F0]  }
0xfa: {  	v3 =	vadd.f32 v3, v57;
	_ =	sdelay $0x1  }
0xfb: {  	[tilespmem:s8+$0x1D990] =	vst v3;
	v3 =	vld [tilespmem:s8+$0x1B1A0];
	_ =	sdelay $0x1  }
0xfc: {  	v4 =	vadd.f32 $1.000000010e-07, v59;
	v60 =	vld.idx.msk [tilespmem:v1+s8+$0x20 ss:$0x1], $0xffff;
	_ =	sdelay $0x1  }
0xfd: {  	v61 =	vpop (erf);
	(erf) = vrcp.f32 v4  }
0xfe: {  	v3 =	vmul.f32 v61, v3;
	_ =	sdelay $0x1  }
0xff: {  	v3 =	vadd.f32 v3, v60;
	_ =	sdelay $0x1  }
0x100: {  	[tilespmem:s8+$0x1D9A0] =	vst v3;
	v3 =	vld [tilespmem:s8+$0x1B1B0];
	_ =	sdelay $0x1  }
0x101: {  	v62 =	vld.idx.msk [tilespmem:v1+s8+$0x30 ss:$0x1], $0xffff;
	_ =	sdelay $0x1  }
0x102: {  	v63 =	vpop (erf)  }
0x103: {  	v3 =	vmul.f32 v63, v3;
	_ =	sdelay $0x1  }
0x104: {  	s15 =	sadd.s32 s31, s14;
	s4 =	sadd.s32 $0x1, s4;
	v3 =	vadd.f32 v3, v62  }
0x105: {  	s15 =	sshll.u32 s15, $0x4;
	p0 =	sne.s32 s4, s12  }
.Ltmp6:
0x106: {  	s31 =	sadd.s32 s10, s15;
	[tilespmem:s8+$0x1D9B0] =	vst v3;
	(pc) =	sbr.rel @p0 .LBB2_10-.Ltmp6, $4  }
0x107: {  	[hbm4b:s31+s2] =	stream.linear.scatter [tilespmem:s29], [sflag:$0x2], $0x1400, $0x38;
	[tilespmem:$0x1EE00] =	vst v63  }
0x108: {  	_ =	swait.ge [sflag:s18], $0x1400  }
0x109: {  	[sflag:s18] =	ssyncset.done $0x0  }
0x10a: {  	[sflag:s18] =	ssyncadd.s32 $0xFFFFEC00  }
0x10b: {  	s30 =	sadd.s32 $0x1, s30;
	s0 =	rddreg [dreg:$0x4]  }
0x10c: {  	p0 =	sne.s32 s30, s0  }
.Ltmp7:
0x10d: {  	_ = 	snop;
	(pc) =	sbr.rel @p0 .LBB2_1-.Ltmp7, $1  }
0x10e: {  	_ =	sdelay $0x3  }
0x10f: {  	_ =	sfence.sel $0x180000  }
0x110: {  	[bflag:$0x0] =	sbarrier.arrive $0xFFFF  }
0x111: {  	_ =	strace $0x9000004D  }
0x112: {  	s0 =	stileid.u32;
	[bflag:$0x2] =	sbarrier.arrive $0xFFFF  }
0x113: {  	p0 =	sne.s32 s0, $0x0;
	s0 =	rddreg [dreg:$0x2]  }
0x114: {  	s0 =	sadd.s32 @!p0 $0x100000, s0  }
0x115: {  	[sflag:s0] =	ssyncadd.tile.s32 @!p0 $0x1;
	_ =	shalt  }
.Lfunc_end2:
_tile_overlayer_lowered:
.L_overlay_start_2:
0x116: {  	(tag) =	ssettag $0x2  }
0x117: {  	s0 =	rddreg [dreg:$0x0];
	s2 =	stileid.u32  }
0x118: {  	s1 =	rddreg [dreg:$0x1];
	p0 =	sne.s32 s2, $0x0  }
0x119: {  	s3 =	rddreg [dreg:$0x2];
	[bflag:$0x3] =	sbarrier.arrive $0xFFFF;
	s2 =	simm.s32 @!p0 $0x1C02  }
0x11a: {  	[timem:s3], [sflag:s2] =	dma.local @!p0 [hbm:s0], s1  }
0x11b: {  	s0 =	simm.s32 @!p0 $0x2  }
0x11c: {  	_ =	swait.ge @!p0 [sflag:s0], s1  }
0x11d: {  	s1 =	ssub.s32 @!p0 $0x0, s1;
	[sflag:s0] =	ssyncset.done @!p0 $0x0  }
0x11e: {  	[sflag:s0] =	ssyncadd.s32 @!p0 s1  }
0x11f: {  	[bflag:$0x3] =	sbarrier.arrive $0xFFFF  }
0x120: {  	_ =	shalt  }

</sc_bundles>
